<compile_context>
chip_gen: v7x
topology: tpu7x:2x2x1
jax: 0.10.2.dev20260603
libtpu: 0.0.44.dev20260713+nightly
codegen_flags: <defaults>
</compile_context>

<pallas_src>
import functools

import jax
import jax.numpy as jnp
from jax import lax
from jax.experimental import pallas as pl
from jax.experimental.pallas import tpu as pltpu
from jax.experimental.pallas import tpu_sc as plsc

_B, _N, _M, _K = 8, 4096, 1024, 16
_C_IN, _C_OUT = 64, 128
_CF = _C_IN + 3
_EPS = 1e-5


def _fps_body(xt_ref, nxyz_ref):
    x = xt_ref[0]
    y = xt_ref[1]
    z = xt_ref[2]
    iota_n = lax.broadcasted_iota(jnp.int32, (_B, _N), 1)
    iota_m = lax.broadcasted_iota(jnp.int32, (_B, _M), 1)

    def cur_coords(last):
        sel = iota_n == last
        cx = jnp.sum(jnp.where(sel, x, 0.0), axis=1, keepdims=True)
        cy = jnp.sum(jnp.where(sel, y, 0.0), axis=1, keepdims=True)
        cz = jnp.sum(jnp.where(sel, z, 0.0), axis=1, keepdims=True)
        return cx, cy, cz

    d0 = jnp.full((_B, _N), 1e10, dtype=jnp.float32)
    last0 = jnp.zeros((_B, 1), jnp.int32)
    zm = jnp.zeros((_B, _M), jnp.float32)

    def body(i, st):
        d, last, nx, ny, nz = st
        cx, cy, cz = cur_coords(last)
        selm = iota_m == (i - 1)
        nx = jnp.where(selm, cx, nx)
        ny = jnp.where(selm, cy, ny)
        nz = jnp.where(selm, cz, nz)
        dist = (x - cx) ** 2 + (y - cy) ** 2 + (z - cz) ** 2
        d = jnp.minimum(d, dist)
        mx = jnp.max(d, axis=1, keepdims=True)
        nxt = jnp.min(jnp.where(d == mx, iota_n, _N), axis=1, keepdims=True)
        nxt = nxt.astype(jnp.int32)
        return (d, nxt, nx, ny, nz)

    d, last, nx, ny, nz = lax.fori_loop(1, _M, body, (d0, last0, zm, zm, zm))
    cx, cy, cz = cur_coords(last)
    selm = iota_m == (_M - 1)
    nxyz_ref[0] = jnp.where(selm, cx, nx)
    nxyz_ref[1] = jnp.where(selm, cy, ny)
    nxyz_ref[2] = jnp.where(selm, cz, nz)


def _fps(xt):
    return pl.pallas_call(
        _fps_body,
        out_shape=jax.ShapeDtypeStruct((3, _B, _M), jnp.float32),
    )(xt)


_MB2 = 256


def _knn_body(xt_ref, nx_ref, idx_ref):
    xp = xt_ref[0]
    t = nx_ref[0]
    p2 = jnp.sum(xp * xp, axis=0, keepdims=True)
    t2 = jnp.sum(t * t, axis=0)
    dot = lax.dot_general(t, xp, (((0,), (0,)), ((), ())),
                          preferred_element_type=jnp.float32)
    d2 = t2[:, None] + p2 - 2.0 * dot
    iota_n = lax.broadcasted_iota(jnp.int32, (_MB2, _N), 1)
    for kk in range(_K):
        mn = jnp.min(d2, axis=1, keepdims=True)
        eq = d2 == mn
        am = jnp.min(jnp.where(eq, iota_n, _N), axis=1, keepdims=True)
        am = am.astype(jnp.int32)
        idx_ref[0, :, kk:kk + 1] = am
        d2 = jnp.where(iota_n == am, jnp.inf, d2)


def _knn(xt, nxyz):
    return pl.pallas_call(
        _knn_body,
        grid=(_B, _M // _MB2),
        in_specs=[
            pl.BlockSpec((1, 3, _N), lambda b, mb: (b, 0, 0)),
            pl.BlockSpec((1, 3, _MB2), lambda b, mb: (b, 0, mb)),
        ],
        out_specs=pl.BlockSpec((1, _MB2, _K), lambda b, mb: (b, mb, 0)),
        out_shape=jax.ShapeDtypeStruct((_B, _M, _K), jnp.int32),
    )(xt, nxyz)


def _t2_body(xf_ref, w_ref, beta_ref, t2_ref):
    t2_ref[0] = (
        jnp.dot(xf_ref[0], w_ref[...], preferred_element_type=jnp.float32)
        + beta_ref[...]
    )


def _t2(xf, ws, beta):
    return pl.pallas_call(
        _t2_body,
        grid=(_B,),
        in_specs=[
            pl.BlockSpec((1, _N, _CF), lambda b: (b, 0, 0)),
            pl.BlockSpec((_CF, _C_OUT), lambda b: (0, 0)),
            pl.BlockSpec((1, _C_OUT), lambda b: (0, 0)),
        ],
        out_specs=pl.BlockSpec((1, _N, _C_OUT), lambda b: (b, 0, 0)),
        out_shape=jax.ShapeDtypeStruct((_B, _N, _C_OUT), jnp.float32),
    )(xf, ws, beta)


_NC, _NS, _L = 2, 16, 16
_NW = _NC * _NS
_RPW = (_B * _M) // _NW
_NBUF = 4


def _sc_gather_max_body(t2_hbm, idx_hbm, out_hbm, idx_v, bufs, sems, acc):
    wid = lax.axis_index("s") * _NC + lax.axis_index("c")
    base = wid * _RPW
    boff = (base // _M) * _N
    pltpu.sync_copy(idx_hbm.at[pl.ds(base * _K, _RPW * _K)], idx_v)

    def issue(m, j):
        iv = idx_v[pl.ds(m * _K, _K)] + boff
        pltpu.async_copy(t2_hbm.at[iv], bufs[j], sems[j])

    def wait(j):
        pltpu.make_async_copy(t2_hbm.at[pl.ds(0, _K)], bufs[j], sems[j]).wait()

    def compute(m, j):
        buf = bufs[j]
        for c in range(_C_OUT // _L):
            cs = pl.ds(c * _L, _L)
            mx = buf[0, cs]
            for k in range(1, _K):
                mx = jnp.maximum(mx, buf[k, cs])
            acc[m, cs] = jnp.maximum(mx, 0.0)

    for j in range(_NBUF):
        issue(j, j)

    def body(t, carry):
        for j in range(_NBUF):
            m = t * _NBUF + j
            wait(j)
            compute(m, j)

            @pl.when(m + _NBUF < _RPW)
            def _():
                issue(m + _NBUF, j)

        return carry

    lax.fori_loop(0, _RPW // _NBUF, body, 0)
    pltpu.sync_copy(acc, out_hbm.at[pl.ds(base, _RPW)])


def _sc_gather_max(t2_flat, idx_flat):
    mesh = plsc.VectorSubcoreMesh(core_axis_name="c", subcore_axis_name="s")
    f = functools.partial(
        pl.kernel,
        out_type=jax.ShapeDtypeStruct((_B * _M, _C_OUT), jnp.float32),
        mesh=mesh,
        scratch_types=[
            pltpu.VMEM((_RPW * _K,), jnp.int32),
            [pltpu.VMEM((_K, _C_OUT), jnp.float32) for _ in range(_NBUF)],
            [pltpu.SemaphoreType.DMA for _ in range(_NBUF)],
            pltpu.VMEM((_RPW, _C_OUT), jnp.float32),
        ],
    )(_sc_gather_max_body)
    return f(t2_flat, idx_flat)


def kernel(points_xyz, features, W, gamma, beta):
    xt = jnp.transpose(points_xyz, (2, 0, 1))
    nxyz = _fps(xt)
    new_xyz = jnp.transpose(nxyz, (1, 2, 0))

    idx = _knn(jnp.transpose(xt, (1, 0, 2)), jnp.transpose(nxyz, (1, 0, 2)))

    scale = gamma / jnp.sqrt(1.0 + _EPS)
    ws = (W * scale[:, None]).T
    xf = jnp.concatenate(
        [points_xyz, jnp.transpose(features, (0, 2, 1))], axis=-1)
    t2 = _t2(xf, ws, beta[None, :])
    pooled = _sc_gather_max(
        t2.reshape(_B * _N, _C_OUT), idx.reshape(-1))
    pooled = pooled.reshape(_B, _M, _C_OUT)
    return (new_xyz, jnp.transpose(pooled, (0, 2, 1)))

# --- scband reference (transcript-rebuilt; emitter-appended) ---
"""Pipeline reference for scband-point-transfomer-enc-module-2680059592825 (READ-ONLY COPY).

The authoritative reference and input builder live on the scoring server;
editing this copy changes nothing except your own understanding.
"""

import jax, jax.numpy as jnp
import numpy as np

B, N, M, K = 8, 4096, 1024, 16
C_IN, C_OUT = 64, 128
EPS = 1e-5


def fps(xyz, m):
    b, n, _ = xyz.shape
    d = jnp.full((b, n), 1e10, dtype=xyz.dtype)
    idx0 = jnp.zeros((b,), dtype=jnp.int32)
    idxs = jnp.zeros((b, m), dtype=jnp.int32)
    idxs = idxs.at[:, 0].set(idx0)

    def body(i, state):
        idxs_, d_, last = state
        cur = jnp.take_along_axis(xyz, last[:, None, None].astype(jnp.int32), axis=1)
        dist = jnp.sum((xyz - cur) ** 2, axis=-1)
        d_ = jnp.minimum(d_, dist)
        nxt = jnp.argmax(d_, axis=-1).astype(jnp.int32)
        idxs_ = idxs_.at[:, i].set(nxt)
        return (idxs_, d_, nxt)

    idxs, d, _ = jax.lax.fori_loop(1, m, body, (idxs, d, idx0))
    return idxs


def knn_idx(points, target, k):
    # points (B,N,3), target (B,M,3) -> (B,M,k) indices of k nearest points
    p2 = jnp.sum(points ** 2, axis=-1)  # (B,N)
    t2 = jnp.sum(target ** 2, axis=-1)  # (B,M)
    d2 = t2[:, :, None] + p2[:, None, :] - 2.0 * jnp.einsum('bmd,bnd->bmn', target, points)
    _, idx = jax.lax.top_k(-d2, k)
    return idx


def setup_inputs(seed: int = 0) -> dict:
    key = jax.random.key(seed)
    k1, k2, k3 = jax.random.split(key, 3)
    points_xyz = jax.random.uniform(k1, (B, N, 3), dtype=jnp.float32)
    features = jax.random.normal(k2, (B, C_IN, N), dtype=jnp.float32)
    W = jax.random.normal(k3, (C_OUT, 3 + C_IN), dtype=jnp.float32) * 0.05
    gamma = jnp.ones((C_OUT,), dtype=jnp.float32)
    beta = jnp.zeros((C_OUT,), dtype=jnp.float32)
    return {"points_xyz": points_xyz, "features": features, "W": W, "gamma": gamma, "beta": beta}


def reference(points_xyz, features, W, gamma, beta):
    # TransitionDown (is_head=False): FPS -> kNN -> group -> 1x1 Conv2d (no bias) -> BN2d(eval) -> ReLU -> max pool over k
    fps_i = fps(points_xyz, M)  # (B,M)
    new_xyz = jnp.take_along_axis(points_xyz, fps_i[:, :, None], axis=1)  # (B,M,3)
    idx = knn_idx(points_xyz, new_xyz, K)  # (B,M,K)
    feat = jnp.concatenate([jnp.transpose(points_xyz, (0, 2, 1)), features], axis=1)  # (B,3+C,N)
    grouped = jax.vmap(lambda f, i: f[:, i])(feat, idx)  # (B,3+C,M,K)
    out = jnp.einsum('oc,bcmk->bomk', W, grouped)  # 1x1 conv, bias=False
    # BN2d eval mode: running_mean=0, running_var=1
    out = out / jnp.sqrt(1.0 + EPS)
    out = out * gamma[None, :, None, None] + beta[None, :, None, None]
    out = jax.nn.relu(out)
    pooled = jnp.max(out, axis=-1)  # (B,C_OUT,M)
    return (new_xyz, pooled)

if __name__ == "__main__":
    import jax
    _d = setup_inputs()
    print(jax.jit(kernel)(*tuple(_d.values())))

</pallas_src>

<mosaic_0001>
#map = affine_map<(d0, d1) -> (0, 0)>
#map1 = affine_map<(d0, d1) -> (0)>
module attributes {stable_mosaic.version = 14 : i64} {
  func.func @_sc_gather_max_body(%arg0: i32, %arg1: i32, %arg2: memref<32768x128xf32, #tpu.memory_space<hbm>>, %arg3: memref<131072xi32, #tpu.memory_space<hbm>>, %arg4: memref<8192x128xf32, #tpu.memory_space<hbm>>, %arg5: memref<4096xi32, #tpu.memory_space<vmem>>, %arg6: memref<16x128xf32, #tpu.memory_space<vmem>>, %arg7: memref<16x128xf32, #tpu.memory_space<vmem>>, %arg8: memref<16x128xf32, #tpu.memory_space<vmem>>, %arg9: memref<16x128xf32, #tpu.memory_space<vmem>>, %arg10: memref<!tpu.dma_semaphore, #tpu.memory_space<semaphore_mem>>, %arg11: memref<!tpu.dma_semaphore, #tpu.memory_space<semaphore_mem>>, %arg12: memref<!tpu.dma_semaphore, #tpu.memory_space<semaphore_mem>>, %arg13: memref<!tpu.dma_semaphore, #tpu.memory_space<semaphore_mem>>, %arg14: memref<256x128xf32, #tpu.memory_space<vmem>>) attributes {dimension_semantics = [#tpu.dimension_semantics<core_parallel>, #tpu.dimension_semantics<subcore_parallel>], iteration_bounds = array<i64: 2, 16>, scalar_prefetch = 0 : i64, scratch_operands = 10 : i64, tpu.core_type = #tpu.core_type<sc_vector_subcore>, window_params = [{transform_indices = #map}, {transform_indices = #map1}, {transform_indices = #map}]} {
    %mul3A = arith.constant 2 : i32
    %mul3A_0 = arith.muli %arg1, %mul3A : i32
    %add3A = arith.addi %mul3A_0, %arg0 : i32
    %mul3A_1 = arith.constant 256 : i32
    %mul3A_2 = arith.muli %add3A, %mul3A_1 : i32
    %jit3A = arith.constant 1024 : i32
    %div3A = arith.divsi %mul3A_2, %jit3A : i32
    %sign3A = arith.constant 0 : i32
    %sign3A_3 = arith.cmpi sgt, %mul3A_2, %sign3A : i32
    %sign3A_4 = arith.extui %sign3A_3 : i1 to i32
    %sign3A_5 = arith.constant 0 : i32
    %sign3A_6 = arith.cmpi slt, %mul3A_2, %sign3A_5 : i32
    %sign3A_7 = arith.extui %sign3A_6 : i1 to i32
    %sign3A_8 = arith.subi %sign3A_4, %sign3A_7 : i32
    %sign3A_9 = arith.constant 0 : i32
    %sign3A_10 = arith.cmpi sgt, %jit3A, %sign3A_9 : i32
    %sign3A_11 = arith.extui %sign3A_10 : i1 to i32
    %sign3A_12 = arith.constant 0 : i32
    %sign3A_13 = arith.cmpi slt, %jit3A, %sign3A_12 : i32
    %sign3A_14 = arith.extui %sign3A_13 : i1 to i32
    %sign3A_15 = arith.subi %sign3A_11, %sign3A_14 : i32
    %ne3A = arith.cmpi ne, %sign3A_8, %sign3A_15 : i32
    %rem3A = arith.remsi %mul3A_2, %jit3A : i32
    %ne3A_16 = arith.constant 0 : i32
    %ne3A_17 = arith.cmpi ne, %rem3A, %ne3A_16 : i32
    %and3A = arith.andi %ne3A, %ne3A_17 : i1
    %sub3A = arith.constant 1 : i32
    %sub3A_18 = arith.subi %div3A, %sub3A : i32
    %select_n3A = arith.select %and3A, %sub3A_18, %div3A : i32
    %mul3A_19 = arith.constant 4096 : i32
    %mul3A_20 = arith.muli %select_n3A, %mul3A_19 : i32
    %mul3A_21 = arith.constant 16 : i32
    %mul3A_22 = arith.muli %mul3A_2, %mul3A_21 : i32
    "tpu.region"() ({
      %run_scoped3A = tpu.sem_alloc : memref<!tpu.dma_semaphore, #tpu.memory_space<semaphore_mem>>
      %dma_start3A_58 = tpu.memref_slice %arg3[%mul3A_22] : memref<131072xi32, #tpu.memory_space<hbm>> -> memref<4096xi32, #tpu.memory_space<hbm>>
      %dma_start3A_59 = tpu.memref_slice %arg3[%mul3A_22] : memref<131072xi32, #tpu.memory_space<hbm>> -> memref<4096xi32, #tpu.memory_space<hbm>>
      tpu.enqueue_dma source(%dma_start3A_59 : memref<4096xi32, #tpu.memory_space<hbm>>) target(%arg5 : memref<4096xi32, #tpu.memory_space<vmem>>) target_semaphore(%run_scoped3A : memref<!tpu.dma_semaphore, #tpu.memory_space<semaphore_mem>>)
      %dma_wait3A = tpu.memref_slice %arg3[%mul3A_22] : memref<131072xi32, #tpu.memory_space<hbm>> -> memref<4096xi32, #tpu.memory_space<hbm>>
      %dma_wait3A_60 = tpu.memref_slice %arg3[%mul3A_22] : memref<131072xi32, #tpu.memory_space<hbm>> -> memref<4096xi32, #tpu.memory_space<hbm>>
      tpu.wait_dma2 semaphore(%run_scoped3A : memref<!tpu.dma_semaphore, #tpu.memory_space<semaphore_mem>>) src(%dma_wait3A_60 : memref<4096xi32, #tpu.memory_space<hbm>>) dst(%arg5 : memref<4096xi32, #tpu.memory_space<vmem>>)
      tpu.yield
    }) : () -> ()
    %get3A = arith.constant 0 : index
    %get3A_23 = tpu.vector_load %arg5[%get3A] {strides = array<i32>} : memref<4096xi32, #tpu.memory_space<vmem>>, vector<16xi32>,
    %get3A_24 = vector.shape_cast %get3A_23 : vector<16xi32> to vector<16xi32>
    %add3A_25 = vector.broadcast %mul3A_20 : i32 to vector<16xi32>
    %add3A_26 = arith.addi %get3A_24, %add3A_25 : vector<16xi32>
    %dma_start3A = arith.constant 0 : i32
    %dma_start3A_27 = arith.constant 0 : i32
    %dma_start3A_28 = tpu.memref_slice %arg2[%dma_start3A, %dma_start3A_27] : memref<32768x128xf32, #tpu.memory_space<hbm>> -> memref<32768x128xf32, #tpu.memory_space<hbm>>
    tpu.enqueue_indirect_dma source(%dma_start3A_28 : memref<32768x128xf32, #tpu.memory_space<hbm>>) target(%arg6 : memref<16x128xf32, #tpu.memory_space<vmem>>) offsets(%add3A_26 : vector<16xi32>) semaphore(%arg10 : memref<!tpu.dma_semaphore, #tpu.memory_space<semaphore_mem>>)
    %get3A_29 = arith.constant 16 : index
    %get3A_30 = tpu.vector_load %arg5[%get3A_29] {strides = array<i32>} : memref<4096xi32, #tpu.memory_space<vmem>>, vector<16xi32>,
    %get3A_31 = vector.shape_cast %get3A_30 : vector<16xi32> to vector<16xi32>
    %add3A_32 = vector.broadcast %mul3A_20 : i32 to vector<16xi32>
    %add3A_33 = arith.addi %get3A_31, %add3A_32 : vector<16xi32>
    %dma_start3A_34 = arith.constant 0 : i32
    %dma_start3A_35 = arith.constant 0 : i32
    %dma_start3A_36 = tpu.memref_slice %arg2[%dma_start3A_34, %dma_start3A_35] : memref<32768x128xf32, #tpu.memory_space<hbm>> -> memref<32768x128xf32, #tpu.memory_space<hbm>>
    tpu.enqueue_indirect_dma source(%dma_start3A_36 : memref<32768x128xf32, #tpu.memory_space<hbm>>) target(%arg7 : memref<16x128xf32, #tpu.memory_space<vmem>>) offsets(%add3A_33 : vector<16xi32>) semaphore(%arg11 : memref<!tpu.dma_semaphore, #tpu.memory_space<semaphore_mem>>)
    %get3A_37 = arith.constant 32 : index
    %get3A_38 = tpu.vector_load %arg5[%get3A_37] {strides = array<i32>} : memref<4096xi32, #tpu.memory_space<vmem>>, vector<16xi32>,
    %get3A_39 = vector.shape_cast %get3A_38 : vector<16xi32> to vector<16xi32>
    %add3A_40 = vector.broadcast %mul3A_20 : i32 to vector<16xi32>
    %add3A_41 = arith.addi %get3A_39, %add3A_40 : vector<16xi32>
    %dma_start3A_42 = arith.constant 0 : i32
    %dma_start3A_43 = arith.constant 0 : i32
    %dma_start3A_44 = tpu.memref_slice %arg2[%dma_start3A_42, %dma_start3A_43] : memref<32768x128xf32, #tpu.memory_space<hbm>> -> memref<32768x128xf32, #tpu.memory_space<hbm>>
    tpu.enqueue_indirect_dma source(%dma_start3A_44 : memref<32768x128xf32, #tpu.memory_space<hbm>>) target(%arg8 : memref<16x128xf32, #tpu.memory_space<vmem>>) offsets(%add3A_41 : vector<16xi32>) semaphore(%arg12 : memref<!tpu.dma_semaphore, #tpu.memory_space<semaphore_mem>>)
    %get3A_45 = arith.constant 48 : index
    %get3A_46 = tpu.vector_load %arg5[%get3A_45] {strides = array<i32>} : memref<4096xi32, #tpu.memory_space<vmem>>, vector<16xi32>,
    %get3A_47 = vector.shape_cast %get3A_46 : vector<16xi32> to vector<16xi32>
    %add3A_48 = vector.broadcast %mul3A_20 : i32 to vector<16xi32>
    %add3A_49 = arith.addi %get3A_47, %add3A_48 : vector<16xi32>
    %dma_start3A_50 = arith.constant 0 : i32
    %dma_start3A_51 = arith.constant 0 : i32
    %dma_start3A_52 = tpu.memref_slice %arg2[%dma_start3A_50, %dma_start3A_51] : memref<32768x128xf32, #tpu.memory_space<hbm>> -> memref<32768x128xf32, #tpu.memory_space<hbm>>
    tpu.enqueue_indirect_dma source(%dma_start3A_52 : memref<32768x128xf32, #tpu.memory_space<hbm>>) target(%arg9 : memref<16x128xf32, #tpu.memory_space<vmem>>) offsets(%add3A_49 : vector<16xi32>) semaphore(%arg13 : memref<!tpu.dma_semaphore, #tpu.memory_space<semaphore_mem>>)
    %scan3A = arith.constant 0 : i32
    %scan3A_53 = arith.constant 0 : i32
    %scan3A_54 = arith.constant 64 : i32
    %scan3A_55 = arith.addi %scan3A_53, %scan3A_54 : i32
    %scan3A_56 = arith.constant 1 : i32
    scf.for %scan3A_58 = %scan3A_53 to %scan3A_55 step %scan3A_56  : i32 {
      %mul3A_59 = arith.constant 4 : i32
      %mul3A_60 = arith.muli %scan3A_58, %mul3A_59 : i32
      %add3A_61 = arith.constant 0 : i32
      %add3A_62 = arith.addi %mul3A_60, %add3A_61 : i32
      %dma_wait3A = arith.constant 0 : i32
      %dma_wait3A_63 = arith.constant 0 : i32
      %dma_wait3A_64 = tpu.memref_slice %arg2[%dma_wait3A, %dma_wait3A_63] : memref<32768x128xf32, #tpu.memory_space<hbm>> -> memref<16x128xf32, #tpu.memory_space<hbm>>
      %dma_wait3A_65 = arith.constant 0 : i32
      %dma_wait3A_66 = arith.constant 0 : i32
      %dma_wait3A_67 = tpu.memref_slice %arg2[%dma_wait3A_65, %dma_wait3A_66] : memref<32768x128xf32, #tpu.memory_space<hbm>> -> memref<16x128xf32, #tpu.memory_space<hbm>>
      tpu.wait_dma2 semaphore(%arg10 : memref<!tpu.dma_semaphore, #tpu.memory_space<semaphore_mem>>) src(%dma_wait3A_67 : memref<16x128xf32, #tpu.memory_space<hbm>>) dst(%arg6 : memref<16x128xf32, #tpu.memory_space<vmem>>)
      %get3A_68 = arith.constant 0 : i32
      %get3A_69 = arith.index_cast %get3A_68 : i32 to index
      %get3A_70 = arith.constant 0 : index
      %get3A_71 = tpu.vector_load %arg6[%get3A_69, %get3A_70] {strides = array<i32>} : memref<16x128xf32, #tpu.memory_space<vmem>>, vector<1x16xf32>,
      %get3A_72 = vector.shape_cast %get3A_71 : vector<1x16xf32> to vector<16xf32>
      %get3A_73 = arith.constant 1 : i32
      %get3A_74 = arith.index_cast %get3A_73 : i32 to index
      %get3A_75 = arith.constant 0 : index
      %get3A_76 = tpu.vector_load %arg6[%get3A_74, %get3A_75] {strides = array<i32>} : memref<16x128xf32, #tpu.memory_space<vmem>>, vector<1x16xf32>,
      %get3A_77 = vector.shape_cast %get3A_76 : vector<1x16xf32> to vector<16xf32>
      %max3A = arith.maximumf %get3A_72, %get3A_77 : vector<16xf32>
      %get3A_78 = arith.constant 2 : i32
      %get3A_79 = arith.index_cast %get3A_78 : i32 to index
      %get3A_80 = arith.constant 0 : index
      %get3A_81 = tpu.vector_load %arg6[%get3A_79, %get3A_80] {strides = array<i32>} : memref<16x128xf32, #tpu.memory_space<vmem>>, vector<1x16xf32>,
      %get3A_82 = vector.shape_cast %get3A_81 : vector<1x16xf32> to vector<16xf32>
      %max3A_83 = arith.maximumf %max3A, %get3A_82 : vector<16xf32>
      %get3A_84 = arith.constant 3 : i32
      %get3A_85 = arith.index_cast %get3A_84 : i32 to index
      %get3A_86 = arith.constant 0 : index
      %get3A_87 = tpu.vector_load %arg6[%get3A_85, %get3A_86] {strides = array<i32>} : memref<16x128xf32, #tpu.memory_space<vmem>>, vector<1x16xf32>,
      %get3A_88 = vector.shape_cast %get3A_87 : vector<1x16xf32> to vector<16xf32>
      %max3A_89 = arith.maximumf %max3A_83, %get3A_88 : vector<16xf32>
      %get3A_90 = arith.constant 4 : i32
      %get3A_91 = arith.index_cast %get3A_90 : i32 to index
      %get3A_92 = arith.constant 0 : index
      %get3A_93 = tpu.vector_load %arg6[%get3A_91, %get3A_92] {strides = array<i32>} : memref<16x128xf32, #tpu.memory_space<vmem>>, vector<1x16xf32>,
      %get3A_94 = vector.shape_cast %get3A_93 : vector<1x16xf32> to vector<16xf32>
      %max3A_95 = arith.maximumf %max3A_89, %get3A_94 : vector<16xf32>
      %get3A_96 = arith.constant 5 : i32
      %get3A_97 = arith.index_cast %get3A_96 : i32 to index
      %get3A_98 = arith.constant 0 : index
      %get3A_99 = tpu.vector_load %arg6[%get3A_97, %get3A_98] {strides = array<i32>} : memref<16x128xf32, #tpu.memory_space<vmem>>, vector<1x16xf32>,
      %get3A_100 = vector.shape_cast %get3A_99 : vector<1x16xf32> to vector<16xf32>
      %max3A_101 = arith.maximumf %max3A_95, %get3A_100 : vector<16xf32>
      %get3A_102 = arith.constant 6 : i32
      %get3A_103 = arith.index_cast %get3A_102 : i32 to index
      %get3A_104 = arith.constant 0 : index
      %get3A_105 = tpu.vector_load %arg6[%get3A_103, %get3A_104] {strides = array<i32>} : memref<16x128xf32, #tpu.memory_space<vmem>>, vector<1x16xf32>,
      %get3A_106 = vector.shape_cast %get3A_105 : vector<1x16xf32> to vector<16xf32>
      %max3A_107 = arith.maximumf %max3A_101, %get3A_106 : vector<16xf32>
      %get3A_108 = arith.constant 7 : i32
      %get3A_109 = arith.index_cast %get3A_108 : i32 to index
      %get3A_110 = arith.constant 0 : index
      %get3A_111 = tpu.vector_load %arg6[%get3A_109, %get3A_110] {strides = array<i32>} : memref<16x128xf32, #tpu.memory_space<vmem>>, vector<1x16xf32>,
      %get3A_112 = vector.shape_cast %get3A_111 : vector<1x16xf32> to vector<16xf32>
      %max3A_113 = arith.maximumf %max3A_107, %get3A_112 : vector<16xf32>
      %get3A_114 = arith.constant 8 : i32
      %get3A_115 = arith.index_cast %get3A_114 : i32 to index
      %get3A_116 = arith.constant 0 : index
      %get3A_117 = tpu.vector_load %arg6[%get3A_115, %get3A_116] {strides = array<i32>} : memref<16x128xf32, #tpu.memory_space<vmem>>, vector<1x16xf32>,
      %get3A_118 = vector.shape_cast %get3A_117 : vector<1x16xf32> to vector<16xf32>
      %max3A_119 = arith.maximumf %max3A_113, %get3A_118 : vector<16xf32>
      %get3A_120 = arith.constant 9 : i32
      %get3A_121 = arith.index_cast %get3A_120 : i32 to index
      %get3A_122 = arith.constant 0 : index
      %get3A_123 = tpu.vector_load %arg6[%get3A_121, %get3A_122] {strides = array<i32>} : memref<16x128xf32, #tpu.memory_space<vmem>>, vector<1x16xf32>,
      %get3A_124 = vector.shape_cast %get3A_123 : vector<1x16xf32> to vector<16xf32>
      %max3A_125 = arith.maximumf %max3A_119, %get3A_124 : vector<16xf32>
      %get3A_126 = arith.constant 10 : i32
      %get3A_127 = arith.index_cast %get3A_126 : i32 to index
      %get3A_128 = arith.constant 0 : index
      %get3A_129 = tpu.vector_load %arg6[%get3A_127, %get3A_128] {strides = array<i32>} : memref<16x128xf32, #tpu.memory_space<vmem>>, vector<1x16xf32>,
      %get3A_130 = vector.shape_cast %get3A_129 : vector<1x16xf32> to vector<16xf32>
      %max3A_131 = arith.maximumf %max3A_125, %get3A_130 : vector<16xf32>
      %get3A_132 = arith.constant 11 : i32
      %get3A_133 = arith.index_cast %get3A_132 : i32 to index
      %get3A_134 = arith.constant 0 : index
      %get3A_135 = tpu.vector_load %arg6[%get3A_133, %get3A_134] {strides = array<i32>} : memref<16x128xf32, #tpu.memory_space<vmem>>, vector<1x16xf32>,
      %get3A_136 = vector.shape_cast %get3A_135 : vector<1x16xf32> to vector<16xf32>
      %max3A_137 = arith.maximumf %max3A_131, %get3A_136 : vector<16xf32>
      %get3A_138 = arith.constant 12 : i32
      %get3A_139 = arith.index_cast %get3A_138 : i32 to index
      %get3A_140 = arith.constant 0 : index
      %get3A_141 = tpu.vector_load %arg6[%get3A_139, %get3A_140] {strides = array<i32>} : memref<16x128xf32, #tpu.memory_space<vmem>>, vector<1x16xf32>,
      %get3A_142 = vector.shape_cast %get3A_141 : vector<1x16xf32> to vector<16xf32>
      %max3A_143 = arith.maximumf %max3A_137, %get3A_142 : vector<16xf32>
      %get3A_144 = arith.constant 13 : i32
      %get3A_145 = arith.index_cast %get3A_144 : i32 to index
      %get3A_146 = arith.constant 0 : index
      %get3A_147 = tpu.vector_load %arg6[%get3A_145, %get3A_146] {strides = array<i32>} : memref<16x128xf32, #tpu.memory_space<vmem>>, vector<1x16xf32>,
      %get3A_148 = vector.shape_cast %get3A_147 : vector<1x16xf32> to vector<16xf32>
      %max3A_149 = arith.maximumf %max3A_143, %get3A_148 : vector<16xf32>
      %get3A_150 = arith.constant 14 : i32
      %get3A_151 = arith.index_cast %get3A_150 : i32 to index
      %get3A_152 = arith.constant 0 : index
      %get3A_153 = tpu.vector_load %arg6[%get3A_151, %get3A_152] {strides = array<i32>} : memref<16x128xf32, #tpu.memory_space<vmem>>, vector<1x16xf32>,
      %get3A_154 = vector.shape_cast %get3A_153 : vector<1x16xf32> to vector<16xf32>
      %max3A_155 = arith.maximumf %max3A_149, %get3A_154 : vector<16xf32>
      %get3A_156 = arith.constant 15 : i32
      %get3A_157 = arith.index_cast %get3A_156 : i32 to index
      %get3A_158 = arith.constant 0 : index
      %get3A_159 = tpu.vector_load %arg6[%get3A_157, %get3A_158] {strides = array<i32>} : memref<16x128xf32, #tpu.memory_space<vmem>>, vector<1x16xf32>,
      %get3A_160 = vector.shape_cast %get3A_159 : vector<1x16xf32> to vector<16xf32>
      %max3A_161 = arith.maximumf %max3A_155, %get3A_160 : vector<16xf32>
      %max3A_162 = arith.constant 0.000000e+00 : f32
      %max3A_163 = vector.broadcast %max3A_162 : f32 to vector<16xf32>
      %max3A_164 = arith.maximumf %max3A_161, %max3A_163 : vector<16xf32>
      %swap3A = arith.index_cast %add3A_62 : i32 to index
      %swap3A_165 = arith.constant 0 : index
      %swap3A_166 = tpu.vector_load %arg14[%swap3A, %swap3A_165] {strides = array<i32>} : memref<256x128xf32, #tpu.memory_space<vmem>>, vector<1x16xf32>,
      %swap3A_167 = vector.shape_cast %swap3A_166 : vector<1x16xf32> to vector<16xf32>
      %swap3A_168 = vector.shape_cast %max3A_164 : vector<16xf32> to vector<1x16xf32>
      tpu.vector_store %arg14[%swap3A, %swap3A_165], %swap3A_168 {strides = array<i32>} : memref<256x128xf32, #tpu.memory_space<vmem>>, vector<1x16xf32>,
      %get3A_169 = arith.constant 0 : i32
      %get3A_170 = arith.index_cast %get3A_169 : i32 to index
      %get3A_171 = arith.constant 16 : index
      %get3A_172 = tpu.vector_load %arg6[%get3A_170, %get3A_171] {strides = array<i32>} : memref<16x128xf32, #tpu.memory_space<vmem>>, vector<1x16xf32>,
      %get3A_173 = vector.shape_cast %get3A_172 : vector<1x16xf32> to vector<16xf32>
      %get3A_174 = arith.constant 1 : i32
      %get3A_175 = arith.index_cast %get3A_174 : i32 to index
      %get3A_176 = arith.constant 16 : index
      %get3A_177 = tpu.vector_load %arg6[%get3A_175, %get3A_176] {strides = array<i32>} : memref<16x128xf32, #tpu.memory_space<vmem>>, vector<1x16xf32>,
      %get3A_178 = vector.shape_cast %get3A_177 : vector<1x16xf32> to vector<16xf32>
      %max3A_179 = arith.maximumf %get3A_173, %get3A_178 : vector<16xf32>
      %get3A_180 = arith.constant 2 : i32
      %get3A_181 = arith.index_cast %get3A_180 : i32 to index
      %get3A_182 = arith.constant 16 : index
      %get3A_183 = tpu.vector_load %arg6[%get3A_181, %get3A_182] {strides = array<i32>} : memref<16x128xf32, #tpu.memory_space<vmem>>, vector<1x16xf32>,
      %get3A_184 = vector.shape_cast %get3A_183 : vector<1x16xf32> to vector<16xf32>
      %max3A_185 = arith.maximumf %max3A_179, %get3A_184 : vector<16xf32>
      %get3A_186 = arith.constant 3 : i32
      %get3A_187 = arith.index_cast %get3A_186 : i32 to index
      %get3A_188 = arith.constant 16 : index
      %get3A_189 = tpu.vector_load %arg6[%get3A_187, %get3A_188] {strides = array<i32>} : memref<16x128xf32, #tpu.memory_space<vmem>>, vector<1x16xf32>,
      %get3A_190 = vector.shape_cast %get3A_189 : vector<1x16xf32> to vector<16xf32>
      %max3A_191 = arith.maximumf %max3A_185, %get3A_190 : vector<16xf32>
      %get3A_192 = arith.constant 4 : i32
      %get3A_193 = arith.index_cast %get3A_192 : i32 to index
      %get3A_194 = arith.constant 16 : index
      %get3A_195 = tpu.vector_load %arg6[%get3A_193, %get3A_194] {strides = array<i32>} : memref<16x128xf32, #tpu.memory_space<vmem>>, vector<1x16xf32>,
      %get3A_196 = vector.shape_cast %get3A_195 : vector<1x16xf32> to vector<16xf32>
      %max3A_197 = arith.maximumf %max3A_191, %get3A_196 : vector<16xf32>
      %get3A_198 = arith.constant 5 : i32
      %get3A_199 = arith.index_cast %get3A_198 : i32 to index
      %get3A_200 = arith.constant 16 : index
      %get3A_201 = tpu.vector_load %arg6[%get3A_199, %get3A_200] {strides = array<i32>} : memref<16x128xf32, #tpu.memory_space<vmem>>, vector<1x16xf32>,
      %get3A_202 = vector.shape_cast %get3A_201 : vector<1x16xf32> to vector<16xf32>
      %max3A_203 = arith.maximumf %max3A_197, %get3A_202 : vector<16xf32>
      %get3A_204 = arith.constant 6 : i32
      %get3A_205 = arith.index_cast %get3A_204 : i32 to index
      %get3A_206 = arith.constant 16 : index
      %get3A_207 = tpu.vector_load %arg6[%get3A_205, %get3A_206] {strides = array<i32>} : memref<16x128xf32, #tpu.memory_space<vmem>>, vector<1x16xf32>,
      %get3A_208 = vector.shape_cast %get3A_207 : vector<1x16xf32> to vector<16xf32>
      %max3A_209 = arith.maximumf %max3A_203, %get3A_208 : vector<16xf32>
      %get3A_210 = arith.constant 7 : i32
      %get3A_211 = arith.index_cast %get3A_210 : i32 to index
      %get3A_212 = arith.constant 16 : index
      %get3A_213 = tpu.vector_load %arg6[%get3A_211, %get3A_212] {strides = array<i32>} : memref<16x128xf32, #tpu.memory_space<vmem>>, vector<1x16xf32>,
      %get3A_214 = vector.shape_cast %get3A_213 : vector<1x16xf32> to vector<16xf32>
      %max3A_215 = arith.maximumf %max3A_209, %get3A_214 : vector<16xf32>
      %get3A_216 = arith.constant 8 : i32
      %get3A_217 = arith.index_cast %get3A_216 : i32 to index
      %get3A_218 = arith.constant 16 : index
      %get3A_219 = tpu.vector_load %arg6[%get3A_217, %get3A_218] {strides = array<i32>} : memref<16x128xf32, #tpu.memory_space<vmem>>, vector<1x16xf32>,
      %get3A_220 = vector.shape_cast %get3A_219 : vector<1x16xf32> to vector<16xf32>
      %max3A_221 = arith.maximumf %max3A_215, %get3A_220 : vector<16xf32>
      %get3A_222 = arith.constant 9 : i32
      %get3A_223 = arith.index_cast %get3A_222 : i32 to index
      %get3A_224 = arith.constant 16 : index
      %get3A_225 = tpu.vector_load %arg6[%get3A_223, %get3A_224] {strides = array<i32>} : memref<16x128xf32, #tpu.memory_space<vmem>>, vector<1x16xf32>,
      %get3A_226 = vector.shape_cast %get3A_225 : vector<1x16xf32> to vector<16xf32>
      %max3A_227 = arith.maximumf %max3A_221, %get3A_226 : vector<16xf32>
      %get3A_228 = arith.constant 10 : i32
      %get3A_229 = arith.index_cast %get3A_228 : i32 to index
      %get3A_230 = arith.constant 16 : index
      %get3A_231 = tpu.vector_load %arg6[%get3A_229, %get3A_230] {strides = array<i32>} : memref<16x128xf32, #tpu.memory_space<vmem>>, vector<1x16xf32>,
      %get3A_232 = vector.shape_cast %get3A_231 : vector<1x16xf32> to vector<16xf32>
      %max3A_233 = arith.maximumf %max3A_227, %get3A_232 : vector<16xf32>
      %get3A_234 = arith.constant 11 : i32
      %get3A_235 = arith.index_cast %get3A_234 : i32 to index
      %get3A_236 = arith.constant 16 : index
      %get3A_237 = tpu.vector_load %arg6[%get3A_235, %get3A_236] {strides = array<i32>} : memref<16x128xf32, #tpu.memory_space<vmem>>, vector<1x16xf32>,
      %get3A_238 = vector.shape_cast %get3A_237 : vector<1x16xf32> to vector<16xf32>
      %max3A_239 = arith.maximumf %max3A_233, %get3A_238 : vector<16xf32>
      %get3A_240 = arith.constant 12 : i32
      %get3A_241 = arith.index_cast %get3A_240 : i32 to index
      %get3A_242 = arith.constant 16 : index
      %get3A_243 = tpu.vector_load %arg6[%get3A_241, %get3A_242] {strides = array<i32>} : memref<16x128xf32, #tpu.memory_space<vmem>>, vector<1x16xf32>,
      %get3A_244 = vector.shape_cast %get3A_243 : vector<1x16xf32> to vector<16xf32>
      %max3A_245 = arith.maximumf %max3A_239, %get3A_244 : vector<16xf32>
      %get3A_246 = arith.constant 13 : i32
      %get3A_247 = arith.index_cast %get3A_246 : i32 to index
      %get3A_248 = arith.constant 16 : index
      %get3A_249 = tpu.vector_load %arg6[%get3A_247, %get3A_248] {strides = array<i32>} : memref<16x128xf32, #tpu.memory_space<vmem>>, vector<1x16xf32>,
      %get3A_250 = vector.shape_cast %get3A_249 : vector<1x16xf32> to vector<16xf32>
      %max3A_251 = arith.maximumf %max3A_245, %get3A_250 : vector<16xf32>
      %get3A_252 = arith.constant 14 : i32
      %get3A_253 = arith.index_cast %get3A_252 : i32 to index
      %get3A_254 = arith.constant 16 : index
      %get3A_255 = tpu.vector_load %arg6[%get3A_253, %get3A_254] {strides = array<i32>} : memref<16x128xf32, #tpu.memory_space<vmem>>, vector<1x16xf32>,
      %get3A_256 = vector.shape_cast %get3A_255 : vector<1x16xf32> to vector<16xf32>
      %max3A_257 = arith.maximumf %max3A_251, %get3A_256 : vector<16xf32>
      %get3A_258 = arith.constant 15 : i32
      %get3A_259 = arith.index_cast %get3A_258 : i32 to index
      %get3A_260 = arith.constant 16 : index
      %get3A_261 = tpu.vector_load %arg6[%get3A_259, %get3A_260] {strides = array<i32>} : memref<16x128xf32, #tpu.memory_space<vmem>>, vector<1x16xf32>,
      %get3A_262 = vector.shape_cast %get3A_261 : vector<1x16xf32> to vector<16xf32>
      %max3A_263 = arith.maximumf %max3A_257, %get3A_262 : vector<16xf32>
      %max3A_264 = arith.constant 0.000000e+00 : f32
      %max3A_265 = vector.broadcast %max3A_264 : f32 to vector<16xf32>
      %max3A_266 = arith.maximumf %max3A_263, %max3A_265 : vector<16xf32>
      %swap3A_267 = arith.index_cast %add3A_62 : i32 to index
      %swap3A_268 = arith.constant 16 : index
      %swap3A_269 = tpu.vector_load %arg14[%swap3A_267, %swap3A_268] {strides = array<i32>} : memref<256x128xf32, #tpu.memory_space<vmem>>, vector<1x16xf32>,
      %swap3A_270 = vector.shape_cast %swap3A_269 : vector<1x16xf32> to vector<16xf32>
      %swap3A_271 = vector.shape_cast %max3A_266 : vector<16xf32> to vector<1x16xf32>
      tpu.vector_store %arg14[%swap3A_267, %swap3A_268], %swap3A_271 {strides = array<i32>} : memref<256x128xf32, #tpu.memory_space<vmem>>, vector<1x16xf32>,
      %get3A_272 = arith.constant 0 : i32
      %get3A_273 = arith.index_cast %get3A_272 : i32 to index
      %get3A_274 = arith.constant 32 : index
      %get3A_275 = tpu.vector_load %arg6[%get3A_273, %get3A_274] {strides = array<i32>} : memref<16x128xf32, #tpu.memory_space<vmem>>, vector<1x16xf32>,
      %get3A_276 = vector.shape_cast %get3A_275 : vector<1x16xf32> to vector<16xf32>
      %get3A_277 = arith.constant 1 : i32
      %get3A_278 = arith.index_cast %get3A_277 : i32 to index
      %get3A_279 = arith.constant 32 : index
      %get3A_280 = tpu.vector_load %arg6[%get3A_278, %get3A_279] {strides = array<i32>} : memref<16x128xf32, #tpu.memory_space<vmem>>, vector<1x16xf32>,
      %get3A_281 = vector.shape_cast %get3A_280 : vector<1x16xf32> to vector<16xf32>
      %max3A_282 = arith.maximumf %get3A_276, %get3A_281 : vector<16xf32>
      %get3A_283 = arith.constant 2 : i32
      %get3A_284 = arith.index_cast %get3A_283 : i32 to index
      %get3A_285 = arith.constant 32 : index
      %get3A_286 = tpu.vector_load %arg6[%get3A_284, %get3A_285] {strides = array<i32>} : memref<16x128xf32, #tpu.memory_space<vmem>>, vector<1x16xf32>,
      %get3A_287 = vector.shape_cast %get3A_286 : vector<1x16xf32> to vector<16xf32>
      %max3A_288 = arith.maximumf %max3A_282, %get3A_287 : vector<16xf32>
      %get3A_289 = arith.constant 3 : i32
      %get3A_290 = arith.index_cast %get3A_289 : i32 to index
      %get3A_291 = arith.constant 32 : index
      %get3A_292 = tpu.vector_load %arg6[%get3A_290, %get3A_291] {strides = array<i32>} : memref<16x128xf32, #tpu.memory_space<vmem>>, vector<1x16xf32>,
      %get3A_293 = vector.shape_cast %get3A_292 : vector<1x16xf32> to vector<16xf32>
      %max3A_294 = arith.maximumf %max3A_288, %get3A_293 : vector<16xf32>
      %get3A_295 = arith.constant 4 : i32
      %get3A_296 = arith.index_cast %get3A_295 : i32 to index
      %get3A_297 = arith.constant 32 : index
      %get3A_298 = tpu.vector_load %arg6[%get3A_296, %get3A_297] {strides = array<i32>} : memref<16x128xf32, #tpu.memory_space<vmem>>, vector<1x16xf32>,
      %get3A_299 = vector.shape_cast %get3A_298 : vector<1x16xf32> to vector<16xf32>
      %max3A_300 = arith.maximumf %max3A_294, %get3A_299 : vector<16xf32>
      %get3A_301 = arith.constant 5 : i32
      %get3A_302 = arith.index_cast %get3A_301 : i32 to index
      %get3A_303 = arith.constant 32 : index
      %get3A_304 = tpu.vector_load %arg6[%get3A_302, %get3A_303] {strides = array<i32>} : memref<16x128xf32, #tpu.memory_space<vmem>>, vector<1x16xf32>,
      %get3A_305 = vector.shape_cast %get3A_304 : vector<1x16xf32> to vector<16xf32>
      %max3A_306 = arith.maximumf %max3A_300, %get3A_305 : vector<16xf32>
      %get3A_307 = arith.constant 6 : i32
      %get3A_308 = arith.index_cast %get3A_307 : i32 to index
      %get3A_309 = arith.constant 32 : index
      %get3A_310 = tpu.vector_load %arg6[%get3A_308, %get3A_309] {strides = array<i32>} : memref<16x128xf32, #tpu.memory_space<vmem>>, vector<1x16xf32>,
      %get3A_311 = vector.shape_cast %get3A_310 : vector<1x16xf32> to vector<16xf32>
      %max3A_312 = arith.maximumf %max3A_306, %get3A_311 : vector<16xf32>
      %get3A_313 = arith.constant 7 : i32
      %get3A_314 = arith.index_cast %get3A_313 : i32 to index
      %get3A_315 = arith.constant 32 : index
      %get3A_316 = tpu.vector_load %arg6[%get3A_314, %get3A_315] {strides = array<i32>} : memref<16x128xf32, #tpu.memory_space<vmem>>, vector<1x16xf32>,
      %get3A_317 = vector.shape_cast %get3A_316 : vector<1x16xf32> to vector<16xf32>
      %max3A_318 = arith.maximumf %max3A_312, %get3A_317 : vector<16xf32>
      %get3A_319 = arith.constant 8 : i32
      %get3A_320 = arith.index_cast %get3A_319 : i32 to index
      %get3A_321 = arith.constant 32 : index
      %get3A_322 = tpu.vector_load %arg6[%get3A_320, %get3A_321] {strides = array<i32>} : memref<16x128xf32, #tpu.memory_space<vmem>>, vector<1x16xf32>,
      %get3A_323 = vector.shape_cast %get3A_322 : vector<1x16xf32> to vector<16xf32>
      %max3A_324 = arith.maximumf %max3A_318, %get3A_323 : vector<16xf32>
      %get3A_325 = arith.constant 9 : i32
      %get3A_326 = arith.index_cast %get3A_325 : i32 to index
      %get3A_327 = arith.constant 32 : index
      %get3A_328 = tpu.vector_load %arg6[%get3A_326, %get3A_327] {strides = array<i32>} : memref<16x128xf32, #tpu.memory_space<vmem>>, vector<1x16xf32>,
      %get3A_329 = vector.shape_cast %get3A_328 : vector<1x16xf32> to vector<16xf32>
      %max3A_330 = arith.maximumf %max3A_324, %get3A_329 : vector<16xf32>
      %get3A_331 = arith.constant 10 : i32
      %get3A_332 = arith.index_cast %get3A_331 : i32 to index
      %get3A_333 = arith.constant 32 : index
      %get3A_334 = tpu.vector_load %arg6[%get3A_332, %get3A_333] {strides = array<i32>} : memref<16x128xf32, #tpu.memory_space<vmem>>, vector<1x16xf32>,
      %get3A_335 = vector.shape_cast %get3A_334 : vector<1x16xf32> to vector<16xf32>
      %max3A_336 = arith.maximumf %max3A_330, %get3A_335 : vector<16xf32>
      %get3A_337 = arith.constant 11 : i32
      %get3A_338 = arith.index_cast %get3A_337 : i32 to index
      %get3A_339 = arith.constant 32 : index
      %get3A_340 = tpu.vector_load %arg6[%get3A_338, %get3A_339] {strides = array<i32>} : memref<16x128xf32, #tpu.memory_space<vmem>>, vector<1x16xf32>,
      %get3A_341 = vector.shape_cast %get3A_340 : vector<1x16xf32> to vector<16xf32>
      %max3A_342 = arith.maximumf %max3A_336, %get3A_341 : vector<16xf32>
      %get3A_343 = arith.constant 12 : i32
      %get3A_344 = arith.index_cast %get3A_343 : i32 to index
      %get3A_345 = arith.constant 32 : index
      %get3A_346 = tpu.vector_load %arg6[%get3A_344, %get3A_345] {strides = array<i32>} : memref<16x128xf32, #tpu.memory_space<vmem>>, vector<1x16xf32>,
      %get3A_347 = vector.shape_cast %get3A_346 : vector<1x16xf32> to vector<16xf32>
      %max3A_348 = arith.maximumf %max3A_342, %get3A_347 : vector<16xf32>
      %get3A_349 = arith.constant 13 : i32
      %get3A_350 = arith.index_cast %get3A_349 : i32 to index
      %get3A_351 = arith.constant 32 : index
      %get3A_352 = tpu.vector_load %arg6[%get3A_350, %get3A_351] {strides = array<i32>} : memref<16x128xf32, #tpu.memory_space<vmem>>, vector<1x16xf32>,
      %get3A_353 = vector.shape_cast %get3A_352 : vector<1x16xf32> to vector<16xf32>
      %max3A_354 = arith.maximumf %max3A_348, %get3A_353 : vector<16xf32>
      %get3A_355 = arith.constant 14 : i32
      %get3A_356 = arith.index_cast %get3A_355 : i32 to index
      %get3A_357 = arith.constant 32 : index
      %get3A_358 = tpu.vector_load %arg6[%get3A_356, %get3A_357] {strides = array<i32>} : memref<16x128xf32, #tpu.memory_space<vmem>>, vector<1x16xf32>,
      %get3A_359 = vector.shape_cast %get3A_358 : vector<1x16xf32> to vector<16xf32>
      %max3A_360 = arith.maximumf %max3A_354, %get3A_359 : vector<16xf32>
      %get3A_361 = arith.constant 15 : i32
      %get3A_362 = arith.index_cast %get3A_361 : i32 to index
      %get3A_363 = arith.constant 32 : index
      %get3A_364 = tpu.vector_load %arg6[%get3A_362, %get3A_363] {strides = array<i32>} : memref<16x128xf32, #tpu.memory_space<vmem>>, vector<1x16xf32>,
      %get3A_365 = vector.shape_cast %get3A_364 : vector<1x16xf32> to vector<16xf32>
      %max3A_366 = arith.maximumf %max3A_360, %get3A_365 : vector<16xf32>
      %max3A_367 = arith.constant 0.000000e+00 : f32
      %max3A_368 = vector.broadcast %max3A_367 : f32 to vector<16xf32>
      %max3A_369 = arith.maximumf %max3A_366, %max3A_368 : vector<16xf32>
      %swap3A_370 = arith.index_cast %add3A_62 : i32 to index
      %swap3A_371 = arith.constant 32 : index
      %swap3A_372 = tpu.vector_load %arg14[%swap3A_370, %swap3A_371] {strides = array<i32>} : memref<256x128xf32, #tpu.memory_space<vmem>>, vector<1x16xf32>,
      %swap3A_373 = vector.shape_cast %swap3A_372 : vector<1x16xf32> to vector<16xf32>
      %swap3A_374 = vector.shape_cast %max3A_369 : vector<16xf32> to vector<1x16xf32>
      tpu.vector_store %arg14[%swap3A_370, %swap3A_371], %swap3A_374 {strides = array<i32>} : memref<256x128xf32, #tpu.memory_space<vmem>>, vector<1x16xf32>,
      %get3A_375 = arith.constant 0 : i32
      %get3A_376 = arith.index_cast %get3A_375 : i32 to index
      %get3A_377 = arith.constant 48 : index
      %get3A_378 = tpu.vector_load %arg6[%get3A_376, %get3A_377] {strides = array<i32>} : memref<16x128xf32, #tpu.memory_space<vmem>>, vector<1x16xf32>,
      %get3A_379 = vector.shape_cast %get3A_378 : vector<1x16xf32> to vector<16xf32>
      %get3A_380 = arith.constant 1 : i32
      %get3A_381 = arith.index_cast %get3A_380 : i32 to index
      %get3A_382 = arith.constant 48 : index
      %get3A_383 = tpu.vector_load %arg6[%get3A_381, %get3A_382] {strides = array<i32>} : memref<16x128xf32, #tpu.memory_space<vmem>>, vector<1x16xf32>,
      %get3A_384 = vector.shape_cast %get3A_383 : vector<1x16xf32> to vector<16xf32>
      %max3A_385 = arith.maximumf %get3A_379, %get3A_384 : vector<16xf32>
      %get3A_386 = arith.constant 2 : i32
      %get3A_387 = arith.index_cast %get3A_386 : i32 to index
      %get3A_388 = arith.constant 48 : index
      %get3A_389 = tpu.vector_load %arg6[%get3A_387, %get3A_388] {strides = array<i32>} : memref<16x128xf32, #tpu.memory_space<vmem>>, vector<1x16xf32>,
      %get3A_390 = vector.shape_cast %get3A_389 : vector<1x16xf32> to vector<16xf32>
      %max3A_391 = arith.maximumf %max3A_385, %get3A_390 : vector<16xf32>
      %get3A_392 = arith.constant 3 : i32
      %get3A_393 = arith.index_cast %get3A_392 : i32 to index
      %get3A_394 = arith.constant 48 : index
      %get3A_395 = tpu.vector_load %arg6[%get3A_393, %get3A_394] {strides = array<i32>} : memref<16x128xf32, #tpu.memory_space<vmem>>, vector<1x16xf32>,
      %get3A_396 = vector.shape_cast %get3A_395 : vector<1x16xf32> to vector<16xf32>
      %max3A_397 = arith.maximumf %max3A_391, %get3A_396 : vector<16xf32>
      %get3A_398 = arith.constant 4 : i32
      %get3A_399 = arith.index_cast %get3A_398 : i32 to index
      %get3A_400 = arith.constant 48 : index
      %get3A_401 = tpu.vector_load %arg6[%get3A_399, %get3A_400] {strides = array<i32>} : memref<16x128xf32, #tpu.memory_space<vmem>>, vector<1x16xf32>,
      %get3A_402 = vector.shape_cast %get3A_401 : vector<1x16xf32> to vector<16xf32>
      %max3A_403 = arith.maximumf %max3A_397, %get3A_402 : vector<16xf32>
      %get3A_404 = arith.constant 5 : i32
      %get3A_405 = arith.index_cast %get3A_404 : i32 to index
      %get3A_406 = arith.constant 48 : index
      %get3A_407 = tpu.vector_load %arg6[%get3A_405, %get3A_406] {strides = array<i32>} : memref<16x128xf32, #tpu.memory_space<vmem>>, vector<1x16xf32>,
      %get3A_408 = vector.shape_cast %get3A_407 : vector<1x16xf32> to vector<16xf32>
      %max3A_409 = arith.maximumf %max3A_403, %get3A_408 : vector<16xf32>
      %get3A_410 = arith.constant 6 : i32
      %get3A_411 = arith.index_cast %get3A_410 : i32 to index
      %get3A_412 = arith.constant 48 : index
      %get3A_413 = tpu.vector_load %arg6[%get3A_411, %get3A_412] {strides = array<i32>} : memref<16x128xf32, #tpu.memory_space<vmem>>, vector<1x16xf32>,
      %get3A_414 = vector.shape_cast %get3A_413 : vector<1x16xf32> to vector<16xf32>
      %max3A_415 = arith.maximumf %max3A_409, %get3A_414 : vector<16xf32>
      %get3A_416 = arith.constant 7 : i32
      %get3A_417 = arith.index_cast %get3A_416 : i32 to index
      %get3A_418 = arith.constant 48 : index
      %get3A_419 = tpu.vector_load %arg6[%get3A_417, %get3A_418] {strides = array<i32>} : memref<16x128xf32, #tpu.memory_space<vmem>>, vector<1x16xf32>,
      %get3A_420 = vector.shape_cast %get3A_419 : vector<1x16xf32> to vector<16xf32>
      %max3A_421 = arith.maximumf %max3A_415, %get3A_420 : vector<16xf32>
      %get3A_422 = arith.constant 8 : i32
      %get3A_423 = arith.index_cast %get3A_422 : i32 to index
      %get3A_424 = arith.constant 48 : index
      %get3A_425 = tpu.vector_load %arg6[%get3A_423, %get3A_424] {strides = array<i32>} : memref<16x128xf32, #tpu.memory_space<vmem>>, vector<1x16xf32>,
      %get3A_426 = vector.shape_cast %get3A_425 : vector<1x16xf32> to vector<16xf32>
      %max3A_427 = arith.maximumf %max3A_421, %get3A_426 : vector<16xf32>
      %get3A_428 = arith.constant 9 : i32
      %get3A_429 = arith.index_cast %get3A_428 : i32 to index
      %get3A_430 = arith.constant 48 : index
      %get3A_431 = tpu.vector_load %arg6[%get3A_429, %get3A_430] {strides = array<i32>} : memref<16x128xf32, #tpu.memory_space<vmem>>, vector<1x16xf32>,
      %get3A_432 = vector.shape_cast %get3A_431 : vector<1x16xf32> to vector<16xf32>
      %max3A_433 = arith.maximumf %max3A_427, %get3A_432 : vector<16xf32>
      %get3A_434 = arith.constant 10 : i32
      %get3A_435 = arith.index_cast %get3A_434 : i32 to index
      %get3A_436 = arith.constant 48 : index
      %get3A_437 = tpu.vector_load %arg6[%get3A_435, %get3A_436] {strides = array<i32>} : memref<16x128xf32, #tpu.memory_space<vmem>>, vector<1x16xf32>,
      %get3A_438 = vector.shape_cast %get3A_437 : vector<1x16xf32> to vector<16xf32>
      %max3A_439 = arith.maximumf %max3A_433, %get3A_438 : vector<16xf32>
      %get3A_440 = arith.constant 11 : i32
      %get3A_441 = arith.index_cast %get3A_440 : i32 to index
      %get3A_442 = arith.constant 48 : index
      %get3A_443 = tpu.vector_load %arg6[%get3A_441, %get3A_442] {strides = array<i32>} : memref<16x128xf32, #tpu.memory_space<vmem>>, vector<1x16xf32>,
      %get3A_444 = vector.shape_cast %get3A_443 : vector<1x16xf32> to vector<16xf32>
      %max3A_445 = arith.maximumf %max3A_439, %get3A_444 : vector<16xf32>
      %get3A_446 = arith.constant 12 : i32
      %get3A_447 = arith.index_cast %get3A_446 : i32 to index
      %get3A_448 = arith.constant 48 : index
      %get3A_449 = tpu.vector_load %arg6[%get3A_447, %get3A_448] {strides = array<i32>} : memref<16x128xf32, #tpu.memory_space<vmem>>, vector<1x16xf32>,
      %get3A_450 = vector.shape_cast %get3A_449 : vector<1x16xf32> to vector<16xf32>
      %max3A_451 = arith.maximumf %max3A_445, %get3A_450 : vector<16xf32>
      %get3A_452 = arith.constant 13 : i32
      %get3A_453 = arith.index_cast %get3A_452 : i32 to index
      %get3A_454 = arith.constant 48 : index
      %get3A_455 = tpu.vector_load %arg6[%get3A_453, %get3A_454] {strides = array<i32>} : memref<16x128xf32, #tpu.memory_space<vmem>>, vector<1x16xf32>,
      %get3A_456 = vector.shape_cast %get3A_455 : vector<1x16xf32> to vector<16xf32>
      %max3A_457 = arith.maximumf %max3A_451, %get3A_456 : vector<16xf32>
      %get3A_458 = arith.constant 14 : i32
      %get3A_459 = arith.index_cast %get3A_458 : i32 to index
      %get3A_460 = arith.constant 48 : index
      %get3A_461 = tpu.vector_load %arg6[%get3A_459, %get3A_460] {strides = array<i32>} : memref<16x128xf32, #tpu.memory_space<vmem>>, vector<1x16xf32>,
      %get3A_462 = vector.shape_cast %get3A_461 : vector<1x16xf32> to vector<16xf32>
      %max3A_463 = arith.maximumf %max3A_457, %get3A_462 : vector<16xf32>
      %get3A_464 = arith.constant 15 : i32
      %get3A_465 = arith.index_cast %get3A_464 : i32 to index
      %get3A_466 = arith.constant 48 : index
      %get3A_467 = tpu.vector_load %arg6[%get3A_465, %get3A_466] {strides = array<i32>} : memref<16x128xf32, #tpu.memory_space<vmem>>, vector<1x16xf32>,
      %get3A_468 = vector.shape_cast %get3A_467 : vector<1x16xf32> to vector<16xf32>
      %max3A_469 = arith.maximumf %max3A_463, %get3A_468 : vector<16xf32>
      %max3A_470 = arith.constant 0.000000e+00 : f32
      %max3A_471 = vector.broadcast %max3A_470 : f32 to vector<16xf32>
      %max3A_472 = arith.maximumf %max3A_469, %max3A_471 : vector<16xf32>
      %swap3A_473 = arith.index_cast %add3A_62 : i32 to index
      %swap3A_474 = arith.constant 48 : index
      %swap3A_475 = tpu.vector_load %arg14[%swap3A_473, %swap3A_474] {strides = array<i32>} : memref<256x128xf32, #tpu.memory_space<vmem>>, vector<1x16xf32>,
      %swap3A_476 = vector.shape_cast %swap3A_475 : vector<1x16xf32> to vector<16xf32>
      %swap3A_477 = vector.shape_cast %max3A_472 : vector<16xf32> to vector<1x16xf32>
      tpu.vector_store %arg14[%swap3A_473, %swap3A_474], %swap3A_477 {strides = array<i32>} : memref<256x128xf32, #tpu.memory_space<vmem>>, vector<1x16xf32>,
      %get3A_478 = arith.constant 0 : i32
      %get3A_479 = arith.index_cast %get3A_478 : i32 to index
      %get3A_480 = arith.constant 64 : index
      %get3A_481 = tpu.vector_load %arg6[%get3A_479, %get3A_480] {strides = array<i32>} : memref<16x128xf32, #tpu.memory_space<vmem>>, vector<1x16xf32>,
      %get3A_482 = vector.shape_cast %get3A_481 : vector<1x16xf32> to vector<16xf32>
      %get3A_483 = arith.constant 1 : i32
      %get3A_484 = arith.index_cast %get3A_483 : i32 to index
      %get3A_485 = arith.constant 64 : index
      %get3A_486 = tpu.vector_load %arg6[%get3A_484, %get3A_485] {strides = array<i32>} : memref<16x128xf32, #tpu.memory_space<vmem>>, vector<1x16xf32>,
      %get3A_487 = vector.shape_cast %get3A_486 : vector<1x16xf32> to vector<16xf32>
      %max3A_488 = arith.maximumf %get3A_482, %get3A_487 : vector<16xf32>
      %get3A_489 = arith.constant 2 : i32
      %get3A_490 = arith.index_cast %get3A_489 : i32 to index
      %get3A_491 = arith.constant 64 : index
      %get3A_492 = tpu.vector_load %arg6[%get3A_490, %get3A_491] {strides = array<i32>} : memref<16x128xf32, #tpu.memory_space<vmem>>, vector<1x16xf32>,
      %get3A_493 = vector.shape_cast %get3A_492 : vector<1x16xf32> to vector<16xf32>
      %max3A_494 = arith.maximumf %max3A_488, %get3A_493 : vector<16xf32>
      %get3A_495 = arith.constant 3 : i32
      %get3A_496 = arith.index_cast %get3A_495 : i32 to index
      %get3A_497 = arith.constant 64 : index
      %get3A_498 = tpu.vector_load %arg6[%get3A_496, %get3A_497] {strides = array<i32>} : memref<16x128xf32, #tpu.memory_space<vmem>>, vector<1x16xf32>,
      %get3A_499 = vector.shape_cast %get3A_498 : vector<1x16xf32> to vector<16xf32>
      %max3A_500 = arith.maximumf %max3A_494, %get3A_499 : vector<16xf32>
      %get3A_501 = arith.constant 4 : i32
      %get3A_502 = arith.index_cast %get3A_501 : i32 to index
      %get3A_503 = arith.constant 64 : index
      %get3A_504 = tpu.vector_load %arg6[%get3A_502, %get3A_503] {strides = array<i32>} : memref<16x128xf32, #tpu.memory_space<vmem>>, vector<1x16xf32>,
      %get3A_505 = vector.shape_cast %get3A_504 : vector<1x16xf32> to vector<16xf32>
      %max3A_506 = arith.maximumf %max3A_500, %get3A_505 : vector<16xf32>
      %get3A_507 = arith.constant 5 : i32
      %get3A_508 = arith.index_cast %get3A_507 : i32 to index
      %get3A_509 = arith.constant 64 : index
      %get3A_510 = tpu.vector_load %arg6[%get3A_508, %get3A_509] {strides = array<i32>} : memref<16x128xf32, #tpu.memory_space<vmem>>, vector<1x16xf32>,
      %get3A_511 = vector.shape_cast %get3A_510 : vector<1x16xf32> to vector<16xf32>
      %max3A_512 = arith.maximumf %max3A_506, %get3A_511 : vector<16xf32>
      %get3A_513 = arith.constant 6 : i32
      %get3A_514 = arith.index_cast %get3A_513 : i32 to index
      %get3A_515 = arith.constant 64 : index
      %get3A_516 = tpu.vector_load %arg6[%get3A_514, %get3A_515] {strides = array<i32>} : memref<16x128xf32, #tpu.memory_space<vmem>>, vector<1x16xf32>,
      %get3A_517 = vector.shape_cast %get3A_516 : vector<1x16xf32> to vector<16xf32>
      %max3A_518 = arith.maximumf %max3A_512, %get3A_517 : vector<16xf32>
      %get3A_519 = arith.constant 7 : i32
      %get3A_520 = arith.index_cast %get3A_519 : i32 to index
      %get3A_521 = arith.constant 64 : index
      %get3A_522 = tpu.vector_load %arg6[%get3A_520, %get3A_521] {strides = array<i32>} : memref<16x128xf32, #tpu.memory_space<vmem>>, vector<1x16xf32>,
      %get3A_523 = vector.shape_cast %get3A_522 : vector<1x16xf32> to vector<16xf32>
      %max3A_524 = arith.maximumf %max3A_518, %get3A_523 : vector<16xf32>
      %get3A_525 = arith.constant 8 : i32
      %get3A_526 = arith.index_cast %get3A_525 : i32 to index
      %get3A_527 = arith.constant 64 : index
      %get3A_528 = tpu.vector_load %arg6[%get3A_526, %get3A_527] {strides = array<i32>} : memref<16x128xf32, #tpu.memory_space<vmem>>, vector<1x16xf32>,
      %get3A_529 = vector.shape_cast %get3A_528 : vector<1x16xf32> to vector<16xf32>
      %max3A_530 = arith.maximumf %max3A_524, %get3A_529 : vector<16xf32>
      %get3A_531 = arith.constant 9 : i32
      %get3A_532 = arith.index_cast %get3A_531 : i32 to index
      %get3A_533 = arith.constant 64 : index
      %get3A_534 = tpu.vector_load %arg6[%get3A_532, %get3A_533] {strides = array<i32>} : memref<16x128xf32, #tpu.memory_space<vmem>>, vector<1x16xf32>,
      %get3A_535 = vector.shape_cast %get3A_534 : vector<1x16xf32> to vector<16xf32>
      %max3A_536 = arith.maximumf %max3A_530, %get3A_535 : vector<16xf32>
      %get3A_537 = arith.constant 10 : i32
      %get3A_538 = arith.index_cast %get3A_537 : i32 to index
      %get3A_539 = arith.constant 64 : index
      %get3A_540 = tpu.vector_load %arg6[%get3A_538, %get3A_539] {strides = array<i32>} : memref<16x128xf32, #tpu.memory_space<vmem>>, vector<1x16xf32>,
      %get3A_541 = vector.shape_cast %get3A_540 : vector<1x16xf32> to vector<16xf32>
      %max3A_542 = arith.maximumf %max3A_536, %get3A_541 : vector<16xf32>
      %get3A_543 = arith.constant 11 : i32
      %get3A_544 = arith.index_cast %get3A_543 : i32 to index
      %get3A_545 = arith.constant 64 : index
      %get3A_546 = tpu.vector_load %arg6[%get3A_544, %get3A_545] {strides = array<i32>} : memref<16x128xf32, #tpu.memory_space<vmem>>, vector<1x16xf32>,
      %get3A_547 = vector.shape_cast %get3A_546 : vector<1x16xf32> to vector<16xf32>
      %max3A_548 = arith.maximumf %max3A_542, %get3A_547 : vector<16xf32>
      %get3A_549 = arith.constant 12 : i32
      %get3A_550 = arith.index_cast %get3A_549 : i32 to index
      %get3A_551 = arith.constant 64 : index
      %get3A_552 = tpu.vector_load %arg6[%get3A_550, %get3A_551] {strides = array<i32>} : memref<16x128xf32, #tpu.memory_space<vmem>>, vector<1x16xf32>,
      %get3A_553 = vector.shape_cast %get3A_552 : vector<1x16xf32> to vector<16xf32>
      %max3A_554 = arith.maximumf %max3A_548, %get3A_553 : vector<16xf32>
      %get3A_555 = arith.constant 13 : i32
      %get3A_556 = arith.index_cast %get3A_555 : i32 to index
      %get3A_557 = arith.constant 64 : index
      %get3A_558 = tpu.vector_load %arg6[%get3A_556, %get3A_557] {strides = array<i32>} : memref<16x128xf32, #tpu.memory_space<vmem>>, vector<1x16xf32>,
      %get3A_559 = vector.shape_cast %get3A_558 : vector<1x16xf32> to vector<16xf32>
      %max3A_560 = arith.maximumf %max3A_554, %get3A_559 : vector<16xf32>
      %get3A_561 = arith.constant 14 : i32
      %get3A_562 = arith.index_cast %get3A_561 : i32 to index
      %get3A_563 = arith.constant 64 : index
      %get3A_564 = tpu.vector_load %arg6[%get3A_562, %get3A_563] {strides = array<i32>} : memref<16x128xf32, #tpu.memory_space<vmem>>, vector<1x16xf32>,
      %get3A_565 = vector.shape_cast %get3A_564 : vector<1x16xf32> to vector<16xf32>
      %max3A_566 = arith.maximumf %max3A_560, %get3A_565 : vector<16xf32>
      %get3A_567 = arith.constant 15 : i32
      %get3A_568 = arith.index_cast %get3A_567 : i32 to index
      %get3A_569 = arith.constant 64 : index
      %get3A_570 = tpu.vector_load %arg6[%get3A_568, %get3A_569] {strides = array<i32>} : memref<16x128xf32, #tpu.memory_space<vmem>>, vector<1x16xf32>,
      %get3A_571 = vector.shape_cast %get3A_570 : vector<1x16xf32> to vector<16xf32>
      %max3A_572 = arith.maximumf %max3A_566, %get3A_571 : vector<16xf32>
      %max3A_573 = arith.constant 0.000000e+00 : f32
      %max3A_574 = vector.broadcast %max3A_573 : f32 to vector<16xf32>
      %max3A_575 = arith.maximumf %max3A_572, %max3A_574 : vector<16xf32>
      %swap3A_576 = arith.index_cast %add3A_62 : i32 to index
      %swap3A_577 = arith.constant 64 : index
      %swap3A_578 = tpu.vector_load %arg14[%swap3A_576, %swap3A_577] {strides = array<i32>} : memref<256x128xf32, #tpu.memory_space<vmem>>, vector<1x16xf32>,
      %swap3A_579 = vector.shape_cast %swap3A_578 : vector<1x16xf32> to vector<16xf32>
      %swap3A_580 = vector.shape_cast %max3A_575 : vector<16xf32> to vector<1x16xf32>
      tpu.vector_store %arg14[%swap3A_576, %swap3A_577], %swap3A_580 {strides = array<i32>} : memref<256x128xf32, #tpu.memory_space<vmem>>, vector<1x16xf32>,
      %get3A_581 = arith.constant 0 : i32
      %get3A_582 = arith.index_cast %get3A_581 : i32 to index
      %get3A_583 = arith.constant 80 : index
      %get3A_584 = tpu.vector_load %arg6[%get3A_582, %get3A_583] {strides = array<i32>} : memref<16x128xf32, #tpu.memory_space<vmem>>, vector<1x16xf32>,
      %get3A_585 = vector.shape_cast %get3A_584 : vector<1x16xf32> to vector<16xf32>
      %get3A_586 = arith.constant 1 : i32
      %get3A_587 = arith.index_cast %get3A_586 : i32 to index
      %get3A_588 = arith.constant 80 : index
      %get3A_589 = tpu.vector_load %arg6[%get3A_587, %get3A_588] {strides = array<i32>} : memref<16x128xf32, #tpu.memory_space<vmem>>, vector<1x16xf32>,
      %get3A_590 = vector.shape_cast %get3A_589 : vector<1x16xf32> to vector<16xf32>
      %max3A_591 = arith.maximumf %get3A_585, %get3A_590 : vector<16xf32>
      %get3A_592 = arith.constant 2 : i32
      %get3A_593 = arith.index_cast %get3A_592 : i32 to index
      %get3A_594 = arith.constant 80 : index
      %get3A_595 = tpu.vector_load %arg6[%get3A_593, %get3A_594] {strides = array<i32>} : memref<16x128xf32, #tpu.memory_space<vmem>>, vector<1x16xf32>,
      %get3A_596 = vector.shape_cast %get3A_595 : vector<1x16xf32> to vector<16xf32>
      %max3A_597 = arith.maximumf %max3A_591, %get3A_596 : vector<16xf32>
      %get3A_598 = arith.constant 3 : i32
      %get3A_599 = arith.index_cast %get3A_598 : i32 to index
      %get3A_600 = arith.constant 80 : index
      %get3A_601 = tpu.vector_load %arg6[%get3A_599, %get3A_600] {strides = array<i32>} : memref<16x128xf32, #tpu.memory_space<vmem>>, vector<1x16xf32>,
      %get3A_602 = vector.shape_cast %get3A_601 : vector<1x16xf32> to vector<16xf32>
      %max3A_603 = arith.maximumf %max3A_597, %get3A_602 : vector<16xf32>
      %get3A_604 = arith.constant 4 : i32
      %get3A_605 = arith.index_cast %get3A_604 : i32 to index
      %get3A_606 = arith.constant 80 : index
      %get3A_607 = tpu.vector_load %arg6[%get3A_605, %get3A_606] {strides = array<i32>} : memref<16x128xf32, #tpu.memory_space<vmem>>, vector<1x16xf32>,
      %get3A_608 = vector.shape_cast %get3A_607 : vector<1x16xf32> to vector<16xf32>
      %max3A_609 = arith.maximumf %max3A_603, %get3A_608 : vector<16xf32>
      %get3A_610 = arith.constant 5 : i32
      %get3A_611 = arith.index_cast %get3A_610 : i32 to index
      %get3A_612 = arith.constant 80 : index
      %get3A_613 = tpu.vector_load %arg6[%get3A_611, %get3A_612] {strides = array<i32>} : memref<16x128xf32, #tpu.memory_space<vmem>>, vector<1x16xf32>,
      %get3A_614 = vector.shape_cast %get3A_613 : vector<1x16xf32> to vector<16xf32>
      %max3A_615 = arith.maximumf %max3A_609, %get3A_614 : vector<16xf32>
      %get3A_616 = arith.constant 6 : i32
      %get3A_617 = arith.index_cast %get3A_616 : i32 to index
      %get3A_618 = arith.constant 80 : index
      %get3A_619 = tpu.vector_load %arg6[%get3A_617, %get3A_618] {strides = array<i32>} : memref<16x128xf32, #tpu.memory_space<vmem>>, vector<1x16xf32>,
      %get3A_620 = vector.shape_cast %get3A_619 : vector<1x16xf32> to vector<16xf32>
      %max3A_621 = arith.maximumf %max3A_615, %get3A_620 : vector<16xf32>
      %get3A_622 = arith.constant 7 : i32
      %get3A_623 = arith.index_cast %get3A_622 : i32 to index
      %get3A_624 = arith.constant 80 : index
      %get3A_625 = tpu.vector_load %arg6[%get3A_623, %get3A_624] {strides = array<i32>} : memref<16x128xf32, #tpu.memory_space<vmem>>, vector<1x16xf32>,
      %get3A_626 = vector.shape_cast %get3A_625 : vector<1x16xf32> to vector<16xf32>
      %max3A_627 = arith.maximumf %max3A_621, %get3A_626 : vector<16xf32>
      %get3A_628 = arith.constant 8 : i32
      %get3A_629 = arith.index_cast %get3A_628 : i32 to index
      %get3A_630 = arith.constant 80 : index
      %get3A_631 = tpu.vector_load %arg6[%get3A_629, %get3A_630] {strides = array<i32>} : memref<16x128xf32, #tpu.memory_space<vmem>>, vector<1x16xf32>,
      %get3A_632 = vector.shape_cast %get3A_631 : vector<1x16xf32> to vector<16xf32>
      %max3A_633 = arith.maximumf %max3A_627, %get3A_632 : vector<16xf32>
      %get3A_634 = arith.constant 9 : i32
      %get3A_635 = arith.index_cast %get3A_634 : i32 to index
      %get3A_636 = arith.constant 80 : index
      %get3A_637 = tpu.vector_load %arg6[%get3A_635, %get3A_636] {strides = array<i32>} : memref<16x128xf32, #tpu.memory_space<vmem>>, vector<1x16xf32>,
      %get3A_638 = vector.shape_cast %get3A_637 : vector<1x16xf32> to vector<16xf32>
      %max3A_639 = arith.maximumf %max3A_633, %get3A_638 : vector<16xf32>
      %get3A_640 = arith.constant 10 : i32
      %get3A_641 = arith.index_cast %get3A_640 : i32 to index
      %get3A_642 = arith.constant 80 : index
      %get3A_643 = tpu.vector_load %arg6[%get3A_641, %get3A_642] {strides = array<i32>} : memref<16x128xf32, #tpu.memory_space<vmem>>, vector<1x16xf32>,
      %get3A_644 = vector.shape_cast %get3A_643 : vector<1x16xf32> to vector<16xf32>
      %max3A_645 = arith.maximumf %max3A_639, %get3A_644 : vector<16xf32>
      %get3A_646 = arith.constant 11 : i32
      %get3A_647 = arith.index_cast %get3A_646 : i32 to index
      %get3A_648 = arith.constant 80 : index
      %get3A_649 = tpu.vector_load %arg6[%get3A_647, %get3A_648] {strides = array<i32>} : memref<16x128xf32, #tpu.memory_space<vmem>>, vector<1x16xf32>,
      %get3A_650 = vector.shape_cast %get3A_649 : vector<1x16xf32> to vector<16xf32>
      %max3A_651 = arith.maximumf %max3A_645, %get3A_650 : vector<16xf32>
      %get3A_652 = arith.constant 12 : i32
      %get3A_653 = arith.index_cast %get3A_652 : i32 to index
      %get3A_654 = arith.constant 80 : index
      %get3A_655 = tpu.vector_load %arg6[%get3A_653, %get3A_654] {strides = array<i32>} : memref<16x128xf32, #tpu.memory_space<vmem>>, vector<1x16xf32>,
      %get3A_656 = vector.shape_cast %get3A_655 : vector<1x16xf32> to vector<16xf32>
      %max3A_657 = arith.maximumf %max3A_651, %get3A_656 : vector<16xf32>
      %get3A_658 = arith.constant 13 : i32
      %get3A_659 = arith.index_cast %get3A_658 : i32 to index
      %get3A_660 = arith.constant 80 : index
      %get3A_661 = tpu.vector_load %arg6[%get3A_659, %get3A_660] {strides = array<i32>} : memref<16x128xf32, #tpu.memory_space<vmem>>, vector<1x16xf32>,
      %get3A_662 = vector.shape_cast %get3A_661 : vector<1x16xf32> to vector<16xf32>
      %max3A_663 = arith.maximumf %max3A_657, %get3A_662 : vector<16xf32>
      %get3A_664 = arith.constant 14 : i32
      %get3A_665 = arith.index_cast %get3A_664 : i32 to index
      %get3A_666 = arith.constant 80 : index
      %get3A_667 = tpu.vector_load %arg6[%get3A_665, %get3A_666] {strides = array<i32>} : memref<16x128xf32, #tpu.memory_space<vmem>>, vector<1x16xf32>,
      %get3A_668 = vector.shape_cast %get3A_667 : vector<1x16xf32> to vector<16xf32>
      %max3A_669 = arith.maximumf %max3A_663, %get3A_668 : vector<16xf32>
      %get3A_670 = arith.constant 15 : i32
      %get3A_671 = arith.index_cast %get3A_670 : i32 to index
      %get3A_672 = arith.constant 80 : index
      %get3A_673 = tpu.vector_load %arg6[%get3A_671, %get3A_672] {strides = array<i32>} : memref<16x128xf32, #tpu.memory_space<vmem>>, vector<1x16xf32>,
      %get3A_674 = vector.shape_cast %get3A_673 : vector<1x16xf32> to vector<16xf32>
      %max3A_675 = arith.maximumf %max3A_669, %get3A_674 : vector<16xf32>
      %max3A_676 = arith.constant 0.000000e+00 : f32
      %max3A_677 = vector.broadcast %max3A_676 : f32 to vector<16xf32>
      %max3A_678 = arith.maximumf %max3A_675, %max3A_677 : vector<16xf32>
      %swap3A_679 = arith.index_cast %add3A_62 : i32 to index
      %swap3A_680 = arith.constant 80 : index
      %swap3A_681 = tpu.vector_load %arg14[%swap3A_679, %swap3A_680] {strides = array<i32>} : memref<256x128xf32, #tpu.memory_space<vmem>>, vector<1x16xf32>,
      %swap3A_682 = vector.shape_cast %swap3A_681 : vector<1x16xf32> to vector<16xf32>
      %swap3A_683 = vector.shape_cast %max3A_678 : vector<16xf32> to vector<1x16xf32>
      tpu.vector_store %arg14[%swap3A_679, %swap3A_680], %swap3A_683 {strides = array<i32>} : memref<256x128xf32, #tpu.memory_space<vmem>>, vector<1x16xf32>,
      %get3A_684 = arith.constant 0 : i32
      %get3A_685 = arith.index_cast %get3A_684 : i32 to index
      %get3A_686 = arith.constant 96 : index
      %get3A_687 = tpu.vector_load %arg6[%get3A_685, %get3A_686] {strides = array<i32>} : memref<16x128xf32, #tpu.memory_space<vmem>>, vector<1x16xf32>,
      %get3A_688 = vector.shape_cast %get3A_687 : vector<1x16xf32> to vector<16xf32>
      %get3A_689 = arith.constant 1 : i32
      %get3A_690 = arith.index_cast %get3A_689 : i32 to index
      %get3A_691 = arith.constant 96 : index
      %get3A_692 = tpu.vector_load %arg6[%get3A_690, %get3A_691] {strides = array<i32>} : memref<16x128xf32, #tpu.memory_space<vmem>>, vector<1x16xf32>,
      %get3A_693 = vector.shape_cast %get3A_692 : vector<1x16xf32> to vector<16xf32>
      %max3A_694 = arith.maximumf %get3A_688, %get3A_693 : vector<16xf32>
      %get3A_695 = arith.constant 2 : i32
      %get3A_696 = arith.index_cast %get3A_695 : i32 to index
      %get3A_697 = arith.constant 96 : index
      %get3A_698 = tpu.vector_load %arg6[%get3A_696, %get3A_697] {strides = array<i32>} : memref<16x128xf32, #tpu.memory_space<vmem>>, vector<1x16xf32>,
      %get3A_699 = vector.shape_cast %get3A_698 : vector<1x16xf32> to vector<16xf32>
      %max3A_700 = arith.maximumf %max3A_694, %get3A_699 : vector<16xf32>
      %get3A_701 = arith.constant 3 : i32
      %get3A_702 = arith.index_cast %get3A_701 : i32 to index
      %get3A_703 = arith.constant 96 : index
      %get3A_704 = tpu.vector_load %arg6[%get3A_702, %get3A_703] {strides = array<i32>} : memref<16x128xf32, #tpu.memory_space<vmem>>, vector<1x16xf32>,
      %get3A_705 = vector.shape_cast %get3A_704 : vector<1x16xf32> to vector<16xf32>
      %max3A_706 = arith.maximumf %max3A_700, %get3A_705 : vector<16xf32>
      %get3A_707 = arith.constant 4 : i32
      %get3A_708 = arith.index_cast %get3A_707 : i32 to index
      %get3A_709 = arith.constant 96 : index
      %get3A_710 = tpu.vector_load %arg6[%get3A_708, %get3A_709] {strides = array<i32>} : memref<16x128xf32, #tpu.memory_space<vmem>>, vector<1x16xf32>,
      %get3A_711 = vector.shape_cast %get3A_710 : vector<1x16xf32> to vector<16xf32>
      %max3A_712 = arith.maximumf %max3A_706, %get3A_711 : vector<16xf32>
      %get3A_713 = arith.constant 5 : i32
      %get3A_714 = arith.index_cast %get3A_713 : i32 to index
      %get3A_715 = arith.constant 96 : index
      %get3A_716 = tpu.vector_load %arg6[%get3A_714, %get3A_715] {strides = array<i32>} : memref<16x128xf32, #tpu.memory_space<vmem>>, vector<1x16xf32>,
      %get3A_717 = vector.shape_cast %get3A_716 : vector<1x16xf32> to vector<16xf32>
      %max3A_718 = arith.maximumf %max3A_712, %get3A_717 : vector<16xf32>
      %get3A_719 = arith.constant 6 : i32
      %get3A_720 = arith.index_cast %get3A_719 : i32 to index
      %get3A_721 = arith.constant 96 : index
      %get3A_722 = tpu.vector_load %arg6[%get3A_720, %get3A_721] {strides = array<i32>} : memref<16x128xf32, #tpu.memory_space<vmem>>, vector<1x16xf32>,
      %get3A_723 = vector.shape_cast %get3A_722 : vector<1x16xf32> to vector<16xf32>
      %max3A_724 = arith.maximumf %max3A_718, %get3A_723 : vector<16xf32>
      %get3A_725 = arith.constant 7 : i32
      %get3A_726 = arith.index_cast %get3A_725 : i32 to index
      %get3A_727 = arith.constant 96 : index
      %get3A_728 = tpu.vector_load %arg6[%get3A_726, %get3A_727] {strides = array<i32>} : memref<16x128xf32, #tpu.memory_space<vmem>>, vector<1x16xf32>,
      %get3A_729 = vector.shape_cast %get3A_728 : vector<1x16xf32> to vector<16xf32>
      %max3A_730 = arith.maximumf %max3A_724, %get3A_729 : vector<16xf32>
      %get3A_731 = arith.constant 8 : i32
      %get3A_732 = arith.index_cast %get3A_731 : i32 to index
      %get3A_733 = arith.constant 96 : index
      %get3A_734 = tpu.vector_load %arg6[%get3A_732, %get3A_733] {strides = array<i32>} : memref<16x128xf32, #tpu.memory_space<vmem>>, vector<1x16xf32>,
      %get3A_735 = vector.shape_cast %get3A_734 : vector<1x16xf32> to vector<16xf32>
      %max3A_736 = arith.maximumf %max3A_730, %get3A_735 : vector<16xf32>
      %get3A_737 = arith.constant 9 : i32
      %get3A_738 = arith.index_cast %get3A_737 : i32 to index
      %get3A_739 = arith.constant 96 : index
      %get3A_740 = tpu.vector_load %arg6[%get3A_738, %get3A_739] {strides = array<i32>} : memref<16x128xf32, #tpu.memory_space<vmem>>, vector<1x16xf32>,
      %get3A_741 = vector.shape_cast %get3A_740 : vector<1x16xf32> to vector<16xf32>
      %max3A_742 = arith.maximumf %max3A_736, %get3A_741 : vector<16xf32>
      %get3A_743 = arith.constant 10 : i32
      %get3A_744 = arith.index_cast %get3A_743 : i32 to index
      %get3A_745 = arith.constant 96 : index
      %get3A_746 = tpu.vector_load %arg6[%get3A_744, %get3A_745] {strides = array<i32>} : memref<16x128xf32, #tpu.memory_space<vmem>>, vector<1x16xf32>,
      %get3A_747 = vector.shape_cast %get3A_746 : vector<1x16xf32> to vector<16xf32>
      %max3A_748 = arith.maximumf %max3A_742, %get3A_747 : vector<16xf32>
      %get3A_749 = arith.constant 11 : i32
      %get3A_750 = arith.index_cast %get3A_749 : i32 to index
      %get3A_751 = arith.constant 96 : index
      %get3A_752 = tpu.vector_load %arg6[%get3A_750, %get3A_751] {strides = array<i32>} : memref<16x128xf32, #tpu.memory_space<vmem>>, vector<1x16xf32>,
      %get3A_753 = vector.shape_cast %get3A_752 : vector<1x16xf32> to vector<16xf32>
      %max3A_754 = arith.maximumf %max3A_748, %get3A_753 : vector<16xf32>
      %get3A_755 = arith.constant 12 : i32
      %get3A_756 = arith.index_cast %get3A_755 : i32 to index
      %get3A_757 = arith.constant 96 : index
      %get3A_758 = tpu.vector_load %arg6[%get3A_756, %get3A_757] {strides = array<i32>} : memref<16x128xf32, #tpu.memory_space<vmem>>, vector<1x16xf32>,
      %get3A_759 = vector.shape_cast %get3A_758 : vector<1x16xf32> to vector<16xf32>
      %max3A_760 = arith.maximumf %max3A_754, %get3A_759 : vector<16xf32>
      %get3A_761 = arith.constant 13 : i32
      %get3A_762 = arith.index_cast %get3A_761 : i32 to index
      %get3A_763 = arith.constant 96 : index
      %get3A_764 = tpu.vector_load %arg6[%get3A_762, %get3A_763] {strides = array<i32>} : memref<16x128xf32, #tpu.memory_space<vmem>>, vector<1x16xf32>,
      %get3A_765 = vector.shape_cast %get3A_764 : vector<1x16xf32> to vector<16xf32>
      %max3A_766 = arith.maximumf %max3A_760, %get3A_765 : vector<16xf32>
      %get3A_767 = arith.constant 14 : i32
      %get3A_768 = arith.index_cast %get3A_767 : i32 to index
      %get3A_769 = arith.constant 96 : index
      %get3A_770 = tpu.vector_load %arg6[%get3A_768, %get3A_769] {strides = array<i32>} : memref<16x128xf32, #tpu.memory_space<vmem>>, vector<1x16xf32>,
      %get3A_771 = vector.shape_cast %get3A_770 : vector<1x16xf32> to vector<16xf32>
      %max3A_772 = arith.maximumf %max3A_766, %get3A_771 : vector<16xf32>
      %get3A_773 = arith.constant 15 : i32
      %get3A_774 = arith.index_cast %get3A_773 : i32 to index
      %get3A_775 = arith.constant 96 : index
      %get3A_776 = tpu.vector_load %arg6[%get3A_774, %get3A_775] {strides = array<i32>} : memref<16x128xf32, #tpu.memory_space<vmem>>, vector<1x16xf32>,
      %get3A_777 = vector.shape_cast %get3A_776 : vector<1x16xf32> to vector<16xf32>
      %max3A_778 = arith.maximumf %max3A_772, %get3A_777 : vector<16xf32>
      %max3A_779 = arith.constant 0.000000e+00 : f32
      %max3A_780 = vector.broadcast %max3A_779 : f32 to vector<16xf32>
      %max3A_781 = arith.maximumf %max3A_778, %max3A_780 : vector<16xf32>
      %swap3A_782 = arith.index_cast %add3A_62 : i32 to index
      %swap3A_783 = arith.constant 96 : index
      %swap3A_784 = tpu.vector_load %arg14[%swap3A_782, %swap3A_783] {strides = array<i32>} : memref<256x128xf32, #tpu.memory_space<vmem>>, vector<1x16xf32>,
      %swap3A_785 = vector.shape_cast %swap3A_784 : vector<1x16xf32> to vector<16xf32>
      %swap3A_786 = vector.shape_cast %max3A_781 : vector<16xf32> to vector<1x16xf32>
      tpu.vector_store %arg14[%swap3A_782, %swap3A_783], %swap3A_786 {strides = array<i32>} : memref<256x128xf32, #tpu.memory_space<vmem>>, vector<1x16xf32>,
      %get3A_787 = arith.constant 0 : i32
      %get3A_788 = arith.index_cast %get3A_787 : i32 to index
      %get3A_789 = arith.constant 112 : index
      %get3A_790 = tpu.vector_load %arg6[%get3A_788, %get3A_789] {strides = array<i32>} : memref<16x128xf32, #tpu.memory_space<vmem>>, vector<1x16xf32>,
      %get3A_791 = vector.shape_cast %get3A_790 : vector<1x16xf32> to vector<16xf32>
      %get3A_792 = arith.constant 1 : i32
      %get3A_793 = arith.index_cast %get3A_792 : i32 to index
      %get3A_794 = arith.constant 112 : index
      %get3A_795 = tpu.vector_load %arg6[%get3A_793, %get3A_794] {strides = array<i32>} : memref<16x128xf32, #tpu.memory_space<vmem>>, vector<1x16xf32>,
      %get3A_796 = vector.shape_cast %get3A_795 : vector<1x16xf32> to vector<16xf32>
      %max3A_797 = arith.maximumf %get3A_791, %get3A_796 : vector<16xf32>
      %get3A_798 = arith.constant 2 : i32
      %get3A_799 = arith.index_cast %get3A_798 : i32 to index
      %get3A_800 = arith.constant 112 : index
      %get3A_801 = tpu.vector_load %arg6[%get3A_799, %get3A_800] {strides = array<i32>} : memref<16x128xf32, #tpu.memory_space<vmem>>, vector<1x16xf32>,
      %get3A_802 = vector.shape_cast %get3A_801 : vector<1x16xf32> to vector<16xf32>
      %max3A_803 = arith.maximumf %max3A_797, %get3A_802 : vector<16xf32>
      %get3A_804 = arith.constant 3 : i32
      %get3A_805 = arith.index_cast %get3A_804 : i32 to index
      %get3A_806 = arith.constant 112 : index
      %get3A_807 = tpu.vector_load %arg6[%get3A_805, %get3A_806] {strides = array<i32>} : memref<16x128xf32, #tpu.memory_space<vmem>>, vector<1x16xf32>,
      %get3A_808 = vector.shape_cast %get3A_807 : vector<1x16xf32> to vector<16xf32>
      %max3A_809 = arith.maximumf %max3A_803, %get3A_808 : vector<16xf32>
      %get3A_810 = arith.constant 4 : i32
      %get3A_811 = arith.index_cast %get3A_810 : i32 to index
      %get3A_812 = arith.constant 112 : index
      %get3A_813 = tpu.vector_load %arg6[%get3A_811, %get3A_812] {strides = array<i32>} : memref<16x128xf32, #tpu.memory_space<vmem>>, vector<1x16xf32>,
      %get3A_814 = vector.shape_cast %get3A_813 : vector<1x16xf32> to vector<16xf32>
      %max3A_815 = arith.maximumf %max3A_809, %get3A_814 : vector<16xf32>
      %get3A_816 = arith.constant 5 : i32
      %get3A_817 = arith.index_cast %get3A_816 : i32 to index
      %get3A_818 = arith.constant 112 : index
      %get3A_819 = tpu.vector_load %arg6[%get3A_817, %get3A_818] {strides = array<i32>} : memref<16x128xf32, #tpu.memory_space<vmem>>, vector<1x16xf32>,
      %get3A_820 = vector.shape_cast %get3A_819 : vector<1x16xf32> to vector<16xf32>
      %max3A_821 = arith.maximumf %max3A_815, %get3A_820 : vector<16xf32>
      %get3A_822 = arith.constant 6 : i32
      %get3A_823 = arith.index_cast %get3A_822 : i32 to index
      %get3A_824 = arith.constant 112 : index
      %get3A_825 = tpu.vector_load %arg6[%get3A_823, %get3A_824] {strides = array<i32>} : memref<16x128xf32, #tpu.memory_space<vmem>>, vector<1x16xf32>,
      %get3A_826 = vector.shape_cast %get3A_825 : vector<1x16xf32> to vector<16xf32>
      %max3A_827 = arith.maximumf %max3A_821, %get3A_826 : vector<16xf32>
      %get3A_828 = arith.constant 7 : i32
      %get3A_829 = arith.index_cast %get3A_828 : i32 to index
      %get3A_830 = arith.constant 112 : index
      %get3A_831 = tpu.vector_load %arg6[%get3A_829, %get3A_830] {strides = array<i32>} : memref<16x128xf32, #tpu.memory_space<vmem>>, vector<1x16xf32>,
      %get3A_832 = vector.shape_cast %get3A_831 : vector<1x16xf32> to vector<16xf32>
      %max3A_833 = arith.maximumf %max3A_827, %get3A_832 : vector<16xf32>
      %get3A_834 = arith.constant 8 : i32
      %get3A_835 = arith.index_cast %get3A_834 : i32 to index
      %get3A_836 = arith.constant 112 : index
      %get3A_837 = tpu.vector_load %arg6[%get3A_835, %get3A_836] {strides = array<i32>} : memref<16x128xf32, #tpu.memory_space<vmem>>, vector<1x16xf32>,
      %get3A_838 = vector.shape_cast %get3A_837 : vector<1x16xf32> to vector<16xf32>
      %max3A_839 = arith.maximumf %max3A_833, %get3A_838 : vector<16xf32>
      %get3A_840 = arith.constant 9 : i32
      %get3A_841 = arith.index_cast %get3A_840 : i32 to index
      %get3A_842 = arith.constant 112 : index
      %get3A_843 = tpu.vector_load %arg6[%get3A_841, %get3A_842] {strides = array<i32>} : memref<16x128xf32, #tpu.memory_space<vmem>>, vector<1x16xf32>,
      %get3A_844 = vector.shape_cast %get3A_843 : vector<1x16xf32> to vector<16xf32>
      %max3A_845 = arith.maximumf %max3A_839, %get3A_844 : vector<16xf32>
      %get3A_846 = arith.constant 10 : i32
      %get3A_847 = arith.index_cast %get3A_846 : i32 to index
      %get3A_848 = arith.constant 112 : index
      %get3A_849 = tpu.vector_load %arg6[%get3A_847, %get3A_848] {strides = array<i32>} : memref<16x128xf32, #tpu.memory_space<vmem>>, vector<1x16xf32>,
      %get3A_850 = vector.shape_cast %get3A_849 : vector<1x16xf32> to vector<16xf32>
      %max3A_851 = arith.maximumf %max3A_845, %get3A_850 : vector<16xf32>
      %get3A_852 = arith.constant 11 : i32
      %get3A_853 = arith.index_cast %get3A_852 : i32 to index
      %get3A_854 = arith.constant 112 : index
      %get3A_855 = tpu.vector_load %arg6[%get3A_853, %get3A_854] {strides = array<i32>} : memref<16x128xf32, #tpu.memory_space<vmem>>, vector<1x16xf32>,
      %get3A_856 = vector.shape_cast %get3A_855 : vector<1x16xf32> to vector<16xf32>
      %max3A_857 = arith.maximumf %max3A_851, %get3A_856 : vector<16xf32>
      %get3A_858 = arith.constant 12 : i32
      %get3A_859 = arith.index_cast %get3A_858 : i32 to index
      %get3A_860 = arith.constant 112 : index
      %get3A_861 = tpu.vector_load %arg6[%get3A_859, %get3A_860] {strides = array<i32>} : memref<16x128xf32, #tpu.memory_space<vmem>>, vector<1x16xf32>,
      %get3A_862 = vector.shape_cast %get3A_861 : vector<1x16xf32> to vector<16xf32>
      %max3A_863 = arith.maximumf %max3A_857, %get3A_862 : vector<16xf32>
      %get3A_864 = arith.constant 13 : i32
      %get3A_865 = arith.index_cast %get3A_864 : i32 to index
      %get3A_866 = arith.constant 112 : index
      %get3A_867 = tpu.vector_load %arg6[%get3A_865, %get3A_866] {strides = array<i32>} : memref<16x128xf32, #tpu.memory_space<vmem>>, vector<1x16xf32>,
      %get3A_868 = vector.shape_cast %get3A_867 : vector<1x16xf32> to vector<16xf32>
      %max3A_869 = arith.maximumf %max3A_863, %get3A_868 : vector<16xf32>
      %get3A_870 = arith.constant 14 : i32
      %get3A_871 = arith.index_cast %get3A_870 : i32 to index
      %get3A_872 = arith.constant 112 : index
      %get3A_873 = tpu.vector_load %arg6[%get3A_871, %get3A_872] {strides = array<i32>} : memref<16x128xf32, #tpu.memory_space<vmem>>, vector<1x16xf32>,
      %get3A_874 = vector.shape_cast %get3A_873 : vector<1x16xf32> to vector<16xf32>
      %max3A_875 = arith.maximumf %max3A_869, %get3A_874 : vector<16xf32>
      %get3A_876 = arith.constant 15 : i32
      %get3A_877 = arith.index_cast %get3A_876 : i32 to index
      %get3A_878 = arith.constant 112 : index
      %get3A_879 = tpu.vector_load %arg6[%get3A_877, %get3A_878] {strides = array<i32>} : memref<16x128xf32, #tpu.memory_space<vmem>>, vector<1x16xf32>,
      %get3A_880 = vector.shape_cast %get3A_879 : vector<1x16xf32> to vector<16xf32>
      %max3A_881 = arith.maximumf %max3A_875, %get3A_880 : vector<16xf32>
      %max3A_882 = arith.constant 0.000000e+00 : f32
      %max3A_883 = vector.broadcast %max3A_882 : f32 to vector<16xf32>
      %max3A_884 = arith.maximumf %max3A_881, %max3A_883 : vector<16xf32>
      %swap3A_885 = arith.index_cast %add3A_62 : i32 to index
      %swap3A_886 = arith.constant 112 : index
      %swap3A_887 = tpu.vector_load %arg14[%swap3A_885, %swap3A_886] {strides = array<i32>} : memref<256x128xf32, #tpu.memory_space<vmem>>, vector<1x16xf32>,
      %swap3A_888 = vector.shape_cast %swap3A_887 : vector<1x16xf32> to vector<16xf32>
      %swap3A_889 = vector.shape_cast %max3A_884 : vector<16xf32> to vector<1x16xf32>
      tpu.vector_store %arg14[%swap3A_885, %swap3A_886], %swap3A_889 {strides = array<i32>} : memref<256x128xf32, #tpu.memory_space<vmem>>, vector<1x16xf32>,
      %add3A_890 = arith.constant 4 : i32
      %add3A_891 = arith.addi %add3A_62, %add3A_890 : i32
      %lt3A = arith.constant 256 : i32
      %lt3A_892 = arith.cmpi slt, %add3A_891, %lt3A : i32
      %convert_element_type3A = arith.extui %lt3A_892 : i1 to i32
      %cond3A = arith.constant 0 : i32
      %cond3A_893 = arith.cmpi ne, %convert_element_type3A, %cond3A : i32
      scf.if %cond3A_893 {
        %add3A_3417 = arith.constant 4 : i32
        %add3A_3418 = arith.addi %add3A_62, %add3A_3417 : i32
        %mul3A_3419 = arith.constant 16 : i32
        %mul3A_3420 = arith.muli %add3A_3418, %mul3A_3419 : i32
        %get3A_3421 = arith.index_cast %mul3A_3420 : i32 to index
        %get3A_3422 = tpu.vector_load %arg5[%get3A_3421] {strides = array<i32>} : memref<4096xi32, #tpu.memory_space<vmem>>, vector<16xi32>,
        %get3A_3423 = vector.shape_cast %get3A_3422 : vector<16xi32> to vector<16xi32>
        %add3A_3424 = vector.broadcast %mul3A_20 : i32 to vector<16xi32>
        %add3A_3425 = arith.addi %get3A_3423, %add3A_3424 : vector<16xi32>
        %dma_start3A_3426 = arith.constant 0 : i32
        %dma_start3A_3427 = arith.constant 0 : i32
        %dma_start3A_3428 = tpu.memref_slice %arg2[%dma_start3A_3426, %dma_start3A_3427] : memref<32768x128xf32, #tpu.memory_space<hbm>> -> memref<32768x128xf32, #tpu.memory_space<hbm>>
        tpu.enqueue_indirect_dma source(%dma_start3A_3428 : memref<32768x128xf32, #tpu.memory_space<hbm>>) target(%arg6 : memref<16x128xf32, #tpu.memory_space<vmem>>) offsets(%add3A_3425 : vector<16xi32>) semaphore(%arg10 : memref<!tpu.dma_semaphore, #tpu.memory_space<semaphore_mem>>)
      } else {
      }
      %mul3A_894 = arith.constant 4 : i32
      %mul3A_895 = arith.muli %scan3A_58, %mul3A_894 : i32
      %add3A_896 = arith.constant 1 : i32
      %add3A_897 = arith.addi %mul3A_895, %add3A_896 : i32
      %dma_wait3A_898 = arith.constant 0 : i32
      %dma_wait3A_899 = arith.constant 0 : i32
      %dma_wait3A_900 = tpu.memref_slice %arg2[%dma_wait3A_898, %dma_wait3A_899] : memref<32768x128xf32, #tpu.memory_space<hbm>> -> memref<16x128xf32, #tpu.memory_space<hbm>>
      %dma_wait3A_901 = arith.constant 0 : i32
      %dma_wait3A_902 = arith.constant 0 : i32
      %dma_wait3A_903 = tpu.memref_slice %arg2[%dma_wait3A_901, %dma_wait3A_902] : memref<32768x128xf32, #tpu.memory_space<hbm>> -> memref<16x128xf32, #tpu.memory_space<hbm>>
      tpu.wait_dma2 semaphore(%arg11 : memref<!tpu.dma_semaphore, #tpu.memory_space<semaphore_mem>>) src(%dma_wait3A_903 : memref<16x128xf32, #tpu.memory_space<hbm>>) dst(%arg7 : memref<16x128xf32, #tpu.memory_space<vmem>>)
      %get3A_904 = arith.constant 0 : i32
      %get3A_905 = arith.index_cast %get3A_904 : i32 to index
      %get3A_906 = arith.constant 0 : index
      %get3A_907 = tpu.vector_load %arg7[%get3A_905, %get3A_906] {strides = array<i32>} : memref<16x128xf32, #tpu.memory_space<vmem>>, vector<1x16xf32>,
      %get3A_908 = vector.shape_cast %get3A_907 : vector<1x16xf32> to vector<16xf32>
      %get3A_909 = arith.constant 1 : i32
      %get3A_910 = arith.index_cast %get3A_909 : i32 to index
      %get3A_911 = arith.constant 0 : index
      %get3A_912 = tpu.vector_load %arg7[%get3A_910, %get3A_911] {strides = array<i32>} : memref<16x128xf32, #tpu.memory_space<vmem>>, vector<1x16xf32>,
      %get3A_913 = vector.shape_cast %get3A_912 : vector<1x16xf32> to vector<16xf32>
      %max3A_914 = arith.maximumf %get3A_908, %get3A_913 : vector<16xf32>
      %get3A_915 = arith.constant 2 : i32
      %get3A_916 = arith.index_cast %get3A_915 : i32 to index
      %get3A_917 = arith.constant 0 : index
      %get3A_918 = tpu.vector_load %arg7[%get3A_916, %get3A_917] {strides = array<i32>} : memref<16x128xf32, #tpu.memory_space<vmem>>, vector<1x16xf32>,
      %get3A_919 = vector.shape_cast %get3A_918 : vector<1x16xf32> to vector<16xf32>
      %max3A_920 = arith.maximumf %max3A_914, %get3A_919 : vector<16xf32>
      %get3A_921 = arith.constant 3 : i32
      %get3A_922 = arith.index_cast %get3A_921 : i32 to index
      %get3A_923 = arith.constant 0 : index
      %get3A_924 = tpu.vector_load %arg7[%get3A_922, %get3A_923] {strides = array<i32>} : memref<16x128xf32, #tpu.memory_space<vmem>>, vector<1x16xf32>,
      %get3A_925 = vector.shape_cast %get3A_924 : vector<1x16xf32> to vector<16xf32>
      %max3A_926 = arith.maximumf %max3A_920, %get3A_925 : vector<16xf32>
      %get3A_927 = arith.constant 4 : i32
      %get3A_928 = arith.index_cast %get3A_927 : i32 to index
      %get3A_929 = arith.constant 0 : index
      %get3A_930 = tpu.vector_load %arg7[%get3A_928, %get3A_929] {strides = array<i32>} : memref<16x128xf32, #tpu.memory_space<vmem>>, vector<1x16xf32>,
      %get3A_931 = vector.shape_cast %get3A_930 : vector<1x16xf32> to vector<16xf32>
      %max3A_932 = arith.maximumf %max3A_926, %get3A_931 : vector<16xf32>
      %get3A_933 = arith.constant 5 : i32
      %get3A_934 = arith.index_cast %get3A_933 : i32 to index
      %get3A_935 = arith.constant 0 : index
      %get3A_936 = tpu.vector_load %arg7[%get3A_934, %get3A_935] {strides = array<i32>} : memref<16x128xf32, #tpu.memory_space<vmem>>, vector<1x16xf32>,
      %get3A_937 = vector.shape_cast %get3A_936 : vector<1x16xf32> to vector<16xf32>
      %max3A_938 = arith.maximumf %max3A_932, %get3A_937 : vector<16xf32>
      %get3A_939 = arith.constant 6 : i32
      %get3A_940 = arith.index_cast %get3A_939 : i32 to index
      %get3A_941 = arith.constant 0 : index
      %get3A_942 = tpu.vector_load %arg7[%get3A_940, %get3A_941] {strides = array<i32>} : memref<16x128xf32, #tpu.memory_space<vmem>>, vector<1x16xf32>,
      %get3A_943 = vector.shape_cast %get3A_942 : vector<1x16xf32> to vector<16xf32>
      %max3A_944 = arith.maximumf %max3A_938, %get3A_943 : vector<16xf32>
      %get3A_945 = arith.constant 7 : i32
      %get3A_946 = arith.index_cast %get3A_945 : i32 to index
      %get3A_947 = arith.constant 0 : index
      %get3A_948 = tpu.vector_load %arg7[%get3A_946, %get3A_947] {strides = array<i32>} : memref<16x128xf32, #tpu.memory_space<vmem>>, vector<1x16xf32>,
      %get3A_949 = vector.shape_cast %get3A_948 : vector<1x16xf32> to vector<16xf32>
      %max3A_950 = arith.maximumf %max3A_944, %get3A_949 : vector<16xf32>
      %get3A_951 = arith.constant 8 : i32
      %get3A_952 = arith.index_cast %get3A_951 : i32 to index
      %get3A_953 = arith.constant 0 : index
      %get3A_954 = tpu.vector_load %arg7[%get3A_952, %get3A_953] {strides = array<i32>} : memref<16x128xf32, #tpu.memory_space<vmem>>, vector<1x16xf32>,
      %get3A_955 = vector.shape_cast %get3A_954 : vector<1x16xf32> to vector<16xf32>
      %max3A_956 = arith.maximumf %max3A_950, %get3A_955 : vector<16xf32>
      %get3A_957 = arith.constant 9 : i32
      %get3A_958 = arith.index_cast %get3A_957 : i32 to index
      %get3A_959 = arith.constant 0 : index
      %get3A_960 = tpu.vector_load %arg7[%get3A_958, %get3A_959] {strides = array<i32>} : memref<16x128xf32, #tpu.memory_space<vmem>>, vector<1x16xf32>,
      %get3A_961 = vector.shape_cast %get3A_960 : vector<1x16xf32> to vector<16xf32>
      %max3A_962 = arith.maximumf %max3A_956, %get3A_961 : vector<16xf32>
      %get3A_963 = arith.constant 10 : i32
      %get3A_964 = arith.index_cast %get3A_963 : i32 to index
      %get3A_965 = arith.constant 0 : index
      %get3A_966 = tpu.vector_load %arg7[%get3A_964, %get3A_965] {strides = array<i32>} : memref<16x128xf32, #tpu.memory_space<vmem>>, vector<1x16xf32>,
      %get3A_967 = vector.shape_cast %get3A_966 : vector<1x16xf32> to vector<16xf32>
      %max3A_968 = arith.maximumf %max3A_962, %get3A_967 : vector<16xf32>
      %get3A_969 = arith.constant 11 : i32
      %get3A_970 = arith.index_cast %get3A_969 : i32 to index
      %get3A_971 = arith.constant 0 : index
      %get3A_972 = tpu.vector_load %arg7[%get3A_970, %get3A_971] {strides = array<i32>} : memref<16x128xf32, #tpu.memory_space<vmem>>, vector<1x16xf32>,
      %get3A_973 = vector.shape_cast %get3A_972 : vector<1x16xf32> to vector<16xf32>
      %max3A_974 = arith.maximumf %max3A_968, %get3A_973 : vector<16xf32>
      %get3A_975 = arith.constant 12 : i32
      %get3A_976 = arith.index_cast %get3A_975 : i32 to index
      %get3A_977 = arith.constant 0 : index
      %get3A_978 = tpu.vector_load %arg7[%get3A_976, %get3A_977] {strides = array<i32>} : memref<16x128xf32, #tpu.memory_space<vmem>>, vector<1x16xf32>,
      %get3A_979 = vector.shape_cast %get3A_978 : vector<1x16xf32> to vector<16xf32>
      %max3A_980 = arith.maximumf %max3A_974, %get3A_979 : vector<16xf32>
      %get3A_981 = arith.constant 13 : i32
      %get3A_982 = arith.index_cast %get3A_981 : i32 to index
      %get3A_983 = arith.constant 0 : index
      %get3A_984 = tpu.vector_load %arg7[%get3A_982, %get3A_983] {strides = array<i32>} : memref<16x128xf32, #tpu.memory_space<vmem>>, vector<1x16xf32>,
      %get3A_985 = vector.shape_cast %get3A_984 : vector<1x16xf32> to vector<16xf32>
      %max3A_986 = arith.maximumf %max3A_980, %get3A_985 : vector<16xf32>
      %get3A_987 = arith.constant 14 : i32
      %get3A_988 = arith.index_cast %get3A_987 : i32 to index
      %get3A_989 = arith.constant 0 : index
      %get3A_990 = tpu.vector_load %arg7[%get3A_988, %get3A_989] {strides = array<i32>} : memref<16x128xf32, #tpu.memory_space<vmem>>, vector<1x16xf32>,
      %get3A_991 = vector.shape_cast %get3A_990 : vector<1x16xf32> to vector<16xf32>
      %max3A_992 = arith.maximumf %max3A_986, %get3A_991 : vector<16xf32>
      %get3A_993 = arith.constant 15 : i32
      %get3A_994 = arith.index_cast %get3A_993 : i32 to index
      %get3A_995 = arith.constant 0 : index
      %get3A_996 = tpu.vector_load %arg7[%get3A_994, %get3A_995] {strides = array<i32>} : memref<16x128xf32, #tpu.memory_space<vmem>>, vector<1x16xf32>,
      %get3A_997 = vector.shape_cast %get3A_996 : vector<1x16xf32> to vector<16xf32>
      %max3A_998 = arith.maximumf %max3A_992, %get3A_997 : vector<16xf32>
      %max3A_999 = arith.constant 0.000000e+00 : f32
      %max3A_1000 = vector.broadcast %max3A_999 : f32 to vector<16xf32>
      %max3A_1001 = arith.maximumf %max3A_998, %max3A_1000 : vector<16xf32>
      %swap3A_1002 = arith.index_cast %add3A_897 : i32 to index
      %swap3A_1003 = arith.constant 0 : index
      %swap3A_1004 = tpu.vector_load %arg14[%swap3A_1002, %swap3A_1003] {strides = array<i32>} : memref<256x128xf32, #tpu.memory_space<vmem>>, vector<1x16xf32>,
      %swap3A_1005 = vector.shape_cast %swap3A_1004 : vector<1x16xf32> to vector<16xf32>
      %swap3A_1006 = vector.shape_cast %max3A_1001 : vector<16xf32> to vector<1x16xf32>
      tpu.vector_store %arg14[%swap3A_1002, %swap3A_1003], %swap3A_1006 {strides = array<i32>} : memref<256x128xf32, #tpu.memory_space<vmem>>, vector<1x16xf32>,
      %get3A_1007 = arith.constant 0 : i32
      %get3A_1008 = arith.index_cast %get3A_1007 : i32 to index
      %get3A_1009 = arith.constant 16 : index
      %get3A_1010 = tpu.vector_load %arg7[%get3A_1008, %get3A_1009] {strides = array<i32>} : memref<16x128xf32, #tpu.memory_space<vmem>>, vector<1x16xf32>,
      %get3A_1011 = vector.shape_cast %get3A_1010 : vector<1x16xf32> to vector<16xf32>
      %get3A_1012 = arith.constant 1 : i32
      %get3A_1013 = arith.index_cast %get3A_1012 : i32 to index
      %get3A_1014 = arith.constant 16 : index
      %get3A_1015 = tpu.vector_load %arg7[%get3A_1013, %get3A_1014] {strides = array<i32>} : memref<16x128xf32, #tpu.memory_space<vmem>>, vector<1x16xf32>,
      %get3A_1016 = vector.shape_cast %get3A_1015 : vector<1x16xf32> to vector<16xf32>
      %max3A_1017 = arith.maximumf %get3A_1011, %get3A_1016 : vector<16xf32>
      %get3A_1018 = arith.constant 2 : i32
      %get3A_1019 = arith.index_cast %get3A_1018 : i32 to index
      %get3A_1020 = arith.constant 16 : index
      %get3A_1021 = tpu.vector_load %arg7[%get3A_1019, %get3A_1020] {strides = array<i32>} : memref<16x128xf32, #tpu.memory_space<vmem>>, vector<1x16xf32>,
      %get3A_1022 = vector.shape_cast %get3A_1021 : vector<1x16xf32> to vector<16xf32>
      %max3A_1023 = arith.maximumf %max3A_1017, %get3A_1022 : vector<16xf32>
      %get3A_1024 = arith.constant 3 : i32
      %get3A_1025 = arith.index_cast %get3A_1024 : i32 to index
      %get3A_1026 = arith.constant 16 : index
      %get3A_1027 = tpu.vector_load %arg7[%get3A_1025, %get3A_1026] {strides = array<i32>} : memref<16x128xf32, #tpu.memory_space<vmem>>, vector<1x16xf32>,
      %get3A_1028 = vector.shape_cast %get3A_1027 : vector<1x16xf32> to vector<16xf32>
      %max3A_1029 = arith.maximumf %max3A_1023, %get3A_1028 : vector<16xf32>
      %get3A_1030 = arith.constant 4 : i32
      %get3A_1031 = arith.index_cast %get3A_1030 : i32 to index
      %get3A_1032 = arith.constant 16 : index
      %get3A_1033 = tpu.vector_load %arg7[%get3A_1031, %get3A_1032] {strides = array<i32>} : memref<16x128xf32, #tpu.memory_space<vmem>>, vector<1x16xf32>,
      %get3A_1034 = vector.shape_cast %get3A_1033 : vector<1x16xf32> to vector<16xf32>
      %max3A_1035 = arith.maximumf %max3A_1029, %get3A_1034 : vector<16xf32>
      %get3A_1036 = arith.constant 5 : i32
      %get3A_1037 = arith.index_cast %get3A_1036 : i32 to index
      %get3A_1038 = arith.constant 16 : index
      %get3A_1039 = tpu.vector_load %arg7[%get3A_1037, %get3A_1038] {strides = array<i32>} : memref<16x128xf32, #tpu.memory_space<vmem>>, vector<1x16xf32>,
      %get3A_1040 = vector.shape_cast %get3A_1039 : vector<1x16xf32> to vector<16xf32>
      %max3A_1041 = arith.maximumf %max3A_1035, %get3A_1040 : vector<16xf32>
      %get3A_1042 = arith.constant 6 : i32
      %get3A_1043 = arith.index_cast %get3A_1042 : i32 to index
      %get3A_1044 = arith.constant 16 : index
      %get3A_1045 = tpu.vector_load %arg7[%get3A_1043, %get3A_1044] {strides = array<i32>} : memref<16x128xf32, #tpu.memory_space<vmem>>, vector<1x16xf32>,
      %get3A_1046 = vector.shape_cast %get3A_1045 : vector<1x16xf32> to vector<16xf32>
      %max3A_1047 = arith.maximumf %max3A_1041, %get3A_1046 : vector<16xf32>
      %get3A_1048 = arith.constant 7 : i32
      %get3A_1049 = arith.index_cast %get3A_1048 : i32 to index
      %get3A_1050 = arith.constant 16 : index
      %get3A_1051 = tpu.vector_load %arg7[%get3A_1049, %get3A_1050] {strides = array<i32>} : memref<16x128xf32, #tpu.memory_space<vmem>>, vector<1x16xf32>,
      %get3A_1052 = vector.shape_cast %get3A_1051 : vector<1x16xf32> to vector<16xf32>
      %max3A_1053 = arith.maximumf %max3A_1047, %get3A_1052 : vector<16xf32>
      %get3A_1054 = arith.constant 8 : i32
      %get3A_1055 = arith.index_cast %get3A_1054 : i32 to index
      %get3A_1056 = arith.constant 16 : index
      %get3A_1057 = tpu.vector_load %arg7[%get3A_1055, %get3A_1056] {strides = array<i32>} : memref<16x128xf32, #tpu.memory_space<vmem>>, vector<1x16xf32>,
      %get3A_1058 = vector.shape_cast %get3A_1057 : vector<1x16xf32> to vector<16xf32>
      %max3A_1059 = arith.maximumf %max3A_1053, %get3A_1058 : vector<16xf32>
      %get3A_1060 = arith.constant 9 : i32
      %get3A_1061 = arith.index_cast %get3A_1060 : i32 to index
      %get3A_1062 = arith.constant 16 : index
      %get3A_1063 = tpu.vector_load %arg7[%get3A_1061, %get3A_1062] {strides = array<i32>} : memref<16x128xf32, #tpu.memory_space<vmem>>, vector<1x16xf32>,
      %get3A_1064 = vector.shape_cast %get3A_1063 : vector<1x16xf32> to vector<16xf32>
      %max3A_1065 = arith.maximumf %max3A_1059, %get3A_1064 : vector<16xf32>
      %get3A_1066 = arith.constant 10 : i32
      %get3A_1067 = arith.index_cast %get3A_1066 : i32 to index
      %get3A_1068 = arith.constant 16 : index
      %get3A_1069 = tpu.vector_load %arg7[%get3A_1067, %get3A_1068] {strides = array<i32>} : memref<16x128xf32, #tpu.memory_space<vmem>>, vector<1x16xf32>,
      %get3A_1070 = vector.shape_cast %get3A_1069 : vector<1x16xf32> to vector<16xf32>
      %max3A_1071 = arith.maximumf %max3A_1065, %get3A_1070 : vector<16xf32>
      %get3A_1072 = arith.constant 11 : i32
      %get3A_1073 = arith.index_cast %get3A_1072 : i32 to index
      %get3A_1074 = arith.constant 16 : index
      %get3A_1075 = tpu.vector_load %arg7[%get3A_1073, %get3A_1074] {strides = array<i32>} : memref<16x128xf32, #tpu.memory_space<vmem>>, vector<1x16xf32>,
      %get3A_1076 = vector.shape_cast %get3A_1075 : vector<1x16xf32> to vector<16xf32>
      %max3A_1077 = arith.maximumf %max3A_1071, %get3A_1076 : vector<16xf32>
      %get3A_1078 = arith.constant 12 : i32
      %get3A_1079 = arith.index_cast %get3A_1078 : i32 to index
      %get3A_1080 = arith.constant 16 : index
      %get3A_1081 = tpu.vector_load %arg7[%get3A_1079, %get3A_1080] {strides = array<i32>} : memref<16x128xf32, #tpu.memory_space<vmem>>, vector<1x16xf32>,
      %get3A_1082 = vector.shape_cast %get3A_1081 : vector<1x16xf32> to vector<16xf32>
      %max3A_1083 = arith.maximumf %max3A_1077, %get3A_1082 : vector<16xf32>
      %get3A_1084 = arith.constant 13 : i32
      %get3A_1085 = arith.index_cast %get3A_1084 : i32 to index
      %get3A_1086 = arith.constant 16 : index
      %get3A_1087 = tpu.vector_load %arg7[%get3A_1085, %get3A_1086] {strides = array<i32>} : memref<16x128xf32, #tpu.memory_space<vmem>>, vector<1x16xf32>,
      %get3A_1088 = vector.shape_cast %get3A_1087 : vector<1x16xf32> to vector<16xf32>
      %max3A_1089 = arith.maximumf %max3A_1083, %get3A_1088 : vector<16xf32>
      %get3A_1090 = arith.constant 14 : i32
      %get3A_1091 = arith.index_cast %get3A_1090 : i32 to index
      %get3A_1092 = arith.constant 16 : index
      %get3A_1093 = tpu.vector_load %arg7[%get3A_1091, %get3A_1092] {strides = array<i32>} : memref<16x128xf32, #tpu.memory_space<vmem>>, vector<1x16xf32>,
      %get3A_1094 = vector.shape_cast %get3A_1093 : vector<1x16xf32> to vector<16xf32>
      %max3A_1095 = arith.maximumf %max3A_1089, %get3A_1094 : vector<16xf32>
      %get3A_1096 = arith.constant 15 : i32
      %get3A_1097 = arith.index_cast %get3A_1096 : i32 to index
      %get3A_1098 = arith.constant 16 : index
      %get3A_1099 = tpu.vector_load %arg7[%get3A_1097, %get3A_1098] {strides = array<i32>} : memref<16x128xf32, #tpu.memory_space<vmem>>, vector<1x16xf32>,
      %get3A_1100 = vector.shape_cast %get3A_1099 : vector<1x16xf32> to vector<16xf32>
      %max3A_1101 = arith.maximumf %max3A_1095, %get3A_1100 : vector<16xf32>
      %max3A_1102 = arith.constant 0.000000e+00 : f32
      %max3A_1103 = vector.broadcast %max3A_1102 : f32 to vector<16xf32>
      %max3A_1104 = arith.maximumf %max3A_1101, %max3A_1103 : vector<16xf32>
      %swap3A_1105 = arith.index_cast %add3A_897 : i32 to index
      %swap3A_1106 = arith.constant 16 : index
      %swap3A_1107 = tpu.vector_load %arg14[%swap3A_1105, %swap3A_1106] {strides = array<i32>} : memref<256x128xf32, #tpu.memory_space<vmem>>, vector<1x16xf32>,
      %swap3A_1108 = vector.shape_cast %swap3A_1107 : vector<1x16xf32> to vector<16xf32>
      %swap3A_1109 = vector.shape_cast %max3A_1104 : vector<16xf32> to vector<1x16xf32>
      tpu.vector_store %arg14[%swap3A_1105, %swap3A_1106], %swap3A_1109 {strides = array<i32>} : memref<256x128xf32, #tpu.memory_space<vmem>>, vector<1x16xf32>,
      %get3A_1110 = arith.constant 0 : i32
      %get3A_1111 = arith.index_cast %get3A_1110 : i32 to index
      %get3A_1112 = arith.constant 32 : index
      %get3A_1113 = tpu.vector_load %arg7[%get3A_1111, %get3A_1112] {strides = array<i32>} : memref<16x128xf32, #tpu.memory_space<vmem>>, vector<1x16xf32>,
      %get3A_1114 = vector.shape_cast %get3A_1113 : vector<1x16xf32> to vector<16xf32>
      %get3A_1115 = arith.constant 1 : i32
      %get3A_1116 = arith.index_cast %get3A_1115 : i32 to index
      %get3A_1117 = arith.constant 32 : index
      %get3A_1118 = tpu.vector_load %arg7[%get3A_1116, %get3A_1117] {strides = array<i32>} : memref<16x128xf32, #tpu.memory_space<vmem>>, vector<1x16xf32>,
      %get3A_1119 = vector.shape_cast %get3A_1118 : vector<1x16xf32> to vector<16xf32>
      %max3A_1120 = arith.maximumf %get3A_1114, %get3A_1119 : vector<16xf32>
      %get3A_1121 = arith.constant 2 : i32
      %get3A_1122 = arith.index_cast %get3A_1121 : i32 to index
      %get3A_1123 = arith.constant 32 : index
      %get3A_1124 = tpu.vector_load %arg7[%get3A_1122, %get3A_1123] {strides = array<i32>} : memref<16x128xf32, #tpu.memory_space<vmem>>, vector<1x16xf32>,
      %get3A_1125 = vector.shape_cast %get3A_1124 : vector<1x16xf32> to vector<16xf32>
      %max3A_1126 = arith.maximumf %max3A_1120, %get3A_1125 : vector<16xf32>
      %get3A_1127 = arith.constant 3 : i32
      %get3A_1128 = arith.index_cast %get3A_1127 : i32 to index
      %get3A_1129 = arith.constant 32 : index
      %get3A_1130 = tpu.vector_load %arg7[%get3A_1128, %get3A_1129] {strides = array<i32>} : memref<16x128xf32, #tpu.memory_space<vmem>>, vector<1x16xf32>,
      %get3A_1131 = vector.shape_cast %get3A_1130 : vector<1x16xf32> to vector<16xf32>
      %max3A_1132 = arith.maximumf %max3A_1126, %get3A_1131 : vector<16xf32>
      %get3A_1133 = arith.constant 4 : i32
      %get3A_1134 = arith.index_cast %get3A_1133 : i32 to index
      %get3A_1135 = arith.constant 32 : index
      %get3A_1136 = tpu.vector_load %arg7[%get3A_1134, %get3A_1135] {strides = array<i32>} : memref<16x128xf32, #tpu.memory_space<vmem>>, vector<1x16xf32>,
      %get3A_1137 = vector.shape_cast %get3A_1136 : vector<1x16xf32> to vector<16xf32>
      %max3A_1138 = arith.maximumf %max3A_1132, %get3A_1137 : vector<16xf32>
      %get3A_1139 = arith.constant 5 : i32
      %get3A_1140 = arith.index_cast %get3A_1139 : i32 to index
      %get3A_1141 = arith.constant 32 : index
      %get3A_1142 = tpu.vector_load %arg7[%get3A_1140, %get3A_1141] {strides = array<i32>} : memref<16x128xf32, #tpu.memory_space<vmem>>, vector<1x16xf32>,
      %get3A_1143 = vector.shape_cast %get3A_1142 : vector<1x16xf32> to vector<16xf32>
      %max3A_1144 = arith.maximumf %max3A_1138, %get3A_1143 : vector<16xf32>
      %get3A_1145 = arith.constant 6 : i32
      %get3A_1146 = arith.index_cast %get3A_1145 : i32 to index
      %get3A_1147 = arith.constant 32 : index
      %get3A_1148 = tpu.vector_load %arg7[%get3A_1146, %get3A_1147] {strides = array<i32>} : memref<16x128xf32, #tpu.memory_space<vmem>>, vector<1x16xf32>,
      %get3A_1149 = vector.shape_cast %get3A_1148 : vector<1x16xf32> to vector<16xf32>
      %max3A_1150 = arith.maximumf %max3A_1144, %get3A_1149 : vector<16xf32>
      %get3A_1151 = arith.constant 7 : i32
      %get3A_1152 = arith.index_cast %get3A_1151 : i32 to index
      %get3A_1153 = arith.constant 32 : index
      %get3A_1154 = tpu.vector_load %arg7[%get3A_1152, %get3A_1153] {strides = array<i32>} : memref<16x128xf32, #tpu.memory_space<vmem>>, vector<1x16xf32>,
      %get3A_1155 = vector.shape_cast %get3A_1154 : vector<1x16xf32> to vector<16xf32>
      %max3A_1156 = arith.maximumf %max3A_1150, %get3A_1155 : vector<16xf32>
      %get3A_1157 = arith.constant 8 : i32
      %get3A_1158 = arith.index_cast %get3A_1157 : i32 to index
      %get3A_1159 = arith.constant 32 : index
      %get3A_1160 = tpu.vector_load %arg7[%get3A_1158, %get3A_1159] {strides = array<i32>} : memref<16x128xf32, #tpu.memory_space<vmem>>, vector<1x16xf32>,
      %get3A_1161 = vector.shape_cast %get3A_1160 : vector<1x16xf32> to vector<16xf32>
      %max3A_1162 = arith.maximumf %max3A_1156, %get3A_1161 : vector<16xf32>
      %get3A_1163 = arith.constant 9 : i32
      %get3A_1164 = arith.index_cast %get3A_1163 : i32 to index
      %get3A_1165 = arith.constant 32 : index
      %get3A_1166 = tpu.vector_load %arg7[%get3A_1164, %get3A_1165] {strides = array<i32>} : memref<16x128xf32, #tpu.memory_space<vmem>>, vector<1x16xf32>,
      %get3A_1167 = vector.shape_cast %get3A_1166 : vector<1x16xf32> to vector<16xf32>
      %max3A_1168 = arith.maximumf %max3A_1162, %get3A_1167 : vector<16xf32>
      %get3A_1169 = arith.constant 10 : i32
      %get3A_1170 = arith.index_cast %get3A_1169 : i32 to index
      %get3A_1171 = arith.constant 32 : index
      %get3A_1172 = tpu.vector_load %arg7[%get3A_1170, %get3A_1171] {strides = array<i32>} : memref<16x128xf32, #tpu.memory_space<vmem>>, vector<1x16xf32>,
      %get3A_1173 = vector.shape_cast %get3A_1172 : vector<1x16xf32> to vector<16xf32>
      %max3A_1174 = arith.maximumf %max3A_1168, %get3A_1173 : vector<16xf32>
      %get3A_1175 = arith.constant 11 : i32
      %get3A_1176 = arith.index_cast %get3A_1175 : i32 to index
      %get3A_1177 = arith.constant 32 : index
      %get3A_1178 = tpu.vector_load %arg7[%get3A_1176, %get3A_1177] {strides = array<i32>} : memref<16x128xf32, #tpu.memory_space<vmem>>, vector<1x16xf32>,
      %get3A_1179 = vector.shape_cast %get3A_1178 : vector<1x16xf32> to vector<16xf32>
      %max3A_1180 = arith.maximumf %max3A_1174, %get3A_1179 : vector<16xf32>
      %get3A_1181 = arith.constant 12 : i32
      %get3A_1182 = arith.index_cast %get3A_1181 : i32 to index
      %get3A_1183 = arith.constant 32 : index
      %get3A_1184 = tpu.vector_load %arg7[%get3A_1182, %get3A_1183] {strides = array<i32>} : memref<16x128xf32, #tpu.memory_space<vmem>>, vector<1x16xf32>,
      %get3A_1185 = vector.shape_cast %get3A_1184 : vector<1x16xf32> to vector<16xf32>
      %max3A_1186 = arith.maximumf %max3A_1180, %get3A_1185 : vector<16xf32>
      %get3A_1187 = arith.constant 13 : i32
      %get3A_1188 = arith.index_cast %get3A_1187 : i32 to index
      %get3A_1189 = arith.constant 32 : index
      %get3A_1190 = tpu.vector_load %arg7[%get3A_1188, %get3A_1189] {strides = array<i32>} : memref<16x128xf32, #tpu.memory_space<vmem>>, vector<1x16xf32>,
      %get3A_1191 = vector.shape_cast %get3A_1190 : vector<1x16xf32> to vector<16xf32>
      %max3A_1192 = arith.maximumf %max3A_1186, %get3A_1191 : vector<16xf32>
      %get3A_1193 = arith.constant 14 : i32
      %get3A_1194 = arith.index_cast %get3A_1193 : i32 to index
      %get3A_1195 = arith.constant 32 : index
      %get3A_1196 = tpu.vector_load %arg7[%get3A_1194, %get3A_1195] {strides = array<i32>} : memref<16x128xf32, #tpu.memory_space<vmem>>, vector<1x16xf32>,
      %get3A_1197 = vector.shape_cast %get3A_1196 : vector<1x16xf32> to vector<16xf32>
      %max3A_1198 = arith.maximumf %max3A_1192, %get3A_1197 : vector<16xf32>
      %get3A_1199 = arith.constant 15 : i32
      %get3A_1200 = arith.index_cast %get3A_1199 : i32 to index
      %get3A_1201 = arith.constant 32 : index
      %get3A_1202 = tpu.vector_load %arg7[%get3A_1200, %get3A_1201] {strides = array<i32>} : memref<16x128xf32, #tpu.memory_space<vmem>>, vector<1x16xf32>,
      %get3A_1203 = vector.shape_cast %get3A_1202 : vector<1x16xf32> to vector<16xf32>
      %max3A_1204 = arith.maximumf %max3A_1198, %get3A_1203 : vector<16xf32>
      %max3A_1205 = arith.constant 0.000000e+00 : f32
      %max3A_1206 = vector.broadcast %max3A_1205 : f32 to vector<16xf32>
      %max3A_1207 = arith.maximumf %max3A_1204, %max3A_1206 : vector<16xf32>
      %swap3A_1208 = arith.index_cast %add3A_897 : i32 to index
      %swap3A_1209 = arith.constant 32 : index
      %swap3A_1210 = tpu.vector_load %arg14[%swap3A_1208, %swap3A_1209] {strides = array<i32>} : memref<256x128xf32, #tpu.memory_space<vmem>>, vector<1x16xf32>,
      %swap3A_1211 = vector.shape_cast %swap3A_1210 : vector<1x16xf32> to vector<16xf32>
      %swap3A_1212 = vector.shape_cast %max3A_1207 : vector<16xf32> to vector<1x16xf32>
      tpu.vector_store %arg14[%swap3A_1208, %swap3A_1209], %swap3A_1212 {strides = array<i32>} : memref<256x128xf32, #tpu.memory_space<vmem>>, vector<1x16xf32>,
      %get3A_1213 = arith.constant 0 : i32
      %get3A_1214 = arith.index_cast %get3A_1213 : i32 to index
      %get3A_1215 = arith.constant 48 : index
      %get3A_1216 = tpu.vector_load %arg7[%get3A_1214, %get3A_1215] {strides = array<i32>} : memref<16x128xf32, #tpu.memory_space<vmem>>, vector<1x16xf32>,
      %get3A_1217 = vector.shape_cast %get3A_1216 : vector<1x16xf32> to vector<16xf32>
      %get3A_1218 = arith.constant 1 : i32
      %get3A_1219 = arith.index_cast %get3A_1218 : i32 to index
      %get3A_1220 = arith.constant 48 : index
      %get3A_1221 = tpu.vector_load %arg7[%get3A_1219, %get3A_1220] {strides = array<i32>} : memref<16x128xf32, #tpu.memory_space<vmem>>, vector<1x16xf32>,
      %get3A_1222 = vector.shape_cast %get3A_1221 : vector<1x16xf32> to vector<16xf32>
      %max3A_1223 = arith.maximumf %get3A_1217, %get3A_1222 : vector<16xf32>
      %get3A_1224 = arith.constant 2 : i32
      %get3A_1225 = arith.index_cast %get3A_1224 : i32 to index
      %get3A_1226 = arith.constant 48 : index
      %get3A_1227 = tpu.vector_load %arg7[%get3A_1225, %get3A_1226] {strides = array<i32>} : memref<16x128xf32, #tpu.memory_space<vmem>>, vector<1x16xf32>,
      %get3A_1228 = vector.shape_cast %get3A_1227 : vector<1x16xf32> to vector<16xf32>
      %max3A_1229 = arith.maximumf %max3A_1223, %get3A_1228 : vector<16xf32>
      %get3A_1230 = arith.constant 3 : i32
      %get3A_1231 = arith.index_cast %get3A_1230 : i32 to index
      %get3A_1232 = arith.constant 48 : index
      %get3A_1233 = tpu.vector_load %arg7[%get3A_1231, %get3A_1232] {strides = array<i32>} : memref<16x128xf32, #tpu.memory_space<vmem>>, vector<1x16xf32>,
      %get3A_1234 = vector.shape_cast %get3A_1233 : vector<1x16xf32> to vector<16xf32>
      %max3A_1235 = arith.maximumf %max3A_1229, %get3A_1234 : vector<16xf32>
      %get3A_1236 = arith.constant 4 : i32
      %get3A_1237 = arith.index_cast %get3A_1236 : i32 to index
      %get3A_1238 = arith.constant 48 : index
      %get3A_1239 = tpu.vector_load %arg7[%get3A_1237, %get3A_1238] {strides = array<i32>} : memref<16x128xf32, #tpu.memory_space<vmem>>, vector<1x16xf32>,
      %get3A_1240 = vector.shape_cast %get3A_1239 : vector<1x16xf32> to vector<16xf32>
      %max3A_1241 = arith.maximumf %max3A_1235, %get3A_1240 : vector<16xf32>
      %get3A_1242 = arith.constant 5 : i32
      %get3A_1243 = arith.index_cast %get3A_1242 : i32 to index
      %get3A_1244 = arith.constant 48 : index
      %get3A_1245 = tpu.vector_load %arg7[%get3A_1243, %get3A_1244] {strides = array<i32>} : memref<16x128xf32, #tpu.memory_space<vmem>>, vector<1x16xf32>,
      %get3A_1246 = vector.shape_cast %get3A_1245 : vector<1x16xf32> to vector<16xf32>
      %max3A_1247 = arith.maximumf %max3A_1241, %get3A_1246 : vector<16xf32>
      %get3A_1248 = arith.constant 6 : i32
      %get3A_1249 = arith.index_cast %get3A_1248 : i32 to index
      %get3A_1250 = arith.constant 48 : index
      %get3A_1251 = tpu.vector_load %arg7[%get3A_1249, %get3A_1250] {strides = array<i32>} : memref<16x128xf32, #tpu.memory_space<vmem>>, vector<1x16xf32>,
      %get3A_1252 = vector.shape_cast %get3A_1251 : vector<1x16xf32> to vector<16xf32>
      %max3A_1253 = arith.maximumf %max3A_1247, %get3A_1252 : vector<16xf32>
      %get3A_1254 = arith.constant 7 : i32
      %get3A_1255 = arith.index_cast %get3A_1254 : i32 to index
      %get3A_1256 = arith.constant 48 : index
      %get3A_1257 = tpu.vector_load %arg7[%get3A_1255, %get3A_1256] {strides = array<i32>} : memref<16x128xf32, #tpu.memory_space<vmem>>, vector<1x16xf32>,
      %get3A_1258 = vector.shape_cast %get3A_1257 : vector<1x16xf32> to vector<16xf32>
      %max3A_1259 = arith.maximumf %max3A_1253, %get3A_1258 : vector<16xf32>
      %get3A_1260 = arith.constant 8 : i32
      %get3A_1261 = arith.index_cast %get3A_1260 : i32 to index
      %get3A_1262 = arith.constant 48 : index
      %get3A_1263 = tpu.vector_load %arg7[%get3A_1261, %get3A_1262] {strides = array<i32>} : memref<16x128xf32, #tpu.memory_space<vmem>>, vector<1x16xf32>,
      %get3A_1264 = vector.shape_cast %get3A_1263 : vector<1x16xf32> to vector<16xf32>
      %max3A_1265 = arith.maximumf %max3A_1259, %get3A_1264 : vector<16xf32>
      %get3A_1266 = arith.constant 9 : i32
      %get3A_1267 = arith.index_cast %get3A_1266 : i32 to index
      %get3A_1268 = arith.constant 48 : index
      %get3A_1269 = tpu.vector_load %arg7[%get3A_1267, %get3A_1268] {strides = array<i32>} : memref<16x128xf32, #tpu.memory_space<vmem>>, vector<1x16xf32>,
      %get3A_1270 = vector.shape_cast %get3A_1269 : vector<1x16xf32> to vector<16xf32>
      %max3A_1271 = arith.maximumf %max3A_1265, %get3A_1270 : vector<16xf32>
      %get3A_1272 = arith.constant 10 : i32
      %get3A_1273 = arith.index_cast %get3A_1272 : i32 to index
      %get3A_1274 = arith.constant 48 : index
      %get3A_1275 = tpu.vector_load %arg7[%get3A_1273, %get3A_1274] {strides = array<i32>} : memref<16x128xf32, #tpu.memory_space<vmem>>, vector<1x16xf32>,
      %get3A_1276 = vector.shape_cast %get3A_1275 : vector<1x16xf32> to vector<16xf32>
      %max3A_1277 = arith.maximumf %max3A_1271, %get3A_1276 : vector<16xf32>
      %get3A_1278 = arith.constant 11 : i32
      %get3A_1279 = arith.index_cast %get3A_1278 : i32 to index
      %get3A_1280 = arith.constant 48 : index
      %get3A_1281 = tpu.vector_load %arg7[%get3A_1279, %get3A_1280] {strides = array<i32>} : memref<16x128xf32, #tpu.memory_space<vmem>>, vector<1x16xf32>,
      %get3A_1282 = vector.shape_cast %get3A_1281 : vector<1x16xf32> to vector<16xf32>
      %max3A_1283 = arith.maximumf %max3A_1277, %get3A_1282 : vector<16xf32>
      %get3A_1284 = arith.constant 12 : i32
      %get3A_1285 = arith.index_cast %get3A_1284 : i32 to index
      %get3A_1286 = arith.constant 48 : index
      %get3A_1287 = tpu.vector_load %arg7[%get3A_1285, %get3A_1286] {strides = array<i32>} : memref<16x128xf32, #tpu.memory_space<vmem>>, vector<1x16xf32>,
      %get3A_1288 = vector.shape_cast %get3A_1287 : vector<1x16xf32> to vector<16xf32>
      %max3A_1289 = arith.maximumf %max3A_1283, %get3A_1288 : vector<16xf32>
      %get3A_1290 = arith.constant 13 : i32
      %get3A_1291 = arith.index_cast %get3A_1290 : i32 to index
      %get3A_1292 = arith.constant 48 : index
      %get3A_1293 = tpu.vector_load %arg7[%get3A_1291, %get3A_1292] {strides = array<i32>} : memref<16x128xf32, #tpu.memory_space<vmem>>, vector<1x16xf32>,
      %get3A_1294 = vector.shape_cast %get3A_1293 : vector<1x16xf32> to vector<16xf32>
      %max3A_1295 = arith.maximumf %max3A_1289, %get3A_1294 : vector<16xf32>
      %get3A_1296 = arith.constant 14 : i32
      %get3A_1297 = arith.index_cast %get3A_1296 : i32 to index
      %get3A_1298 = arith.constant 48 : index
      %get3A_1299 = tpu.vector_load %arg7[%get3A_1297, %get3A_1298] {strides = array<i32>} : memref<16x128xf32, #tpu.memory_space<vmem>>, vector<1x16xf32>,
      %get3A_1300 = vector.shape_cast %get3A_1299 : vector<1x16xf32> to vector<16xf32>
      %max3A_1301 = arith.maximumf %max3A_1295, %get3A_1300 : vector<16xf32>
      %get3A_1302 = arith.constant 15 : i32
      %get3A_1303 = arith.index_cast %get3A_1302 : i32 to index
      %get3A_1304 = arith.constant 48 : index
      %get3A_1305 = tpu.vector_load %arg7[%get3A_1303, %get3A_1304] {strides = array<i32>} : memref<16x128xf32, #tpu.memory_space<vmem>>, vector<1x16xf32>,
      %get3A_1306 = vector.shape_cast %get3A_1305 : vector<1x16xf32> to vector<16xf32>
      %max3A_1307 = arith.maximumf %max3A_1301, %get3A_1306 : vector<16xf32>
      %max3A_1308 = arith.constant 0.000000e+00 : f32
      %max3A_1309 = vector.broadcast %max3A_1308 : f32 to vector<16xf32>
      %max3A_1310 = arith.maximumf %max3A_1307, %max3A_1309 : vector<16xf32>
      %swap3A_1311 = arith.index_cast %add3A_897 : i32 to index
      %swap3A_1312 = arith.constant 48 : index
      %swap3A_1313 = tpu.vector_load %arg14[%swap3A_1311, %swap3A_1312] {strides = array<i32>} : memref<256x128xf32, #tpu.memory_space<vmem>>, vector<1x16xf32>,
      %swap3A_1314 = vector.shape_cast %swap3A_1313 : vector<1x16xf32> to vector<16xf32>
      %swap3A_1315 = vector.shape_cast %max3A_1310 : vector<16xf32> to vector<1x16xf32>
      tpu.vector_store %arg14[%swap3A_1311, %swap3A_1312], %swap3A_1315 {strides = array<i32>} : memref<256x128xf32, #tpu.memory_space<vmem>>, vector<1x16xf32>,
      %get3A_1316 = arith.constant 0 : i32
      %get3A_1317 = arith.index_cast %get3A_1316 : i32 to index
      %get3A_1318 = arith.constant 64 : index
      %get3A_1319 = tpu.vector_load %arg7[%get3A_1317, %get3A_1318] {strides = array<i32>} : memref<16x128xf32, #tpu.memory_space<vmem>>, vector<1x16xf32>,
      %get3A_1320 = vector.shape_cast %get3A_1319 : vector<1x16xf32> to vector<16xf32>
      %get3A_1321 = arith.constant 1 : i32
      %get3A_1322 = arith.index_cast %get3A_1321 : i32 to index
      %get3A_1323 = arith.constant 64 : index
      %get3A_1324 = tpu.vector_load %arg7[%get3A_1322, %get3A_1323] {strides = array<i32>} : memref<16x128xf32, #tpu.memory_space<vmem>>, vector<1x16xf32>,
      %get3A_1325 = vector.shape_cast %get3A_1324 : vector<1x16xf32> to vector<16xf32>
      %max3A_1326 = arith.maximumf %get3A_1320, %get3A_1325 : vector<16xf32>
      %get3A_1327 = arith.constant 2 : i32
      %get3A_1328 = arith.index_cast %get3A_1327 : i32 to index
      %get3A_1329 = arith.constant 64 : index
      %get3A_1330 = tpu.vector_load %arg7[%get3A_1328, %get3A_1329] {strides = array<i32>} : memref<16x128xf32, #tpu.memory_space<vmem>>, vector<1x16xf32>,
      %get3A_1331 = vector.shape_cast %get3A_1330 : vector<1x16xf32> to vector<16xf32>
      %max3A_1332 = arith.maximumf %max3A_1326, %get3A_1331 : vector<16xf32>
      %get3A_1333 = arith.constant 3 : i32
      %get3A_1334 = arith.index_cast %get3A_1333 : i32 to index
      %get3A_1335 = arith.constant 64 : index
      %get3A_1336 = tpu.vector_load %arg7[%get3A_1334, %get3A_1335] {strides = array<i32>} : memref<16x128xf32, #tpu.memory_space<vmem>>, vector<1x16xf32>,
      %get3A_1337 = vector.shape_cast %get3A_1336 : vector<1x16xf32> to vector<16xf32>
      %max3A_1338 = arith.maximumf %max3A_1332, %get3A_1337 : vector<16xf32>
      %get3A_1339 = arith.constant 4 : i32
      %get3A_1340 = arith.index_cast %get3A_1339 : i32 to index
      %get3A_1341 = arith.constant 64 : index
      %get3A_1342 = tpu.vector_load %arg7[%get3A_1340, %get3A_1341] {strides = array<i32>} : memref<16x128xf32, #tpu.memory_space<vmem>>, vector<1x16xf32>,
      %get3A_1343 = vector.shape_cast %get3A_1342 : vector<1x16xf32> to vector<16xf32>
      %max3A_1344 = arith.maximumf %max3A_1338, %get3A_1343 : vector<16xf32>
      %get3A_1345 = arith.constant 5 : i32
      %get3A_1346 = arith.index_cast %get3A_1345 : i32 to index
      %get3A_1347 = arith.constant 64 : index
      %get3A_1348 = tpu.vector_load %arg7[%get3A_1346, %get3A_1347] {strides = array<i32>} : memref<16x128xf32, #tpu.memory_space<vmem>>, vector<1x16xf32>,
      %get3A_1349 = vector.shape_cast %get3A_1348 : vector<1x16xf32> to vector<16xf32>
      %max3A_1350 = arith.maximumf %max3A_1344, %get3A_1349 : vector<16xf32>
      %get3A_1351 = arith.constant 6 : i32
      %get3A_1352 = arith.index_cast %get3A_1351 : i32 to index
      %get3A_1353 = arith.constant 64 : index
      %get3A_1354 = tpu.vector_load %arg7[%get3A_1352, %get3A_1353] {strides = array<i32>} : memref<16x128xf32, #tpu.memory_space<vmem>>, vector<1x16xf32>,
      %get3A_1355 = vector.shape_cast %get3A_1354 : vector<1x16xf32> to vector<16xf32>
      %max3A_1356 = arith.maximumf %max3A_1350, %get3A_1355 : vector<16xf32>
      %get3A_1357 = arith.constant 7 : i32
      %get3A_1358 = arith.index_cast %get3A_1357 : i32 to index
      %get3A_1359 = arith.constant 64 : index
      %get3A_1360 = tpu.vector_load %arg7[%get3A_1358, %get3A_1359] {strides = array<i32>} : memref<16x128xf32, #tpu.memory_space<vmem>>, vector<1x16xf32>,
      %get3A_1361 = vector.shape_cast %get3A_1360 : vector<1x16xf32> to vector<16xf32>
      %max3A_1362 = arith.maximumf %max3A_1356, %get3A_1361 : vector<16xf32>
      %get3A_1363 = arith.constant 8 : i32
      %get3A_1364 = arith.index_cast %get3A_1363 : i32 to index
      %get3A_1365 = arith.constant 64 : index
      %get3A_1366 = tpu.vector_load %arg7[%get3A_1364, %get3A_1365] {strides = array<i32>} : memref<16x128xf32, #tpu.memory_space<vmem>>, vector<1x16xf32>,
      %get3A_1367 = vector.shape_cast %get3A_1366 : vector<1x16xf32> to vector<16xf32>
      %max3A_1368 = arith.maximumf %max3A_1362, %get3A_1367 : vector<16xf32>
      %get3A_1369 = arith.constant 9 : i32
      %get3A_1370 = arith.index_cast %get3A_1369 : i32 to index
      %get3A_1371 = arith.constant 64 : index
      %get3A_1372 = tpu.vector_load %arg7[%get3A_1370, %get3A_1371] {strides = array<i32>} : memref<16x128xf32, #tpu.memory_space<vmem>>, vector<1x16xf32>,
      %get3A_1373 = vector.shape_cast %get3A_1372 : vector<1x16xf32> to vector<16xf32>
      %max3A_1374 = arith.maximumf %max3A_1368, %get3A_1373 : vector<16xf32>
      %get3A_1375 = arith.constant 10 : i32
      %get3A_1376 = arith.index_cast %get3A_1375 : i32 to index
      %get3A_1377 = arith.constant 64 : index
      %get3A_1378 = tpu.vector_load %arg7[%get3A_1376, %get3A_1377] {strides = array<i32>} : memref<16x128xf32, #tpu.memory_space<vmem>>, vector<1x16xf32>,
      %get3A_1379 = vector.shape_cast %get3A_1378 : vector<1x16xf32> to vector<16xf32>
      %max3A_1380 = arith.maximumf %max3A_1374, %get3A_1379 : vector<16xf32>
      %get3A_1381 = arith.constant 11 : i32
      %get3A_1382 = arith.index_cast %get3A_1381 : i32 to index
      %get3A_1383 = arith.constant 64 : index
      %get3A_1384 = tpu.vector_load %arg7[%get3A_1382, %get3A_1383] {strides = array<i32>} : memref<16x128xf32, #tpu.memory_space<vmem>>, vector<1x16xf32>,
      %get3A_1385 = vector.shape_cast %get3A_1384 : vector<1x16xf32> to vector<16xf32>
      %max3A_1386 = arith.maximumf %max3A_1380, %get3A_1385 : vector<16xf32>
      %get3A_1387 = arith.constant 12 : i32
      %get3A_1388 = arith.index_cast %get3A_1387 : i32 to index
      %get3A_1389 = arith.constant 64 : index
      %get3A_1390 = tpu.vector_load %arg7[%get3A_1388, %get3A_1389] {strides = array<i32>} : memref<16x128xf32, #tpu.memory_space<vmem>>, vector<1x16xf32>,
      %get3A_1391 = vector.shape_cast %get3A_1390 : vector<1x16xf32> to vector<16xf32>
      %max3A_1392 = arith.maximumf %max3A_1386, %get3A_1391 : vector<16xf32>
      %get3A_1393 = arith.constant 13 : i32
      %get3A_1394 = arith.index_cast %get3A_1393 : i32 to index
      %get3A_1395 = arith.constant 64 : index
      %get3A_1396 = tpu.vector_load %arg7[%get3A_1394, %get3A_1395] {strides = array<i32>} : memref<16x128xf32, #tpu.memory_space<vmem>>, vector<1x16xf32>,
      %get3A_1397 = vector.shape_cast %get3A_1396 : vector<1x16xf32> to vector<16xf32>
      %max3A_1398 = arith.maximumf %max3A_1392, %get3A_1397 : vector<16xf32>
      %get3A_1399 = arith.constant 14 : i32
      %get3A_1400 = arith.index_cast %get3A_1399 : i32 to index
      %get3A_1401 = arith.constant 64 : index
      %get3A_1402 = tpu.vector_load %arg7[%get3A_1400, %get3A_1401] {strides = array<i32>} : memref<16x128xf32, #tpu.memory_space<vmem>>, vector<1x16xf32>,
      %get3A_1403 = vector.shape_cast %get3A_1402 : vector<1x16xf32> to vector<16xf32>
      %max3A_1404 = arith.maximumf %max3A_1398, %get3A_1403 : vector<16xf32>
      %get3A_1405 = arith.constant 15 : i32
      %get3A_1406 = arith.index_cast %get3A_1405 : i32 to index
      %get3A_1407 = arith.constant 64 : index
      %get3A_1408 = tpu.vector_load %arg7[%get3A_1406, %get3A_1407] {strides = array<i32>} : memref<16x128xf32, #tpu.memory_space<vmem>>, vector<1x16xf32>,
      %get3A_1409 = vector.shape_cast %get3A_1408 : vector<1x16xf32> to vector<16xf32>
      %max3A_1410 = arith.maximumf %max3A_1404, %get3A_1409 : vector<16xf32>
      %max3A_1411 = arith.constant 0.000000e+00 : f32
      %max3A_1412 = vector.broadcast %max3A_1411 : f32 to vector<16xf32>
      %max3A_1413 = arith.maximumf %max3A_1410, %max3A_1412 : vector<16xf32>
      %swap3A_1414 = arith.index_cast %add3A_897 : i32 to index
      %swap3A_1415 = arith.constant 64 : index
      %swap3A_1416 = tpu.vector_load %arg14[%swap3A_1414, %swap3A_1415] {strides = array<i32>} : memref<256x128xf32, #tpu.memory_space<vmem>>, vector<1x16xf32>,
      %swap3A_1417 = vector.shape_cast %swap3A_1416 : vector<1x16xf32> to vector<16xf32>
      %swap3A_1418 = vector.shape_cast %max3A_1413 : vector<16xf32> to vector<1x16xf32>
      tpu.vector_store %arg14[%swap3A_1414, %swap3A_1415], %swap3A_1418 {strides = array<i32>} : memref<256x128xf32, #tpu.memory_space<vmem>>, vector<1x16xf32>,
      %get3A_1419 = arith.constant 0 : i32
      %get3A_1420 = arith.index_cast %get3A_1419 : i32 to index
      %get3A_1421 = arith.constant 80 : index
      %get3A_1422 = tpu.vector_load %arg7[%get3A_1420, %get3A_1421] {strides = array<i32>} : memref<16x128xf32, #tpu.memory_space<vmem>>, vector<1x16xf32>,
      %get3A_1423 = vector.shape_cast %get3A_1422 : vector<1x16xf32> to vector<16xf32>
      %get3A_1424 = arith.constant 1 : i32
      %get3A_1425 = arith.index_cast %get3A_1424 : i32 to index
      %get3A_1426 = arith.constant 80 : index
      %get3A_1427 = tpu.vector_load %arg7[%get3A_1425, %get3A_1426] {strides = array<i32>} : memref<16x128xf32, #tpu.memory_space<vmem>>, vector<1x16xf32>,
      %get3A_1428 = vector.shape_cast %get3A_1427 : vector<1x16xf32> to vector<16xf32>
      %max3A_1429 = arith.maximumf %get3A_1423, %get3A_1428 : vector<16xf32>
      %get3A_1430 = arith.constant 2 : i32
      %get3A_1431 = arith.index_cast %get3A_1430 : i32 to index
      %get3A_1432 = arith.constant 80 : index
      %get3A_1433 = tpu.vector_load %arg7[%get3A_1431, %get3A_1432] {strides = array<i32>} : memref<16x128xf32, #tpu.memory_space<vmem>>, vector<1x16xf32>,
      %get3A_1434 = vector.shape_cast %get3A_1433 : vector<1x16xf32> to vector<16xf32>
      %max3A_1435 = arith.maximumf %max3A_1429, %get3A_1434 : vector<16xf32>
      %get3A_1436 = arith.constant 3 : i32
      %get3A_1437 = arith.index_cast %get3A_1436 : i32 to index
      %get3A_1438 = arith.constant 80 : index
      %get3A_1439 = tpu.vector_load %arg7[%get3A_1437, %get3A_1438] {strides = array<i32>} : memref<16x128xf32, #tpu.memory_space<vmem>>, vector<1x16xf32>,
      %get3A_1440 = vector.shape_cast %get3A_1439 : vector<1x16xf32> to vector<16xf32>
      %max3A_1441 = arith.maximumf %max3A_1435, %get3A_1440 : vector<16xf32>
      %get3A_1442 = arith.constant 4 : i32
      %get3A_1443 = arith.index_cast %get3A_1442 : i32 to index
      %get3A_1444 = arith.constant 80 : index
      %get3A_1445 = tpu.vector_load %arg7[%get3A_1443, %get3A_1444] {strides = array<i32>} : memref<16x128xf32, #tpu.memory_space<vmem>>, vector<1x16xf32>,
      %get3A_1446 = vector.shape_cast %get3A_1445 : vector<1x16xf32> to vector<16xf32>
      %max3A_1447 = arith.maximumf %max3A_1441, %get3A_1446 : vector<16xf32>
      %get3A_1448 = arith.constant 5 : i32
      %get3A_1449 = arith.index_cast %get3A_1448 : i32 to index
      %get3A_1450 = arith.constant 80 : index
      %get3A_1451 = tpu.vector_load %arg7[%get3A_1449, %get3A_1450] {strides = array<i32>} : memref<16x128xf32, #tpu.memory_space<vmem>>, vector<1x16xf32>,
      %get3A_1452 = vector.shape_cast %get3A_1451 : vector<1x16xf32> to vector<16xf32>
      %max3A_1453 = arith.maximumf %max3A_1447, %get3A_1452 : vector<16xf32>
      %get3A_1454 = arith.constant 6 : i32
      %get3A_1455 = arith.index_cast %get3A_1454 : i32 to index
      %get3A_1456 = arith.constant 80 : index
      %get3A_1457 = tpu.vector_load %arg7[%get3A_1455, %get3A_1456] {strides = array<i32>} : memref<16x128xf32, #tpu.memory_space<vmem>>, vector<1x16xf32>,
      %get3A_1458 = vector.shape_cast %get3A_1457 : vector<1x16xf32> to vector<16xf32>
      %max3A_1459 = arith.maximumf %max3A_1453, %get3A_1458 : vector<16xf32>
      %get3A_1460 = arith.constant 7 : i32
      %get3A_1461 = arith.index_cast %get3A_1460 : i32 to index
      %get3A_1462 = arith.constant 80 : index
      %get3A_1463 = tpu.vector_load %arg7[%get3A_1461, %get3A_1462] {strides = array<i32>} : memref<16x128xf32, #tpu.memory_space<vmem>>, vector<1x16xf32>,
      %get3A_1464 = vector.shape_cast %get3A_1463 : vector<1x16xf32> to vector<16xf32>
      %max3A_1465 = arith.maximumf %max3A_1459, %get3A_1464 : vector<16xf32>
      %get3A_1466 = arith.constant 8 : i32
      %get3A_1467 = arith.index_cast %get3A_1466 : i32 to index
      %get3A_1468 = arith.constant 80 : index
      %get3A_1469 = tpu.vector_load %arg7[%get3A_1467, %get3A_1468] {strides = array<i32>} : memref<16x128xf32, #tpu.memory_space<vmem>>, vector<1x16xf32>,
      %get3A_1470 = vector.shape_cast %get3A_1469 : vector<1x16xf32> to vector<16xf32>
      %max3A_1471 = arith.maximumf %max3A_1465, %get3A_1470 : vector<16xf32>
      %get3A_1472 = arith.constant 9 : i32
      %get3A_1473 = arith.index_cast %get3A_1472 : i32 to index
      %get3A_1474 = arith.constant 80 : index
      %get3A_1475 = tpu.vector_load %arg7[%get3A_1473, %get3A_1474] {strides = array<i32>} : memref<16x128xf32, #tpu.memory_space<vmem>>, vector<1x16xf32>,
      %get3A_1476 = vector.shape_cast %get3A_1475 : vector<1x16xf32> to vector<16xf32>
      %max3A_1477 = arith.maximumf %max3A_1471, %get3A_1476 : vector<16xf32>
      %get3A_1478 = arith.constant 10 : i32
      %get3A_1479 = arith.index_cast %get3A_1478 : i32 to index
      %get3A_1480 = arith.constant 80 : index
      %get3A_1481 = tpu.vector_load %arg7[%get3A_1479, %get3A_1480] {strides = array<i32>} : memref<16x128xf32, #tpu.memory_space<vmem>>, vector<1x16xf32>,
      %get3A_1482 = vector.shape_cast %get3A_1481 : vector<1x16xf32> to vector<16xf32>
      %max3A_1483 = arith.maximumf %max3A_1477, %get3A_1482 : vector<16xf32>
      %get3A_1484 = arith.constant 11 : i32
      %get3A_1485 = arith.index_cast %get3A_1484 : i32 to index
      %get3A_1486 = arith.constant 80 : index
      %get3A_1487 = tpu.vector_load %arg7[%get3A_1485, %get3A_1486] {strides = array<i32>} : memref<16x128xf32, #tpu.memory_space<vmem>>, vector<1x16xf32>,
      %get3A_1488 = vector.shape_cast %get3A_1487 : vector<1x16xf32> to vector<16xf32>
      %max3A_1489 = arith.maximumf %max3A_1483, %get3A_1488 : vector<16xf32>
      %get3A_1490 = arith.constant 12 : i32
      %get3A_1491 = arith.index_cast %get3A_1490 : i32 to index
      %get3A_1492 = arith.constant 80 : index
      %get3A_1493 = tpu.vector_load %arg7[%get3A_1491, %get3A_1492] {strides = array<i32>} : memref<16x128xf32, #tpu.memory_space<vmem>>, vector<1x16xf32>,
      %get3A_1494 = vector.shape_cast %get3A_1493 : vector<1x16xf32> to vector<16xf32>
      %max3A_1495 = arith.maximumf %max3A_1489, %get3A_1494 : vector<16xf32>
      %get3A_1496 = arith.constant 13 : i32
      %get3A_1497 = arith.index_cast %get3A_1496 : i32 to index
      %get3A_1498 = arith.constant 80 : index
      %get3A_1499 = tpu.vector_load %arg7[%get3A_1497, %get3A_1498] {strides = array<i32>} : memref<16x128xf32, #tpu.memory_space<vmem>>, vector<1x16xf32>,
      %get3A_1500 = vector.shape_cast %get3A_1499 : vector<1x16xf32> to vector<16xf32>
      %max3A_1501 = arith.maximumf %max3A_1495, %get3A_1500 : vector<16xf32>
      %get3A_1502 = arith.constant 14 : i32
      %get3A_1503 = arith.index_cast %get3A_1502 : i32 to index
      %get3A_1504 = arith.constant 80 : index
      %get3A_1505 = tpu.vector_load %arg7[%get3A_1503, %get3A_1504] {strides = array<i32>} : memref<16x128xf32, #tpu.memory_space<vmem>>, vector<1x16xf32>,
      %get3A_1506 = vector.shape_cast %get3A_1505 : vector<1x16xf32> to vector<16xf32>
      %max3A_1507 = arith.maximumf %max3A_1501, %get3A_1506 : vector<16xf32>
      %get3A_1508 = arith.constant 15 : i32
      %get3A_1509 = arith.index_cast %get3A_1508 : i32 to index
      %get3A_1510 = arith.constant 80 : index
      %get3A_1511 = tpu.vector_load %arg7[%get3A_1509, %get3A_1510] {strides = array<i32>} : memref<16x128xf32, #tpu.memory_space<vmem>>, vector<1x16xf32>,
      %get3A_1512 = vector.shape_cast %get3A_1511 : vector<1x16xf32> to vector<16xf32>
      %max3A_1513 = arith.maximumf %max3A_1507, %get3A_1512 : vector<16xf32>
      %max3A_1514 = arith.constant 0.000000e+00 : f32
      %max3A_1515 = vector.broadcast %max3A_1514 : f32 to vector<16xf32>
      %max3A_1516 = arith.maximumf %max3A_1513, %max3A_1515 : vector<16xf32>
      %swap3A_1517 = arith.index_cast %add3A_897 : i32 to index
      %swap3A_1518 = arith.constant 80 : index
      %swap3A_1519 = tpu.vector_load %arg14[%swap3A_1517, %swap3A_1518] {strides = array<i32>} : memref<256x128xf32, #tpu.memory_space<vmem>>, vector<1x16xf32>,
      %swap3A_1520 = vector.shape_cast %swap3A_1519 : vector<1x16xf32> to vector<16xf32>
      %swap3A_1521 = vector.shape_cast %max3A_1516 : vector<16xf32> to vector<1x16xf32>
      tpu.vector_store %arg14[%swap3A_1517, %swap3A_1518], %swap3A_1521 {strides = array<i32>} : memref<256x128xf32, #tpu.memory_space<vmem>>, vector<1x16xf32>,
      %get3A_1522 = arith.constant 0 : i32
      %get3A_1523 = arith.index_cast %get3A_1522 : i32 to index
      %get3A_1524 = arith.constant 96 : index
      %get3A_1525 = tpu.vector_load %arg7[%get3A_1523, %get3A_1524] {strides = array<i32>} : memref<16x128xf32, #tpu.memory_space<vmem>>, vector<1x16xf32>,
      %get3A_1526 = vector.shape_cast %get3A_1525 : vector<1x16xf32> to vector<16xf32>
      %get3A_1527 = arith.constant 1 : i32
      %get3A_1528 = arith.index_cast %get3A_1527 : i32 to index
      %get3A_1529 = arith.constant 96 : index
      %get3A_1530 = tpu.vector_load %arg7[%get3A_1528, %get3A_1529] {strides = array<i32>} : memref<16x128xf32, #tpu.memory_space<vmem>>, vector<1x16xf32>,
      %get3A_1531 = vector.shape_cast %get3A_1530 : vector<1x16xf32> to vector<16xf32>
      %max3A_1532 = arith.maximumf %get3A_1526, %get3A_1531 : vector<16xf32>
      %get3A_1533 = arith.constant 2 : i32
      %get3A_1534 = arith.index_cast %get3A_1533 : i32 to index
      %get3A_1535 = arith.constant 96 : index
      %get3A_1536 = tpu.vector_load %arg7[%get3A_1534, %get3A_1535] {strides = array<i32>} : memref<16x128xf32, #tpu.memory_space<vmem>>, vector<1x16xf32>,
      %get3A_1537 = vector.shape_cast %get3A_1536 : vector<1x16xf32> to vector<16xf32>
      %max3A_1538 = arith.maximumf %max3A_1532, %get3A_1537 : vector<16xf32>
      %get3A_1539 = arith.constant 3 : i32
      %get3A_1540 = arith.index_cast %get3A_1539 : i32 to index
      %get3A_1541 = arith.constant 96 : index
      %get3A_1542 = tpu.vector_load %arg7[%get3A_1540, %get3A_1541] {strides = array<i32>} : memref<16x128xf32, #tpu.memory_space<vmem>>, vector<1x16xf32>,
      %get3A_1543 = vector.shape_cast %get3A_1542 : vector<1x16xf32> to vector<16xf32>
      %max3A_1544 = arith.maximumf %max3A_1538, %get3A_1543 : vector<16xf32>
      %get3A_1545 = arith.constant 4 : i32
      %get3A_1546 = arith.index_cast %get3A_1545 : i32 to index
      %get3A_1547 = arith.constant 96 : index
      %get3A_1548 = tpu.vector_load %arg7[%get3A_1546, %get3A_1547] {strides = array<i32>} : memref<16x128xf32, #tpu.memory_space<vmem>>, vector<1x16xf32>,
      %get3A_1549 = vector.shape_cast %get3A_1548 : vector<1x16xf32> to vector<16xf32>
      %max3A_1550 = arith.maximumf %max3A_1544, %get3A_1549 : vector<16xf32>
      %get3A_1551 = arith.constant 5 : i32
      %get3A_1552 = arith.index_cast %get3A_1551 : i32 to index
      %get3A_1553 = arith.constant 96 : index
      %get3A_1554 = tpu.vector_load %arg7[%get3A_1552, %get3A_1553] {strides = array<i32>} : memref<16x128xf32, #tpu.memory_space<vmem>>, vector<1x16xf32>,
      %get3A_1555 = vector.shape_cast %get3A_1554 : vector<1x16xf32> to vector<16xf32>
      %max3A_1556 = arith.maximumf %max3A_1550, %get3A_1555 : vector<16xf32>
      %get3A_1557 = arith.constant 6 : i32
      %get3A_1558 = arith.index_cast %get3A_1557 : i32 to index
      %get3A_1559 = arith.constant 96 : index
      %get3A_1560 = tpu.vector_load %arg7[%get3A_1558, %get3A_1559] {strides = array<i32>} : memref<16x128xf32, #tpu.memory_space<vmem>>, vector<1x16xf32>,
      %get3A_1561 = vector.shape_cast %get3A_1560 : vector<1x16xf32> to vector<16xf32>
      %max3A_1562 = arith.maximumf %max3A_1556, %get3A_1561 : vector<16xf32>
      %get3A_1563 = arith.constant 7 : i32
      %get3A_1564 = arith.index_cast %get3A_1563 : i32 to index
      %get3A_1565 = arith.constant 96 : index
      %get3A_1566 = tpu.vector_load %arg7[%get3A_1564, %get3A_1565] {strides = array<i32>} : memref<16x128xf32, #tpu.memory_space<vmem>>, vector<1x16xf32>,
      %get3A_1567 = vector.shape_cast %get3A_1566 : vector<1x16xf32> to vector<16xf32>
      %max3A_1568 = arith.maximumf %max3A_1562, %get3A_1567 : vector<16xf32>
      %get3A_1569 = arith.constant 8 : i32
      %get3A_1570 = arith.index_cast %get3A_1569 : i32 to index
      %get3A_1571 = arith.constant 96 : index
      %get3A_1572 = tpu.vector_load %arg7[%get3A_1570, %get3A_1571] {strides = array<i32>} : memref<16x128xf32, #tpu.memory_space<vmem>>, vector<1x16xf32>,
      %get3A_1573 = vector.shape_cast %get3A_1572 : vector<1x16xf32> to vector<16xf32>
      %max3A_1574 = arith.maximumf %max3A_1568, %get3A_1573 : vector<16xf32>
      %get3A_1575 = arith.constant 9 : i32
      %get3A_1576 = arith.index_cast %get3A_1575 : i32 to index
      %get3A_1577 = arith.constant 96 : index
      %get3A_1578 = tpu.vector_load %arg7[%get3A_1576, %get3A_1577] {strides = array<i32>} : memref<16x128xf32, #tpu.memory_space<vmem>>, vector<1x16xf32>,
      %get3A_1579 = vector.shape_cast %get3A_1578 : vector<1x16xf32> to vector<16xf32>
      %max3A_1580 = arith.maximumf %max3A_1574, %get3A_1579 : vector<16xf32>
      %get3A_1581 = arith.constant 10 : i32
      %get3A_1582 = arith.index_cast %get3A_1581 : i32 to index
      %get3A_1583 = arith.constant 96 : index
      %get3A_1584 = tpu.vector_load %arg7[%get3A_1582, %get3A_1583] {strides = array<i32>} : memref<16x128xf32, #tpu.memory_space<vmem>>, vector<1x16xf32>,
      %get3A_1585 = vector.shape_cast %get3A_1584 : vector<1x16xf32> to vector<16xf32>
      %max3A_1586 = arith.maximumf %max3A_1580, %get3A_1585 : vector<16xf32>
      %get3A_1587 = arith.constant 11 : i32
      %get3A_1588 = arith.index_cast %get3A_1587 : i32 to index
      %get3A_1589 = arith.constant 96 : index
      %get3A_1590 = tpu.vector_load %arg7[%get3A_1588, %get3A_1589] {strides = array<i32>} : memref<16x128xf32, #tpu.memory_space<vmem>>, vector<1x16xf32>,
      %get3A_1591 = vector.shape_cast %get3A_1590 : vector<1x16xf32> to vector<16xf32>
      %max3A_1592 = arith.maximumf %max3A_1586, %get3A_1591 : vector<16xf32>
      %get3A_1593 = arith.constant 12 : i32
      %get3A_1594 = arith.index_cast %get3A_1593 : i32 to index
      %get3A_1595 = arith.constant 96 : index
      %get3A_1596 = tpu.vector_load %arg7[%get3A_1594, %get3A_1595] {strides = array<i32>} : memref<16x128xf32, #tpu.memory_space<vmem>>, vector<1x16xf32>,
      %get3A_1597 = vector.shape_cast %get3A_1596 : vector<1x16xf32> to vector<16xf32>
      %max3A_1598 = arith.maximumf %max3A_1592, %get3A_1597 : vector<16xf32>
      %get3A_1599 = arith.constant 13 : i32
      %get3A_1600 = arith.index_cast %get3A_1599 : i32 to index
      %get3A_1601 = arith.constant 96 : index
      %get3A_1602 = tpu.vector_load %arg7[%get3A_1600, %get3A_1601] {strides = array<i32>} : memref<16x128xf32, #tpu.memory_space<vmem>>, vector<1x16xf32>,
      %get3A_1603 = vector.shape_cast %get3A_1602 : vector<1x16xf32> to vector<16xf32>
      %max3A_1604 = arith.maximumf %max3A_1598, %get3A_1603 : vector<16xf32>
      %get3A_1605 = arith.constant 14 : i32
      %get3A_1606 = arith.index_cast %get3A_1605 : i32 to index
      %get3A_1607 = arith.constant 96 : index
      %get3A_1608 = tpu.vector_load %arg7[%get3A_1606, %get3A_1607] {strides = array<i32>} : memref<16x128xf32, #tpu.memory_space<vmem>>, vector<1x16xf32>,
      %get3A_1609 = vector.shape_cast %get3A_1608 : vector<1x16xf32> to vector<16xf32>
      %max3A_1610 = arith.maximumf %max3A_1604, %get3A_1609 : vector<16xf32>
      %get3A_1611 = arith.constant 15 : i32
      %get3A_1612 = arith.index_cast %get3A_1611 : i32 to index
      %get3A_1613 = arith.constant 96 : index
      %get3A_1614 = tpu.vector_load %arg7[%get3A_1612, %get3A_1613] {strides = array<i32>} : memref<16x128xf32, #tpu.memory_space<vmem>>, vector<1x16xf32>,
      %get3A_1615 = vector.shape_cast %get3A_1614 : vector<1x16xf32> to vector<16xf32>
      %max3A_1616 = arith.maximumf %max3A_1610, %get3A_1615 : vector<16xf32>
      %max3A_1617 = arith.constant 0.000000e+00 : f32
      %max3A_1618 = vector.broadcast %max3A_1617 : f32 to vector<16xf32>
      %max3A_1619 = arith.maximumf %max3A_1616, %max3A_1618 : vector<16xf32>
      %swap3A_1620 = arith.index_cast %add3A_897 : i32 to index
      %swap3A_1621 = arith.constant 96 : index
      %swap3A_1622 = tpu.vector_load %arg14[%swap3A_1620, %swap3A_1621] {strides = array<i32>} : memref<256x128xf32, #tpu.memory_space<vmem>>, vector<1x16xf32>,
      %swap3A_1623 = vector.shape_cast %swap3A_1622 : vector<1x16xf32> to vector<16xf32>
      %swap3A_1624 = vector.shape_cast %max3A_1619 : vector<16xf32> to vector<1x16xf32>
      tpu.vector_store %arg14[%swap3A_1620, %swap3A_1621], %swap3A_1624 {strides = array<i32>} : memref<256x128xf32, #tpu.memory_space<vmem>>, vector<1x16xf32>,
      %get3A_1625 = arith.constant 0 : i32
      %get3A_1626 = arith.index_cast %get3A_1625 : i32 to index
      %get3A_1627 = arith.constant 112 : index
      %get3A_1628 = tpu.vector_load %arg7[%get3A_1626, %get3A_1627] {strides = array<i32>} : memref<16x128xf32, #tpu.memory_space<vmem>>, vector<1x16xf32>,
      %get3A_1629 = vector.shape_cast %get3A_1628 : vector<1x16xf32> to vector<16xf32>
      %get3A_1630 = arith.constant 1 : i32
      %get3A_1631 = arith.index_cast %get3A_1630 : i32 to index
      %get3A_1632 = arith.constant 112 : index
      %get3A_1633 = tpu.vector_load %arg7[%get3A_1631, %get3A_1632] {strides = array<i32>} : memref<16x128xf32, #tpu.memory_space<vmem>>, vector<1x16xf32>,
      %get3A_1634 = vector.shape_cast %get3A_1633 : vector<1x16xf32> to vector<16xf32>
      %max3A_1635 = arith.maximumf %get3A_1629, %get3A_1634 : vector<16xf32>
      %get3A_1636 = arith.constant 2 : i32
      %get3A_1637 = arith.index_cast %get3A_1636 : i32 to index
      %get3A_1638 = arith.constant 112 : index
      %get3A_1639 = tpu.vector_load %arg7[%get3A_1637, %get3A_1638] {strides = array<i32>} : memref<16x128xf32, #tpu.memory_space<vmem>>, vector<1x16xf32>,
      %get3A_1640 = vector.shape_cast %get3A_1639 : vector<1x16xf32> to vector<16xf32>
      %max3A_1641 = arith.maximumf %max3A_1635, %get3A_1640 : vector<16xf32>
      %get3A_1642 = arith.constant 3 : i32
      %get3A_1643 = arith.index_cast %get3A_1642 : i32 to index
      %get3A_1644 = arith.constant 112 : index
      %get3A_1645 = tpu.vector_load %arg7[%get3A_1643, %get3A_1644] {strides = array<i32>} : memref<16x128xf32, #tpu.memory_space<vmem>>, vector<1x16xf32>,
      %get3A_1646 = vector.shape_cast %get3A_1645 : vector<1x16xf32> to vector<16xf32>
      %max3A_1647 = arith.maximumf %max3A_1641, %get3A_1646 : vector<16xf32>
      %get3A_1648 = arith.constant 4 : i32
      %get3A_1649 = arith.index_cast %get3A_1648 : i32 to index
      %get3A_1650 = arith.constant 112 : index
      %get3A_1651 = tpu.vector_load %arg7[%get3A_1649, %get3A_1650] {strides = array<i32>} : memref<16x128xf32, #tpu.memory_space<vmem>>, vector<1x16xf32>,
      %get3A_1652 = vector.shape_cast %get3A_1651 : vector<1x16xf32> to vector<16xf32>
      %max3A_1653 = arith.maximumf %max3A_1647, %get3A_1652 : vector<16xf32>
      %get3A_1654 = arith.constant 5 : i32
      %get3A_1655 = arith.index_cast %get3A_1654 : i32 to index
      %get3A_1656 = arith.constant 112 : index
      %get3A_1657 = tpu.vector_load %arg7[%get3A_1655, %get3A_1656] {strides = array<i32>} : memref<16x128xf32, #tpu.memory_space<vmem>>, vector<1x16xf32>,
      %get3A_1658 = vector.shape_cast %get3A_1657 : vector<1x16xf32> to vector<16xf32>
      %max3A_1659 = arith.maximumf %max3A_1653, %get3A_1658 : vector<16xf32>
      %get3A_1660 = arith.constant 6 : i32
      %get3A_1661 = arith.index_cast %get3A_1660 : i32 to index
      %get3A_1662 = arith.constant 112 : index
      %get3A_1663 = tpu.vector_load %arg7[%get3A_1661, %get3A_1662] {strides = array<i32>} : memref<16x128xf32, #tpu.memory_space<vmem>>, vector<1x16xf32>,
      %get3A_1664 = vector.shape_cast %get3A_1663 : vector<1x16xf32> to vector<16xf32>
      %max3A_1665 = arith.maximumf %max3A_1659, %get3A_1664 : vector<16xf32>
      %get3A_1666 = arith.constant 7 : i32
      %get3A_1667 = arith.index_cast %get3A_1666 : i32 to index
      %get3A_1668 = arith.constant 112 : index
      %get3A_1669 = tpu.vector_load %arg7[%get3A_1667, %get3A_1668] {strides = array<i32>} : memref<16x128xf32, #tpu.memory_space<vmem>>, vector<1x16xf32>,
      %get3A_1670 = vector.shape_cast %get3A_1669 : vector<1x16xf32> to vector<16xf32>
      %max3A_1671 = arith.maximumf %max3A_1665, %get3A_1670 : vector<16xf32>
      %get3A_1672 = arith.constant 8 : i32
      %get3A_1673 = arith.index_cast %get3A_1672 : i32 to index
      %get3A_1674 = arith.constant 112 : index
      %get3A_1675 = tpu.vector_load %arg7[%get3A_1673, %get3A_1674] {strides = array<i32>} : memref<16x128xf32, #tpu.memory_space<vmem>>, vector<1x16xf32>,
      %get3A_1676 = vector.shape_cast %get3A_1675 : vector<1x16xf32> to vector<16xf32>
      %max3A_1677 = arith.maximumf %max3A_1671, %get3A_1676 : vector<16xf32>
      %get3A_1678 = arith.constant 9 : i32
      %get3A_1679 = arith.index_cast %get3A_1678 : i32 to index
      %get3A_1680 = arith.constant 112 : index
      %get3A_1681 = tpu.vector_load %arg7[%get3A_1679, %get3A_1680] {strides = array<i32>} : memref<16x128xf32, #tpu.memory_space<vmem>>, vector<1x16xf32>,
      %get3A_1682 = vector.shape_cast %get3A_1681 : vector<1x16xf32> to vector<16xf32>
      %max3A_1683 = arith.maximumf %max3A_1677, %get3A_1682 : vector<16xf32>
      %get3A_1684 = arith.constant 10 : i32
      %get3A_1685 = arith.index_cast %get3A_1684 : i32 to index
      %get3A_1686 = arith.constant 112 : index
      %get3A_1687 = tpu.vector_load %arg7[%get3A_1685, %get3A_1686] {strides = array<i32>} : memref<16x128xf32, #tpu.memory_space<vmem>>, vector<1x16xf32>,
      %get3A_1688 = vector.shape_cast %get3A_1687 : vector<1x16xf32> to vector<16xf32>
      %max3A_1689 = arith.maximumf %max3A_1683, %get3A_1688 : vector<16xf32>
      %get3A_1690 = arith.constant 11 : i32
      %get3A_1691 = arith.index_cast %get3A_1690 : i32 to index
      %get3A_1692 = arith.constant 112 : index
      %get3A_1693 = tpu.vector_load %arg7[%get3A_1691, %get3A_1692] {strides = array<i32>} : memref<16x128xf32, #tpu.memory_space<vmem>>, vector<1x16xf32>,
      %get3A_1694 = vector.shape_cast %get3A_1693 : vector<1x16xf32> to vector<16xf32>
      %max3A_1695 = arith.maximumf %max3A_1689, %get3A_1694 : vector<16xf32>
      %get3A_1696 = arith.constant 12 : i32
      %get3A_1697 = arith.index_cast %get3A_1696 : i32 to index
      %get3A_1698 = arith.constant 112 : index
      %get3A_1699 = tpu.vector_load %arg7[%get3A_1697, %get3A_1698] {strides = array<i32>} : memref<16x128xf32, #tpu.memory_space<vmem>>, vector<1x16xf32>,
      %get3A_1700 = vector.shape_cast %get3A_1699 : vector<1x16xf32> to vector<16xf32>
      %max3A_1701 = arith.maximumf %max3A_1695, %get3A_1700 : vector<16xf32>
      %get3A_1702 = arith.constant 13 : i32
      %get3A_1703 = arith.index_cast %get3A_1702 : i32 to index
      %get3A_1704 = arith.constant 112 : index
      %get3A_1705 = tpu.vector_load %arg7[%get3A_1703, %get3A_1704] {strides = array<i32>} : memref<16x128xf32, #tpu.memory_space<vmem>>, vector<1x16xf32>,
      %get3A_1706 = vector.shape_cast %get3A_1705 : vector<1x16xf32> to vector<16xf32>
      %max3A_1707 = arith.maximumf %max3A_1701, %get3A_1706 : vector<16xf32>
      %get3A_1708 = arith.constant 14 : i32
      %get3A_1709 = arith.index_cast %get3A_1708 : i32 to index
      %get3A_1710 = arith.constant 112 : index
      %get3A_1711 = tpu.vector_load %arg7[%get3A_1709, %get3A_1710] {strides = array<i32>} : memref<16x128xf32, #tpu.memory_space<vmem>>, vector<1x16xf32>,
      %get3A_1712 = vector.shape_cast %get3A_1711 : vector<1x16xf32> to vector<16xf32>
      %max3A_1713 = arith.maximumf %max3A_1707, %get3A_1712 : vector<16xf32>
      %get3A_1714 = arith.constant 15 : i32
      %get3A_1715 = arith.index_cast %get3A_1714 : i32 to index
      %get3A_1716 = arith.constant 112 : index
      %get3A_1717 = tpu.vector_load %arg7[%get3A_1715, %get3A_1716] {strides = array<i32>} : memref<16x128xf32, #tpu.memory_space<vmem>>, vector<1x16xf32>,
      %get3A_1718 = vector.shape_cast %get3A_1717 : vector<1x16xf32> to vector<16xf32>
      %max3A_1719 = arith.maximumf %max3A_1713, %get3A_1718 : vector<16xf32>
      %max3A_1720 = arith.constant 0.000000e+00 : f32
      %max3A_1721 = vector.broadcast %max3A_1720 : f32 to vector<16xf32>
      %max3A_1722 = arith.maximumf %max3A_1719, %max3A_1721 : vector<16xf32>
      %swap3A_1723 = arith.index_cast %add3A_897 : i32 to index
      %swap3A_1724 = arith.constant 112 : index
      %swap3A_1725 = tpu.vector_load %arg14[%swap3A_1723, %swap3A_1724] {strides = array<i32>} : memref<256x128xf32, #tpu.memory_space<vmem>>, vector<1x16xf32>,
      %swap3A_1726 = vector.shape_cast %swap3A_1725 : vector<1x16xf32> to vector<16xf32>
      %swap3A_1727 = vector.shape_cast %max3A_1722 : vector<16xf32> to vector<1x16xf32>
      tpu.vector_store %arg14[%swap3A_1723, %swap3A_1724], %swap3A_1727 {strides = array<i32>} : memref<256x128xf32, #tpu.memory_space<vmem>>, vector<1x16xf32>,
      %add3A_1728 = arith.constant 4 : i32
      %add3A_1729 = arith.addi %add3A_897, %add3A_1728 : i32
      %lt3A_1730 = arith.constant 256 : i32
      %lt3A_1731 = arith.cmpi slt, %add3A_1729, %lt3A_1730 : i32
      %convert_element_type3A_1732 = arith.extui %lt3A_1731 : i1 to i32
      %cond3A_1733 = arith.constant 0 : i32
      %cond3A_1734 = arith.cmpi ne, %convert_element_type3A_1732, %cond3A_1733 : i32
      scf.if %cond3A_1734 {
        %add3A_3417 = arith.constant 4 : i32
        %add3A_3418 = arith.addi %add3A_897, %add3A_3417 : i32
        %mul3A_3419 = arith.constant 16 : i32
        %mul3A_3420 = arith.muli %add3A_3418, %mul3A_3419 : i32
        %get3A_3421 = arith.index_cast %mul3A_3420 : i32 to index
        %get3A_3422 = tpu.vector_load %arg5[%get3A_3421] {strides = array<i32>} : memref<4096xi32, #tpu.memory_space<vmem>>, vector<16xi32>,
        %get3A_3423 = vector.shape_cast %get3A_3422 : vector<16xi32> to vector<16xi32>
        %add3A_3424 = vector.broadcast %mul3A_20 : i32 to vector<16xi32>
        %add3A_3425 = arith.addi %get3A_3423, %add3A_3424 : vector<16xi32>
        %dma_start3A_3426 = arith.constant 0 : i32
        %dma_start3A_3427 = arith.constant 0 : i32
        %dma_start3A_3428 = tpu.memref_slice %arg2[%dma_start3A_3426, %dma_start3A_3427] : memref<32768x128xf32, #tpu.memory_space<hbm>> -> memref<32768x128xf32, #tpu.memory_space<hbm>>
        tpu.enqueue_indirect_dma source(%dma_start3A_3428 : memref<32768x128xf32, #tpu.memory_space<hbm>>) target(%arg7 : memref<16x128xf32, #tpu.memory_space<vmem>>) offsets(%add3A_3425 : vector<16xi32>) semaphore(%arg11 : memref<!tpu.dma_semaphore, #tpu.memory_space<semaphore_mem>>)
      } else {
      }
      %mul3A_1735 = arith.constant 4 : i32
      %mul3A_1736 = arith.muli %scan3A_58, %mul3A_1735 : i32
      %add3A_1737 = arith.constant 2 : i32
      %add3A_1738 = arith.addi %mul3A_1736, %add3A_1737 : i32
      %dma_wait3A_1739 = arith.constant 0 : i32
      %dma_wait3A_1740 = arith.constant 0 : i32
      %dma_wait3A_1741 = tpu.memref_slice %arg2[%dma_wait3A_1739, %dma_wait3A_1740] : memref<32768x128xf32, #tpu.memory_space<hbm>> -> memref<16x128xf32, #tpu.memory_space<hbm>>
      %dma_wait3A_1742 = arith.constant 0 : i32
      %dma_wait3A_1743 = arith.constant 0 : i32
      %dma_wait3A_1744 = tpu.memref_slice %arg2[%dma_wait3A_1742, %dma_wait3A_1743] : memref<32768x128xf32, #tpu.memory_space<hbm>> -> memref<16x128xf32, #tpu.memory_space<hbm>>
      tpu.wait_dma2 semaphore(%arg12 : memref<!tpu.dma_semaphore, #tpu.memory_space<semaphore_mem>>) src(%dma_wait3A_1744 : memref<16x128xf32, #tpu.memory_space<hbm>>) dst(%arg8 : memref<16x128xf32, #tpu.memory_space<vmem>>)
      %get3A_1745 = arith.constant 0 : i32
      %get3A_1746 = arith.index_cast %get3A_1745 : i32 to index
      %get3A_1747 = arith.constant 0 : index
      %get3A_1748 = tpu.vector_load %arg8[%get3A_1746, %get3A_1747] {strides = array<i32>} : memref<16x128xf32, #tpu.memory_space<vmem>>, vector<1x16xf32>,
      %get3A_1749 = vector.shape_cast %get3A_1748 : vector<1x16xf32> to vector<16xf32>
      %get3A_1750 = arith.constant 1 : i32
      %get3A_1751 = arith.index_cast %get3A_1750 : i32 to index
      %get3A_1752 = arith.constant 0 : index
      %get3A_1753 = tpu.vector_load %arg8[%get3A_1751, %get3A_1752] {strides = array<i32>} : memref<16x128xf32, #tpu.memory_space<vmem>>, vector<1x16xf32>,
      %get3A_1754 = vector.shape_cast %get3A_1753 : vector<1x16xf32> to vector<16xf32>
      %max3A_1755 = arith.maximumf %get3A_1749, %get3A_1754 : vector<16xf32>
      %get3A_1756 = arith.constant 2 : i32
      %get3A_1757 = arith.index_cast %get3A_1756 : i32 to index
      %get3A_1758 = arith.constant 0 : index
      %get3A_1759 = tpu.vector_load %arg8[%get3A_1757, %get3A_1758] {strides = array<i32>} : memref<16x128xf32, #tpu.memory_space<vmem>>, vector<1x16xf32>,
      %get3A_1760 = vector.shape_cast %get3A_1759 : vector<1x16xf32> to vector<16xf32>
      %max3A_1761 = arith.maximumf %max3A_1755, %get3A_1760 : vector<16xf32>
      %get3A_1762 = arith.constant 3 : i32
      %get3A_1763 = arith.index_cast %get3A_1762 : i32 to index
      %get3A_1764 = arith.constant 0 : index
      %get3A_1765 = tpu.vector_load %arg8[%get3A_1763, %get3A_1764] {strides = array<i32>} : memref<16x128xf32, #tpu.memory_space<vmem>>, vector<1x16xf32>,
      %get3A_1766 = vector.shape_cast %get3A_1765 : vector<1x16xf32> to vector<16xf32>
      %max3A_1767 = arith.maximumf %max3A_1761, %get3A_1766 : vector<16xf32>
      %get3A_1768 = arith.constant 4 : i32
      %get3A_1769 = arith.index_cast %get3A_1768 : i32 to index
      %get3A_1770 = arith.constant 0 : index
      %get3A_1771 = tpu.vector_load %arg8[%get3A_1769, %get3A_1770] {strides = array<i32>} : memref<16x128xf32, #tpu.memory_space<vmem>>, vector<1x16xf32>,
      %get3A_1772 = vector.shape_cast %get3A_1771 : vector<1x16xf32> to vector<16xf32>
      %max3A_1773 = arith.maximumf %max3A_1767, %get3A_1772 : vector<16xf32>
      %get3A_1774 = arith.constant 5 : i32
      %get3A_1775 = arith.index_cast %get3A_1774 : i32 to index
      %get3A_1776 = arith.constant 0 : index
      %get3A_1777 = tpu.vector_load %arg8[%get3A_1775, %get3A_1776] {strides = array<i32>} : memref<16x128xf32, #tpu.memory_space<vmem>>, vector<1x16xf32>,
      %get3A_1778 = vector.shape_cast %get3A_1777 : vector<1x16xf32> to vector<16xf32>
      %max3A_1779 = arith.maximumf %max3A_1773, %get3A_1778 : vector<16xf32>
      %get3A_1780 = arith.constant 6 : i32
      %get3A_1781 = arith.index_cast %get3A_1780 : i32 to index
      %get3A_1782 = arith.constant 0 : index
      %get3A_1783 = tpu.vector_load %arg8[%get3A_1781, %get3A_1782] {strides = array<i32>} : memref<16x128xf32, #tpu.memory_space<vmem>>, vector<1x16xf32>,
      %get3A_1784 = vector.shape_cast %get3A_1783 : vector<1x16xf32> to vector<16xf32>
      %max3A_1785 = arith.maximumf %max3A_1779, %get3A_1784 : vector<16xf32>
      %get3A_1786 = arith.constant 7 : i32
      %get3A_1787 = arith.index_cast %get3A_1786 : i32 to index
      %get3A_1788 = arith.constant 0 : index
      %get3A_1789 = tpu.vector_load %arg8[%get3A_1787, %get3A_1788] {strides = array<i32>} : memref<16x128xf32, #tpu.memory_space<vmem>>, vector<1x16xf32>,
      %get3A_1790 = vector.shape_cast %get3A_1789 : vector<1x16xf32> to vector<16xf32>
      %max3A_1791 = arith.maximumf %max3A_1785, %get3A_1790 : vector<16xf32>
      %get3A_1792 = arith.constant 8 : i32
      %get3A_1793 = arith.index_cast %get3A_1792 : i32 to index
      %get3A_1794 = arith.constant 0 : index
      %get3A_1795 = tpu.vector_load %arg8[%get3A_1793, %get3A_1794] {strides = array<i32>} : memref<16x128xf32, #tpu.memory_space<vmem>>, vector<1x16xf32>,
      %get3A_1796 = vector.shape_cast %get3A_1795 : vector<1x16xf32> to vector<16xf32>
      %max3A_1797 = arith.maximumf %max3A_1791, %get3A_1796 : vector<16xf32>
      %get3A_1798 = arith.constant 9 : i32
      %get3A_1799 = arith.index_cast %get3A_1798 : i32 to index
      %get3A_1800 = arith.constant 0 : index
      %get3A_1801 = tpu.vector_load %arg8[%get3A_1799, %get3A_1800] {strides = array<i32>} : memref<16x128xf32, #tpu.memory_space<vmem>>, vector<1x16xf32>,
      %get3A_1802 = vector.shape_cast %get3A_1801 : vector<1x16xf32> to vector<16xf32>
      %max3A_1803 = arith.maximumf %max3A_1797, %get3A_1802 : vector<16xf32>
      %get3A_1804 = arith.constant 10 : i32
      %get3A_1805 = arith.index_cast %get3A_1804 : i32 to index
      %get3A_1806 = arith.constant 0 : index
      %get3A_1807 = tpu.vector_load %arg8[%get3A_1805, %get3A_1806] {strides = array<i32>} : memref<16x128xf32, #tpu.memory_space<vmem>>, vector<1x16xf32>,
      %get3A_1808 = vector.shape_cast %get3A_1807 : vector<1x16xf32> to vector<16xf32>
      %max3A_1809 = arith.maximumf %max3A_1803, %get3A_1808 : vector<16xf32>
      %get3A_1810 = arith.constant 11 : i32
      %get3A_1811 = arith.index_cast %get3A_1810 : i32 to index
      %get3A_1812 = arith.constant 0 : index
      %get3A_1813 = tpu.vector_load %arg8[%get3A_1811, %get3A_1812] {strides = array<i32>} : memref<16x128xf32, #tpu.memory_space<vmem>>, vector<1x16xf32>,
      %get3A_1814 = vector.shape_cast %get3A_1813 : vector<1x16xf32> to vector<16xf32>
      %max3A_1815 = arith.maximumf %max3A_1809, %get3A_1814 : vector<16xf32>
      %get3A_1816 = arith.constant 12 : i32
      %get3A_1817 = arith.index_cast %get3A_1816 : i32 to index
      %get3A_1818 = arith.constant 0 : index
      %get3A_1819 = tpu.vector_load %arg8[%get3A_1817, %get3A_1818] {strides = array<i32>} : memref<16x128xf32, #tpu.memory_space<vmem>>, vector<1x16xf32>,
      %get3A_1820 = vector.shape_cast %get3A_1819 : vector<1x16xf32> to vector<16xf32>
      %max3A_1821 = arith.maximumf %max3A_1815, %get3A_1820 : vector<16xf32>
      %get3A_1822 = arith.constant 13 : i32
      %get3A_1823 = arith.index_cast %get3A_1822 : i32 to index
      %get3A_1824 = arith.constant 0 : index
      %get3A_1825 = tpu.vector_load %arg8[%get3A_1823, %get3A_1824] {strides = array<i32>} : memref<16x128xf32, #tpu.memory_space<vmem>>, vector<1x16xf32>,
      %get3A_1826 = vector.shape_cast %get3A_1825 : vector<1x16xf32> to vector<16xf32>
      %max3A_1827 = arith.maximumf %max3A_1821, %get3A_1826 : vector<16xf32>
      %get3A_1828 = arith.constant 14 : i32
      %get3A_1829 = arith.index_cast %get3A_1828 : i32 to index
      %get3A_1830 = arith.constant 0 : index
      %get3A_1831 = tpu.vector_load %arg8[%get3A_1829, %get3A_1830] {strides = array<i32>} : memref<16x128xf32, #tpu.memory_space<vmem>>, vector<1x16xf32>,
      %get3A_1832 = vector.shape_cast %get3A_1831 : vector<1x16xf32> to vector<16xf32>
      %max3A_1833 = arith.maximumf %max3A_1827, %get3A_1832 : vector<16xf32>
      %get3A_1834 = arith.constant 15 : i32
      %get3A_1835 = arith.index_cast %get3A_1834 : i32 to index
      %get3A_1836 = arith.constant 0 : index
      %get3A_1837 = tpu.vector_load %arg8[%get3A_1835, %get3A_1836] {strides = array<i32>} : memref<16x128xf32, #tpu.memory_space<vmem>>, vector<1x16xf32>,
      %get3A_1838 = vector.shape_cast %get3A_1837 : vector<1x16xf32> to vector<16xf32>
      %max3A_1839 = arith.maximumf %max3A_1833, %get3A_1838 : vector<16xf32>
      %max3A_1840 = arith.constant 0.000000e+00 : f32
      %max3A_1841 = vector.broadcast %max3A_1840 : f32 to vector<16xf32>
      %max3A_1842 = arith.maximumf %max3A_1839, %max3A_1841 : vector<16xf32>
      %swap3A_1843 = arith.index_cast %add3A_1738 : i32 to index
      %swap3A_1844 = arith.constant 0 : index
      %swap3A_1845 = tpu.vector_load %arg14[%swap3A_1843, %swap3A_1844] {strides = array<i32>} : memref<256x128xf32, #tpu.memory_space<vmem>>, vector<1x16xf32>,
      %swap3A_1846 = vector.shape_cast %swap3A_1845 : vector<1x16xf32> to vector<16xf32>
      %swap3A_1847 = vector.shape_cast %max3A_1842 : vector<16xf32> to vector<1x16xf32>
      tpu.vector_store %arg14[%swap3A_1843, %swap3A_1844], %swap3A_1847 {strides = array<i32>} : memref<256x128xf32, #tpu.memory_space<vmem>>, vector<1x16xf32>,
      %get3A_1848 = arith.constant 0 : i32
      %get3A_1849 = arith.index_cast %get3A_1848 : i32 to index
      %get3A_1850 = arith.constant 16 : index
      %get3A_1851 = tpu.vector_load %arg8[%get3A_1849, %get3A_1850] {strides = array<i32>} : memref<16x128xf32, #tpu.memory_space<vmem>>, vector<1x16xf32>,
      %get3A_1852 = vector.shape_cast %get3A_1851 : vector<1x16xf32> to vector<16xf32>
      %get3A_1853 = arith.constant 1 : i32
      %get3A_1854 = arith.index_cast %get3A_1853 : i32 to index
      %get3A_1855 = arith.constant 16 : index
      %get3A_1856 = tpu.vector_load %arg8[%get3A_1854, %get3A_1855] {strides = array<i32>} : memref<16x128xf32, #tpu.memory_space<vmem>>, vector<1x16xf32>,
      %get3A_1857 = vector.shape_cast %get3A_1856 : vector<1x16xf32> to vector<16xf32>
      %max3A_1858 = arith.maximumf %get3A_1852, %get3A_1857 : vector<16xf32>
      %get3A_1859 = arith.constant 2 : i32
      %get3A_1860 = arith.index_cast %get3A_1859 : i32 to index
      %get3A_1861 = arith.constant 16 : index
      %get3A_1862 = tpu.vector_load %arg8[%get3A_1860, %get3A_1861] {strides = array<i32>} : memref<16x128xf32, #tpu.memory_space<vmem>>, vector<1x16xf32>,
      %get3A_1863 = vector.shape_cast %get3A_1862 : vector<1x16xf32> to vector<16xf32>
      %max3A_1864 = arith.maximumf %max3A_1858, %get3A_1863 : vector<16xf32>
      %get3A_1865 = arith.constant 3 : i32
      %get3A_1866 = arith.index_cast %get3A_1865 : i32 to index
      %get3A_1867 = arith.constant 16 : index
      %get3A_1868 = tpu.vector_load %arg8[%get3A_1866, %get3A_1867] {strides = array<i32>} : memref<16x128xf32, #tpu.memory_space<vmem>>, vector<1x16xf32>,
      %get3A_1869 = vector.shape_cast %get3A_1868 : vector<1x16xf32> to vector<16xf32>
      %max3A_1870 = arith.maximumf %max3A_1864, %get3A_1869 : vector<16xf32>
      %get3A_1871 = arith.constant 4 : i32
      %get3A_1872 = arith.index_cast %get3A_1871 : i32 to index
      %get3A_1873 = arith.constant 16 : index
      %get3A_1874 = tpu.vector_load %arg8[%get3A_1872, %get3A_1873] {strides = array<i32>} : memref<16x128xf32, #tpu.memory_space<vmem>>, vector<1x16xf32>,
      %get3A_1875 = vector.shape_cast %get3A_1874 : vector<1x16xf32> to vector<16xf32>
      %max3A_1876 = arith.maximumf %max3A_1870, %get3A_1875 : vector<16xf32>
      %get3A_1877 = arith.constant 5 : i32
      %get3A_1878 = arith.index_cast %get3A_1877 : i32 to index
      %get3A_1879 = arith.constant 16 : index
      %get3A_1880 = tpu.vector_load %arg8[%get3A_1878, %get3A_1879] {strides = array<i32>} : memref<16x128xf32, #tpu.memory_space<vmem>>, vector<1x16xf32>,
      %get3A_1881 = vector.shape_cast %get3A_1880 : vector<1x16xf32> to vector<16xf32>
      %max3A_1882 = arith.maximumf %max3A_1876, %get3A_1881 : vector<16xf32>
      %get3A_1883 = arith.constant 6 : i32
      %get3A_1884 = arith.index_cast %get3A_1883 : i32 to index
      %get3A_1885 = arith.constant 16 : index
      %get3A_1886 = tpu.vector_load %arg8[%get3A_1884, %get3A_1885] {strides = array<i32>} : memref<16x128xf32, #tpu.memory_space<vmem>>, vector<1x16xf32>,
      %get3A_1887 = vector.shape_cast %get3A_1886 : vector<1x16xf32> to vector<16xf32>
      %max3A_1888 = arith.maximumf %max3A_1882, %get3A_1887 : vector<16xf32>
      %get3A_1889 = arith.constant 7 : i32
      %get3A_1890 = arith.index_cast %get3A_1889 : i32 to index
      %get3A_1891 = arith.constant 16 : index
      %get3A_1892 = tpu.vector_load %arg8[%get3A_1890, %get3A_1891] {strides = array<i32>} : memref<16x128xf32, #tpu.memory_space<vmem>>, vector<1x16xf32>,
      %get3A_1893 = vector.shape_cast %get3A_1892 : vector<1x16xf32> to vector<16xf32>
      %max3A_1894 = arith.maximumf %max3A_1888, %get3A_1893 : vector<16xf32>
      %get3A_1895 = arith.constant 8 : i32
      %get3A_1896 = arith.index_cast %get3A_1895 : i32 to index
      %get3A_1897 = arith.constant 16 : index
      %get3A_1898 = tpu.vector_load %arg8[%get3A_1896, %get3A_1897] {strides = array<i32>} : memref<16x128xf32, #tpu.memory_space<vmem>>, vector<1x16xf32>,
      %get3A_1899 = vector.shape_cast %get3A_1898 : vector<1x16xf32> to vector<16xf32>
      %max3A_1900 = arith.maximumf %max3A_1894, %get3A_1899 : vector<16xf32>
      %get3A_1901 = arith.constant 9 : i32
      %get3A_1902 = arith.index_cast %get3A_1901 : i32 to index
      %get3A_1903 = arith.constant 16 : index
      %get3A_1904 = tpu.vector_load %arg8[%get3A_1902, %get3A_1903] {strides = array<i32>} : memref<16x128xf32, #tpu.memory_space<vmem>>, vector<1x16xf32>,
      %get3A_1905 = vector.shape_cast %get3A_1904 : vector<1x16xf32> to vector<16xf32>
      %max3A_1906 = arith.maximumf %max3A_1900, %get3A_1905 : vector<16xf32>
      %get3A_1907 = arith.constant 10 : i32
      %get3A_1908 = arith.index_cast %get3A_1907 : i32 to index
      %get3A_1909 = arith.constant 16 : index
      %get3A_1910 = tpu.vector_load %arg8[%get3A_1908, %get3A_1909] {strides = array<i32>} : memref<16x128xf32, #tpu.memory_space<vmem>>, vector<1x16xf32>,
      %get3A_1911 = vector.shape_cast %get3A_1910 : vector<1x16xf32> to vector<16xf32>
      %max3A_1912 = arith.maximumf %max3A_1906, %get3A_1911 : vector<16xf32>
      %get3A_1913 = arith.constant 11 : i32
      %get3A_1914 = arith.index_cast %get3A_1913 : i32 to index
      %get3A_1915 = arith.constant 16 : index
      %get3A_1916 = tpu.vector_load %arg8[%get3A_1914, %get3A_1915] {strides = array<i32>} : memref<16x128xf32, #tpu.memory_space<vmem>>, vector<1x16xf32>,
      %get3A_1917 = vector.shape_cast %get3A_1916 : vector<1x16xf32> to vector<16xf32>
      %max3A_1918 = arith.maximumf %max3A_1912, %get3A_1917 : vector<16xf32>
      %get3A_1919 = arith.constant 12 : i32
      %get3A_1920 = arith.index_cast %get3A_1919 : i32 to index
      %get3A_1921 = arith.constant 16 : index
      %get3A_1922 = tpu.vector_load %arg8[%get3A_1920, %get3A_1921] {strides = array<i32>} : memref<16x128xf32, #tpu.memory_space<vmem>>, vector<1x16xf32>,
      %get3A_1923 = vector.shape_cast %get3A_1922 : vector<1x16xf32> to vector<16xf32>
      %max3A_1924 = arith.maximumf %max3A_1918, %get3A_1923 : vector<16xf32>
      %get3A_1925 = arith.constant 13 : i32
      %get3A_1926 = arith.index_cast %get3A_1925 : i32 to index
      %get3A_1927 = arith.constant 16 : index
      %get3A_1928 = tpu.vector_load %arg8[%get3A_1926, %get3A_1927] {strides = array<i32>} : memref<16x128xf32, #tpu.memory_space<vmem>>, vector<1x16xf32>,
      %get3A_1929 = vector.shape_cast %get3A_1928 : vector<1x16xf32> to vector<16xf32>
      %max3A_1930 = arith.maximumf %max3A_1924, %get3A_1929 : vector<16xf32>
      %get3A_1931 = arith.constant 14 : i32
      %get3A_1932 = arith.index_cast %get3A_1931 : i32 to index
      %get3A_1933 = arith.constant 16 : index
      %get3A_1934 = tpu.vector_load %arg8[%get3A_1932, %get3A_1933] {strides = array<i32>} : memref<16x128xf32, #tpu.memory_space<vmem>>, vector<1x16xf32>,
      %get3A_1935 = vector.shape_cast %get3A_1934 : vector<1x16xf32> to vector<16xf32>
      %max3A_1936 = arith.maximumf %max3A_1930, %get3A_1935 : vector<16xf32>
      %get3A_1937 = arith.constant 15 : i32
      %get3A_1938 = arith.index_cast %get3A_1937 : i32 to index
      %get3A_1939 = arith.constant 16 : index
      %get3A_1940 = tpu.vector_load %arg8[%get3A_1938, %get3A_1939] {strides = array<i32>} : memref<16x128xf32, #tpu.memory_space<vmem>>, vector<1x16xf32>,
      %get3A_1941 = vector.shape_cast %get3A_1940 : vector<1x16xf32> to vector<16xf32>
      %max3A_1942 = arith.maximumf %max3A_1936, %get3A_1941 : vector<16xf32>
      %max3A_1943 = arith.constant 0.000000e+00 : f32
      %max3A_1944 = vector.broadcast %max3A_1943 : f32 to vector<16xf32>
      %max3A_1945 = arith.maximumf %max3A_1942, %max3A_1944 : vector<16xf32>
      %swap3A_1946 = arith.index_cast %add3A_1738 : i32 to index
      %swap3A_1947 = arith.constant 16 : index
      %swap3A_1948 = tpu.vector_load %arg14[%swap3A_1946, %swap3A_1947] {strides = array<i32>} : memref<256x128xf32, #tpu.memory_space<vmem>>, vector<1x16xf32>,
      %swap3A_1949 = vector.shape_cast %swap3A_1948 : vector<1x16xf32> to vector<16xf32>
      %swap3A_1950 = vector.shape_cast %max3A_1945 : vector<16xf32> to vector<1x16xf32>
      tpu.vector_store %arg14[%swap3A_1946, %swap3A_1947], %swap3A_1950 {strides = array<i32>} : memref<256x128xf32, #tpu.memory_space<vmem>>, vector<1x16xf32>,
      %get3A_1951 = arith.constant 0 : i32
      %get3A_1952 = arith.index_cast %get3A_1951 : i32 to index
      %get3A_1953 = arith.constant 32 : index
      %get3A_1954 = tpu.vector_load %arg8[%get3A_1952, %get3A_1953] {strides = array<i32>} : memref<16x128xf32, #tpu.memory_space<vmem>>, vector<1x16xf32>,
      %get3A_1955 = vector.shape_cast %get3A_1954 : vector<1x16xf32> to vector<16xf32>
      %get3A_1956 = arith.constant 1 : i32
      %get3A_1957 = arith.index_cast %get3A_1956 : i32 to index
      %get3A_1958 = arith.constant 32 : index
      %get3A_1959 = tpu.vector_load %arg8[%get3A_1957, %get3A_1958] {strides = array<i32>} : memref<16x128xf32, #tpu.memory_space<vmem>>, vector<1x16xf32>,
      %get3A_1960 = vector.shape_cast %get3A_1959 : vector<1x16xf32> to vector<16xf32>
      %max3A_1961 = arith.maximumf %get3A_1955, %get3A_1960 : vector<16xf32>
      %get3A_1962 = arith.constant 2 : i32
      %get3A_1963 = arith.index_cast %get3A_1962 : i32 to index
      %get3A_1964 = arith.constant 32 : index
      %get3A_1965 = tpu.vector_load %arg8[%get3A_1963, %get3A_1964] {strides = array<i32>} : memref<16x128xf32, #tpu.memory_space<vmem>>, vector<1x16xf32>,
      %get3A_1966 = vector.shape_cast %get3A_1965 : vector<1x16xf32> to vector<16xf32>
      %max3A_1967 = arith.maximumf %max3A_1961, %get3A_1966 : vector<16xf32>
      %get3A_1968 = arith.constant 3 : i32
      %get3A_1969 = arith.index_cast %get3A_1968 : i32 to index
      %get3A_1970 = arith.constant 32 : index
      %get3A_1971 = tpu.vector_load %arg8[%get3A_1969, %get3A_1970] {strides = array<i32>} : memref<16x128xf32, #tpu.memory_space<vmem>>, vector<1x16xf32>,
      %get3A_1972 = vector.shape_cast %get3A_1971 : vector<1x16xf32> to vector<16xf32>
      %max3A_1973 = arith.maximumf %max3A_1967, %get3A_1972 : vector<16xf32>
      %get3A_1974 = arith.constant 4 : i32
      %get3A_1975 = arith.index_cast %get3A_1974 : i32 to index
      %get3A_1976 = arith.constant 32 : index
      %get3A_1977 = tpu.vector_load %arg8[%get3A_1975, %get3A_1976] {strides = array<i32>} : memref<16x128xf32, #tpu.memory_space<vmem>>, vector<1x16xf32>,
      %get3A_1978 = vector.shape_cast %get3A_1977 : vector<1x16xf32> to vector<16xf32>
      %max3A_1979 = arith.maximumf %max3A_1973, %get3A_1978 : vector<16xf32>
      %get3A_1980 = arith.constant 5 : i32
      %get3A_1981 = arith.index_cast %get3A_1980 : i32 to index
      %get3A_1982 = arith.constant 32 : index
      %get3A_1983 = tpu.vector_load %arg8[%get3A_1981, %get3A_1982] {strides = array<i32>} : memref<16x128xf32, #tpu.memory_space<vmem>>, vector<1x16xf32>,
      %get3A_1984 = vector.shape_cast %get3A_1983 : vector<1x16xf32> to vector<16xf32>
      %max3A_1985 = arith.maximumf %max3A_1979, %get3A_1984 : vector<16xf32>
      %get3A_1986 = arith.constant 6 : i32
      %get3A_1987 = arith.index_cast %get3A_1986 : i32 to index
      %get3A_1988 = arith.constant 32 : index
      %get3A_1989 = tpu.vector_load %arg8[%get3A_1987, %get3A_1988] {strides = array<i32>} : memref<16x128xf32, #tpu.memory_space<vmem>>, vector<1x16xf32>,
      %get3A_1990 = vector.shape_cast %get3A_1989 : vector<1x16xf32> to vector<16xf32>
      %max3A_1991 = arith.maximumf %max3A_1985, %get3A_1990 : vector<16xf32>
      %get3A_1992 = arith.constant 7 : i32
      %get3A_1993 = arith.index_cast %get3A_1992 : i32 to index
      %get3A_1994 = arith.constant 32 : index
      %get3A_1995 = tpu.vector_load %arg8[%get3A_1993, %get3A_1994] {strides = array<i32>} : memref<16x128xf32, #tpu.memory_space<vmem>>, vector<1x16xf32>,
      %get3A_1996 = vector.shape_cast %get3A_1995 : vector<1x16xf32> to vector<16xf32>
      %max3A_1997 = arith.maximumf %max3A_1991, %get3A_1996 : vector<16xf32>
      %get3A_1998 = arith.constant 8 : i32
      %get3A_1999 = arith.index_cast %get3A_1998 : i32 to index
      %get3A_2000 = arith.constant 32 : index
      %get3A_2001 = tpu.vector_load %arg8[%get3A_1999, %get3A_2000] {strides = array<i32>} : memref<16x128xf32, #tpu.memory_space<vmem>>, vector<1x16xf32>,
      %get3A_2002 = vector.shape_cast %get3A_2001 : vector<1x16xf32> to vector<16xf32>
      %max3A_2003 = arith.maximumf %max3A_1997, %get3A_2002 : vector<16xf32>
      %get3A_2004 = arith.constant 9 : i32
      %get3A_2005 = arith.index_cast %get3A_2004 : i32 to index
      %get3A_2006 = arith.constant 32 : index
      %get3A_2007 = tpu.vector_load %arg8[%get3A_2005, %get3A_2006] {strides = array<i32>} : memref<16x128xf32, #tpu.memory_space<vmem>>, vector<1x16xf32>,
      %get3A_2008 = vector.shape_cast %get3A_2007 : vector<1x16xf32> to vector<16xf32>
      %max3A_2009 = arith.maximumf %max3A_2003, %get3A_2008 : vector<16xf32>
      %get3A_2010 = arith.constant 10 : i32
      %get3A_2011 = arith.index_cast %get3A_2010 : i32 to index
      %get3A_2012 = arith.constant 32 : index
      %get3A_2013 = tpu.vector_load %arg8[%get3A_2011, %get3A_2012] {strides = array<i32>} : memref<16x128xf32, #tpu.memory_space<vmem>>, vector<1x16xf32>,
      %get3A_2014 = vector.shape_cast %get3A_2013 : vector<1x16xf32> to vector<16xf32>
      %max3A_2015 = arith.maximumf %max3A_2009, %get3A_2014 : vector<16xf32>
      %get3A_2016 = arith.constant 11 : i32
      %get3A_2017 = arith.index_cast %get3A_2016 : i32 to index
      %get3A_2018 = arith.constant 32 : index
      %get3A_2019 = tpu.vector_load %arg8[%get3A_2017, %get3A_2018] {strides = array<i32>} : memref<16x128xf32, #tpu.memory_space<vmem>>, vector<1x16xf32>,
      %get3A_2020 = vector.shape_cast %get3A_2019 : vector<1x16xf32> to vector<16xf32>
      %max3A_2021 = arith.maximumf %max3A_2015, %get3A_2020 : vector<16xf32>
      %get3A_2022 = arith.constant 12 : i32
      %get3A_2023 = arith.index_cast %get3A_2022 : i32 to index
      %get3A_2024 = arith.constant 32 : index
      %get3A_2025 = tpu.vector_load %arg8[%get3A_2023, %get3A_2024] {strides = array<i32>} : memref<16x128xf32, #tpu.memory_space<vmem>>, vector<1x16xf32>,
      %get3A_2026 = vector.shape_cast %get3A_2025 : vector<1x16xf32> to vector<16xf32>
      %max3A_2027 = arith.maximumf %max3A_2021, %get3A_2026 : vector<16xf32>
      %get3A_2028 = arith.constant 13 : i32
      %get3A_2029 = arith.index_cast %get3A_2028 : i32 to index
      %get3A_2030 = arith.constant 32 : index
      %get3A_2031 = tpu.vector_load %arg8[%get3A_2029, %get3A_2030] {strides = array<i32>} : memref<16x128xf32, #tpu.memory_space<vmem>>, vector<1x16xf32>,
      %get3A_2032 = vector.shape_cast %get3A_2031 : vector<1x16xf32> to vector<16xf32>
      %max3A_2033 = arith.maximumf %max3A_2027, %get3A_2032 : vector<16xf32>
      %get3A_2034 = arith.constant 14 : i32
      %get3A_2035 = arith.index_cast %get3A_2034 : i32 to index
      %get3A_2036 = arith.constant 32 : index
      %get3A_2037 = tpu.vector_load %arg8[%get3A_2035, %get3A_2036] {strides = array<i32>} : memref<16x128xf32, #tpu.memory_space<vmem>>, vector<1x16xf32>,
      %get3A_2038 = vector.shape_cast %get3A_2037 : vector<1x16xf32> to vector<16xf32>
      %max3A_2039 = arith.maximumf %max3A_2033, %get3A_2038 : vector<16xf32>
      %get3A_2040 = arith.constant 15 : i32
      %get3A_2041 = arith.index_cast %get3A_2040 : i32 to index
      %get3A_2042 = arith.constant 32 : index
      %get3A_2043 = tpu.vector_load %arg8[%get3A_2041, %get3A_2042] {strides = array<i32>} : memref<16x128xf32, #tpu.memory_space<vmem>>, vector<1x16xf32>,
      %get3A_2044 = vector.shape_cast %get3A_2043 : vector<1x16xf32> to vector<16xf32>
      %max3A_2045 = arith.maximumf %max3A_2039, %get3A_2044 : vector<16xf32>
      %max3A_2046 = arith.constant 0.000000e+00 : f32
      %max3A_2047 = vector.broadcast %max3A_2046 : f32 to vector<16xf32>
      %max3A_2048 = arith.maximumf %max3A_2045, %max3A_2047 : vector<16xf32>
      %swap3A_2049 = arith.index_cast %add3A_1738 : i32 to index
      %swap3A_2050 = arith.constant 32 : index
      %swap3A_2051 = tpu.vector_load %arg14[%swap3A_2049, %swap3A_2050] {strides = array<i32>} : memref<256x128xf32, #tpu.memory_space<vmem>>, vector<1x16xf32>,
      %swap3A_2052 = vector.shape_cast %swap3A_2051 : vector<1x16xf32> to vector<16xf32>
      %swap3A_2053 = vector.shape_cast %max3A_2048 : vector<16xf32> to vector<1x16xf32>
      tpu.vector_store %arg14[%swap3A_2049, %swap3A_2050], %swap3A_2053 {strides = array<i32>} : memref<256x128xf32, #tpu.memory_space<vmem>>, vector<1x16xf32>,
      %get3A_2054 = arith.constant 0 : i32
      %get3A_2055 = arith.index_cast %get3A_2054 : i32 to index
      %get3A_2056 = arith.constant 48 : index
      %get3A_2057 = tpu.vector_load %arg8[%get3A_2055, %get3A_2056] {strides = array<i32>} : memref<16x128xf32, #tpu.memory_space<vmem>>, vector<1x16xf32>,
      %get3A_2058 = vector.shape_cast %get3A_2057 : vector<1x16xf32> to vector<16xf32>
      %get3A_2059 = arith.constant 1 : i32
      %get3A_2060 = arith.index_cast %get3A_2059 : i32 to index
      %get3A_2061 = arith.constant 48 : index
      %get3A_2062 = tpu.vector_load %arg8[%get3A_2060, %get3A_2061] {strides = array<i32>} : memref<16x128xf32, #tpu.memory_space<vmem>>, vector<1x16xf32>,
      %get3A_2063 = vector.shape_cast %get3A_2062 : vector<1x16xf32> to vector<16xf32>
      %max3A_2064 = arith.maximumf %get3A_2058, %get3A_2063 : vector<16xf32>
      %get3A_2065 = arith.constant 2 : i32
      %get3A_2066 = arith.index_cast %get3A_2065 : i32 to index
      %get3A_2067 = arith.constant 48 : index
      %get3A_2068 = tpu.vector_load %arg8[%get3A_2066, %get3A_2067] {strides = array<i32>} : memref<16x128xf32, #tpu.memory_space<vmem>>, vector<1x16xf32>,
      %get3A_2069 = vector.shape_cast %get3A_2068 : vector<1x16xf32> to vector<16xf32>
      %max3A_2070 = arith.maximumf %max3A_2064, %get3A_2069 : vector<16xf32>
      %get3A_2071 = arith.constant 3 : i32
      %get3A_2072 = arith.index_cast %get3A_2071 : i32 to index
      %get3A_2073 = arith.constant 48 : index
      %get3A_2074 = tpu.vector_load %arg8[%get3A_2072, %get3A_2073] {strides = array<i32>} : memref<16x128xf32, #tpu.memory_space<vmem>>, vector<1x16xf32>,
      %get3A_2075 = vector.shape_cast %get3A_2074 : vector<1x16xf32> to vector<16xf32>
      %max3A_2076 = arith.maximumf %max3A_2070, %get3A_2075 : vector<16xf32>
      %get3A_2077 = arith.constant 4 : i32
      %get3A_2078 = arith.index_cast %get3A_2077 : i32 to index
      %get3A_2079 = arith.constant 48 : index
      %get3A_2080 = tpu.vector_load %arg8[%get3A_2078, %get3A_2079] {strides = array<i32>} : memref<16x128xf32, #tpu.memory_space<vmem>>, vector<1x16xf32>,
      %get3A_2081 = vector.shape_cast %get3A_2080 : vector<1x16xf32> to vector<16xf32>
      %max3A_2082 = arith.maximumf %max3A_2076, %get3A_2081 : vector<16xf32>
      %get3A_2083 = arith.constant 5 : i32
      %get3A_2084 = arith.index_cast %get3A_2083 : i32 to index
      %get3A_2085 = arith.constant 48 : index
      %get3A_2086 = tpu.vector_load %arg8[%get3A_2084, %get3A_2085] {strides = array<i32>} : memref<16x128xf32, #tpu.memory_space<vmem>>, vector<1x16xf32>,
      %get3A_2087 = vector.shape_cast %get3A_2086 : vector<1x16xf32> to vector<16xf32>
      %max3A_2088 = arith.maximumf %max3A_2082, %get3A_2087 : vector<16xf32>
      %get3A_2089 = arith.constant 6 : i32
      %get3A_2090 = arith.index_cast %get3A_2089 : i32 to index
      %get3A_2091 = arith.constant 48 : index
      %get3A_2092 = tpu.vector_load %arg8[%get3A_2090, %get3A_2091] {strides = array<i32>} : memref<16x128xf32, #tpu.memory_space<vmem>>, vector<1x16xf32>,
      %get3A_2093 = vector.shape_cast %get3A_2092 : vector<1x16xf32> to vector<16xf32>
      %max3A_2094 = arith.maximumf %max3A_2088, %get3A_2093 : vector<16xf32>
      %get3A_2095 = arith.constant 7 : i32
      %get3A_2096 = arith.index_cast %get3A_2095 : i32 to index
      %get3A_2097 = arith.constant 48 : index
      %get3A_2098 = tpu.vector_load %arg8[%get3A_2096, %get3A_2097] {strides = array<i32>} : memref<16x128xf32, #tpu.memory_space<vmem>>, vector<1x16xf32>,
      %get3A_2099 = vector.shape_cast %get3A_2098 : vector<1x16xf32> to vector<16xf32>
      %max3A_2100 = arith.maximumf %max3A_2094, %get3A_2099 : vector<16xf32>
      %get3A_2101 = arith.constant 8 : i32
      %get3A_2102 = arith.index_cast %get3A_2101 : i32 to index
      %get3A_2103 = arith.constant 48 : index
      %get3A_2104 = tpu.vector_load %arg8[%get3A_2102, %get3A_2103] {strides = array<i32>} : memref<16x128xf32, #tpu.memory_space<vmem>>, vector<1x16xf32>,
      %get3A_2105 = vector.shape_cast %get3A_2104 : vector<1x16xf32> to vector<16xf32>
      %max3A_2106 = arith.maximumf %max3A_2100, %get3A_2105 : vector<16xf32>
      %get3A_2107 = arith.constant 9 : i32
      %get3A_2108 = arith.index_cast %get3A_2107 : i32 to index
      %get3A_2109 = arith.constant 48 : index
      %get3A_2110 = tpu.vector_load %arg8[%get3A_2108, %get3A_2109] {strides = array<i32>} : memref<16x128xf32, #tpu.memory_space<vmem>>, vector<1x16xf32>,
      %get3A_2111 = vector.shape_cast %get3A_2110 : vector<1x16xf32> to vector<16xf32>
      %max3A_2112 = arith.maximumf %max3A_2106, %get3A_2111 : vector<16xf32>
      %get3A_2113 = arith.constant 10 : i32
      %get3A_2114 = arith.index_cast %get3A_2113 : i32 to index
      %get3A_2115 = arith.constant 48 : index
      %get3A_2116 = tpu.vector_load %arg8[%get3A_2114, %get3A_2115] {strides = array<i32>} : memref<16x128xf32, #tpu.memory_space<vmem>>, vector<1x16xf32>,
      %get3A_2117 = vector.shape_cast %get3A_2116 : vector<1x16xf32> to vector<16xf32>
      %max3A_2118 = arith.maximumf %max3A_2112, %get3A_2117 : vector<16xf32>
      %get3A_2119 = arith.constant 11 : i32
      %get3A_2120 = arith.index_cast %get3A_2119 : i32 to index
      %get3A_2121 = arith.constant 48 : index
      %get3A_2122 = tpu.vector_load %arg8[%get3A_2120, %get3A_2121] {strides = array<i32>} : memref<16x128xf32, #tpu.memory_space<vmem>>, vector<1x16xf32>,
      %get3A_2123 = vector.shape_cast %get3A_2122 : vector<1x16xf32> to vector<16xf32>
      %max3A_2124 = arith.maximumf %max3A_2118, %get3A_2123 : vector<16xf32>
      %get3A_2125 = arith.constant 12 : i32
      %get3A_2126 = arith.index_cast %get3A_2125 : i32 to index
      %get3A_2127 = arith.constant 48 : index
      %get3A_2128 = tpu.vector_load %arg8[%get3A_2126, %get3A_2127] {strides = array<i32>} : memref<16x128xf32, #tpu.memory_space<vmem>>, vector<1x16xf32>,
      %get3A_2129 = vector.shape_cast %get3A_2128 : vector<1x16xf32> to vector<16xf32>
      %max3A_2130 = arith.maximumf %max3A_2124, %get3A_2129 : vector<16xf32>
      %get3A_2131 = arith.constant 13 : i32
      %get3A_2132 = arith.index_cast %get3A_2131 : i32 to index
      %get3A_2133 = arith.constant 48 : index
      %get3A_2134 = tpu.vector_load %arg8[%get3A_2132, %get3A_2133] {strides = array<i32>} : memref<16x128xf32, #tpu.memory_space<vmem>>, vector<1x16xf32>,
      %get3A_2135 = vector.shape_cast %get3A_2134 : vector<1x16xf32> to vector<16xf32>
      %max3A_2136 = arith.maximumf %max3A_2130, %get3A_2135 : vector<16xf32>
      %get3A_2137 = arith.constant 14 : i32
      %get3A_2138 = arith.index_cast %get3A_2137 : i32 to index
      %get3A_2139 = arith.constant 48 : index
      %get3A_2140 = tpu.vector_load %arg8[%get3A_2138, %get3A_2139] {strides = array<i32>} : memref<16x128xf32, #tpu.memory_space<vmem>>, vector<1x16xf32>,
      %get3A_2141 = vector.shape_cast %get3A_2140 : vector<1x16xf32> to vector<16xf32>
      %max3A_2142 = arith.maximumf %max3A_2136, %get3A_2141 : vector<16xf32>
      %get3A_2143 = arith.constant 15 : i32
      %get3A_2144 = arith.index_cast %get3A_2143 : i32 to index
      %get3A_2145 = arith.constant 48 : index
      %get3A_2146 = tpu.vector_load %arg8[%get3A_2144, %get3A_2145] {strides = array<i32>} : memref<16x128xf32, #tpu.memory_space<vmem>>, vector<1x16xf32>,
      %get3A_2147 = vector.shape_cast %get3A_2146 : vector<1x16xf32> to vector<16xf32>
      %max3A_2148 = arith.maximumf %max3A_2142, %get3A_2147 : vector<16xf32>
      %max3A_2149 = arith.constant 0.000000e+00 : f32
      %max3A_2150 = vector.broadcast %max3A_2149 : f32 to vector<16xf32>
      %max3A_2151 = arith.maximumf %max3A_2148, %max3A_2150 : vector<16xf32>
      %swap3A_2152 = arith.index_cast %add3A_1738 : i32 to index
      %swap3A_2153 = arith.constant 48 : index
      %swap3A_2154 = tpu.vector_load %arg14[%swap3A_2152, %swap3A_2153] {strides = array<i32>} : memref<256x128xf32, #tpu.memory_space<vmem>>, vector<1x16xf32>,
      %swap3A_2155 = vector.shape_cast %swap3A_2154 : vector<1x16xf32> to vector<16xf32>
      %swap3A_2156 = vector.shape_cast %max3A_2151 : vector<16xf32> to vector<1x16xf32>
      tpu.vector_store %arg14[%swap3A_2152, %swap3A_2153], %swap3A_2156 {strides = array<i32>} : memref<256x128xf32, #tpu.memory_space<vmem>>, vector<1x16xf32>,
      %get3A_2157 = arith.constant 0 : i32
      %get3A_2158 = arith.index_cast %get3A_2157 : i32 to index
      %get3A_2159 = arith.constant 64 : index
      %get3A_2160 = tpu.vector_load %arg8[%get3A_2158, %get3A_2159] {strides = array<i32>} : memref<16x128xf32, #tpu.memory_space<vmem>>, vector<1x16xf32>,
      %get3A_2161 = vector.shape_cast %get3A_2160 : vector<1x16xf32> to vector<16xf32>
      %get3A_2162 = arith.constant 1 : i32
      %get3A_2163 = arith.index_cast %get3A_2162 : i32 to index
      %get3A_2164 = arith.constant 64 : index
      %get3A_2165 = tpu.vector_load %arg8[%get3A_2163, %get3A_2164] {strides = array<i32>} : memref<16x128xf32, #tpu.memory_space<vmem>>, vector<1x16xf32>,
      %get3A_2166 = vector.shape_cast %get3A_2165 : vector<1x16xf32> to vector<16xf32>
      %max3A_2167 = arith.maximumf %get3A_2161, %get3A_2166 : vector<16xf32>
      %get3A_2168 = arith.constant 2 : i32
      %get3A_2169 = arith.index_cast %get3A_2168 : i32 to index
      %get3A_2170 = arith.constant 64 : index
      %get3A_2171 = tpu.vector_load %arg8[%get3A_2169, %get3A_2170] {strides = array<i32>} : memref<16x128xf32, #tpu.memory_space<vmem>>, vector<1x16xf32>,
      %get3A_2172 = vector.shape_cast %get3A_2171 : vector<1x16xf32> to vector<16xf32>
      %max3A_2173 = arith.maximumf %max3A_2167, %get3A_2172 : vector<16xf32>
      %get3A_2174 = arith.constant 3 : i32
      %get3A_2175 = arith.index_cast %get3A_2174 : i32 to index
      %get3A_2176 = arith.constant 64 : index
      %get3A_2177 = tpu.vector_load %arg8[%get3A_2175, %get3A_2176] {strides = array<i32>} : memref<16x128xf32, #tpu.memory_space<vmem>>, vector<1x16xf32>,
      %get3A_2178 = vector.shape_cast %get3A_2177 : vector<1x16xf32> to vector<16xf32>
      %max3A_2179 = arith.maximumf %max3A_2173, %get3A_2178 : vector<16xf32>
      %get3A_2180 = arith.constant 4 : i32
      %get3A_2181 = arith.index_cast %get3A_2180 : i32 to index
      %get3A_2182 = arith.constant 64 : index
      %get3A_2183 = tpu.vector_load %arg8[%get3A_2181, %get3A_2182] {strides = array<i32>} : memref<16x128xf32, #tpu.memory_space<vmem>>, vector<1x16xf32>,
      %get3A_2184 = vector.shape_cast %get3A_2183 : vector<1x16xf32> to vector<16xf32>
      %max3A_2185 = arith.maximumf %max3A_2179, %get3A_2184 : vector<16xf32>
      %get3A_2186 = arith.constant 5 : i32
      %get3A_2187 = arith.index_cast %get3A_2186 : i32 to index
      %get3A_2188 = arith.constant 64 : index
      %get3A_2189 = tpu.vector_load %arg8[%get3A_2187, %get3A_2188] {strides = array<i32>} : memref<16x128xf32, #tpu.memory_space<vmem>>, vector<1x16xf32>,
      %get3A_2190 = vector.shape_cast %get3A_2189 : vector<1x16xf32> to vector<16xf32>
      %max3A_2191 = arith.maximumf %max3A_2185, %get3A_2190 : vector<16xf32>
      %get3A_2192 = arith.constant 6 : i32
      %get3A_2193 = arith.index_cast %get3A_2192 : i32 to index
      %get3A_2194 = arith.constant 64 : index
      %get3A_2195 = tpu.vector_load %arg8[%get3A_2193, %get3A_2194] {strides = array<i32>} : memref<16x128xf32, #tpu.memory_space<vmem>>, vector<1x16xf32>,
      %get3A_2196 = vector.shape_cast %get3A_2195 : vector<1x16xf32> to vector<16xf32>
      %max3A_2197 = arith.maximumf %max3A_2191, %get3A_2196 : vector<16xf32>
      %get3A_2198 = arith.constant 7 : i32
      %get3A_2199 = arith.index_cast %get3A_2198 : i32 to index
      %get3A_2200 = arith.constant 64 : index
      %get3A_2201 = tpu.vector_load %arg8[%get3A_2199, %get3A_2200] {strides = array<i32>} : memref<16x128xf32, #tpu.memory_space<vmem>>, vector<1x16xf32>,
      %get3A_2202 = vector.shape_cast %get3A_2201 : vector<1x16xf32> to vector<16xf32>
      %max3A_2203 = arith.maximumf %max3A_2197, %get3A_2202 : vector<16xf32>
      %get3A_2204 = arith.constant 8 : i32
      %get3A_2205 = arith.index_cast %get3A_2204 : i32 to index
      %get3A_2206 = arith.constant 64 : index
      %get3A_2207 = tpu.vector_load %arg8[%get3A_2205, %get3A_2206] {strides = array<i32>} : memref<16x128xf32, #tpu.memory_space<vmem>>, vector<1x16xf32>,
      %get3A_2208 = vector.shape_cast %get3A_2207 : vector<1x16xf32> to vector<16xf32>
      %max3A_2209 = arith.maximumf %max3A_2203, %get3A_2208 : vector<16xf32>
      %get3A_2210 = arith.constant 9 : i32
      %get3A_2211 = arith.index_cast %get3A_2210 : i32 to index
      %get3A_2212 = arith.constant 64 : index
      %get3A_2213 = tpu.vector_load %arg8[%get3A_2211, %get3A_2212] {strides = array<i32>} : memref<16x128xf32, #tpu.memory_space<vmem>>, vector<1x16xf32>,
      %get3A_2214 = vector.shape_cast %get3A_2213 : vector<1x16xf32> to vector<16xf32>
      %max3A_2215 = arith.maximumf %max3A_2209, %get3A_2214 : vector<16xf32>
      %get3A_2216 = arith.constant 10 : i32
      %get3A_2217 = arith.index_cast %get3A_2216 : i32 to index
      %get3A_2218 = arith.constant 64 : index
      %get3A_2219 = tpu.vector_load %arg8[%get3A_2217, %get3A_2218] {strides = array<i32>} : memref<16x128xf32, #tpu.memory_space<vmem>>, vector<1x16xf32>,
      %get3A_2220 = vector.shape_cast %get3A_2219 : vector<1x16xf32> to vector<16xf32>
      %max3A_2221 = arith.maximumf %max3A_2215, %get3A_2220 : vector<16xf32>
      %get3A_2222 = arith.constant 11 : i32
      %get3A_2223 = arith.index_cast %get3A_2222 : i32 to index
      %get3A_2224 = arith.constant 64 : index
      %get3A_2225 = tpu.vector_load %arg8[%get3A_2223, %get3A_2224] {strides = array<i32>} : memref<16x128xf32, #tpu.memory_space<vmem>>, vector<1x16xf32>,
      %get3A_2226 = vector.shape_cast %get3A_2225 : vector<1x16xf32> to vector<16xf32>
      %max3A_2227 = arith.maximumf %max3A_2221, %get3A_2226 : vector<16xf32>
      %get3A_2228 = arith.constant 12 : i32
      %get3A_2229 = arith.index_cast %get3A_2228 : i32 to index
      %get3A_2230 = arith.constant 64 : index
      %get3A_2231 = tpu.vector_load %arg8[%get3A_2229, %get3A_2230] {strides = array<i32>} : memref<16x128xf32, #tpu.memory_space<vmem>>, vector<1x16xf32>,
      %get3A_2232 = vector.shape_cast %get3A_2231 : vector<1x16xf32> to vector<16xf32>
      %max3A_2233 = arith.maximumf %max3A_2227, %get3A_2232 : vector<16xf32>
      %get3A_2234 = arith.constant 13 : i32
      %get3A_2235 = arith.index_cast %get3A_2234 : i32 to index
      %get3A_2236 = arith.constant 64 : index
      %get3A_2237 = tpu.vector_load %arg8[%get3A_2235, %get3A_2236] {strides = array<i32>} : memref<16x128xf32, #tpu.memory_space<vmem>>, vector<1x16xf32>,
      %get3A_2238 = vector.shape_cast %get3A_2237 : vector<1x16xf32> to vector<16xf32>
      %max3A_2239 = arith.maximumf %max3A_2233, %get3A_2238 : vector<16xf32>
      %get3A_2240 = arith.constant 14 : i32
      %get3A_2241 = arith.index_cast %get3A_2240 : i32 to index
      %get3A_2242 = arith.constant 64 : index
      %get3A_2243 = tpu.vector_load %arg8[%get3A_2241, %get3A_2242] {strides = array<i32>} : memref<16x128xf32, #tpu.memory_space<vmem>>, vector<1x16xf32>,
      %get3A_2244 = vector.shape_cast %get3A_2243 : vector<1x16xf32> to vector<16xf32>
      %max3A_2245 = arith.maximumf %max3A_2239, %get3A_2244 : vector<16xf32>
      %get3A_2246 = arith.constant 15 : i32
      %get3A_2247 = arith.index_cast %get3A_2246 : i32 to index
      %get3A_2248 = arith.constant 64 : index
      %get3A_2249 = tpu.vector_load %arg8[%get3A_2247, %get3A_2248] {strides = array<i32>} : memref<16x128xf32, #tpu.memory_space<vmem>>, vector<1x16xf32>,
      %get3A_2250 = vector.shape_cast %get3A_2249 : vector<1x16xf32> to vector<16xf32>
      %max3A_2251 = arith.maximumf %max3A_2245, %get3A_2250 : vector<16xf32>
      %max3A_2252 = arith.constant 0.000000e+00 : f32
      %max3A_2253 = vector.broadcast %max3A_2252 : f32 to vector<16xf32>
      %max3A_2254 = arith.maximumf %max3A_2251, %max3A_2253 : vector<16xf32>
      %swap3A_2255 = arith.index_cast %add3A_1738 : i32 to index
      %swap3A_2256 = arith.constant 64 : index
      %swap3A_2257 = tpu.vector_load %arg14[%swap3A_2255, %swap3A_2256] {strides = array<i32>} : memref<256x128xf32, #tpu.memory_space<vmem>>, vector<1x16xf32>,
      %swap3A_2258 = vector.shape_cast %swap3A_2257 : vector<1x16xf32> to vector<16xf32>
      %swap3A_2259 = vector.shape_cast %max3A_2254 : vector<16xf32> to vector<1x16xf32>
      tpu.vector_store %arg14[%swap3A_2255, %swap3A_2256], %swap3A_2259 {strides = array<i32>} : memref<256x128xf32, #tpu.memory_space<vmem>>, vector<1x16xf32>,
      %get3A_2260 = arith.constant 0 : i32
      %get3A_2261 = arith.index_cast %get3A_2260 : i32 to index
      %get3A_2262 = arith.constant 80 : index
      %get3A_2263 = tpu.vector_load %arg8[%get3A_2261, %get3A_2262] {strides = array<i32>} : memref<16x128xf32, #tpu.memory_space<vmem>>, vector<1x16xf32>,
      %get3A_2264 = vector.shape_cast %get3A_2263 : vector<1x16xf32> to vector<16xf32>
      %get3A_2265 = arith.constant 1 : i32
      %get3A_2266 = arith.index_cast %get3A_2265 : i32 to index
      %get3A_2267 = arith.constant 80 : index
      %get3A_2268 = tpu.vector_load %arg8[%get3A_2266, %get3A_2267] {strides = array<i32>} : memref<16x128xf32, #tpu.memory_space<vmem>>, vector<1x16xf32>,
      %get3A_2269 = vector.shape_cast %get3A_2268 : vector<1x16xf32> to vector<16xf32>
      %max3A_2270 = arith.maximumf %get3A_2264, %get3A_2269 : vector<16xf32>
      %get3A_2271 = arith.constant 2 : i32
      %get3A_2272 = arith.index_cast %get3A_2271 : i32 to index
      %get3A_2273 = arith.constant 80 : index
      %get3A_2274 = tpu.vector_load %arg8[%get3A_2272, %get3A_2273] {strides = array<i32>} : memref<16x128xf32, #tpu.memory_space<vmem>>, vector<1x16xf32>,
      %get3A_2275 = vector.shape_cast %get3A_2274 : vector<1x16xf32> to vector<16xf32>
      %max3A_2276 = arith.maximumf %max3A_2270, %get3A_2275 : vector<16xf32>
      %get3A_2277 = arith.constant 3 : i32
      %get3A_2278 = arith.index_cast %get3A_2277 : i32 to index
      %get3A_2279 = arith.constant 80 : index
      %get3A_2280 = tpu.vector_load %arg8[%get3A_2278, %get3A_2279] {strides = array<i32>} : memref<16x128xf32, #tpu.memory_space<vmem>>, vector<1x16xf32>,
      %get3A_2281 = vector.shape_cast %get3A_2280 : vector<1x16xf32> to vector<16xf32>
      %max3A_2282 = arith.maximumf %max3A_2276, %get3A_2281 : vector<16xf32>
      %get3A_2283 = arith.constant 4 : i32
      %get3A_2284 = arith.index_cast %get3A_2283 : i32 to index
      %get3A_2285 = arith.constant 80 : index
      %get3A_2286 = tpu.vector_load %arg8[%get3A_2284, %get3A_2285] {strides = array<i32>} : memref<16x128xf32, #tpu.memory_space<vmem>>, vector<1x16xf32>,
      %get3A_2287 = vector.shape_cast %get3A_2286 : vector<1x16xf32> to vector<16xf32>
      %max3A_2288 = arith.maximumf %max3A_2282, %get3A_2287 : vector<16xf32>
      %get3A_2289 = arith.constant 5 : i32
      %get3A_2290 = arith.index_cast %get3A_2289 : i32 to index
      %get3A_2291 = arith.constant 80 : index
      %get3A_2292 = tpu.vector_load %arg8[%get3A_2290, %get3A_2291] {strides = array<i32>} : memref<16x128xf32, #tpu.memory_space<vmem>>, vector<1x16xf32>,
      %get3A_2293 = vector.shape_cast %get3A_2292 : vector<1x16xf32> to vector<16xf32>
      %max3A_2294 = arith.maximumf %max3A_2288, %get3A_2293 : vector<16xf32>
      %get3A_2295 = arith.constant 6 : i32
      %get3A_2296 = arith.index_cast %get3A_2295 : i32 to index
      %get3A_2297 = arith.constant 80 : index
      %get3A_2298 = tpu.vector_load %arg8[%get3A_2296, %get3A_2297] {strides = array<i32>} : memref<16x128xf32, #tpu.memory_space<vmem>>, vector<1x16xf32>,
      %get3A_2299 = vector.shape_cast %get3A_2298 : vector<1x16xf32> to vector<16xf32>
      %max3A_2300 = arith.maximumf %max3A_2294, %get3A_2299 : vector<16xf32>
      %get3A_2301 = arith.constant 7 : i32
      %get3A_2302 = arith.index_cast %get3A_2301 : i32 to index
      %get3A_2303 = arith.constant 80 : index
      %get3A_2304 = tpu.vector_load %arg8[%get3A_2302, %get3A_2303] {strides = array<i32>} : memref<16x128xf32, #tpu.memory_space<vmem>>, vector<1x16xf32>,
      %get3A_2305 = vector.shape_cast %get3A_2304 : vector<1x16xf32> to vector<16xf32>
      %max3A_2306 = arith.maximumf %max3A_2300, %get3A_2305 : vector<16xf32>
      %get3A_2307 = arith.constant 8 : i32
      %get3A_2308 = arith.index_cast %get3A_2307 : i32 to index
      %get3A_2309 = arith.constant 80 : index
      %get3A_2310 = tpu.vector_load %arg8[%get3A_2308, %get3A_2309] {strides = array<i32>} : memref<16x128xf32, #tpu.memory_space<vmem>>, vector<1x16xf32>,
      %get3A_2311 = vector.shape_cast %get3A_2310 : vector<1x16xf32> to vector<16xf32>
      %max3A_2312 = arith.maximumf %max3A_2306, %get3A_2311 : vector<16xf32>
      %get3A_2313 = arith.constant 9 : i32
      %get3A_2314 = arith.index_cast %get3A_2313 : i32 to index
      %get3A_2315 = arith.constant 80 : index
      %get3A_2316 = tpu.vector_load %arg8[%get3A_2314, %get3A_2315] {strides = array<i32>} : memref<16x128xf32, #tpu.memory_space<vmem>>, vector<1x16xf32>,
      %get3A_2317 = vector.shape_cast %get3A_2316 : vector<1x16xf32> to vector<16xf32>
      %max3A_2318 = arith.maximumf %max3A_2312, %get3A_2317 : vector<16xf32>
      %get3A_2319 = arith.constant 10 : i32
      %get3A_2320 = arith.index_cast %get3A_2319 : i32 to index
      %get3A_2321 = arith.constant 80 : index
      %get3A_2322 = tpu.vector_load %arg8[%get3A_2320, %get3A_2321] {strides = array<i32>} : memref<16x128xf32, #tpu.memory_space<vmem>>, vector<1x16xf32>,
      %get3A_2323 = vector.shape_cast %get3A_2322 : vector<1x16xf32> to vector<16xf32>
      %max3A_2324 = arith.maximumf %max3A_2318, %get3A_2323 : vector<16xf32>
      %get3A_2325 = arith.constant 11 : i32
      %get3A_2326 = arith.index_cast %get3A_2325 : i32 to index
      %get3A_2327 = arith.constant 80 : index
      %get3A_2328 = tpu.vector_load %arg8[%get3A_2326, %get3A_2327] {strides = array<i32>} : memref<16x128xf32, #tpu.memory_space<vmem>>, vector<1x16xf32>,
      %get3A_2329 = vector.shape_cast %get3A_2328 : vector<1x16xf32> to vector<16xf32>
      %max3A_2330 = arith.maximumf %max3A_2324, %get3A_2329 : vector<16xf32>
      %get3A_2331 = arith.constant 12 : i32
      %get3A_2332 = arith.index_cast %get3A_2331 : i32 to index
      %get3A_2333 = arith.constant 80 : index
      %get3A_2334 = tpu.vector_load %arg8[%get3A_2332, %get3A_2333] {strides = array<i32>} : memref<16x128xf32, #tpu.memory_space<vmem>>, vector<1x16xf32>,
      %get3A_2335 = vector.shape_cast %get3A_2334 : vector<1x16xf32> to vector<16xf32>
      %max3A_2336 = arith.maximumf %max3A_2330, %get3A_2335 : vector<16xf32>
      %get3A_2337 = arith.constant 13 : i32
      %get3A_2338 = arith.index_cast %get3A_2337 : i32 to index
      %get3A_2339 = arith.constant 80 : index
      %get3A_2340 = tpu.vector_load %arg8[%get3A_2338, %get3A_2339] {strides = array<i32>} : memref<16x128xf32, #tpu.memory_space<vmem>>, vector<1x16xf32>,
      %get3A_2341 = vector.shape_cast %get3A_2340 : vector<1x16xf32> to vector<16xf32>
      %max3A_2342 = arith.maximumf %max3A_2336, %get3A_2341 : vector<16xf32>
      %get3A_2343 = arith.constant 14 : i32
      %get3A_2344 = arith.index_cast %get3A_2343 : i32 to index
      %get3A_2345 = arith.constant 80 : index
      %get3A_2346 = tpu.vector_load %arg8[%get3A_2344, %get3A_2345] {strides = array<i32>} : memref<16x128xf32, #tpu.memory_space<vmem>>, vector<1x16xf32>,
      %get3A_2347 = vector.shape_cast %get3A_2346 : vector<1x16xf32> to vector<16xf32>
      %max3A_2348 = arith.maximumf %max3A_2342, %get3A_2347 : vector<16xf32>
      %get3A_2349 = arith.constant 15 : i32
      %get3A_2350 = arith.index_cast %get3A_2349 : i32 to index
      %get3A_2351 = arith.constant 80 : index
      %get3A_2352 = tpu.vector_load %arg8[%get3A_2350, %get3A_2351] {strides = array<i32>} : memref<16x128xf32, #tpu.memory_space<vmem>>, vector<1x16xf32>,
      %get3A_2353 = vector.shape_cast %get3A_2352 : vector<1x16xf32> to vector<16xf32>
      %max3A_2354 = arith.maximumf %max3A_2348, %get3A_2353 : vector<16xf32>
      %max3A_2355 = arith.constant 0.000000e+00 : f32
      %max3A_2356 = vector.broadcast %max3A_2355 : f32 to vector<16xf32>
      %max3A_2357 = arith.maximumf %max3A_2354, %max3A_2356 : vector<16xf32>
      %swap3A_2358 = arith.index_cast %add3A_1738 : i32 to index
      %swap3A_2359 = arith.constant 80 : index
      %swap3A_2360 = tpu.vector_load %arg14[%swap3A_2358, %swap3A_2359] {strides = array<i32>} : memref<256x128xf32, #tpu.memory_space<vmem>>, vector<1x16xf32>,
      %swap3A_2361 = vector.shape_cast %swap3A_2360 : vector<1x16xf32> to vector<16xf32>
      %swap3A_2362 = vector.shape_cast %max3A_2357 : vector<16xf32> to vector<1x16xf32>
      tpu.vector_store %arg14[%swap3A_2358, %swap3A_2359], %swap3A_2362 {strides = array<i32>} : memref<256x128xf32, #tpu.memory_space<vmem>>, vector<1x16xf32>,
      %get3A_2363 = arith.constant 0 : i32
      %get3A_2364 = arith.index_cast %get3A_2363 : i32 to index
      %get3A_2365 = arith.constant 96 : index
      %get3A_2366 = tpu.vector_load %arg8[%get3A_2364, %get3A_2365] {strides = array<i32>} : memref<16x128xf32, #tpu.memory_space<vmem>>, vector<1x16xf32>,
      %get3A_2367 = vector.shape_cast %get3A_2366 : vector<1x16xf32> to vector<16xf32>
      %get3A_2368 = arith.constant 1 : i32
      %get3A_2369 = arith.index_cast %get3A_2368 : i32 to index
      %get3A_2370 = arith.constant 96 : index
      %get3A_2371 = tpu.vector_load %arg8[%get3A_2369, %get3A_2370] {strides = array<i32>} : memref<16x128xf32, #tpu.memory_space<vmem>>, vector<1x16xf32>,
      %get3A_2372 = vector.shape_cast %get3A_2371 : vector<1x16xf32> to vector<16xf32>
      %max3A_2373 = arith.maximumf %get3A_2367, %get3A_2372 : vector<16xf32>
      %get3A_2374 = arith.constant 2 : i32
      %get3A_2375 = arith.index_cast %get3A_2374 : i32 to index
      %get3A_2376 = arith.constant 96 : index
      %get3A_2377 = tpu.vector_load %arg8[%get3A_2375, %get3A_2376] {strides = array<i32>} : memref<16x128xf32, #tpu.memory_space<vmem>>, vector<1x16xf32>,
      %get3A_2378 = vector.shape_cast %get3A_2377 : vector<1x16xf32> to vector<16xf32>
      %max3A_2379 = arith.maximumf %max3A_2373, %get3A_2378 : vector<16xf32>
      %get3A_2380 = arith.constant 3 : i32
      %get3A_2381 = arith.index_cast %get3A_2380 : i32 to index
      %get3A_2382 = arith.constant 96 : index
      %get3A_2383 = tpu.vector_load %arg8[%get3A_2381, %get3A_2382] {strides = array<i32>} : memref<16x128xf32, #tpu.memory_space<vmem>>, vector<1x16xf32>,
      %get3A_2384 = vector.shape_cast %get3A_2383 : vector<1x16xf32> to vector<16xf32>
      %max3A_2385 = arith.maximumf %max3A_2379, %get3A_2384 : vector<16xf32>
      %get3A_2386 = arith.constant 4 : i32
      %get3A_2387 = arith.index_cast %get3A_2386 : i32 to index
      %get3A_2388 = arith.constant 96 : index
      %get3A_2389 = tpu.vector_load %arg8[%get3A_2387, %get3A_2388] {strides = array<i32>} : memref<16x128xf32, #tpu.memory_space<vmem>>, vector<1x16xf32>,
      %get3A_2390 = vector.shape_cast %get3A_2389 : vector<1x16xf32> to vector<16xf32>
      %max3A_2391 = arith.maximumf %max3A_2385, %get3A_2390 : vector<16xf32>
      %get3A_2392 = arith.constant 5 : i32
      %get3A_2393 = arith.index_cast %get3A_2392 : i32 to index
      %get3A_2394 = arith.constant 96 : index
      %get3A_2395 = tpu.vector_load %arg8[%get3A_2393, %get3A_2394] {strides = array<i32>} : memref<16x128xf32, #tpu.memory_space<vmem>>, vector<1x16xf32>,
      %get3A_2396 = vector.shape_cast %get3A_2395 : vector<1x16xf32> to vector<16xf32>
      %max3A_2397 = arith.maximumf %max3A_2391, %get3A_2396 : vector<16xf32>
      %get3A_2398 = arith.constant 6 : i32
      %get3A_2399 = arith.index_cast %get3A_2398 : i32 to index
      %get3A_2400 = arith.constant 96 : index
      %get3A_2401 = tpu.vector_load %arg8[%get3A_2399, %get3A_2400] {strides = array<i32>} : memref<16x128xf32, #tpu.memory_space<vmem>>, vector<1x16xf32>,
      %get3A_2402 = vector.shape_cast %get3A_2401 : vector<1x16xf32> to vector<16xf32>
      %max3A_2403 = arith.maximumf %max3A_2397, %get3A_2402 : vector<16xf32>
      %get3A_2404 = arith.constant 7 : i32
      %get3A_2405 = arith.index_cast %get3A_2404 : i32 to index
      %get3A_2406 = arith.constant 96 : index
      %get3A_2407 = tpu.vector_load %arg8[%get3A_2405, %get3A_2406] {strides = array<i32>} : memref<16x128xf32, #tpu.memory_space<vmem>>, vector<1x16xf32>,
      %get3A_2408 = vector.shape_cast %get3A_2407 : vector<1x16xf32> to vector<16xf32>
      %max3A_2409 = arith.maximumf %max3A_2403, %get3A_2408 : vector<16xf32>
      %get3A_2410 = arith.constant 8 : i32
      %get3A_2411 = arith.index_cast %get3A_2410 : i32 to index
      %get3A_2412 = arith.constant 96 : index
      %get3A_2413 = tpu.vector_load %arg8[%get3A_2411, %get3A_2412] {strides = array<i32>} : memref<16x128xf32, #tpu.memory_space<vmem>>, vector<1x16xf32>,
      %get3A_2414 = vector.shape_cast %get3A_2413 : vector<1x16xf32> to vector<16xf32>
      %max3A_2415 = arith.maximumf %max3A_2409, %get3A_2414 : vector<16xf32>
      %get3A_2416 = arith.constant 9 : i32
      %get3A_2417 = arith.index_cast %get3A_2416 : i32 to index
      %get3A_2418 = arith.constant 96 : index
      %get3A_2419 = tpu.vector_load %arg8[%get3A_2417, %get3A_2418] {strides = array<i32>} : memref<16x128xf32, #tpu.memory_space<vmem>>, vector<1x16xf32>,
      %get3A_2420 = vector.shape_cast %get3A_2419 : vector<1x16xf32> to vector<16xf32>
      %max3A_2421 = arith.maximumf %max3A_2415, %get3A_2420 : vector<16xf32>
      %get3A_2422 = arith.constant 10 : i32
      %get3A_2423 = arith.index_cast %get3A_2422 : i32 to index
      %get3A_2424 = arith.constant 96 : index
      %get3A_2425 = tpu.vector_load %arg8[%get3A_2423, %get3A_2424] {strides = array<i32>} : memref<16x128xf32, #tpu.memory_space<vmem>>, vector<1x16xf32>,
      %get3A_2426 = vector.shape_cast %get3A_2425 : vector<1x16xf32> to vector<16xf32>
      %max3A_2427 = arith.maximumf %max3A_2421, %get3A_2426 : vector<16xf32>
      %get3A_2428 = arith.constant 11 : i32
      %get3A_2429 = arith.index_cast %get3A_2428 : i32 to index
      %get3A_2430 = arith.constant 96 : index
      %get3A_2431 = tpu.vector_load %arg8[%get3A_2429, %get3A_2430] {strides = array<i32>} : memref<16x128xf32, #tpu.memory_space<vmem>>, vector<1x16xf32>,
      %get3A_2432 = vector.shape_cast %get3A_2431 : vector<1x16xf32> to vector<16xf32>
      %max3A_2433 = arith.maximumf %max3A_2427, %get3A_2432 : vector<16xf32>
      %get3A_2434 = arith.constant 12 : i32
      %get3A_2435 = arith.index_cast %get3A_2434 : i32 to index
      %get3A_2436 = arith.constant 96 : index
      %get3A_2437 = tpu.vector_load %arg8[%get3A_2435, %get3A_2436] {strides = array<i32>} : memref<16x128xf32, #tpu.memory_space<vmem>>, vector<1x16xf32>,
      %get3A_2438 = vector.shape_cast %get3A_2437 : vector<1x16xf32> to vector<16xf32>
      %max3A_2439 = arith.maximumf %max3A_2433, %get3A_2438 : vector<16xf32>
      %get3A_2440 = arith.constant 13 : i32
      %get3A_2441 = arith.index_cast %get3A_2440 : i32 to index
      %get3A_2442 = arith.constant 96 : index
      %get3A_2443 = tpu.vector_load %arg8[%get3A_2441, %get3A_2442] {strides = array<i32>} : memref<16x128xf32, #tpu.memory_space<vmem>>, vector<1x16xf32>,
      %get3A_2444 = vector.shape_cast %get3A_2443 : vector<1x16xf32> to vector<16xf32>
      %max3A_2445 = arith.maximumf %max3A_2439, %get3A_2444 : vector<16xf32>
      %get3A_2446 = arith.constant 14 : i32
      %get3A_2447 = arith.index_cast %get3A_2446 : i32 to index
      %get3A_2448 = arith.constant 96 : index
      %get3A_2449 = tpu.vector_load %arg8[%get3A_2447, %get3A_2448] {strides = array<i32>} : memref<16x128xf32, #tpu.memory_space<vmem>>, vector<1x16xf32>,
      %get3A_2450 = vector.shape_cast %get3A_2449 : vector<1x16xf32> to vector<16xf32>
      %max3A_2451 = arith.maximumf %max3A_2445, %get3A_2450 : vector<16xf32>
      %get3A_2452 = arith.constant 15 : i32
      %get3A_2453 = arith.index_cast %get3A_2452 : i32 to index
      %get3A_2454 = arith.constant 96 : index
      %get3A_2455 = tpu.vector_load %arg8[%get3A_2453, %get3A_2454] {strides = array<i32>} : memref<16x128xf32, #tpu.memory_space<vmem>>, vector<1x16xf32>,
      %get3A_2456 = vector.shape_cast %get3A_2455 : vector<1x16xf32> to vector<16xf32>
      %max3A_2457 = arith.maximumf %max3A_2451, %get3A_2456 : vector<16xf32>
      %max3A_2458 = arith.constant 0.000000e+00 : f32
      %max3A_2459 = vector.broadcast %max3A_2458 : f32 to vector<16xf32>
      %max3A_2460 = arith.maximumf %max3A_2457, %max3A_2459 : vector<16xf32>
      %swap3A_2461 = arith.index_cast %add3A_1738 : i32 to index
      %swap3A_2462 = arith.constant 96 : index
      %swap3A_2463 = tpu.vector_load %arg14[%swap3A_2461, %swap3A_2462] {strides = array<i32>} : memref<256x128xf32, #tpu.memory_space<vmem>>, vector<1x16xf32>,
      %swap3A_2464 = vector.shape_cast %swap3A_2463 : vector<1x16xf32> to vector<16xf32>
      %swap3A_2465 = vector.shape_cast %max3A_2460 : vector<16xf32> to vector<1x16xf32>
      tpu.vector_store %arg14[%swap3A_2461, %swap3A_2462], %swap3A_2465 {strides = array<i32>} : memref<256x128xf32, #tpu.memory_space<vmem>>, vector<1x16xf32>,
      %get3A_2466 = arith.constant 0 : i32
      %get3A_2467 = arith.index_cast %get3A_2466 : i32 to index
      %get3A_2468 = arith.constant 112 : index
      %get3A_2469 = tpu.vector_load %arg8[%get3A_2467, %get3A_2468] {strides = array<i32>} : memref<16x128xf32, #tpu.memory_space<vmem>>, vector<1x16xf32>,
      %get3A_2470 = vector.shape_cast %get3A_2469 : vector<1x16xf32> to vector<16xf32>
      %get3A_2471 = arith.constant 1 : i32
      %get3A_2472 = arith.index_cast %get3A_2471 : i32 to index
      %get3A_2473 = arith.constant 112 : index
      %get3A_2474 = tpu.vector_load %arg8[%get3A_2472, %get3A_2473] {strides = array<i32>} : memref<16x128xf32, #tpu.memory_space<vmem>>, vector<1x16xf32>,
      %get3A_2475 = vector.shape_cast %get3A_2474 : vector<1x16xf32> to vector<16xf32>
      %max3A_2476 = arith.maximumf %get3A_2470, %get3A_2475 : vector<16xf32>
      %get3A_2477 = arith.constant 2 : i32
      %get3A_2478 = arith.index_cast %get3A_2477 : i32 to index
      %get3A_2479 = arith.constant 112 : index
      %get3A_2480 = tpu.vector_load %arg8[%get3A_2478, %get3A_2479] {strides = array<i32>} : memref<16x128xf32, #tpu.memory_space<vmem>>, vector<1x16xf32>,
      %get3A_2481 = vector.shape_cast %get3A_2480 : vector<1x16xf32> to vector<16xf32>
      %max3A_2482 = arith.maximumf %max3A_2476, %get3A_2481 : vector<16xf32>
      %get3A_2483 = arith.constant 3 : i32
      %get3A_2484 = arith.index_cast %get3A_2483 : i32 to index
      %get3A_2485 = arith.constant 112 : index
      %get3A_2486 = tpu.vector_load %arg8[%get3A_2484, %get3A_2485] {strides = array<i32>} : memref<16x128xf32, #tpu.memory_space<vmem>>, vector<1x16xf32>,
      %get3A_2487 = vector.shape_cast %get3A_2486 : vector<1x16xf32> to vector<16xf32>
      %max3A_2488 = arith.maximumf %max3A_2482, %get3A_2487 : vector<16xf32>
      %get3A_2489 = arith.constant 4 : i32
      %get3A_2490 = arith.index_cast %get3A_2489 : i32 to index
      %get3A_2491 = arith.constant 112 : index
      %get3A_2492 = tpu.vector_load %arg8[%get3A_2490, %get3A_2491] {strides = array<i32>} : memref<16x128xf32, #tpu.memory_space<vmem>>, vector<1x16xf32>,
      %get3A_2493 = vector.shape_cast %get3A_2492 : vector<1x16xf32> to vector<16xf32>
      %max3A_2494 = arith.maximumf %max3A_2488, %get3A_2493 : vector<16xf32>
      %get3A_2495 = arith.constant 5 : i32
      %get3A_2496 = arith.index_cast %get3A_2495 : i32 to index
      %get3A_2497 = arith.constant 112 : index
      %get3A_2498 = tpu.vector_load %arg8[%get3A_2496, %get3A_2497] {strides = array<i32>} : memref<16x128xf32, #tpu.memory_space<vmem>>, vector<1x16xf32>,
      %get3A_2499 = vector.shape_cast %get3A_2498 : vector<1x16xf32> to vector<16xf32>
      %max3A_2500 = arith.maximumf %max3A_2494, %get3A_2499 : vector<16xf32>
      %get3A_2501 = arith.constant 6 : i32
      %get3A_2502 = arith.index_cast %get3A_2501 : i32 to index
      %get3A_2503 = arith.constant 112 : index
      %get3A_2504 = tpu.vector_load %arg8[%get3A_2502, %get3A_2503] {strides = array<i32>} : memref<16x128xf32, #tpu.memory_space<vmem>>, vector<1x16xf32>,
      %get3A_2505 = vector.shape_cast %get3A_2504 : vector<1x16xf32> to vector<16xf32>
      %max3A_2506 = arith.maximumf %max3A_2500, %get3A_2505 : vector<16xf32>
      %get3A_2507 = arith.constant 7 : i32
      %get3A_2508 = arith.index_cast %get3A_2507 : i32 to index
      %get3A_2509 = arith.constant 112 : index
      %get3A_2510 = tpu.vector_load %arg8[%get3A_2508, %get3A_2509] {strides = array<i32>} : memref<16x128xf32, #tpu.memory_space<vmem>>, vector<1x16xf32>,
      %get3A_2511 = vector.shape_cast %get3A_2510 : vector<1x16xf32> to vector<16xf32>
      %max3A_2512 = arith.maximumf %max3A_2506, %get3A_2511 : vector<16xf32>
      %get3A_2513 = arith.constant 8 : i32
      %get3A_2514 = arith.index_cast %get3A_2513 : i32 to index
      %get3A_2515 = arith.constant 112 : index
      %get3A_2516 = tpu.vector_load %arg8[%get3A_2514, %get3A_2515] {strides = array<i32>} : memref<16x128xf32, #tpu.memory_space<vmem>>, vector<1x16xf32>,
      %get3A_2517 = vector.shape_cast %get3A_2516 : vector<1x16xf32> to vector<16xf32>
      %max3A_2518 = arith.maximumf %max3A_2512, %get3A_2517 : vector<16xf32>
      %get3A_2519 = arith.constant 9 : i32
      %get3A_2520 = arith.index_cast %get3A_2519 : i32 to index
      %get3A_2521 = arith.constant 112 : index
      %get3A_2522 = tpu.vector_load %arg8[%get3A_2520, %get3A_2521] {strides = array<i32>} : memref<16x128xf32, #tpu.memory_space<vmem>>, vector<1x16xf32>,
      %get3A_2523 = vector.shape_cast %get3A_2522 : vector<1x16xf32> to vector<16xf32>
      %max3A_2524 = arith.maximumf %max3A_2518, %get3A_2523 : vector<16xf32>
      %get3A_2525 = arith.constant 10 : i32
      %get3A_2526 = arith.index_cast %get3A_2525 : i32 to index
      %get3A_2527 = arith.constant 112 : index
      %get3A_2528 = tpu.vector_load %arg8[%get3A_2526, %get3A_2527] {strides = array<i32>} : memref<16x128xf32, #tpu.memory_space<vmem>>, vector<1x16xf32>,
      %get3A_2529 = vector.shape_cast %get3A_2528 : vector<1x16xf32> to vector<16xf32>
      %max3A_2530 = arith.maximumf %max3A_2524, %get3A_2529 : vector<16xf32>
      %get3A_2531 = arith.constant 11 : i32
      %get3A_2532 = arith.index_cast %get3A_2531 : i32 to index
      %get3A_2533 = arith.constant 112 : index
      %get3A_2534 = tpu.vector_load %arg8[%get3A_2532, %get3A_2533] {strides = array<i32>} : memref<16x128xf32, #tpu.memory_space<vmem>>, vector<1x16xf32>,
      %get3A_2535 = vector.shape_cast %get3A_2534 : vector<1x16xf32> to vector<16xf32>
      %max3A_2536 = arith.maximumf %max3A_2530, %get3A_2535 : vector<16xf32>
      %get3A_2537 = arith.constant 12 : i32
      %get3A_2538 = arith.index_cast %get3A_2537 : i32 to index
      %get3A_2539 = arith.constant 112 : index
      %get3A_2540 = tpu.vector_load %arg8[%get3A_2538, %get3A_2539] {strides = array<i32>} : memref<16x128xf32, #tpu.memory_space<vmem>>, vector<1x16xf32>,
      %get3A_2541 = vector.shape_cast %get3A_2540 : vector<1x16xf32> to vector<16xf32>
      %max3A_2542 = arith.maximumf %max3A_2536, %get3A_2541 : vector<16xf32>
      %get3A_2543 = arith.constant 13 : i32
      %get3A_2544 = arith.index_cast %get3A_2543 : i32 to index
      %get3A_2545 = arith.constant 112 : index
      %get3A_2546 = tpu.vector_load %arg8[%get3A_2544, %get3A_2545] {strides = array<i32>} : memref<16x128xf32, #tpu.memory_space<vmem>>, vector<1x16xf32>,
      %get3A_2547 = vector.shape_cast %get3A_2546 : vector<1x16xf32> to vector<16xf32>
      %max3A_2548 = arith.maximumf %max3A_2542, %get3A_2547 : vector<16xf32>
      %get3A_2549 = arith.constant 14 : i32
      %get3A_2550 = arith.index_cast %get3A_2549 : i32 to index
      %get3A_2551 = arith.constant 112 : index
      %get3A_2552 = tpu.vector_load %arg8[%get3A_2550, %get3A_2551] {strides = array<i32>} : memref<16x128xf32, #tpu.memory_space<vmem>>, vector<1x16xf32>,
      %get3A_2553 = vector.shape_cast %get3A_2552 : vector<1x16xf32> to vector<16xf32>
      %max3A_2554 = arith.maximumf %max3A_2548, %get3A_2553 : vector<16xf32>
      %get3A_2555 = arith.constant 15 : i32
      %get3A_2556 = arith.index_cast %get3A_2555 : i32 to index
      %get3A_2557 = arith.constant 112 : index
      %get3A_2558 = tpu.vector_load %arg8[%get3A_2556, %get3A_2557] {strides = array<i32>} : memref<16x128xf32, #tpu.memory_space<vmem>>, vector<1x16xf32>,
      %get3A_2559 = vector.shape_cast %get3A_2558 : vector<1x16xf32> to vector<16xf32>
      %max3A_2560 = arith.maximumf %max3A_2554, %get3A_2559 : vector<16xf32>
      %max3A_2561 = arith.constant 0.000000e+00 : f32
      %max3A_2562 = vector.broadcast %max3A_2561 : f32 to vector<16xf32>
      %max3A_2563 = arith.maximumf %max3A_2560, %max3A_2562 : vector<16xf32>
      %swap3A_2564 = arith.index_cast %add3A_1738 : i32 to index
      %swap3A_2565 = arith.constant 112 : index
      %swap3A_2566 = tpu.vector_load %arg14[%swap3A_2564, %swap3A_2565] {strides = array<i32>} : memref<256x128xf32, #tpu.memory_space<vmem>>, vector<1x16xf32>,
      %swap3A_2567 = vector.shape_cast %swap3A_2566 : vector<1x16xf32> to vector<16xf32>
      %swap3A_2568 = vector.shape_cast %max3A_2563 : vector<16xf32> to vector<1x16xf32>
      tpu.vector_store %arg14[%swap3A_2564, %swap3A_2565], %swap3A_2568 {strides = array<i32>} : memref<256x128xf32, #tpu.memory_space<vmem>>, vector<1x16xf32>,
      %add3A_2569 = arith.constant 4 : i32
      %add3A_2570 = arith.addi %add3A_1738, %add3A_2569 : i32
      %lt3A_2571 = arith.constant 256 : i32
      %lt3A_2572 = arith.cmpi slt, %add3A_2570, %lt3A_2571 : i32
      %convert_element_type3A_2573 = arith.extui %lt3A_2572 : i1 to i32
      %cond3A_2574 = arith.constant 0 : i32
      %cond3A_2575 = arith.cmpi ne, %convert_element_type3A_2573, %cond3A_2574 : i32
      scf.if %cond3A_2575 {
        %add3A_3417 = arith.constant 4 : i32
        %add3A_3418 = arith.addi %add3A_1738, %add3A_3417 : i32
        %mul3A_3419 = arith.constant 16 : i32
        %mul3A_3420 = arith.muli %add3A_3418, %mul3A_3419 : i32
        %get3A_3421 = arith.index_cast %mul3A_3420 : i32 to index
        %get3A_3422 = tpu.vector_load %arg5[%get3A_3421] {strides = array<i32>} : memref<4096xi32, #tpu.memory_space<vmem>>, vector<16xi32>,
        %get3A_3423 = vector.shape_cast %get3A_3422 : vector<16xi32> to vector<16xi32>
        %add3A_3424 = vector.broadcast %mul3A_20 : i32 to vector<16xi32>
        %add3A_3425 = arith.addi %get3A_3423, %add3A_3424 : vector<16xi32>
        %dma_start3A_3426 = arith.constant 0 : i32
        %dma_start3A_3427 = arith.constant 0 : i32
        %dma_start3A_3428 = tpu.memref_slice %arg2[%dma_start3A_3426, %dma_start3A_3427] : memref<32768x128xf32, #tpu.memory_space<hbm>> -> memref<32768x128xf32, #tpu.memory_space<hbm>>
        tpu.enqueue_indirect_dma source(%dma_start3A_3428 : memref<32768x128xf32, #tpu.memory_space<hbm>>) target(%arg8 : memref<16x128xf32, #tpu.memory_space<vmem>>) offsets(%add3A_3425 : vector<16xi32>) semaphore(%arg12 : memref<!tpu.dma_semaphore, #tpu.memory_space<semaphore_mem>>)
      } else {
      }
      %mul3A_2576 = arith.constant 4 : i32
      %mul3A_2577 = arith.muli %scan3A_58, %mul3A_2576 : i32
      %add3A_2578 = arith.constant 3 : i32
      %add3A_2579 = arith.addi %mul3A_2577, %add3A_2578 : i32
      %dma_wait3A_2580 = arith.constant 0 : i32
      %dma_wait3A_2581 = arith.constant 0 : i32
      %dma_wait3A_2582 = tpu.memref_slice %arg2[%dma_wait3A_2580, %dma_wait3A_2581] : memref<32768x128xf32, #tpu.memory_space<hbm>> -> memref<16x128xf32, #tpu.memory_space<hbm>>
      %dma_wait3A_2583 = arith.constant 0 : i32
      %dma_wait3A_2584 = arith.constant 0 : i32
      %dma_wait3A_2585 = tpu.memref_slice %arg2[%dma_wait3A_2583, %dma_wait3A_2584] : memref<32768x128xf32, #tpu.memory_space<hbm>> -> memref<16x128xf32, #tpu.memory_space<hbm>>
      tpu.wait_dma2 semaphore(%arg13 : memref<!tpu.dma_semaphore, #tpu.memory_space<semaphore_mem>>) src(%dma_wait3A_2585 : memref<16x128xf32, #tpu.memory_space<hbm>>) dst(%arg9 : memref<16x128xf32, #tpu.memory_space<vmem>>)
      %get3A_2586 = arith.constant 0 : i32
      %get3A_2587 = arith.index_cast %get3A_2586 : i32 to index
      %get3A_2588 = arith.constant 0 : index
      %get3A_2589 = tpu.vector_load %arg9[%get3A_2587, %get3A_2588] {strides = array<i32>} : memref<16x128xf32, #tpu.memory_space<vmem>>, vector<1x16xf32>,
      %get3A_2590 = vector.shape_cast %get3A_2589 : vector<1x16xf32> to vector<16xf32>
      %get3A_2591 = arith.constant 1 : i32
      %get3A_2592 = arith.index_cast %get3A_2591 : i32 to index
      %get3A_2593 = arith.constant 0 : index
      %get3A_2594 = tpu.vector_load %arg9[%get3A_2592, %get3A_2593] {strides = array<i32>} : memref<16x128xf32, #tpu.memory_space<vmem>>, vector<1x16xf32>,
      %get3A_2595 = vector.shape_cast %get3A_2594 : vector<1x16xf32> to vector<16xf32>
      %max3A_2596 = arith.maximumf %get3A_2590, %get3A_2595 : vector<16xf32>
      %get3A_2597 = arith.constant 2 : i32
      %get3A_2598 = arith.index_cast %get3A_2597 : i32 to index
      %get3A_2599 = arith.constant 0 : index
      %get3A_2600 = tpu.vector_load %arg9[%get3A_2598, %get3A_2599] {strides = array<i32>} : memref<16x128xf32, #tpu.memory_space<vmem>>, vector<1x16xf32>,
      %get3A_2601 = vector.shape_cast %get3A_2600 : vector<1x16xf32> to vector<16xf32>
      %max3A_2602 = arith.maximumf %max3A_2596, %get3A_2601 : vector<16xf32>
      %get3A_2603 = arith.constant 3 : i32
      %get3A_2604 = arith.index_cast %get3A_2603 : i32 to index
      %get3A_2605 = arith.constant 0 : index
      %get3A_2606 = tpu.vector_load %arg9[%get3A_2604, %get3A_2605] {strides = array<i32>} : memref<16x128xf32, #tpu.memory_space<vmem>>, vector<1x16xf32>,
      %get3A_2607 = vector.shape_cast %get3A_2606 : vector<1x16xf32> to vector<16xf32>
      %max3A_2608 = arith.maximumf %max3A_2602, %get3A_2607 : vector<16xf32>
      %get3A_2609 = arith.constant 4 : i32
      %get3A_2610 = arith.index_cast %get3A_2609 : i32 to index
      %get3A_2611 = arith.constant 0 : index
      %get3A_2612 = tpu.vector_load %arg9[%get3A_2610, %get3A_2611] {strides = array<i32>} : memref<16x128xf32, #tpu.memory_space<vmem>>, vector<1x16xf32>,
      %get3A_2613 = vector.shape_cast %get3A_2612 : vector<1x16xf32> to vector<16xf32>
      %max3A_2614 = arith.maximumf %max3A_2608, %get3A_2613 : vector<16xf32>
      %get3A_2615 = arith.constant 5 : i32
      %get3A_2616 = arith.index_cast %get3A_2615 : i32 to index
      %get3A_2617 = arith.constant 0 : index
      %get3A_2618 = tpu.vector_load %arg9[%get3A_2616, %get3A_2617] {strides = array<i32>} : memref<16x128xf32, #tpu.memory_space<vmem>>, vector<1x16xf32>,
      %get3A_2619 = vector.shape_cast %get3A_2618 : vector<1x16xf32> to vector<16xf32>
      %max3A_2620 = arith.maximumf %max3A_2614, %get3A_2619 : vector<16xf32>
      %get3A_2621 = arith.constant 6 : i32
      %get3A_2622 = arith.index_cast %get3A_2621 : i32 to index
      %get3A_2623 = arith.constant 0 : index
      %get3A_2624 = tpu.vector_load %arg9[%get3A_2622, %get3A_2623] {strides = array<i32>} : memref<16x128xf32, #tpu.memory_space<vmem>>, vector<1x16xf32>,
      %get3A_2625 = vector.shape_cast %get3A_2624 : vector<1x16xf32> to vector<16xf32>
      %max3A_2626 = arith.maximumf %max3A_2620, %get3A_2625 : vector<16xf32>
      %get3A_2627 = arith.constant 7 : i32
      %get3A_2628 = arith.index_cast %get3A_2627 : i32 to index
      %get3A_2629 = arith.constant 0 : index
      %get3A_2630 = tpu.vector_load %arg9[%get3A_2628, %get3A_2629] {strides = array<i32>} : memref<16x128xf32, #tpu.memory_space<vmem>>, vector<1x16xf32>,
      %get3A_2631 = vector.shape_cast %get3A_2630 : vector<1x16xf32> to vector<16xf32>
      %max3A_2632 = arith.maximumf %max3A_2626, %get3A_2631 : vector<16xf32>
      %get3A_2633 = arith.constant 8 : i32
      %get3A_2634 = arith.index_cast %get3A_2633 : i32 to index
      %get3A_2635 = arith.constant 0 : index
      %get3A_2636 = tpu.vector_load %arg9[%get3A_2634, %get3A_2635] {strides = array<i32>} : memref<16x128xf32, #tpu.memory_space<vmem>>, vector<1x16xf32>,
      %get3A_2637 = vector.shape_cast %get3A_2636 : vector<1x16xf32> to vector<16xf32>
      %max3A_2638 = arith.maximumf %max3A_2632, %get3A_2637 : vector<16xf32>
      %get3A_2639 = arith.constant 9 : i32
      %get3A_2640 = arith.index_cast %get3A_2639 : i32 to index
      %get3A_2641 = arith.constant 0 : index
      %get3A_2642 = tpu.vector_load %arg9[%get3A_2640, %get3A_2641] {strides = array<i32>} : memref<16x128xf32, #tpu.memory_space<vmem>>, vector<1x16xf32>,
      %get3A_2643 = vector.shape_cast %get3A_2642 : vector<1x16xf32> to vector<16xf32>
      %max3A_2644 = arith.maximumf %max3A_2638, %get3A_2643 : vector<16xf32>
      %get3A_2645 = arith.constant 10 : i32
      %get3A_2646 = arith.index_cast %get3A_2645 : i32 to index
      %get3A_2647 = arith.constant 0 : index
      %get3A_2648 = tpu.vector_load %arg9[%get3A_2646, %get3A_2647] {strides = array<i32>} : memref<16x128xf32, #tpu.memory_space<vmem>>, vector<1x16xf32>,
      %get3A_2649 = vector.shape_cast %get3A_2648 : vector<1x16xf32> to vector<16xf32>
      %max3A_2650 = arith.maximumf %max3A_2644, %get3A_2649 : vector<16xf32>
      %get3A_2651 = arith.constant 11 : i32
      %get3A_2652 = arith.index_cast %get3A_2651 : i32 to index
      %get3A_2653 = arith.constant 0 : index
      %get3A_2654 = tpu.vector_load %arg9[%get3A_2652, %get3A_2653] {strides = array<i32>} : memref<16x128xf32, #tpu.memory_space<vmem>>, vector<1x16xf32>,
      %get3A_2655 = vector.shape_cast %get3A_2654 : vector<1x16xf32> to vector<16xf32>
      %max3A_2656 = arith.maximumf %max3A_2650, %get3A_2655 : vector<16xf32>
      %get3A_2657 = arith.constant 12 : i32
      %get3A_2658 = arith.index_cast %get3A_2657 : i32 to index
      %get3A_2659 = arith.constant 0 : index
      %get3A_2660 = tpu.vector_load %arg9[%get3A_2658, %get3A_2659] {strides = array<i32>} : memref<16x128xf32, #tpu.memory_space<vmem>>, vector<1x16xf32>,
      %get3A_2661 = vector.shape_cast %get3A_2660 : vector<1x16xf32> to vector<16xf32>
      %max3A_2662 = arith.maximumf %max3A_2656, %get3A_2661 : vector<16xf32>
      %get3A_2663 = arith.constant 13 : i32
      %get3A_2664 = arith.index_cast %get3A_2663 : i32 to index
      %get3A_2665 = arith.constant 0 : index
      %get3A_2666 = tpu.vector_load %arg9[%get3A_2664, %get3A_2665] {strides = array<i32>} : memref<16x128xf32, #tpu.memory_space<vmem>>, vector<1x16xf32>,
      %get3A_2667 = vector.shape_cast %get3A_2666 : vector<1x16xf32> to vector<16xf32>
      %max3A_2668 = arith.maximumf %max3A_2662, %get3A_2667 : vector<16xf32>
      %get3A_2669 = arith.constant 14 : i32
      %get3A_2670 = arith.index_cast %get3A_2669 : i32 to index
      %get3A_2671 = arith.constant 0 : index
      %get3A_2672 = tpu.vector_load %arg9[%get3A_2670, %get3A_2671] {strides = array<i32>} : memref<16x128xf32, #tpu.memory_space<vmem>>, vector<1x16xf32>,
      %get3A_2673 = vector.shape_cast %get3A_2672 : vector<1x16xf32> to vector<16xf32>
      %max3A_2674 = arith.maximumf %max3A_2668, %get3A_2673 : vector<16xf32>
      %get3A_2675 = arith.constant 15 : i32
      %get3A_2676 = arith.index_cast %get3A_2675 : i32 to index
      %get3A_2677 = arith.constant 0 : index
      %get3A_2678 = tpu.vector_load %arg9[%get3A_2676, %get3A_2677] {strides = array<i32>} : memref<16x128xf32, #tpu.memory_space<vmem>>, vector<1x16xf32>,
      %get3A_2679 = vector.shape_cast %get3A_2678 : vector<1x16xf32> to vector<16xf32>
      %max3A_2680 = arith.maximumf %max3A_2674, %get3A_2679 : vector<16xf32>
      %max3A_2681 = arith.constant 0.000000e+00 : f32
      %max3A_2682 = vector.broadcast %max3A_2681 : f32 to vector<16xf32>
      %max3A_2683 = arith.maximumf %max3A_2680, %max3A_2682 : vector<16xf32>
      %swap3A_2684 = arith.index_cast %add3A_2579 : i32 to index
      %swap3A_2685 = arith.constant 0 : index
      %swap3A_2686 = tpu.vector_load %arg14[%swap3A_2684, %swap3A_2685] {strides = array<i32>} : memref<256x128xf32, #tpu.memory_space<vmem>>, vector<1x16xf32>,
      %swap3A_2687 = vector.shape_cast %swap3A_2686 : vector<1x16xf32> to vector<16xf32>
      %swap3A_2688 = vector.shape_cast %max3A_2683 : vector<16xf32> to vector<1x16xf32>
      tpu.vector_store %arg14[%swap3A_2684, %swap3A_2685], %swap3A_2688 {strides = array<i32>} : memref<256x128xf32, #tpu.memory_space<vmem>>, vector<1x16xf32>,
      %get3A_2689 = arith.constant 0 : i32
      %get3A_2690 = arith.index_cast %get3A_2689 : i32 to index
      %get3A_2691 = arith.constant 16 : index
      %get3A_2692 = tpu.vector_load %arg9[%get3A_2690, %get3A_2691] {strides = array<i32>} : memref<16x128xf32, #tpu.memory_space<vmem>>, vector<1x16xf32>,
      %get3A_2693 = vector.shape_cast %get3A_2692 : vector<1x16xf32> to vector<16xf32>
      %get3A_2694 = arith.constant 1 : i32
      %get3A_2695 = arith.index_cast %get3A_2694 : i32 to index
      %get3A_2696 = arith.constant 16 : index
      %get3A_2697 = tpu.vector_load %arg9[%get3A_2695, %get3A_2696] {strides = array<i32>} : memref<16x128xf32, #tpu.memory_space<vmem>>, vector<1x16xf32>,
      %get3A_2698 = vector.shape_cast %get3A_2697 : vector<1x16xf32> to vector<16xf32>
      %max3A_2699 = arith.maximumf %get3A_2693, %get3A_2698 : vector<16xf32>
      %get3A_2700 = arith.constant 2 : i32
      %get3A_2701 = arith.index_cast %get3A_2700 : i32 to index
      %get3A_2702 = arith.constant 16 : index
      %get3A_2703 = tpu.vector_load %arg9[%get3A_2701, %get3A_2702] {strides = array<i32>} : memref<16x128xf32, #tpu.memory_space<vmem>>, vector<1x16xf32>,
      %get3A_2704 = vector.shape_cast %get3A_2703 : vector<1x16xf32> to vector<16xf32>
      %max3A_2705 = arith.maximumf %max3A_2699, %get3A_2704 : vector<16xf32>
      %get3A_2706 = arith.constant 3 : i32
      %get3A_2707 = arith.index_cast %get3A_2706 : i32 to index
      %get3A_2708 = arith.constant 16 : index
      %get3A_2709 = tpu.vector_load %arg9[%get3A_2707, %get3A_2708] {strides = array<i32>} : memref<16x128xf32, #tpu.memory_space<vmem>>, vector<1x16xf32>,
      %get3A_2710 = vector.shape_cast %get3A_2709 : vector<1x16xf32> to vector<16xf32>
      %max3A_2711 = arith.maximumf %max3A_2705, %get3A_2710 : vector<16xf32>
      %get3A_2712 = arith.constant 4 : i32
      %get3A_2713 = arith.index_cast %get3A_2712 : i32 to index
      %get3A_2714 = arith.constant 16 : index
      %get3A_2715 = tpu.vector_load %arg9[%get3A_2713, %get3A_2714] {strides = array<i32>} : memref<16x128xf32, #tpu.memory_space<vmem>>, vector<1x16xf32>,
      %get3A_2716 = vector.shape_cast %get3A_2715 : vector<1x16xf32> to vector<16xf32>
      %max3A_2717 = arith.maximumf %max3A_2711, %get3A_2716 : vector<16xf32>
      %get3A_2718 = arith.constant 5 : i32
      %get3A_2719 = arith.index_cast %get3A_2718 : i32 to index
      %get3A_2720 = arith.constant 16 : index
      %get3A_2721 = tpu.vector_load %arg9[%get3A_2719, %get3A_2720] {strides = array<i32>} : memref<16x128xf32, #tpu.memory_space<vmem>>, vector<1x16xf32>,
      %get3A_2722 = vector.shape_cast %get3A_2721 : vector<1x16xf32> to vector<16xf32>
      %max3A_2723 = arith.maximumf %max3A_2717, %get3A_2722 : vector<16xf32>
      %get3A_2724 = arith.constant 6 : i32
      %get3A_2725 = arith.index_cast %get3A_2724 : i32 to index
      %get3A_2726 = arith.constant 16 : index
      %get3A_2727 = tpu.vector_load %arg9[%get3A_2725, %get3A_2726] {strides = array<i32>} : memref<16x128xf32, #tpu.memory_space<vmem>>, vector<1x16xf32>,
      %get3A_2728 = vector.shape_cast %get3A_2727 : vector<1x16xf32> to vector<16xf32>
      %max3A_2729 = arith.maximumf %max3A_2723, %get3A_2728 : vector<16xf32>
      %get3A_2730 = arith.constant 7 : i32
      %get3A_2731 = arith.index_cast %get3A_2730 : i32 to index
      %get3A_2732 = arith.constant 16 : index
      %get3A_2733 = tpu.vector_load %arg9[%get3A_2731, %get3A_2732] {strides = array<i32>} : memref<16x128xf32, #tpu.memory_space<vmem>>, vector<1x16xf32>,
      %get3A_2734 = vector.shape_cast %get3A_2733 : vector<1x16xf32> to vector<16xf32>
      %max3A_2735 = arith.maximumf %max3A_2729, %get3A_2734 : vector<16xf32>
      %get3A_2736 = arith.constant 8 : i32
      %get3A_2737 = arith.index_cast %get3A_2736 : i32 to index
      %get3A_2738 = arith.constant 16 : index
      %get3A_2739 = tpu.vector_load %arg9[%get3A_2737, %get3A_2738] {strides = array<i32>} : memref<16x128xf32, #tpu.memory_space<vmem>>, vector<1x16xf32>,
      %get3A_2740 = vector.shape_cast %get3A_2739 : vector<1x16xf32> to vector<16xf32>
      %max3A_2741 = arith.maximumf %max3A_2735, %get3A_2740 : vector<16xf32>
      %get3A_2742 = arith.constant 9 : i32
      %get3A_2743 = arith.index_cast %get3A_2742 : i32 to index
      %get3A_2744 = arith.constant 16 : index
      %get3A_2745 = tpu.vector_load %arg9[%get3A_2743, %get3A_2744] {strides = array<i32>} : memref<16x128xf32, #tpu.memory_space<vmem>>, vector<1x16xf32>,
      %get3A_2746 = vector.shape_cast %get3A_2745 : vector<1x16xf32> to vector<16xf32>
      %max3A_2747 = arith.maximumf %max3A_2741, %get3A_2746 : vector<16xf32>
      %get3A_2748 = arith.constant 10 : i32
      %get3A_2749 = arith.index_cast %get3A_2748 : i32 to index
      %get3A_2750 = arith.constant 16 : index
      %get3A_2751 = tpu.vector_load %arg9[%get3A_2749, %get3A_2750] {strides = array<i32>} : memref<16x128xf32, #tpu.memory_space<vmem>>, vector<1x16xf32>,
      %get3A_2752 = vector.shape_cast %get3A_2751 : vector<1x16xf32> to vector<16xf32>
      %max3A_2753 = arith.maximumf %max3A_2747, %get3A_2752 : vector<16xf32>
      %get3A_2754 = arith.constant 11 : i32
      %get3A_2755 = arith.index_cast %get3A_2754 : i32 to index
      %get3A_2756 = arith.constant 16 : index
      %get3A_2757 = tpu.vector_load %arg9[%get3A_2755, %get3A_2756] {strides = array<i32>} : memref<16x128xf32, #tpu.memory_space<vmem>>, vector<1x16xf32>,
      %get3A_2758 = vector.shape_cast %get3A_2757 : vector<1x16xf32> to vector<16xf32>
      %max3A_2759 = arith.maximumf %max3A_2753, %get3A_2758 : vector<16xf32>
      %get3A_2760 = arith.constant 12 : i32
      %get3A_2761 = arith.index_cast %get3A_2760 : i32 to index
      %get3A_2762 = arith.constant 16 : index
      %get3A_2763 = tpu.vector_load %arg9[%get3A_2761, %get3A_2762] {strides = array<i32>} : memref<16x128xf32, #tpu.memory_space<vmem>>, vector<1x16xf32>,
      %get3A_2764 = vector.shape_cast %get3A_2763 : vector<1x16xf32> to vector<16xf32>
      %max3A_2765 = arith.maximumf %max3A_2759, %get3A_2764 : vector<16xf32>
      %get3A_2766 = arith.constant 13 : i32
      %get3A_2767 = arith.index_cast %get3A_2766 : i32 to index
      %get3A_2768 = arith.constant 16 : index
      %get3A_2769 = tpu.vector_load %arg9[%get3A_2767, %get3A_2768] {strides = array<i32>} : memref<16x128xf32, #tpu.memory_space<vmem>>, vector<1x16xf32>,
      %get3A_2770 = vector.shape_cast %get3A_2769 : vector<1x16xf32> to vector<16xf32>
      %max3A_2771 = arith.maximumf %max3A_2765, %get3A_2770 : vector<16xf32>
      %get3A_2772 = arith.constant 14 : i32
      %get3A_2773 = arith.index_cast %get3A_2772 : i32 to index
      %get3A_2774 = arith.constant 16 : index
      %get3A_2775 = tpu.vector_load %arg9[%get3A_2773, %get3A_2774] {strides = array<i32>} : memref<16x128xf32, #tpu.memory_space<vmem>>, vector<1x16xf32>,
      %get3A_2776 = vector.shape_cast %get3A_2775 : vector<1x16xf32> to vector<16xf32>
      %max3A_2777 = arith.maximumf %max3A_2771, %get3A_2776 : vector<16xf32>
      %get3A_2778 = arith.constant 15 : i32
      %get3A_2779 = arith.index_cast %get3A_2778 : i32 to index
      %get3A_2780 = arith.constant 16 : index
      %get3A_2781 = tpu.vector_load %arg9[%get3A_2779, %get3A_2780] {strides = array<i32>} : memref<16x128xf32, #tpu.memory_space<vmem>>, vector<1x16xf32>,
      %get3A_2782 = vector.shape_cast %get3A_2781 : vector<1x16xf32> to vector<16xf32>
      %max3A_2783 = arith.maximumf %max3A_2777, %get3A_2782 : vector<16xf32>
      %max3A_2784 = arith.constant 0.000000e+00 : f32
      %max3A_2785 = vector.broadcast %max3A_2784 : f32 to vector<16xf32>
      %max3A_2786 = arith.maximumf %max3A_2783, %max3A_2785 : vector<16xf32>
      %swap3A_2787 = arith.index_cast %add3A_2579 : i32 to index
      %swap3A_2788 = arith.constant 16 : index
      %swap3A_2789 = tpu.vector_load %arg14[%swap3A_2787, %swap3A_2788] {strides = array<i32>} : memref<256x128xf32, #tpu.memory_space<vmem>>, vector<1x16xf32>,
      %swap3A_2790 = vector.shape_cast %swap3A_2789 : vector<1x16xf32> to vector<16xf32>
      %swap3A_2791 = vector.shape_cast %max3A_2786 : vector<16xf32> to vector<1x16xf32>
      tpu.vector_store %arg14[%swap3A_2787, %swap3A_2788], %swap3A_2791 {strides = array<i32>} : memref<256x128xf32, #tpu.memory_space<vmem>>, vector<1x16xf32>,
      %get3A_2792 = arith.constant 0 : i32
      %get3A_2793 = arith.index_cast %get3A_2792 : i32 to index
      %get3A_2794 = arith.constant 32 : index
      %get3A_2795 = tpu.vector_load %arg9[%get3A_2793, %get3A_2794] {strides = array<i32>} : memref<16x128xf32, #tpu.memory_space<vmem>>, vector<1x16xf32>,
      %get3A_2796 = vector.shape_cast %get3A_2795 : vector<1x16xf32> to vector<16xf32>
      %get3A_2797 = arith.constant 1 : i32
      %get3A_2798 = arith.index_cast %get3A_2797 : i32 to index
      %get3A_2799 = arith.constant 32 : index
      %get3A_2800 = tpu.vector_load %arg9[%get3A_2798, %get3A_2799] {strides = array<i32>} : memref<16x128xf32, #tpu.memory_space<vmem>>, vector<1x16xf32>,
      %get3A_2801 = vector.shape_cast %get3A_2800 : vector<1x16xf32> to vector<16xf32>
      %max3A_2802 = arith.maximumf %get3A_2796, %get3A_2801 : vector<16xf32>
      %get3A_2803 = arith.constant 2 : i32
      %get3A_2804 = arith.index_cast %get3A_2803 : i32 to index
      %get3A_2805 = arith.constant 32 : index
      %get3A_2806 = tpu.vector_load %arg9[%get3A_2804, %get3A_2805] {strides = array<i32>} : memref<16x128xf32, #tpu.memory_space<vmem>>, vector<1x16xf32>,
      %get3A_2807 = vector.shape_cast %get3A_2806 : vector<1x16xf32> to vector<16xf32>
      %max3A_2808 = arith.maximumf %max3A_2802, %get3A_2807 : vector<16xf32>
      %get3A_2809 = arith.constant 3 : i32
      %get3A_2810 = arith.index_cast %get3A_2809 : i32 to index
      %get3A_2811 = arith.constant 32 : index
      %get3A_2812 = tpu.vector_load %arg9[%get3A_2810, %get3A_2811] {strides = array<i32>} : memref<16x128xf32, #tpu.memory_space<vmem>>, vector<1x16xf32>,
      %get3A_2813 = vector.shape_cast %get3A_2812 : vector<1x16xf32> to vector<16xf32>
      %max3A_2814 = arith.maximumf %max3A_2808, %get3A_2813 : vector<16xf32>
      %get3A_2815 = arith.constant 4 : i32
      %get3A_2816 = arith.index_cast %get3A_2815 : i32 to index
      %get3A_2817 = arith.constant 32 : index
      %get3A_2818 = tpu.vector_load %arg9[%get3A_2816, %get3A_2817] {strides = array<i32>} : memref<16x128xf32, #tpu.memory_space<vmem>>, vector<1x16xf32>,
      %get3A_2819 = vector.shape_cast %get3A_2818 : vector<1x16xf32> to vector<16xf32>
      %max3A_2820 = arith.maximumf %max3A_2814, %get3A_2819 : vector<16xf32>
      %get3A_2821 = arith.constant 5 : i32
      %get3A_2822 = arith.index_cast %get3A_2821 : i32 to index
      %get3A_2823 = arith.constant 32 : index
      %get3A_2824 = tpu.vector_load %arg9[%get3A_2822, %get3A_2823] {strides = array<i32>} : memref<16x128xf32, #tpu.memory_space<vmem>>, vector<1x16xf32>,
      %get3A_2825 = vector.shape_cast %get3A_2824 : vector<1x16xf32> to vector<16xf32>
      %max3A_2826 = arith.maximumf %max3A_2820, %get3A_2825 : vector<16xf32>
      %get3A_2827 = arith.constant 6 : i32
      %get3A_2828 = arith.index_cast %get3A_2827 : i32 to index
      %get3A_2829 = arith.constant 32 : index
      %get3A_2830 = tpu.vector_load %arg9[%get3A_2828, %get3A_2829] {strides = array<i32>} : memref<16x128xf32, #tpu.memory_space<vmem>>, vector<1x16xf32>,
      %get3A_2831 = vector.shape_cast %get3A_2830 : vector<1x16xf32> to vector<16xf32>
      %max3A_2832 = arith.maximumf %max3A_2826, %get3A_2831 : vector<16xf32>
      %get3A_2833 = arith.constant 7 : i32
      %get3A_2834 = arith.index_cast %get3A_2833 : i32 to index
      %get3A_2835 = arith.constant 32 : index
      %get3A_2836 = tpu.vector_load %arg9[%get3A_2834, %get3A_2835] {strides = array<i32>} : memref<16x128xf32, #tpu.memory_space<vmem>>, vector<1x16xf32>,
      %get3A_2837 = vector.shape_cast %get3A_2836 : vector<1x16xf32> to vector<16xf32>
      %max3A_2838 = arith.maximumf %max3A_2832, %get3A_2837 : vector<16xf32>
      %get3A_2839 = arith.constant 8 : i32
      %get3A_2840 = arith.index_cast %get3A_2839 : i32 to index
      %get3A_2841 = arith.constant 32 : index
      %get3A_2842 = tpu.vector_load %arg9[%get3A_2840, %get3A_2841] {strides = array<i32>} : memref<16x128xf32, #tpu.memory_space<vmem>>, vector<1x16xf32>,
      %get3A_2843 = vector.shape_cast %get3A_2842 : vector<1x16xf32> to vector<16xf32>
      %max3A_2844 = arith.maximumf %max3A_2838, %get3A_2843 : vector<16xf32>
      %get3A_2845 = arith.constant 9 : i32
      %get3A_2846 = arith.index_cast %get3A_2845 : i32 to index
      %get3A_2847 = arith.constant 32 : index
      %get3A_2848 = tpu.vector_load %arg9[%get3A_2846, %get3A_2847] {strides = array<i32>} : memref<16x128xf32, #tpu.memory_space<vmem>>, vector<1x16xf32>,
      %get3A_2849 = vector.shape_cast %get3A_2848 : vector<1x16xf32> to vector<16xf32>
      %max3A_2850 = arith.maximumf %max3A_2844, %get3A_2849 : vector<16xf32>
      %get3A_2851 = arith.constant 10 : i32
      %get3A_2852 = arith.index_cast %get3A_2851 : i32 to index
      %get3A_2853 = arith.constant 32 : index
      %get3A_2854 = tpu.vector_load %arg9[%get3A_2852, %get3A_2853] {strides = array<i32>} : memref<16x128xf32, #tpu.memory_space<vmem>>, vector<1x16xf32>,
      %get3A_2855 = vector.shape_cast %get3A_2854 : vector<1x16xf32> to vector<16xf32>
      %max3A_2856 = arith.maximumf %max3A_2850, %get3A_2855 : vector<16xf32>
      %get3A_2857 = arith.constant 11 : i32
      %get3A_2858 = arith.index_cast %get3A_2857 : i32 to index
      %get3A_2859 = arith.constant 32 : index
      %get3A_2860 = tpu.vector_load %arg9[%get3A_2858, %get3A_2859] {strides = array<i32>} : memref<16x128xf32, #tpu.memory_space<vmem>>, vector<1x16xf32>,
      %get3A_2861 = vector.shape_cast %get3A_2860 : vector<1x16xf32> to vector<16xf32>
      %max3A_2862 = arith.maximumf %max3A_2856, %get3A_2861 : vector<16xf32>
      %get3A_2863 = arith.constant 12 : i32
      %get3A_2864 = arith.index_cast %get3A_2863 : i32 to index
      %get3A_2865 = arith.constant 32 : index
      %get3A_2866 = tpu.vector_load %arg9[%get3A_2864, %get3A_2865] {strides = array<i32>} : memref<16x128xf32, #tpu.memory_space<vmem>>, vector<1x16xf32>,
      %get3A_2867 = vector.shape_cast %get3A_2866 : vector<1x16xf32> to vector<16xf32>
      %max3A_2868 = arith.maximumf %max3A_2862, %get3A_2867 : vector<16xf32>
      %get3A_2869 = arith.constant 13 : i32
      %get3A_2870 = arith.index_cast %get3A_2869 : i32 to index
      %get3A_2871 = arith.constant 32 : index
      %get3A_2872 = tpu.vector_load %arg9[%get3A_2870, %get3A_2871] {strides = array<i32>} : memref<16x128xf32, #tpu.memory_space<vmem>>, vector<1x16xf32>,
      %get3A_2873 = vector.shape_cast %get3A_2872 : vector<1x16xf32> to vector<16xf32>
      %max3A_2874 = arith.maximumf %max3A_2868, %get3A_2873 : vector<16xf32>
      %get3A_2875 = arith.constant 14 : i32
      %get3A_2876 = arith.index_cast %get3A_2875 : i32 to index
      %get3A_2877 = arith.constant 32 : index
      %get3A_2878 = tpu.vector_load %arg9[%get3A_2876, %get3A_2877] {strides = array<i32>} : memref<16x128xf32, #tpu.memory_space<vmem>>, vector<1x16xf32>,
      %get3A_2879 = vector.shape_cast %get3A_2878 : vector<1x16xf32> to vector<16xf32>
      %max3A_2880 = arith.maximumf %max3A_2874, %get3A_2879 : vector<16xf32>
      %get3A_2881 = arith.constant 15 : i32
      %get3A_2882 = arith.index_cast %get3A_2881 : i32 to index
      %get3A_2883 = arith.constant 32 : index
      %get3A_2884 = tpu.vector_load %arg9[%get3A_2882, %get3A_2883] {strides = array<i32>} : memref<16x128xf32, #tpu.memory_space<vmem>>, vector<1x16xf32>,
      %get3A_2885 = vector.shape_cast %get3A_2884 : vector<1x16xf32> to vector<16xf32>
      %max3A_2886 = arith.maximumf %max3A_2880, %get3A_2885 : vector<16xf32>
      %max3A_2887 = arith.constant 0.000000e+00 : f32
      %max3A_2888 = vector.broadcast %max3A_2887 : f32 to vector<16xf32>
      %max3A_2889 = arith.maximumf %max3A_2886, %max3A_2888 : vector<16xf32>
      %swap3A_2890 = arith.index_cast %add3A_2579 : i32 to index
      %swap3A_2891 = arith.constant 32 : index
      %swap3A_2892 = tpu.vector_load %arg14[%swap3A_2890, %swap3A_2891] {strides = array<i32>} : memref<256x128xf32, #tpu.memory_space<vmem>>, vector<1x16xf32>,
      %swap3A_2893 = vector.shape_cast %swap3A_2892 : vector<1x16xf32> to vector<16xf32>
      %swap3A_2894 = vector.shape_cast %max3A_2889 : vector<16xf32> to vector<1x16xf32>
      tpu.vector_store %arg14[%swap3A_2890, %swap3A_2891], %swap3A_2894 {strides = array<i32>} : memref<256x128xf32, #tpu.memory_space<vmem>>, vector<1x16xf32>,
      %get3A_2895 = arith.constant 0 : i32
      %get3A_2896 = arith.index_cast %get3A_2895 : i32 to index
      %get3A_2897 = arith.constant 48 : index
      %get3A_2898 = tpu.vector_load %arg9[%get3A_2896, %get3A_2897] {strides = array<i32>} : memref<16x128xf32, #tpu.memory_space<vmem>>, vector<1x16xf32>,
      %get3A_2899 = vector.shape_cast %get3A_2898 : vector<1x16xf32> to vector<16xf32>
      %get3A_2900 = arith.constant 1 : i32
      %get3A_2901 = arith.index_cast %get3A_2900 : i32 to index
      %get3A_2902 = arith.constant 48 : index
      %get3A_2903 = tpu.vector_load %arg9[%get3A_2901, %get3A_2902] {strides = array<i32>} : memref<16x128xf32, #tpu.memory_space<vmem>>, vector<1x16xf32>,
      %get3A_2904 = vector.shape_cast %get3A_2903 : vector<1x16xf32> to vector<16xf32>
      %max3A_2905 = arith.maximumf %get3A_2899, %get3A_2904 : vector<16xf32>
      %get3A_2906 = arith.constant 2 : i32
      %get3A_2907 = arith.index_cast %get3A_2906 : i32 to index
      %get3A_2908 = arith.constant 48 : index
      %get3A_2909 = tpu.vector_load %arg9[%get3A_2907, %get3A_2908] {strides = array<i32>} : memref<16x128xf32, #tpu.memory_space<vmem>>, vector<1x16xf32>,
      %get3A_2910 = vector.shape_cast %get3A_2909 : vector<1x16xf32> to vector<16xf32>
      %max3A_2911 = arith.maximumf %max3A_2905, %get3A_2910 : vector<16xf32>
      %get3A_2912 = arith.constant 3 : i32
      %get3A_2913 = arith.index_cast %get3A_2912 : i32 to index
      %get3A_2914 = arith.constant 48 : index
      %get3A_2915 = tpu.vector_load %arg9[%get3A_2913, %get3A_2914] {strides = array<i32>} : memref<16x128xf32, #tpu.memory_space<vmem>>, vector<1x16xf32>,
      %get3A_2916 = vector.shape_cast %get3A_2915 : vector<1x16xf32> to vector<16xf32>
      %max3A_2917 = arith.maximumf %max3A_2911, %get3A_2916 : vector<16xf32>
      %get3A_2918 = arith.constant 4 : i32
      %get3A_2919 = arith.index_cast %get3A_2918 : i32 to index
      %get3A_2920 = arith.constant 48 : index
      %get3A_2921 = tpu.vector_load %arg9[%get3A_2919, %get3A_2920] {strides = array<i32>} : memref<16x128xf32, #tpu.memory_space<vmem>>, vector<1x16xf32>,
      %get3A_2922 = vector.shape_cast %get3A_2921 : vector<1x16xf32> to vector<16xf32>
      %max3A_2923 = arith.maximumf %max3A_2917, %get3A_2922 : vector<16xf32>
      %get3A_2924 = arith.constant 5 : i32
      %get3A_2925 = arith.index_cast %get3A_2924 : i32 to index
      %get3A_2926 = arith.constant 48 : index
      %get3A_2927 = tpu.vector_load %arg9[%get3A_2925, %get3A_2926] {strides = array<i32>} : memref<16x128xf32, #tpu.memory_space<vmem>>, vector<1x16xf32>,
      %get3A_2928 = vector.shape_cast %get3A_2927 : vector<1x16xf32> to vector<16xf32>
      %max3A_2929 = arith.maximumf %max3A_2923, %get3A_2928 : vector<16xf32>
      %get3A_2930 = arith.constant 6 : i32
      %get3A_2931 = arith.index_cast %get3A_2930 : i32 to index
      %get3A_2932 = arith.constant 48 : index
      %get3A_2933 = tpu.vector_load %arg9[%get3A_2931, %get3A_2932] {strides = array<i32>} : memref<16x128xf32, #tpu.memory_space<vmem>>, vector<1x16xf32>,
      %get3A_2934 = vector.shape_cast %get3A_2933 : vector<1x16xf32> to vector<16xf32>
      %max3A_2935 = arith.maximumf %max3A_2929, %get3A_2934 : vector<16xf32>
      %get3A_2936 = arith.constant 7 : i32
      %get3A_2937 = arith.index_cast %get3A_2936 : i32 to index
      %get3A_2938 = arith.constant 48 : index
      %get3A_2939 = tpu.vector_load %arg9[%get3A_2937, %get3A_2938] {strides = array<i32>} : memref<16x128xf32, #tpu.memory_space<vmem>>, vector<1x16xf32>,
      %get3A_2940 = vector.shape_cast %get3A_2939 : vector<1x16xf32> to vector<16xf32>
      %max3A_2941 = arith.maximumf %max3A_2935, %get3A_2940 : vector<16xf32>
      %get3A_2942 = arith.constant 8 : i32
      %get3A_2943 = arith.index_cast %get3A_2942 : i32 to index
      %get3A_2944 = arith.constant 48 : index
      %get3A_2945 = tpu.vector_load %arg9[%get3A_2943, %get3A_2944] {strides = array<i32>} : memref<16x128xf32, #tpu.memory_space<vmem>>, vector<1x16xf32>,
      %get3A_2946 = vector.shape_cast %get3A_2945 : vector<1x16xf32> to vector<16xf32>
      %max3A_2947 = arith.maximumf %max3A_2941, %get3A_2946 : vector<16xf32>
      %get3A_2948 = arith.constant 9 : i32
      %get3A_2949 = arith.index_cast %get3A_2948 : i32 to index
      %get3A_2950 = arith.constant 48 : index
      %get3A_2951 = tpu.vector_load %arg9[%get3A_2949, %get3A_2950] {strides = array<i32>} : memref<16x128xf32, #tpu.memory_space<vmem>>, vector<1x16xf32>,
      %get3A_2952 = vector.shape_cast %get3A_2951 : vector<1x16xf32> to vector<16xf32>
      %max3A_2953 = arith.maximumf %max3A_2947, %get3A_2952 : vector<16xf32>
      %get3A_2954 = arith.constant 10 : i32
      %get3A_2955 = arith.index_cast %get3A_2954 : i32 to index
      %get3A_2956 = arith.constant 48 : index
      %get3A_2957 = tpu.vector_load %arg9[%get3A_2955, %get3A_2956] {strides = array<i32>} : memref<16x128xf32, #tpu.memory_space<vmem>>, vector<1x16xf32>,
      %get3A_2958 = vector.shape_cast %get3A_2957 : vector<1x16xf32> to vector<16xf32>
      %max3A_2959 = arith.maximumf %max3A_2953, %get3A_2958 : vector<16xf32>
      %get3A_2960 = arith.constant 11 : i32
      %get3A_2961 = arith.index_cast %get3A_2960 : i32 to index
      %get3A_2962 = arith.constant 48 : index
      %get3A_2963 = tpu.vector_load %arg9[%get3A_2961, %get3A_2962] {strides = array<i32>} : memref<16x128xf32, #tpu.memory_space<vmem>>, vector<1x16xf32>,
      %get3A_2964 = vector.shape_cast %get3A_2963 : vector<1x16xf32> to vector<16xf32>
      %max3A_2965 = arith.maximumf %max3A_2959, %get3A_2964 : vector<16xf32>
      %get3A_2966 = arith.constant 12 : i32
      %get3A_2967 = arith.index_cast %get3A_2966 : i32 to index
      %get3A_2968 = arith.constant 48 : index
      %get3A_2969 = tpu.vector_load %arg9[%get3A_2967, %get3A_2968] {strides = array<i32>} : memref<16x128xf32, #tpu.memory_space<vmem>>, vector<1x16xf32>,
      %get3A_2970 = vector.shape_cast %get3A_2969 : vector<1x16xf32> to vector<16xf32>
      %max3A_2971 = arith.maximumf %max3A_2965, %get3A_2970 : vector<16xf32>
      %get3A_2972 = arith.constant 13 : i32
      %get3A_2973 = arith.index_cast %get3A_2972 : i32 to index
      %get3A_2974 = arith.constant 48 : index
      %get3A_2975 = tpu.vector_load %arg9[%get3A_2973, %get3A_2974] {strides = array<i32>} : memref<16x128xf32, #tpu.memory_space<vmem>>, vector<1x16xf32>,
      %get3A_2976 = vector.shape_cast %get3A_2975 : vector<1x16xf32> to vector<16xf32>
      %max3A_2977 = arith.maximumf %max3A_2971, %get3A_2976 : vector<16xf32>
      %get3A_2978 = arith.constant 14 : i32
      %get3A_2979 = arith.index_cast %get3A_2978 : i32 to index
      %get3A_2980 = arith.constant 48 : index
      %get3A_2981 = tpu.vector_load %arg9[%get3A_2979, %get3A_2980] {strides = array<i32>} : memref<16x128xf32, #tpu.memory_space<vmem>>, vector<1x16xf32>,
      %get3A_2982 = vector.shape_cast %get3A_2981 : vector<1x16xf32> to vector<16xf32>
      %max3A_2983 = arith.maximumf %max3A_2977, %get3A_2982 : vector<16xf32>
      %get3A_2984 = arith.constant 15 : i32
      %get3A_2985 = arith.index_cast %get3A_2984 : i32 to index
      %get3A_2986 = arith.constant 48 : index
      %get3A_2987 = tpu.vector_load %arg9[%get3A_2985, %get3A_2986] {strides = array<i32>} : memref<16x128xf32, #tpu.memory_space<vmem>>, vector<1x16xf32>,
      %get3A_2988 = vector.shape_cast %get3A_2987 : vector<1x16xf32> to vector<16xf32>
      %max3A_2989 = arith.maximumf %max3A_2983, %get3A_2988 : vector<16xf32>
      %max3A_2990 = arith.constant 0.000000e+00 : f32
      %max3A_2991 = vector.broadcast %max3A_2990 : f32 to vector<16xf32>
      %max3A_2992 = arith.maximumf %max3A_2989, %max3A_2991 : vector<16xf32>
      %swap3A_2993 = arith.index_cast %add3A_2579 : i32 to index
      %swap3A_2994 = arith.constant 48 : index
      %swap3A_2995 = tpu.vector_load %arg14[%swap3A_2993, %swap3A_2994] {strides = array<i32>} : memref<256x128xf32, #tpu.memory_space<vmem>>, vector<1x16xf32>,
      %swap3A_2996 = vector.shape_cast %swap3A_2995 : vector<1x16xf32> to vector<16xf32>
      %swap3A_2997 = vector.shape_cast %max3A_2992 : vector<16xf32> to vector<1x16xf32>
      tpu.vector_store %arg14[%swap3A_2993, %swap3A_2994], %swap3A_2997 {strides = array<i32>} : memref<256x128xf32, #tpu.memory_space<vmem>>, vector<1x16xf32>,
      %get3A_2998 = arith.constant 0 : i32
      %get3A_2999 = arith.index_cast %get3A_2998 : i32 to index
      %get3A_3000 = arith.constant 64 : index
      %get3A_3001 = tpu.vector_load %arg9[%get3A_2999, %get3A_3000] {strides = array<i32>} : memref<16x128xf32, #tpu.memory_space<vmem>>, vector<1x16xf32>,
      %get3A_3002 = vector.shape_cast %get3A_3001 : vector<1x16xf32> to vector<16xf32>
      %get3A_3003 = arith.constant 1 : i32
      %get3A_3004 = arith.index_cast %get3A_3003 : i32 to index
      %get3A_3005 = arith.constant 64 : index
      %get3A_3006 = tpu.vector_load %arg9[%get3A_3004, %get3A_3005] {strides = array<i32>} : memref<16x128xf32, #tpu.memory_space<vmem>>, vector<1x16xf32>,
      %get3A_3007 = vector.shape_cast %get3A_3006 : vector<1x16xf32> to vector<16xf32>
      %max3A_3008 = arith.maximumf %get3A_3002, %get3A_3007 : vector<16xf32>
      %get3A_3009 = arith.constant 2 : i32
      %get3A_3010 = arith.index_cast %get3A_3009 : i32 to index
      %get3A_3011 = arith.constant 64 : index
      %get3A_3012 = tpu.vector_load %arg9[%get3A_3010, %get3A_3011] {strides = array<i32>} : memref<16x128xf32, #tpu.memory_space<vmem>>, vector<1x16xf32>,
      %get3A_3013 = vector.shape_cast %get3A_3012 : vector<1x16xf32> to vector<16xf32>
      %max3A_3014 = arith.maximumf %max3A_3008, %get3A_3013 : vector<16xf32>
      %get3A_3015 = arith.constant 3 : i32
      %get3A_3016 = arith.index_cast %get3A_3015 : i32 to index
      %get3A_3017 = arith.constant 64 : index
      %get3A_3018 = tpu.vector_load %arg9[%get3A_3016, %get3A_3017] {strides = array<i32>} : memref<16x128xf32, #tpu.memory_space<vmem>>, vector<1x16xf32>,
      %get3A_3019 = vector.shape_cast %get3A_3018 : vector<1x16xf32> to vector<16xf32>
      %max3A_3020 = arith.maximumf %max3A_3014, %get3A_3019 : vector<16xf32>
      %get3A_3021 = arith.constant 4 : i32
      %get3A_3022 = arith.index_cast %get3A_3021 : i32 to index
      %get3A_3023 = arith.constant 64 : index
      %get3A_3024 = tpu.vector_load %arg9[%get3A_3022, %get3A_3023] {strides = array<i32>} : memref<16x128xf32, #tpu.memory_space<vmem>>, vector<1x16xf32>,
      %get3A_3025 = vector.shape_cast %get3A_3024 : vector<1x16xf32> to vector<16xf32>
      %max3A_3026 = arith.maximumf %max3A_3020, %get3A_3025 : vector<16xf32>
      %get3A_3027 = arith.constant 5 : i32
      %get3A_3028 = arith.index_cast %get3A_3027 : i32 to index
      %get3A_3029 = arith.constant 64 : index
      %get3A_3030 = tpu.vector_load %arg9[%get3A_3028, %get3A_3029] {strides = array<i32>} : memref<16x128xf32, #tpu.memory_space<vmem>>, vector<1x16xf32>,
      %get3A_3031 = vector.shape_cast %get3A_3030 : vector<1x16xf32> to vector<16xf32>
      %max3A_3032 = arith.maximumf %max3A_3026, %get3A_3031 : vector<16xf32>
      %get3A_3033 = arith.constant 6 : i32
      %get3A_3034 = arith.index_cast %get3A_3033 : i32 to index
      %get3A_3035 = arith.constant 64 : index
      %get3A_3036 = tpu.vector_load %arg9[%get3A_3034, %get3A_3035] {strides = array<i32>} : memref<16x128xf32, #tpu.memory_space<vmem>>, vector<1x16xf32>,
      %get3A_3037 = vector.shape_cast %get3A_3036 : vector<1x16xf32> to vector<16xf32>
      %max3A_3038 = arith.maximumf %max3A_3032, %get3A_3037 : vector<16xf32>
      %get3A_3039 = arith.constant 7 : i32
      %get3A_3040 = arith.index_cast %get3A_3039 : i32 to index
      %get3A_3041 = arith.constant 64 : index
      %get3A_3042 = tpu.vector_load %arg9[%get3A_3040, %get3A_3041] {strides = array<i32>} : memref<16x128xf32, #tpu.memory_space<vmem>>, vector<1x16xf32>,
      %get3A_3043 = vector.shape_cast %get3A_3042 : vector<1x16xf32> to vector<16xf32>
      %max3A_3044 = arith.maximumf %max3A_3038, %get3A_3043 : vector<16xf32>
      %get3A_3045 = arith.constant 8 : i32
      %get3A_3046 = arith.index_cast %get3A_3045 : i32 to index
      %get3A_3047 = arith.constant 64 : index
      %get3A_3048 = tpu.vector_load %arg9[%get3A_3046, %get3A_3047] {strides = array<i32>} : memref<16x128xf32, #tpu.memory_space<vmem>>, vector<1x16xf32>,
      %get3A_3049 = vector.shape_cast %get3A_3048 : vector<1x16xf32> to vector<16xf32>
      %max3A_3050 = arith.maximumf %max3A_3044, %get3A_3049 : vector<16xf32>
      %get3A_3051 = arith.constant 9 : i32
      %get3A_3052 = arith.index_cast %get3A_3051 : i32 to index
      %get3A_3053 = arith.constant 64 : index
      %get3A_3054 = tpu.vector_load %arg9[%get3A_3052, %get3A_3053] {strides = array<i32>} : memref<16x128xf32, #tpu.memory_space<vmem>>, vector<1x16xf32>,
      %get3A_3055 = vector.shape_cast %get3A_3054 : vector<1x16xf32> to vector<16xf32>
      %max3A_3056 = arith.maximumf %max3A_3050, %get3A_3055 : vector<16xf32>
      %get3A_3057 = arith.constant 10 : i32
      %get3A_3058 = arith.index_cast %get3A_3057 : i32 to index
      %get3A_3059 = arith.constant 64 : index
      %get3A_3060 = tpu.vector_load %arg9[%get3A_3058, %get3A_3059] {strides = array<i32>} : memref<16x128xf32, #tpu.memory_space<vmem>>, vector<1x16xf32>,
      %get3A_3061 = vector.shape_cast %get3A_3060 : vector<1x16xf32> to vector<16xf32>
      %max3A_3062 = arith.maximumf %max3A_3056, %get3A_3061 : vector<16xf32>
      %get3A_3063 = arith.constant 11 : i32
      %get3A_3064 = arith.index_cast %get3A_3063 : i32 to index
      %get3A_3065 = arith.constant 64 : index
      %get3A_3066 = tpu.vector_load %arg9[%get3A_3064, %get3A_3065] {strides = array<i32>} : memref<16x128xf32, #tpu.memory_space<vmem>>, vector<1x16xf32>,
      %get3A_3067 = vector.shape_cast %get3A_3066 : vector<1x16xf32> to vector<16xf32>
      %max3A_3068 = arith.maximumf %max3A_3062, %get3A_3067 : vector<16xf32>
      %get3A_3069 = arith.constant 12 : i32
      %get3A_3070 = arith.index_cast %get3A_3069 : i32 to index
      %get3A_3071 = arith.constant 64 : index
      %get3A_3072 = tpu.vector_load %arg9[%get3A_3070, %get3A_3071] {strides = array<i32>} : memref<16x128xf32, #tpu.memory_space<vmem>>, vector<1x16xf32>,
      %get3A_3073 = vector.shape_cast %get3A_3072 : vector<1x16xf32> to vector<16xf32>
      %max3A_3074 = arith.maximumf %max3A_3068, %get3A_3073 : vector<16xf32>
      %get3A_3075 = arith.constant 13 : i32
      %get3A_3076 = arith.index_cast %get3A_3075 : i32 to index
      %get3A_3077 = arith.constant 64 : index
      %get3A_3078 = tpu.vector_load %arg9[%get3A_3076, %get3A_3077] {strides = array<i32>} : memref<16x128xf32, #tpu.memory_space<vmem>>, vector<1x16xf32>,
      %get3A_3079 = vector.shape_cast %get3A_3078 : vector<1x16xf32> to vector<16xf32>
      %max3A_3080 = arith.maximumf %max3A_3074, %get3A_3079 : vector<16xf32>
      %get3A_3081 = arith.constant 14 : i32
      %get3A_3082 = arith.index_cast %get3A_3081 : i32 to index
      %get3A_3083 = arith.constant 64 : index
      %get3A_3084 = tpu.vector_load %arg9[%get3A_3082, %get3A_3083] {strides = array<i32>} : memref<16x128xf32, #tpu.memory_space<vmem>>, vector<1x16xf32>,
      %get3A_3085 = vector.shape_cast %get3A_3084 : vector<1x16xf32> to vector<16xf32>
      %max3A_3086 = arith.maximumf %max3A_3080, %get3A_3085 : vector<16xf32>
      %get3A_3087 = arith.constant 15 : i32
      %get3A_3088 = arith.index_cast %get3A_3087 : i32 to index
      %get3A_3089 = arith.constant 64 : index
      %get3A_3090 = tpu.vector_load %arg9[%get3A_3088, %get3A_3089] {strides = array<i32>} : memref<16x128xf32, #tpu.memory_space<vmem>>, vector<1x16xf32>,
      %get3A_3091 = vector.shape_cast %get3A_3090 : vector<1x16xf32> to vector<16xf32>
      %max3A_3092 = arith.maximumf %max3A_3086, %get3A_3091 : vector<16xf32>
      %max3A_3093 = arith.constant 0.000000e+00 : f32
      %max3A_3094 = vector.broadcast %max3A_3093 : f32 to vector<16xf32>
      %max3A_3095 = arith.maximumf %max3A_3092, %max3A_3094 : vector<16xf32>
      %swap3A_3096 = arith.index_cast %add3A_2579 : i32 to index
      %swap3A_3097 = arith.constant 64 : index
      %swap3A_3098 = tpu.vector_load %arg14[%swap3A_3096, %swap3A_3097] {strides = array<i32>} : memref<256x128xf32, #tpu.memory_space<vmem>>, vector<1x16xf32>,
      %swap3A_3099 = vector.shape_cast %swap3A_3098 : vector<1x16xf32> to vector<16xf32>
      %swap3A_3100 = vector.shape_cast %max3A_3095 : vector<16xf32> to vector<1x16xf32>
      tpu.vector_store %arg14[%swap3A_3096, %swap3A_3097], %swap3A_3100 {strides = array<i32>} : memref<256x128xf32, #tpu.memory_space<vmem>>, vector<1x16xf32>,
      %get3A_3101 = arith.constant 0 : i32
      %get3A_3102 = arith.index_cast %get3A_3101 : i32 to index
      %get3A_3103 = arith.constant 80 : index
      %get3A_3104 = tpu.vector_load %arg9[%get3A_3102, %get3A_3103] {strides = array<i32>} : memref<16x128xf32, #tpu.memory_space<vmem>>, vector<1x16xf32>,
      %get3A_3105 = vector.shape_cast %get3A_3104 : vector<1x16xf32> to vector<16xf32>
      %get3A_3106 = arith.constant 1 : i32
      %get3A_3107 = arith.index_cast %get3A_3106 : i32 to index
      %get3A_3108 = arith.constant 80 : index
      %get3A_3109 = tpu.vector_load %arg9[%get3A_3107, %get3A_3108] {strides = array<i32>} : memref<16x128xf32, #tpu.memory_space<vmem>>, vector<1x16xf32>,
      %get3A_3110 = vector.shape_cast %get3A_3109 : vector<1x16xf32> to vector<16xf32>
      %max3A_3111 = arith.maximumf %get3A_3105, %get3A_3110 : vector<16xf32>
      %get3A_3112 = arith.constant 2 : i32
      %get3A_3113 = arith.index_cast %get3A_3112 : i32 to index
      %get3A_3114 = arith.constant 80 : index
      %get3A_3115 = tpu.vector_load %arg9[%get3A_3113, %get3A_3114] {strides = array<i32>} : memref<16x128xf32, #tpu.memory_space<vmem>>, vector<1x16xf32>,
      %get3A_3116 = vector.shape_cast %get3A_3115 : vector<1x16xf32> to vector<16xf32>
      %max3A_3117 = arith.maximumf %max3A_3111, %get3A_3116 : vector<16xf32>
      %get3A_3118 = arith.constant 3 : i32
      %get3A_3119 = arith.index_cast %get3A_3118 : i32 to index
      %get3A_3120 = arith.constant 80 : index
      %get3A_3121 = tpu.vector_load %arg9[%get3A_3119, %get3A_3120] {strides = array<i32>} : memref<16x128xf32, #tpu.memory_space<vmem>>, vector<1x16xf32>,
      %get3A_3122 = vector.shape_cast %get3A_3121 : vector<1x16xf32> to vector<16xf32>
      %max3A_3123 = arith.maximumf %max3A_3117, %get3A_3122 : vector<16xf32>
      %get3A_3124 = arith.constant 4 : i32
      %get3A_3125 = arith.index_cast %get3A_3124 : i32 to index
      %get3A_3126 = arith.constant 80 : index
      %get3A_3127 = tpu.vector_load %arg9[%get3A_3125, %get3A_3126] {strides = array<i32>} : memref<16x128xf32, #tpu.memory_space<vmem>>, vector<1x16xf32>,
      %get3A_3128 = vector.shape_cast %get3A_3127 : vector<1x16xf32> to vector<16xf32>
      %max3A_3129 = arith.maximumf %max3A_3123, %get3A_3128 : vector<16xf32>
      %get3A_3130 = arith.constant 5 : i32
      %get3A_3131 = arith.index_cast %get3A_3130 : i32 to index
      %get3A_3132 = arith.constant 80 : index
      %get3A_3133 = tpu.vector_load %arg9[%get3A_3131, %get3A_3132] {strides = array<i32>} : memref<16x128xf32, #tpu.memory_space<vmem>>, vector<1x16xf32>,
      %get3A_3134 = vector.shape_cast %get3A_3133 : vector<1x16xf32> to vector<16xf32>
      %max3A_3135 = arith.maximumf %max3A_3129, %get3A_3134 : vector<16xf32>
      %get3A_3136 = arith.constant 6 : i32
      %get3A_3137 = arith.index_cast %get3A_3136 : i32 to index
      %get3A_3138 = arith.constant 80 : index
      %get3A_3139 = tpu.vector_load %arg9[%get3A_3137, %get3A_3138] {strides = array<i32>} : memref<16x128xf32, #tpu.memory_space<vmem>>, vector<1x16xf32>,
      %get3A_3140 = vector.shape_cast %get3A_3139 : vector<1x16xf32> to vector<16xf32>
      %max3A_3141 = arith.maximumf %max3A_3135, %get3A_3140 : vector<16xf32>
      %get3A_3142 = arith.constant 7 : i32
      %get3A_3143 = arith.index_cast %get3A_3142 : i32 to index
      %get3A_3144 = arith.constant 80 : index
      %get3A_3145 = tpu.vector_load %arg9[%get3A_3143, %get3A_3144] {strides = array<i32>} : memref<16x128xf32, #tpu.memory_space<vmem>>, vector<1x16xf32>,
      %get3A_3146 = vector.shape_cast %get3A_3145 : vector<1x16xf32> to vector<16xf32>
      %max3A_3147 = arith.maximumf %max3A_3141, %get3A_3146 : vector<16xf32>
      %get3A_3148 = arith.constant 8 : i32
      %get3A_3149 = arith.index_cast %get3A_3148 : i32 to index
      %get3A_3150 = arith.constant 80 : index
      %get3A_3151 = tpu.vector_load %arg9[%get3A_3149, %get3A_3150] {strides = array<i32>} : memref<16x128xf32, #tpu.memory_space<vmem>>, vector<1x16xf32>,
      %get3A_3152 = vector.shape_cast %get3A_3151 : vector<1x16xf32> to vector<16xf32>
      %max3A_3153 = arith.maximumf %max3A_3147, %get3A_3152 : vector<16xf32>
      %get3A_3154 = arith.constant 9 : i32
      %get3A_3155 = arith.index_cast %get3A_3154 : i32 to index
      %get3A_3156 = arith.constant 80 : index
      %get3A_3157 = tpu.vector_load %arg9[%get3A_3155, %get3A_3156] {strides = array<i32>} : memref<16x128xf32, #tpu.memory_space<vmem>>, vector<1x16xf32>,
      %get3A_3158 = vector.shape_cast %get3A_3157 : vector<1x16xf32> to vector<16xf32>
      %max3A_3159 = arith.maximumf %max3A_3153, %get3A_3158 : vector<16xf32>
      %get3A_3160 = arith.constant 10 : i32
      %get3A_3161 = arith.index_cast %get3A_3160 : i32 to index
      %get3A_3162 = arith.constant 80 : index
      %get3A_3163 = tpu.vector_load %arg9[%get3A_3161, %get3A_3162] {strides = array<i32>} : memref<16x128xf32, #tpu.memory_space<vmem>>, vector<1x16xf32>,
      %get3A_3164 = vector.shape_cast %get3A_3163 : vector<1x16xf32> to vector<16xf32>
      %max3A_3165 = arith.maximumf %max3A_3159, %get3A_3164 : vector<16xf32>
      %get3A_3166 = arith.constant 11 : i32
      %get3A_3167 = arith.index_cast %get3A_3166 : i32 to index
      %get3A_3168 = arith.constant 80 : index
      %get3A_3169 = tpu.vector_load %arg9[%get3A_3167, %get3A_3168] {strides = array<i32>} : memref<16x128xf32, #tpu.memory_space<vmem>>, vector<1x16xf32>,
      %get3A_3170 = vector.shape_cast %get3A_3169 : vector<1x16xf32> to vector<16xf32>
      %max3A_3171 = arith.maximumf %max3A_3165, %get3A_3170 : vector<16xf32>
      %get3A_3172 = arith.constant 12 : i32
      %get3A_3173 = arith.index_cast %get3A_3172 : i32 to index
      %get3A_3174 = arith.constant 80 : index
      %get3A_3175 = tpu.vector_load %arg9[%get3A_3173, %get3A_3174] {strides = array<i32>} : memref<16x128xf32, #tpu.memory_space<vmem>>, vector<1x16xf32>,
      %get3A_3176 = vector.shape_cast %get3A_3175 : vector<1x16xf32> to vector<16xf32>
      %max3A_3177 = arith.maximumf %max3A_3171, %get3A_3176 : vector<16xf32>
      %get3A_3178 = arith.constant 13 : i32
      %get3A_3179 = arith.index_cast %get3A_3178 : i32 to index
      %get3A_3180 = arith.constant 80 : index
      %get3A_3181 = tpu.vector_load %arg9[%get3A_3179, %get3A_3180] {strides = array<i32>} : memref<16x128xf32, #tpu.memory_space<vmem>>, vector<1x16xf32>,
      %get3A_3182 = vector.shape_cast %get3A_3181 : vector<1x16xf32> to vector<16xf32>
      %max3A_3183 = arith.maximumf %max3A_3177, %get3A_3182 : vector<16xf32>
      %get3A_3184 = arith.constant 14 : i32
      %get3A_3185 = arith.index_cast %get3A_3184 : i32 to index
      %get3A_3186 = arith.constant 80 : index
      %get3A_3187 = tpu.vector_load %arg9[%get3A_3185, %get3A_3186] {strides = array<i32>} : memref<16x128xf32, #tpu.memory_space<vmem>>, vector<1x16xf32>,
      %get3A_3188 = vector.shape_cast %get3A_3187 : vector<1x16xf32> to vector<16xf32>
      %max3A_3189 = arith.maximumf %max3A_3183, %get3A_3188 : vector<16xf32>
      %get3A_3190 = arith.constant 15 : i32
      %get3A_3191 = arith.index_cast %get3A_3190 : i32 to index
      %get3A_3192 = arith.constant 80 : index
      %get3A_3193 = tpu.vector_load %arg9[%get3A_3191, %get3A_3192] {strides = array<i32>} : memref<16x128xf32, #tpu.memory_space<vmem>>, vector<1x16xf32>,
      %get3A_3194 = vector.shape_cast %get3A_3193 : vector<1x16xf32> to vector<16xf32>
      %max3A_3195 = arith.maximumf %max3A_3189, %get3A_3194 : vector<16xf32>
      %max3A_3196 = arith.constant 0.000000e+00 : f32
      %max3A_3197 = vector.broadcast %max3A_3196 : f32 to vector<16xf32>
      %max3A_3198 = arith.maximumf %max3A_3195, %max3A_3197 : vector<16xf32>
      %swap3A_3199 = arith.index_cast %add3A_2579 : i32 to index
      %swap3A_3200 = arith.constant 80 : index
      %swap3A_3201 = tpu.vector_load %arg14[%swap3A_3199, %swap3A_3200] {strides = array<i32>} : memref<256x128xf32, #tpu.memory_space<vmem>>, vector<1x16xf32>,
      %swap3A_3202 = vector.shape_cast %swap3A_3201 : vector<1x16xf32> to vector<16xf32>
      %swap3A_3203 = vector.shape_cast %max3A_3198 : vector<16xf32> to vector<1x16xf32>
      tpu.vector_store %arg14[%swap3A_3199, %swap3A_3200], %swap3A_3203 {strides = array<i32>} : memref<256x128xf32, #tpu.memory_space<vmem>>, vector<1x16xf32>,
      %get3A_3204 = arith.constant 0 : i32
      %get3A_3205 = arith.index_cast %get3A_3204 : i32 to index
      %get3A_3206 = arith.constant 96 : index
      %get3A_3207 = tpu.vector_load %arg9[%get3A_3205, %get3A_3206] {strides = array<i32>} : memref<16x128xf32, #tpu.memory_space<vmem>>, vector<1x16xf32>,
      %get3A_3208 = vector.shape_cast %get3A_3207 : vector<1x16xf32> to vector<16xf32>
      %get3A_3209 = arith.constant 1 : i32
      %get3A_3210 = arith.index_cast %get3A_3209 : i32 to index
      %get3A_3211 = arith.constant 96 : index
      %get3A_3212 = tpu.vector_load %arg9[%get3A_3210, %get3A_3211] {strides = array<i32>} : memref<16x128xf32, #tpu.memory_space<vmem>>, vector<1x16xf32>,
      %get3A_3213 = vector.shape_cast %get3A_3212 : vector<1x16xf32> to vector<16xf32>
      %max3A_3214 = arith.maximumf %get3A_3208, %get3A_3213 : vector<16xf32>
      %get3A_3215 = arith.constant 2 : i32
      %get3A_3216 = arith.index_cast %get3A_3215 : i32 to index
      %get3A_3217 = arith.constant 96 : index
      %get3A_3218 = tpu.vector_load %arg9[%get3A_3216, %get3A_3217] {strides = array<i32>} : memref<16x128xf32, #tpu.memory_space<vmem>>, vector<1x16xf32>,
      %get3A_3219 = vector.shape_cast %get3A_3218 : vector<1x16xf32> to vector<16xf32>
      %max3A_3220 = arith.maximumf %max3A_3214, %get3A_3219 : vector<16xf32>
      %get3A_3221 = arith.constant 3 : i32
      %get3A_3222 = arith.index_cast %get3A_3221 : i32 to index
      %get3A_3223 = arith.constant 96 : index
      %get3A_3224 = tpu.vector_load %arg9[%get3A_3222, %get3A_3223] {strides = array<i32>} : memref<16x128xf32, #tpu.memory_space<vmem>>, vector<1x16xf32>,
      %get3A_3225 = vector.shape_cast %get3A_3224 : vector<1x16xf32> to vector<16xf32>
      %max3A_3226 = arith.maximumf %max3A_3220, %get3A_3225 : vector<16xf32>
      %get3A_3227 = arith.constant 4 : i32
      %get3A_3228 = arith.index_cast %get3A_3227 : i32 to index
      %get3A_3229 = arith.constant 96 : index
      %get3A_3230 = tpu.vector_load %arg9[%get3A_3228, %get3A_3229] {strides = array<i32>} : memref<16x128xf32, #tpu.memory_space<vmem>>, vector<1x16xf32>,
      %get3A_3231 = vector.shape_cast %get3A_3230 : vector<1x16xf32> to vector<16xf32>
      %max3A_3232 = arith.maximumf %max3A_3226, %get3A_3231 : vector<16xf32>
      %get3A_3233 = arith.constant 5 : i32
      %get3A_3234 = arith.index_cast %get3A_3233 : i32 to index
      %get3A_3235 = arith.constant 96 : index
      %get3A_3236 = tpu.vector_load %arg9[%get3A_3234, %get3A_3235] {strides = array<i32>} : memref<16x128xf32, #tpu.memory_space<vmem>>, vector<1x16xf32>,
      %get3A_3237 = vector.shape_cast %get3A_3236 : vector<1x16xf32> to vector<16xf32>
      %max3A_3238 = arith.maximumf %max3A_3232, %get3A_3237 : vector<16xf32>
      %get3A_3239 = arith.constant 6 : i32
      %get3A_3240 = arith.index_cast %get3A_3239 : i32 to index
      %get3A_3241 = arith.constant 96 : index
      %get3A_3242 = tpu.vector_load %arg9[%get3A_3240, %get3A_3241] {strides = array<i32>} : memref<16x128xf32, #tpu.memory_space<vmem>>, vector<1x16xf32>,
      %get3A_3243 = vector.shape_cast %get3A_3242 : vector<1x16xf32> to vector<16xf32>
      %max3A_3244 = arith.maximumf %max3A_3238, %get3A_3243 : vector<16xf32>
      %get3A_3245 = arith.constant 7 : i32
      %get3A_3246 = arith.index_cast %get3A_3245 : i32 to index
      %get3A_3247 = arith.constant 96 : index
      %get3A_3248 = tpu.vector_load %arg9[%get3A_3246, %get3A_3247] {strides = array<i32>} : memref<16x128xf32, #tpu.memory_space<vmem>>, vector<1x16xf32>,
      %get3A_3249 = vector.shape_cast %get3A_3248 : vector<1x16xf32> to vector<16xf32>
      %max3A_3250 = arith.maximumf %max3A_3244, %get3A_3249 : vector<16xf32>
      %get3A_3251 = arith.constant 8 : i32
      %get3A_3252 = arith.index_cast %get3A_3251 : i32 to index
      %get3A_3253 = arith.constant 96 : index
      %get3A_3254 = tpu.vector_load %arg9[%get3A_3252, %get3A_3253] {strides = array<i32>} : memref<16x128xf32, #tpu.memory_space<vmem>>, vector<1x16xf32>,
      %get3A_3255 = vector.shape_cast %get3A_3254 : vector<1x16xf32> to vector<16xf32>
      %max3A_3256 = arith.maximumf %max3A_3250, %get3A_3255 : vector<16xf32>
      %get3A_3257 = arith.constant 9 : i32
      %get3A_3258 = arith.index_cast %get3A_3257 : i32 to index
      %get3A_3259 = arith.constant 96 : index
      %get3A_3260 = tpu.vector_load %arg9[%get3A_3258, %get3A_3259] {strides = array<i32>} : memref<16x128xf32, #tpu.memory_space<vmem>>, vector<1x16xf32>,
      %get3A_3261 = vector.shape_cast %get3A_3260 : vector<1x16xf32> to vector<16xf32>
      %max3A_3262 = arith.maximumf %max3A_3256, %get3A_3261 : vector<16xf32>
      %get3A_3263 = arith.constant 10 : i32
      %get3A_3264 = arith.index_cast %get3A_3263 : i32 to index
      %get3A_3265 = arith.constant 96 : index
      %get3A_3266 = tpu.vector_load %arg9[%get3A_3264, %get3A_3265] {strides = array<i32>} : memref<16x128xf32, #tpu.memory_space<vmem>>, vector<1x16xf32>,
      %get3A_3267 = vector.shape_cast %get3A_3266 : vector<1x16xf32> to vector<16xf32>
      %max3A_3268 = arith.maximumf %max3A_3262, %get3A_3267 : vector<16xf32>
      %get3A_3269 = arith.constant 11 : i32
      %get3A_3270 = arith.index_cast %get3A_3269 : i32 to index
      %get3A_3271 = arith.constant 96 : index
      %get3A_3272 = tpu.vector_load %arg9[%get3A_3270, %get3A_3271] {strides = array<i32>} : memref<16x128xf32, #tpu.memory_space<vmem>>, vector<1x16xf32>,
      %get3A_3273 = vector.shape_cast %get3A_3272 : vector<1x16xf32> to vector<16xf32>
      %max3A_3274 = arith.maximumf %max3A_3268, %get3A_3273 : vector<16xf32>
      %get3A_3275 = arith.constant 12 : i32
      %get3A_3276 = arith.index_cast %get3A_3275 : i32 to index
      %get3A_3277 = arith.constant 96 : index
      %get3A_3278 = tpu.vector_load %arg9[%get3A_3276, %get3A_3277] {strides = array<i32>} : memref<16x128xf32, #tpu.memory_space<vmem>>, vector<1x16xf32>,
      %get3A_3279 = vector.shape_cast %get3A_3278 : vector<1x16xf32> to vector<16xf32>
      %max3A_3280 = arith.maximumf %max3A_3274, %get3A_3279 : vector<16xf32>
      %get3A_3281 = arith.constant 13 : i32
      %get3A_3282 = arith.index_cast %get3A_3281 : i32 to index
      %get3A_3283 = arith.constant 96 : index
      %get3A_3284 = tpu.vector_load %arg9[%get3A_3282, %get3A_3283] {strides = array<i32>} : memref<16x128xf32, #tpu.memory_space<vmem>>, vector<1x16xf32>,
      %get3A_3285 = vector.shape_cast %get3A_3284 : vector<1x16xf32> to vector<16xf32>
      %max3A_3286 = arith.maximumf %max3A_3280, %get3A_3285 : vector<16xf32>
      %get3A_3287 = arith.constant 14 : i32
      %get3A_3288 = arith.index_cast %get3A_3287 : i32 to index
      %get3A_3289 = arith.constant 96 : index
      %get3A_3290 = tpu.vector_load %arg9[%get3A_3288, %get3A_3289] {strides = array<i32>} : memref<16x128xf32, #tpu.memory_space<vmem>>, vector<1x16xf32>,
      %get3A_3291 = vector.shape_cast %get3A_3290 : vector<1x16xf32> to vector<16xf32>
      %max3A_3292 = arith.maximumf %max3A_3286, %get3A_3291 : vector<16xf32>
      %get3A_3293 = arith.constant 15 : i32
      %get3A_3294 = arith.index_cast %get3A_3293 : i32 to index
      %get3A_3295 = arith.constant 96 : index
      %get3A_3296 = tpu.vector_load %arg9[%get3A_3294, %get3A_3295] {strides = array<i32>} : memref<16x128xf32, #tpu.memory_space<vmem>>, vector<1x16xf32>,
      %get3A_3297 = vector.shape_cast %get3A_3296 : vector<1x16xf32> to vector<16xf32>
      %max3A_3298 = arith.maximumf %max3A_3292, %get3A_3297 : vector<16xf32>
      %max3A_3299 = arith.constant 0.000000e+00 : f32
      %max3A_3300 = vector.broadcast %max3A_3299 : f32 to vector<16xf32>
      %max3A_3301 = arith.maximumf %max3A_3298, %max3A_3300 : vector<16xf32>
      %swap3A_3302 = arith.index_cast %add3A_2579 : i32 to index
      %swap3A_3303 = arith.constant 96 : index
      %swap3A_3304 = tpu.vector_load %arg14[%swap3A_3302, %swap3A_3303] {strides = array<i32>} : memref<256x128xf32, #tpu.memory_space<vmem>>, vector<1x16xf32>,
      %swap3A_3305 = vector.shape_cast %swap3A_3304 : vector<1x16xf32> to vector<16xf32>
      %swap3A_3306 = vector.shape_cast %max3A_3301 : vector<16xf32> to vector<1x16xf32>
      tpu.vector_store %arg14[%swap3A_3302, %swap3A_3303], %swap3A_3306 {strides = array<i32>} : memref<256x128xf32, #tpu.memory_space<vmem>>, vector<1x16xf32>,
      %get3A_3307 = arith.constant 0 : i32
      %get3A_3308 = arith.index_cast %get3A_3307 : i32 to index
      %get3A_3309 = arith.constant 112 : index
      %get3A_3310 = tpu.vector_load %arg9[%get3A_3308, %get3A_3309] {strides = array<i32>} : memref<16x128xf32, #tpu.memory_space<vmem>>, vector<1x16xf32>,
      %get3A_3311 = vector.shape_cast %get3A_3310 : vector<1x16xf32> to vector<16xf32>
      %get3A_3312 = arith.constant 1 : i32
      %get3A_3313 = arith.index_cast %get3A_3312 : i32 to index
      %get3A_3314 = arith.constant 112 : index
      %get3A_3315 = tpu.vector_load %arg9[%get3A_3313, %get3A_3314] {strides = array<i32>} : memref<16x128xf32, #tpu.memory_space<vmem>>, vector<1x16xf32>,
      %get3A_3316 = vector.shape_cast %get3A_3315 : vector<1x16xf32> to vector<16xf32>
      %max3A_3317 = arith.maximumf %get3A_3311, %get3A_3316 : vector<16xf32>
      %get3A_3318 = arith.constant 2 : i32
      %get3A_3319 = arith.index_cast %get3A_3318 : i32 to index
      %get3A_3320 = arith.constant 112 : index
      %get3A_3321 = tpu.vector_load %arg9[%get3A_3319, %get3A_3320] {strides = array<i32>} : memref<16x128xf32, #tpu.memory_space<vmem>>, vector<1x16xf32>,
      %get3A_3322 = vector.shape_cast %get3A_3321 : vector<1x16xf32> to vector<16xf32>
      %max3A_3323 = arith.maximumf %max3A_3317, %get3A_3322 : vector<16xf32>
      %get3A_3324 = arith.constant 3 : i32
      %get3A_3325 = arith.index_cast %get3A_3324 : i32 to index
      %get3A_3326 = arith.constant 112 : index
      %get3A_3327 = tpu.vector_load %arg9[%get3A_3325, %get3A_3326] {strides = array<i32>} : memref<16x128xf32, #tpu.memory_space<vmem>>, vector<1x16xf32>,
      %get3A_3328 = vector.shape_cast %get3A_3327 : vector<1x16xf32> to vector<16xf32>
      %max3A_3329 = arith.maximumf %max3A_3323, %get3A_3328 : vector<16xf32>
      %get3A_3330 = arith.constant 4 : i32
      %get3A_3331 = arith.index_cast %get3A_3330 : i32 to index
      %get3A_3332 = arith.constant 112 : index
      %get3A_3333 = tpu.vector_load %arg9[%get3A_3331, %get3A_3332] {strides = array<i32>} : memref<16x128xf32, #tpu.memory_space<vmem>>, vector<1x16xf32>,
      %get3A_3334 = vector.shape_cast %get3A_3333 : vector<1x16xf32> to vector<16xf32>
      %max3A_3335 = arith.maximumf %max3A_3329, %get3A_3334 : vector<16xf32>
      %get3A_3336 = arith.constant 5 : i32
      %get3A_3337 = arith.index_cast %get3A_3336 : i32 to index
      %get3A_3338 = arith.constant 112 : index
      %get3A_3339 = tpu.vector_load %arg9[%get3A_3337, %get3A_3338] {strides = array<i32>} : memref<16x128xf32, #tpu.memory_space<vmem>>, vector<1x16xf32>,
      %get3A_3340 = vector.shape_cast %get3A_3339 : vector<1x16xf32> to vector<16xf32>
      %max3A_3341 = arith.maximumf %max3A_3335, %get3A_3340 : vector<16xf32>
      %get3A_3342 = arith.constant 6 : i32
      %get3A_3343 = arith.index_cast %get3A_3342 : i32 to index
      %get3A_3344 = arith.constant 112 : index
      %get3A_3345 = tpu.vector_load %arg9[%get3A_3343, %get3A_3344] {strides = array<i32>} : memref<16x128xf32, #tpu.memory_space<vmem>>, vector<1x16xf32>,
      %get3A_3346 = vector.shape_cast %get3A_3345 : vector<1x16xf32> to vector<16xf32>
      %max3A_3347 = arith.maximumf %max3A_3341, %get3A_3346 : vector<16xf32>
      %get3A_3348 = arith.constant 7 : i32
      %get3A_3349 = arith.index_cast %get3A_3348 : i32 to index
      %get3A_3350 = arith.constant 112 : index
      %get3A_3351 = tpu.vector_load %arg9[%get3A_3349, %get3A_3350] {strides = array<i32>} : memref<16x128xf32, #tpu.memory_space<vmem>>, vector<1x16xf32>,
      %get3A_3352 = vector.shape_cast %get3A_3351 : vector<1x16xf32> to vector<16xf32>
      %max3A_3353 = arith.maximumf %max3A_3347, %get3A_3352 : vector<16xf32>
      %get3A_3354 = arith.constant 8 : i32
      %get3A_3355 = arith.index_cast %get3A_3354 : i32 to index
      %get3A_3356 = arith.constant 112 : index
      %get3A_3357 = tpu.vector_load %arg9[%get3A_3355, %get3A_3356] {strides = array<i32>} : memref<16x128xf32, #tpu.memory_space<vmem>>, vector<1x16xf32>,
      %get3A_3358 = vector.shape_cast %get3A_3357 : vector<1x16xf32> to vector<16xf32>
      %max3A_3359 = arith.maximumf %max3A_3353, %get3A_3358 : vector<16xf32>
      %get3A_3360 = arith.constant 9 : i32
      %get3A_3361 = arith.index_cast %get3A_3360 : i32 to index
      %get3A_3362 = arith.constant 112 : index
      %get3A_3363 = tpu.vector_load %arg9[%get3A_3361, %get3A_3362] {strides = array<i32>} : memref<16x128xf32, #tpu.memory_space<vmem>>, vector<1x16xf32>,
      %get3A_3364 = vector.shape_cast %get3A_3363 : vector<1x16xf32> to vector<16xf32>
      %max3A_3365 = arith.maximumf %max3A_3359, %get3A_3364 : vector<16xf32>
      %get3A_3366 = arith.constant 10 : i32
      %get3A_3367 = arith.index_cast %get3A_3366 : i32 to index
      %get3A_3368 = arith.constant 112 : index
      %get3A_3369 = tpu.vector_load %arg9[%get3A_3367, %get3A_3368] {strides = array<i32>} : memref<16x128xf32, #tpu.memory_space<vmem>>, vector<1x16xf32>,
      %get3A_3370 = vector.shape_cast %get3A_3369 : vector<1x16xf32> to vector<16xf32>
      %max3A_3371 = arith.maximumf %max3A_3365, %get3A_3370 : vector<16xf32>
      %get3A_3372 = arith.constant 11 : i32
      %get3A_3373 = arith.index_cast %get3A_3372 : i32 to index
      %get3A_3374 = arith.constant 112 : index
      %get3A_3375 = tpu.vector_load %arg9[%get3A_3373, %get3A_3374] {strides = array<i32>} : memref<16x128xf32, #tpu.memory_space<vmem>>, vector<1x16xf32>,
      %get3A_3376 = vector.shape_cast %get3A_3375 : vector<1x16xf32> to vector<16xf32>
      %max3A_3377 = arith.maximumf %max3A_3371, %get3A_3376 : vector<16xf32>
      %get3A_3378 = arith.constant 12 : i32
      %get3A_3379 = arith.index_cast %get3A_3378 : i32 to index
      %get3A_3380 = arith.constant 112 : index
      %get3A_3381 = tpu.vector_load %arg9[%get3A_3379, %get3A_3380] {strides = array<i32>} : memref<16x128xf32, #tpu.memory_space<vmem>>, vector<1x16xf32>,
      %get3A_3382 = vector.shape_cast %get3A_3381 : vector<1x16xf32> to vector<16xf32>
      %max3A_3383 = arith.maximumf %max3A_3377, %get3A_3382 : vector<16xf32>
      %get3A_3384 = arith.constant 13 : i32
      %get3A_3385 = arith.index_cast %get3A_3384 : i32 to index
      %get3A_3386 = arith.constant 112 : index
      %get3A_3387 = tpu.vector_load %arg9[%get3A_3385, %get3A_3386] {strides = array<i32>} : memref<16x128xf32, #tpu.memory_space<vmem>>, vector<1x16xf32>,
      %get3A_3388 = vector.shape_cast %get3A_3387 : vector<1x16xf32> to vector<16xf32>
      %max3A_3389 = arith.maximumf %max3A_3383, %get3A_3388 : vector<16xf32>
      %get3A_3390 = arith.constant 14 : i32
      %get3A_3391 = arith.index_cast %get3A_3390 : i32 to index
      %get3A_3392 = arith.constant 112 : index
      %get3A_3393 = tpu.vector_load %arg9[%get3A_3391, %get3A_3392] {strides = array<i32>} : memref<16x128xf32, #tpu.memory_space<vmem>>, vector<1x16xf32>,
      %get3A_3394 = vector.shape_cast %get3A_3393 : vector<1x16xf32> to vector<16xf32>
      %max3A_3395 = arith.maximumf %max3A_3389, %get3A_3394 : vector<16xf32>
      %get3A_3396 = arith.constant 15 : i32
      %get3A_3397 = arith.index_cast %get3A_3396 : i32 to index
      %get3A_3398 = arith.constant 112 : index
      %get3A_3399 = tpu.vector_load %arg9[%get3A_3397, %get3A_3398] {strides = array<i32>} : memref<16x128xf32, #tpu.memory_space<vmem>>, vector<1x16xf32>,
      %get3A_3400 = vector.shape_cast %get3A_3399 : vector<1x16xf32> to vector<16xf32>
      %max3A_3401 = arith.maximumf %max3A_3395, %get3A_3400 : vector<16xf32>
      %max3A_3402 = arith.constant 0.000000e+00 : f32
      %max3A_3403 = vector.broadcast %max3A_3402 : f32 to vector<16xf32>
      %max3A_3404 = arith.maximumf %max3A_3401, %max3A_3403 : vector<16xf32>
      %swap3A_3405 = arith.index_cast %add3A_2579 : i32 to index
      %swap3A_3406 = arith.constant 112 : index
      %swap3A_3407 = tpu.vector_load %arg14[%swap3A_3405, %swap3A_3406] {strides = array<i32>} : memref<256x128xf32, #tpu.memory_space<vmem>>, vector<1x16xf32>,
      %swap3A_3408 = vector.shape_cast %swap3A_3407 : vector<1x16xf32> to vector<16xf32>
      %swap3A_3409 = vector.shape_cast %max3A_3404 : vector<16xf32> to vector<1x16xf32>
      tpu.vector_store %arg14[%swap3A_3405, %swap3A_3406], %swap3A_3409 {strides = array<i32>} : memref<256x128xf32, #tpu.memory_space<vmem>>, vector<1x16xf32>,
      %add3A_3410 = arith.constant 4 : i32
      %add3A_3411 = arith.addi %add3A_2579, %add3A_3410 : i32
      %lt3A_3412 = arith.constant 256 : i32
      %lt3A_3413 = arith.cmpi slt, %add3A_3411, %lt3A_3412 : i32
      %convert_element_type3A_3414 = arith.extui %lt3A_3413 : i1 to i32
      %cond3A_3415 = arith.constant 0 : i32
      %cond3A_3416 = arith.cmpi ne, %convert_element_type3A_3414, %cond3A_3415 : i32
      scf.if %cond3A_3416 {
        %add3A_3417 = arith.constant 4 : i32
        %add3A_3418 = arith.addi %add3A_2579, %add3A_3417 : i32
        %mul3A_3419 = arith.constant 16 : i32
        %mul3A_3420 = arith.muli %add3A_3418, %mul3A_3419 : i32
        %get3A_3421 = arith.index_cast %mul3A_3420 : i32 to index
        %get3A_3422 = tpu.vector_load %arg5[%get3A_3421] {strides = array<i32>} : memref<4096xi32, #tpu.memory_space<vmem>>, vector<16xi32>,
        %get3A_3423 = vector.shape_cast %get3A_3422 : vector<16xi32> to vector<16xi32>
        %add3A_3424 = vector.broadcast %mul3A_20 : i32 to vector<16xi32>
        %add3A_3425 = arith.addi %get3A_3423, %add3A_3424 : vector<16xi32>
        %dma_start3A_3426 = arith.constant 0 : i32
        %dma_start3A_3427 = arith.constant 0 : i32
        %dma_start3A_3428 = tpu.memref_slice %arg2[%dma_start3A_3426, %dma_start3A_3427] : memref<32768x128xf32, #tpu.memory_space<hbm>> -> memref<32768x128xf32, #tpu.memory_space<hbm>>
        tpu.enqueue_indirect_dma source(%dma_start3A_3428 : memref<32768x128xf32, #tpu.memory_space<hbm>>) target(%arg9 : memref<16x128xf32, #tpu.memory_space<vmem>>) offsets(%add3A_3425 : vector<16xi32>) semaphore(%arg13 : memref<!tpu.dma_semaphore, #tpu.memory_space<semaphore_mem>>)
      } else {
      }
    }
    %scan3A_57 = arith.constant 64 : i32
    "tpu.region"() ({
      %run_scoped3A = tpu.sem_alloc : memref<!tpu.dma_semaphore, #tpu.memory_space<semaphore_mem>>
      %dma_start3A_58 = arith.constant 0 : i32
      %dma_start3A_59 = tpu.memref_slice %arg4[%mul3A_2, %dma_start3A_58] : memref<8192x128xf32, #tpu.memory_space<hbm>> -> memref<256x128xf32, #tpu.memory_space<hbm>>
      %dma_start3A_60 = arith.constant 0 : i32
      %dma_start3A_61 = tpu.memref_slice %arg4[%mul3A_2, %dma_start3A_60] : memref<8192x128xf32, #tpu.memory_space<hbm>> -> memref<256x128xf32, #tpu.memory_space<hbm>>
      tpu.enqueue_dma source(%arg14 : memref<256x128xf32, #tpu.memory_space<vmem>>) target(%dma_start3A_61 : memref<256x128xf32, #tpu.memory_space<hbm>>) target_semaphore(%run_scoped3A : memref<!tpu.dma_semaphore, #tpu.memory_space<semaphore_mem>>)
      %dma_wait3A = arith.constant 0 : i32
      %dma_wait3A_62 = tpu.memref_slice %arg4[%mul3A_2, %dma_wait3A] : memref<8192x128xf32, #tpu.memory_space<hbm>> -> memref<256x128xf32, #tpu.memory_space<hbm>>
      %dma_wait3A_63 = arith.constant 0 : i32
      %dma_wait3A_64 = tpu.memref_slice %arg4[%mul3A_2, %dma_wait3A_63] : memref<8192x128xf32, #tpu.memory_space<hbm>> -> memref<256x128xf32, #tpu.memory_space<hbm>>
      tpu.wait_dma2 semaphore(%run_scoped3A : memref<!tpu.dma_semaphore, #tpu.memory_space<semaphore_mem>>) src(%arg14 : memref<256x128xf32, #tpu.memory_space<vmem>>) dst(%dma_wait3A_64 : memref<256x128xf32, #tpu.memory_space<hbm>>)
      tpu.yield
    }) : () -> ()
    return
  }
}

module attributes {stable_mosaic.version = 14 : i64} {
  func.func @_fps_body(%arg0: memref<3x8x4096xf32, #tpu.memory_space<vmem>>, %arg1: memref<3x8x1024xf32, #tpu.memory_space<vmem>>) attributes {dimension_semantics = [], scalar_prefetch = 0 : i64, scratch_operands = 0 : i64, tpu.core_type = #tpu.core_type<tc>} {
    %get3A = arith.constant 0 : index
    %get3A_0 = arith.constant 0 : index
    %get3A_1 = arith.constant 0 : index
    %get3A_2 = vector.load %arg0[%get3A, %get3A_0, %get3A_1] : memref<3x8x4096xf32, #tpu.memory_space<vmem>>, vector<1x8x4096xf32>
    %get3A_3 = vector.shape_cast %get3A_2 : vector<1x8x4096xf32> to vector<8x4096xf32>
    %get3A_4 = arith.constant 1 : index
    %get3A_5 = arith.constant 0 : index
    %get3A_6 = arith.constant 0 : index
    %get3A_7 = vector.load %arg0[%get3A_4, %get3A_5, %get3A_6] : memref<3x8x4096xf32, #tpu.memory_space<vmem>>, vector<1x8x4096xf32>
    %get3A_8 = vector.shape_cast %get3A_7 : vector<1x8x4096xf32> to vector<8x4096xf32>
    %get3A_9 = arith.constant 2 : index
    %get3A_10 = arith.constant 0 : index
    %get3A_11 = arith.constant 0 : index
    %get3A_12 = vector.load %arg0[%get3A_9, %get3A_10, %get3A_11] : memref<3x8x4096xf32, #tpu.memory_space<vmem>>, vector<1x8x4096xf32>
    %get3A_13 = vector.shape_cast %get3A_12 : vector<1x8x4096xf32> to vector<8x4096xf32>
    %iota3A = tpu.iota {dimensions = array<i32: 1>} : vector<8x4096xi32>
    %iota3A_14 = tpu.iota {dimensions = array<i32: 1>} : vector<8x1024xi32>
    %broadcast_in_dim3A = arith.constant 1.000000e+10 : f32
    %broadcast_in_dim3A_15 = vector.broadcast %broadcast_in_dim3A : f32 to vector<8x4096xf32>
    %broadcast_in_dim3A_16 = arith.constant 0 : i32
    %broadcast_in_dim3A_17 = vector.broadcast %broadcast_in_dim3A_16 : i32 to vector<8x1xi32>
    %broadcast_in_dim3A_18 = arith.constant 0.000000e+00 : f32
    %broadcast_in_dim3A_19 = vector.broadcast %broadcast_in_dim3A_18 : f32 to vector<8x1024xf32>
    %scan3A = arith.constant 1 : i32
    %scan3A_20 = arith.constant 1023 : i32
    %scan3A_21 = arith.addi %scan3A, %scan3A_20 : i32
    %scan3A_22 = arith.constant 1 : i32
    %scan3A_23:5 = scf.for %scan3A_70 = %scan3A to %scan3A_21 step %scan3A_22 iter_args(%scan3A_71 = %broadcast_in_dim3A_15, %scan3A_72 = %broadcast_in_dim3A_17, %scan3A_73 = %broadcast_in_dim3A_19, %scan3A_74 = %broadcast_in_dim3A_19, %scan3A_75 = %broadcast_in_dim3A_19) -> (vector<8x4096xf32>, vector<8x1xi32>, vector<8x1024xf32>, vector<8x1024xf32>, vector<8x1024xf32>)  : i32 {
      %eq3A_76 = vector.broadcast %scan3A_72 : vector<8x1xi32> to vector<8x4096xi32>
      %eq3A_77 = arith.cmpi eq, %iota3A, %eq3A_76 : vector<8x4096xi32>
      %jit3A_78 = arith.constant 0.000000e+00 : f32
      %broadcast_in_dim3A_79 = vector.broadcast %jit3A_78 : f32 to vector<8x4096xf32>
      %select_n3A_80 = arith.select %eq3A_77, %get3A_3, %broadcast_in_dim3A_79 : vector<8x4096xi1>, vector<8x4096xf32>
      %reduce_sum3A_81 = arith.constant dense<0.000000e+00> : vector<8xf32>
      %reduce_sum3A_82 = vector.multi_reduction <add>, %select_n3A_80, %reduce_sum3A_81 [1] : vector<8x4096xf32> to vector<8xf32>
      %broadcast_in_dim3A_83 = vector.shape_cast %reduce_sum3A_82 : vector<8xf32> to vector<8x1xf32>
      %jit3A_84 = arith.constant 0.000000e+00 : f32
      %broadcast_in_dim3A_85 = vector.broadcast %jit3A_84 : f32 to vector<8x4096xf32>
      %select_n3A_86 = arith.select %eq3A_77, %get3A_8, %broadcast_in_dim3A_85 : vector<8x4096xi1>, vector<8x4096xf32>
      %reduce_sum3A_87 = arith.constant dense<0.000000e+00> : vector<8xf32>
      %reduce_sum3A_88 = vector.multi_reduction <add>, %select_n3A_86, %reduce_sum3A_87 [1] : vector<8x4096xf32> to vector<8xf32>
      %broadcast_in_dim3A_89 = vector.shape_cast %reduce_sum3A_88 : vector<8xf32> to vector<8x1xf32>
      %jit3A_90 = arith.constant 0.000000e+00 : f32
      %broadcast_in_dim3A_91 = vector.broadcast %jit3A_90 : f32 to vector<8x4096xf32>
      %select_n3A_92 = arith.select %eq3A_77, %get3A_13, %broadcast_in_dim3A_91 : vector<8x4096xi1>, vector<8x4096xf32>
      %reduce_sum3A_93 = arith.constant dense<0.000000e+00> : vector<8xf32>
      %reduce_sum3A_94 = vector.multi_reduction <add>, %select_n3A_92, %reduce_sum3A_93 [1] : vector<8x4096xf32> to vector<8xf32>
      %broadcast_in_dim3A_95 = vector.shape_cast %reduce_sum3A_94 : vector<8xf32> to vector<8x1xf32>
      %sub3A = arith.constant 1 : i32
      %sub3A_96 = arith.subi %scan3A_70, %sub3A : i32
      %eq3A_97 = vector.broadcast %sub3A_96 : i32 to vector<8x1024xi32>
      %eq3A_98 = arith.cmpi eq, %iota3A_14, %eq3A_97 : vector<8x1024xi32>
      %broadcast_in_dim3A_99 = vector.shape_cast %broadcast_in_dim3A_83 : vector<8x1xf32> to vector<8x1xf32>
      %broadcast_in_dim3A_100 = vector.broadcast %broadcast_in_dim3A_99 : vector<8x1xf32> to vector<8x1024xf32>
      %select_n3A_101 = arith.select %eq3A_98, %broadcast_in_dim3A_100, %scan3A_73 : vector<8x1024xi1>, vector<8x1024xf32>
      %broadcast_in_dim3A_102 = vector.shape_cast %broadcast_in_dim3A_89 : vector<8x1xf32> to vector<8x1xf32>
      %broadcast_in_dim3A_103 = vector.broadcast %broadcast_in_dim3A_102 : vector<8x1xf32> to vector<8x1024xf32>
      %select_n3A_104 = arith.select %eq3A_98, %broadcast_in_dim3A_103, %scan3A_74 : vector<8x1024xi1>, vector<8x1024xf32>
      %broadcast_in_dim3A_105 = vector.shape_cast %broadcast_in_dim3A_95 : vector<8x1xf32> to vector<8x1xf32>
      %broadcast_in_dim3A_106 = vector.broadcast %broadcast_in_dim3A_105 : vector<8x1xf32> to vector<8x1024xf32>
      %select_n3A_107 = arith.select %eq3A_98, %broadcast_in_dim3A_106, %scan3A_75 : vector<8x1024xi1>, vector<8x1024xf32>
      %sub3A_108 = vector.broadcast %broadcast_in_dim3A_83 : vector<8x1xf32> to vector<8x4096xf32>
      %sub3A_109 = arith.subf %get3A_3, %sub3A_108 : vector<8x4096xf32>
      %integer_pow3A = arith.mulf %sub3A_109, %sub3A_109 : vector<8x4096xf32>
      %sub3A_110 = vector.broadcast %broadcast_in_dim3A_89 : vector<8x1xf32> to vector<8x4096xf32>
      %sub3A_111 = arith.subf %get3A_8, %sub3A_110 : vector<8x4096xf32>
      %integer_pow3A_112 = arith.mulf %sub3A_111, %sub3A_111 : vector<8x4096xf32>
      %add3A = arith.addf %integer_pow3A, %integer_pow3A_112 : vector<8x4096xf32>
      %sub3A_113 = vector.broadcast %broadcast_in_dim3A_95 : vector<8x1xf32> to vector<8x4096xf32>
      %sub3A_114 = arith.subf %get3A_13, %sub3A_113 : vector<8x4096xf32>
      %integer_pow3A_115 = arith.mulf %sub3A_114, %sub3A_114 : vector<8x4096xf32>
      %add3A_116 = arith.addf %add3A, %integer_pow3A_115 : vector<8x4096xf32>
      %min3A = arith.minimumf %scan3A_71, %add3A_116 : vector<8x4096xf32>
      %reduce_max3A = arith.constant dense<0xFF800000> : vector<8xf32>
      %reduce_max3A_117 = vector.multi_reduction <maximumf>, %min3A, %reduce_max3A [1] : vector<8x4096xf32> to vector<8xf32>
      %broadcast_in_dim3A_118 = vector.shape_cast %reduce_max3A_117 : vector<8xf32> to vector<8x1xf32>
      %eq3A_119 = vector.broadcast %broadcast_in_dim3A_118 : vector<8x1xf32> to vector<8x4096xf32>
      %eq3A_120 = arith.cmpf oeq, %min3A, %eq3A_119 : vector<8x4096xf32>
      %jit3A_121 = arith.constant 4096 : i32
      %broadcast_in_dim3A_122 = vector.broadcast %jit3A_121 : i32 to vector<8x4096xi32>
      %select_n3A_123 = arith.select %eq3A_120, %iota3A, %broadcast_in_dim3A_122 : vector<8x4096xi1>, vector<8x4096xi32>
      %reduce_min3A = arith.constant dense<2147483647> : vector<8xi32>
      %reduce_min3A_124 = vector.multi_reduction <minsi>, %select_n3A_123, %reduce_min3A [1] : vector<8x4096xi32> to vector<8xi32>
      %broadcast_in_dim3A_125 = vector.shape_cast %reduce_min3A_124 : vector<8xi32> to vector<8x1xi32>
      scf.yield %min3A, %broadcast_in_dim3A_125, %select_n3A_101, %select_n3A_104, %select_n3A_107 : vector<8x4096xf32>, vector<8x1xi32>, vector<8x1024xf32>, vector<8x1024xf32>, vector<8x1024xf32>
    }
    %scan3A_24 = arith.constant 1023 : i32
    %eq3A = vector.broadcast %scan3A_23#1 : vector<8x1xi32> to vector<8x4096xi32>
    %eq3A_25 = arith.cmpi eq, %iota3A, %eq3A : vector<8x4096xi32>
    %jit3A = arith.constant 0.000000e+00 : f32
    %broadcast_in_dim3A_26 = vector.broadcast %jit3A : f32 to vector<8x4096xf32>
    %select_n3A = arith.select %eq3A_25, %get3A_3, %broadcast_in_dim3A_26 : vector<8x4096xi1>, vector<8x4096xf32>
    %reduce_sum3A = arith.constant dense<0.000000e+00> : vector<8xf32>
    %reduce_sum3A_27 = vector.multi_reduction <add>, %select_n3A, %reduce_sum3A [1] : vector<8x4096xf32> to vector<8xf32>
    %broadcast_in_dim3A_28 = vector.shape_cast %reduce_sum3A_27 : vector<8xf32> to vector<8x1xf32>
    %jit3A_29 = arith.constant 0.000000e+00 : f32
    %broadcast_in_dim3A_30 = vector.broadcast %jit3A_29 : f32 to vector<8x4096xf32>
    %select_n3A_31 = arith.select %eq3A_25, %get3A_8, %broadcast_in_dim3A_30 : vector<8x4096xi1>, vector<8x4096xf32>
    %reduce_sum3A_32 = arith.constant dense<0.000000e+00> : vector<8xf32>
    %reduce_sum3A_33 = vector.multi_reduction <add>, %select_n3A_31, %reduce_sum3A_32 [1] : vector<8x4096xf32> to vector<8xf32>
    %broadcast_in_dim3A_34 = vector.shape_cast %reduce_sum3A_33 : vector<8xf32> to vector<8x1xf32>
    %jit3A_35 = arith.constant 0.000000e+00 : f32
    %broadcast_in_dim3A_36 = vector.broadcast %jit3A_35 : f32 to vector<8x4096xf32>
    %select_n3A_37 = arith.select %eq3A_25, %get3A_13, %broadcast_in_dim3A_36 : vector<8x4096xi1>, vector<8x4096xf32>
    %reduce_sum3A_38 = arith.constant dense<0.000000e+00> : vector<8xf32>
    %reduce_sum3A_39 = vector.multi_reduction <add>, %select_n3A_37, %reduce_sum3A_38 [1] : vector<8x4096xf32> to vector<8xf32>
    %broadcast_in_dim3A_40 = vector.shape_cast %reduce_sum3A_39 : vector<8xf32> to vector<8x1xf32>
    %eq3A_41 = arith.constant 1023 : i32
    %eq3A_42 = vector.broadcast %eq3A_41 : i32 to vector<8x1024xi32>
    %eq3A_43 = arith.cmpi eq, %iota3A_14, %eq3A_42 : vector<8x1024xi32>
    %broadcast_in_dim3A_44 = vector.shape_cast %broadcast_in_dim3A_28 : vector<8x1xf32> to vector<8x1xf32>
    %broadcast_in_dim3A_45 = vector.broadcast %broadcast_in_dim3A_44 : vector<8x1xf32> to vector<8x1024xf32>
    %select_n3A_46 = arith.select %eq3A_43, %broadcast_in_dim3A_45, %scan3A_23#2 : vector<8x1024xi1>, vector<8x1024xf32>
    %swap3A = arith.constant 0 : index
    %swap3A_47 = arith.constant 0 : index
    %swap3A_48 = arith.constant 0 : index
    %swap3A_49 = vector.load %arg1[%swap3A, %swap3A_47, %swap3A_48] : memref<3x8x1024xf32, #tpu.memory_space<vmem>>, vector<1x8x1024xf32>
    %swap3A_50 = vector.shape_cast %swap3A_49 : vector<1x8x1024xf32> to vector<8x1024xf32>
    %swap3A_51 = vector.shape_cast %select_n3A_46 : vector<8x1024xf32> to vector<1x8x1024xf32>
    tpu.vector_store %arg1[%swap3A, %swap3A_47, %swap3A_48], %swap3A_51 {strides = array<i32>} : memref<3x8x1024xf32, #tpu.memory_space<vmem>>, vector<1x8x1024xf32>,
    %broadcast_in_dim3A_52 = vector.shape_cast %broadcast_in_dim3A_34 : vector<8x1xf32> to vector<8x1xf32>
    %broadcast_in_dim3A_53 = vector.broadcast %broadcast_in_dim3A_52 : vector<8x1xf32> to vector<8x1024xf32>
    %select_n3A_54 = arith.select %eq3A_43, %broadcast_in_dim3A_53, %scan3A_23#3 : vector<8x1024xi1>, vector<8x1024xf32>
    %swap3A_55 = arith.constant 1 : index
    %swap3A_56 = arith.constant 0 : index
    %swap3A_57 = arith.constant 0 : index
    %swap3A_58 = vector.load %arg1[%swap3A_55, %swap3A_56, %swap3A_57] : memref<3x8x1024xf32, #tpu.memory_space<vmem>>, vector<1x8x1024xf32>
    %swap3A_59 = vector.shape_cast %swap3A_58 : vector<1x8x1024xf32> to vector<8x1024xf32>
    %swap3A_60 = vector.shape_cast %select_n3A_54 : vector<8x1024xf32> to vector<1x8x1024xf32>
    tpu.vector_store %arg1[%swap3A_55, %swap3A_56, %swap3A_57], %swap3A_60 {strides = array<i32>} : memref<3x8x1024xf32, #tpu.memory_space<vmem>>, vector<1x8x1024xf32>,
    %broadcast_in_dim3A_61 = vector.shape_cast %broadcast_in_dim3A_40 : vector<8x1xf32> to vector<8x1xf32>
    %broadcast_in_dim3A_62 = vector.broadcast %broadcast_in_dim3A_61 : vector<8x1xf32> to vector<8x1024xf32>
    %select_n3A_63 = arith.select %eq3A_43, %broadcast_in_dim3A_62, %scan3A_23#4 : vector<8x1024xi1>, vector<8x1024xf32>
    %swap3A_64 = arith.constant 2 : index
    %swap3A_65 = arith.constant 0 : index
    %swap3A_66 = arith.constant 0 : index
    %swap3A_67 = vector.load %arg1[%swap3A_64, %swap3A_65, %swap3A_66] : memref<3x8x1024xf32, #tpu.memory_space<vmem>>, vector<1x8x1024xf32>
    %swap3A_68 = vector.shape_cast %swap3A_67 : vector<1x8x1024xf32> to vector<8x1024xf32>
    %swap3A_69 = vector.shape_cast %select_n3A_63 : vector<8x1024xf32> to vector<1x8x1024xf32>
    tpu.vector_store %arg1[%swap3A_64, %swap3A_65, %swap3A_66], %swap3A_69 {strides = array<i32>} : memref<3x8x1024xf32, #tpu.memory_space<vmem>>, vector<1x8x1024xf32>,
    return
  }
}

module attributes {stable_mosaic.version = 14 : i64} {
  func.func @_knn_body(%arg0: i32, %arg1: i32, %arg2: memref<1x3x4096xf32, #tpu.memory_space<vmem>>, %arg3: memref<1x3x256xf32, #tpu.memory_space<vmem>>, %arg4: memref<1x256x16xi32, #tpu.memory_space<vmem>>) attributes {dimension_semantics = [#tpu.dimension_semantics<arbitrary>, #tpu.dimension_semantics<arbitrary>], iteration_bounds = array<i64: 8, 4>, scalar_prefetch = 0 : i64, scratch_operands = 0 : i64, tpu.core_type = #tpu.core_type<tc>, window_params = [{transform_indices = @transform_0, window_bounds = array<i64: 1, 3, 4096>}, {transform_indices = @transform_1, window_bounds = array<i64: 1, 3, 256>}, {transform_indices = @transform_2, window_bounds = array<i64: 1, 256, 16>}]} {
    %get3A = arith.constant 0 : index
    %get3A_0 = arith.constant 0 : index
    %get3A_1 = arith.constant 0 : index
    %get3A_2 = vector.load %arg2[%get3A, %get3A_0, %get3A_1] : memref<1x3x4096xf32, #tpu.memory_space<vmem>>, vector<1x3x4096xf32>
    %get3A_3 = vector.shape_cast %get3A_2 : vector<1x3x4096xf32> to vector<3x4096xf32>
    %get3A_4 = arith.constant 0 : index
    %get3A_5 = arith.constant 0 : index
    %get3A_6 = arith.constant 0 : index
    %get3A_7 = vector.load %arg3[%get3A_4, %get3A_5, %get3A_6] : memref<1x3x256xf32, #tpu.memory_space<vmem>>, vector<1x3x256xf32>
    %get3A_8 = vector.shape_cast %get3A_7 : vector<1x3x256xf32> to vector<3x256xf32>
    %mul3A = arith.mulf %get3A_3, %get3A_3 : vector<3x4096xf32>
    %reduce_sum3A = arith.constant dense<0.000000e+00> : vector<4096xf32>
    %reduce_sum3A_9 = vector.multi_reduction <add>, %mul3A, %reduce_sum3A [0] : vector<3x4096xf32> to vector<4096xf32>
    %broadcast_in_dim3A = vector.shape_cast %reduce_sum3A_9 : vector<4096xf32> to vector<1x4096xf32>
    %mul3A_10 = arith.mulf %get3A_8, %get3A_8 : vector<3x256xf32>
    %reduce_sum3A_11 = arith.constant dense<0.000000e+00> : vector<256xf32>
    %reduce_sum3A_12 = vector.multi_reduction <add>, %mul3A_10, %reduce_sum3A_11 [0] : vector<3x256xf32> to vector<256xf32>
    %dot_general3A = arith.constant dense<0.000000e+00> : vector<256x4096xf32>
    %dot_general3A_13 = tpu.matmul %get3A_8, %get3A_3, %dot_general3A {dimension_numbers = #tpu.dot_dimension_numbers<[0], [0], [1], [1], [0, 1, 1, 1], [], []>, transpose_lhs_hint = false} : vector<3x256xf32>, vector<3x4096xf32>, vector<256x4096xf32> -> vector<256x4096xf32>
    %broadcast_in_dim3A_14 = vector.shape_cast %reduce_sum3A_12 : vector<256xf32> to vector<256x1xf32>
    %add3A = vector.broadcast %broadcast_in_dim3A_14 : vector<256x1xf32> to vector<256x4096xf32>
    %add3A_15 = vector.broadcast %broadcast_in_dim3A : vector<1x4096xf32> to vector<256x4096xf32>
    %add3A_16 = arith.addf %add3A, %add3A_15 : vector<256x4096xf32>
    %mul3A_17 = arith.constant 2.000000e+00 : f32
    %mul3A_18 = vector.broadcast %mul3A_17 : f32 to vector<256x4096xf32>
    %mul3A_19 = arith.mulf %mul3A_18, %dot_general3A_13 : vector<256x4096xf32>
    %sub3A = arith.subf %add3A_16, %mul3A_19 : vector<256x4096xf32>
    %iota3A = tpu.iota {dimensions = array<i32: 1>} : vector<256x4096xi32>
    %reduce_min3A = arith.constant dense<0x7F800000> : vector<256xf32>
    %reduce_min3A_20 = vector.multi_reduction <minimumf>, %sub3A, %reduce_min3A [1] : vector<256x4096xf32> to vector<256xf32>
    %broadcast_in_dim3A_21 = vector.shape_cast %reduce_min3A_20 : vector<256xf32> to vector<256x1xf32>
    %eq3A = vector.broadcast %broadcast_in_dim3A_21 : vector<256x1xf32> to vector<256x4096xf32>
    %eq3A_22 = arith.cmpf oeq, %sub3A, %eq3A : vector<256x4096xf32>
    %jit3A = arith.constant 4096 : i32
    %broadcast_in_dim3A_23 = vector.broadcast %jit3A : i32 to vector<256x4096xi32>
    %select_n3A = arith.select %eq3A_22, %iota3A, %broadcast_in_dim3A_23 : vector<256x4096xi1>, vector<256x4096xi32>
    %reduce_min3A_24 = arith.constant dense<2147483647> : vector<256xi32>
    %reduce_min3A_25 = vector.multi_reduction <minsi>, %select_n3A, %reduce_min3A_24 [1] : vector<256x4096xi32> to vector<256xi32>
    %broadcast_in_dim3A_26 = vector.shape_cast %reduce_min3A_25 : vector<256xi32> to vector<256x1xi32>
    %swap3A = arith.constant 0 : index
    %swap3A_27 = arith.constant 0 : index
    %swap3A_28 = arith.constant 0 : index
    %swap3A_29 = vector.load %arg4[%swap3A, %swap3A_27, %swap3A_28] : memref<1x256x16xi32, #tpu.memory_space<vmem>>, vector<1x256x1xi32>
    %swap3A_30 = vector.shape_cast %swap3A_29 : vector<1x256x1xi32> to vector<256x1xi32>
    %swap3A_31 = vector.shape_cast %broadcast_in_dim3A_26 : vector<256x1xi32> to vector<1x256x1xi32>
    tpu.vector_store %arg4[%swap3A, %swap3A_27, %swap3A_28], %swap3A_31 {strides = array<i32>} : memref<1x256x16xi32, #tpu.memory_space<vmem>>, vector<1x256x1xi32>,
    %eq3A_32 = vector.broadcast %broadcast_in_dim3A_26 : vector<256x1xi32> to vector<256x4096xi32>
    %eq3A_33 = arith.cmpi eq, %iota3A, %eq3A_32 : vector<256x4096xi32>
    %jit3A_34 = arith.constant 0x7F800000 : f32
    %broadcast_in_dim3A_35 = vector.broadcast %jit3A_34 : f32 to vector<256x4096xf32>
    %select_n3A_36 = arith.select %eq3A_33, %broadcast_in_dim3A_35, %sub3A : vector<256x4096xi1>, vector<256x4096xf32>
    %reduce_min3A_37 = arith.constant dense<0x7F800000> : vector<256xf32>
    %reduce_min3A_38 = vector.multi_reduction <minimumf>, %select_n3A_36, %reduce_min3A_37 [1] : vector<256x4096xf32> to vector<256xf32>
    %broadcast_in_dim3A_39 = vector.shape_cast %reduce_min3A_38 : vector<256xf32> to vector<256x1xf32>
    %eq3A_40 = vector.broadcast %broadcast_in_dim3A_39 : vector<256x1xf32> to vector<256x4096xf32>
    %eq3A_41 = arith.cmpf oeq, %select_n3A_36, %eq3A_40 : vector<256x4096xf32>
    %jit3A_42 = arith.constant 4096 : i32
    %broadcast_in_dim3A_43 = vector.broadcast %jit3A_42 : i32 to vector<256x4096xi32>
    %select_n3A_44 = arith.select %eq3A_41, %iota3A, %broadcast_in_dim3A_43 : vector<256x4096xi1>, vector<256x4096xi32>
    %reduce_min3A_45 = arith.constant dense<2147483647> : vector<256xi32>
    %reduce_min3A_46 = vector.multi_reduction <minsi>, %select_n3A_44, %reduce_min3A_45 [1] : vector<256x4096xi32> to vector<256xi32>
    %broadcast_in_dim3A_47 = vector.shape_cast %reduce_min3A_46 : vector<256xi32> to vector<256x1xi32>
    %swap3A_48 = arith.constant 0 : index
    %swap3A_49 = arith.constant 0 : index
    %swap3A_50 = arith.constant 1 : index
    %swap3A_51 = vector.load %arg4[%swap3A_48, %swap3A_49, %swap3A_50] : memref<1x256x16xi32, #tpu.memory_space<vmem>>, vector<1x256x1xi32>
    %swap3A_52 = vector.shape_cast %swap3A_51 : vector<1x256x1xi32> to vector<256x1xi32>
    %swap3A_53 = vector.shape_cast %broadcast_in_dim3A_47 : vector<256x1xi32> to vector<1x256x1xi32>
    tpu.vector_store %arg4[%swap3A_48, %swap3A_49, %swap3A_50], %swap3A_53 {strides = array<i32>} : memref<1x256x16xi32, #tpu.memory_space<vmem>>, vector<1x256x1xi32>,
    %eq3A_54 = vector.broadcast %broadcast_in_dim3A_47 : vector<256x1xi32> to vector<256x4096xi32>
    %eq3A_55 = arith.cmpi eq, %iota3A, %eq3A_54 : vector<256x4096xi32>
    %jit3A_56 = arith.constant 0x7F800000 : f32
    %broadcast_in_dim3A_57 = vector.broadcast %jit3A_56 : f32 to vector<256x4096xf32>
    %select_n3A_58 = arith.select %eq3A_55, %broadcast_in_dim3A_57, %select_n3A_36 : vector<256x4096xi1>, vector<256x4096xf32>
    %reduce_min3A_59 = arith.constant dense<0x7F800000> : vector<256xf32>
    %reduce_min3A_60 = vector.multi_reduction <minimumf>, %select_n3A_58, %reduce_min3A_59 [1] : vector<256x4096xf32> to vector<256xf32>
    %broadcast_in_dim3A_61 = vector.shape_cast %reduce_min3A_60 : vector<256xf32> to vector<256x1xf32>
    %eq3A_62 = vector.broadcast %broadcast_in_dim3A_61 : vector<256x1xf32> to vector<256x4096xf32>
    %eq3A_63 = arith.cmpf oeq, %select_n3A_58, %eq3A_62 : vector<256x4096xf32>
    %jit3A_64 = arith.constant 4096 : i32
    %broadcast_in_dim3A_65 = vector.broadcast %jit3A_64 : i32 to vector<256x4096xi32>
    %select_n3A_66 = arith.select %eq3A_63, %iota3A, %broadcast_in_dim3A_65 : vector<256x4096xi1>, vector<256x4096xi32>
    %reduce_min3A_67 = arith.constant dense<2147483647> : vector<256xi32>
    %reduce_min3A_68 = vector.multi_reduction <minsi>, %select_n3A_66, %reduce_min3A_67 [1] : vector<256x4096xi32> to vector<256xi32>
    %broadcast_in_dim3A_69 = vector.shape_cast %reduce_min3A_68 : vector<256xi32> to vector<256x1xi32>
    %swap3A_70 = arith.constant 0 : index
    %swap3A_71 = arith.constant 0 : index
    %swap3A_72 = arith.constant 2 : index
    %swap3A_73 = vector.load %arg4[%swap3A_70, %swap3A_71, %swap3A_72] : memref<1x256x16xi32, #tpu.memory_space<vmem>>, vector<1x256x1xi32>
    %swap3A_74 = vector.shape_cast %swap3A_73 : vector<1x256x1xi32> to vector<256x1xi32>
    %swap3A_75 = vector.shape_cast %broadcast_in_dim3A_69 : vector<256x1xi32> to vector<1x256x1xi32>
    tpu.vector_store %arg4[%swap3A_70, %swap3A_71, %swap3A_72], %swap3A_75 {strides = array<i32>} : memref<1x256x16xi32, #tpu.memory_space<vmem>>, vector<1x256x1xi32>,
    %eq3A_76 = vector.broadcast %broadcast_in_dim3A_69 : vector<256x1xi32> to vector<256x4096xi32>
    %eq3A_77 = arith.cmpi eq, %iota3A, %eq3A_76 : vector<256x4096xi32>
    %jit3A_78 = arith.constant 0x7F800000 : f32
    %broadcast_in_dim3A_79 = vector.broadcast %jit3A_78 : f32 to vector<256x4096xf32>
    %select_n3A_80 = arith.select %eq3A_77, %broadcast_in_dim3A_79, %select_n3A_58 : vector<256x4096xi1>, vector<256x4096xf32>
    %reduce_min3A_81 = arith.constant dense<0x7F800000> : vector<256xf32>
    %reduce_min3A_82 = vector.multi_reduction <minimumf>, %select_n3A_80, %reduce_min3A_81 [1] : vector<256x4096xf32> to vector<256xf32>
    %broadcast_in_dim3A_83 = vector.shape_cast %reduce_min3A_82 : vector<256xf32> to vector<256x1xf32>
    %eq3A_84 = vector.broadcast %broadcast_in_dim3A_83 : vector<256x1xf32> to vector<256x4096xf32>
    %eq3A_85 = arith.cmpf oeq, %select_n3A_80, %eq3A_84 : vector<256x4096xf32>
    %jit3A_86 = arith.constant 4096 : i32
    %broadcast_in_dim3A_87 = vector.broadcast %jit3A_86 : i32 to vector<256x4096xi32>
    %select_n3A_88 = arith.select %eq3A_85, %iota3A, %broadcast_in_dim3A_87 : vector<256x4096xi1>, vector<256x4096xi32>
    %reduce_min3A_89 = arith.constant dense<2147483647> : vector<256xi32>
    %reduce_min3A_90 = vector.multi_reduction <minsi>, %select_n3A_88, %reduce_min3A_89 [1] : vector<256x4096xi32> to vector<256xi32>
    %broadcast_in_dim3A_91 = vector.shape_cast %reduce_min3A_90 : vector<256xi32> to vector<256x1xi32>
    %swap3A_92 = arith.constant 0 : index
    %swap3A_93 = arith.constant 0 : index
    %swap3A_94 = arith.constant 3 : index
    %swap3A_95 = vector.load %arg4[%swap3A_92, %swap3A_93, %swap3A_94] : memref<1x256x16xi32, #tpu.memory_space<vmem>>, vector<1x256x1xi32>
    %swap3A_96 = vector.shape_cast %swap3A_95 : vector<1x256x1xi32> to vector<256x1xi32>
    %swap3A_97 = vector.shape_cast %broadcast_in_dim3A_91 : vector<256x1xi32> to vector<1x256x1xi32>
    tpu.vector_store %arg4[%swap3A_92, %swap3A_93, %swap3A_94], %swap3A_97 {strides = array<i32>} : memref<1x256x16xi32, #tpu.memory_space<vmem>>, vector<1x256x1xi32>,
    %eq3A_98 = vector.broadcast %broadcast_in_dim3A_91 : vector<256x1xi32> to vector<256x4096xi32>
    %eq3A_99 = arith.cmpi eq, %iota3A, %eq3A_98 : vector<256x4096xi32>
    %jit3A_100 = arith.constant 0x7F800000 : f32
    %broadcast_in_dim3A_101 = vector.broadcast %jit3A_100 : f32 to vector<256x4096xf32>
    %select_n3A_102 = arith.select %eq3A_99, %broadcast_in_dim3A_101, %select_n3A_80 : vector<256x4096xi1>, vector<256x4096xf32>
    %reduce_min3A_103 = arith.constant dense<0x7F800000> : vector<256xf32>
    %reduce_min3A_104 = vector.multi_reduction <minimumf>, %select_n3A_102, %reduce_min3A_103 [1] : vector<256x4096xf32> to vector<256xf32>
    %broadcast_in_dim3A_105 = vector.shape_cast %reduce_min3A_104 : vector<256xf32> to vector<256x1xf32>
    %eq3A_106 = vector.broadcast %broadcast_in_dim3A_105 : vector<256x1xf32> to vector<256x4096xf32>
    %eq3A_107 = arith.cmpf oeq, %select_n3A_102, %eq3A_106 : vector<256x4096xf32>
    %jit3A_108 = arith.constant 4096 : i32
    %broadcast_in_dim3A_109 = vector.broadcast %jit3A_108 : i32 to vector<256x4096xi32>
    %select_n3A_110 = arith.select %eq3A_107, %iota3A, %broadcast_in_dim3A_109 : vector<256x4096xi1>, vector<256x4096xi32>
    %reduce_min3A_111 = arith.constant dense<2147483647> : vector<256xi32>
    %reduce_min3A_112 = vector.multi_reduction <minsi>, %select_n3A_110, %reduce_min3A_111 [1] : vector<256x4096xi32> to vector<256xi32>
    %broadcast_in_dim3A_113 = vector.shape_cast %reduce_min3A_112 : vector<256xi32> to vector<256x1xi32>
    %swap3A_114 = arith.constant 0 : index
    %swap3A_115 = arith.constant 0 : index
    %swap3A_116 = arith.constant 4 : index
    %swap3A_117 = vector.load %arg4[%swap3A_114, %swap3A_115, %swap3A_116] : memref<1x256x16xi32, #tpu.memory_space<vmem>>, vector<1x256x1xi32>
    %swap3A_118 = vector.shape_cast %swap3A_117 : vector<1x256x1xi32> to vector<256x1xi32>
    %swap3A_119 = vector.shape_cast %broadcast_in_dim3A_113 : vector<256x1xi32> to vector<1x256x1xi32>
    tpu.vector_store %arg4[%swap3A_114, %swap3A_115, %swap3A_116], %swap3A_119 {strides = array<i32>} : memref<1x256x16xi32, #tpu.memory_space<vmem>>, vector<1x256x1xi32>,
    %eq3A_120 = vector.broadcast %broadcast_in_dim3A_113 : vector<256x1xi32> to vector<256x4096xi32>
    %eq3A_121 = arith.cmpi eq, %iota3A, %eq3A_120 : vector<256x4096xi32>
    %jit3A_122 = arith.constant 0x7F800000 : f32
    %broadcast_in_dim3A_123 = vector.broadcast %jit3A_122 : f32 to vector<256x4096xf32>
    %select_n3A_124 = arith.select %eq3A_121, %broadcast_in_dim3A_123, %select_n3A_102 : vector<256x4096xi1>, vector<256x4096xf32>
    %reduce_min3A_125 = arith.constant dense<0x7F800000> : vector<256xf32>
    %reduce_min3A_126 = vector.multi_reduction <minimumf>, %select_n3A_124, %reduce_min3A_125 [1] : vector<256x4096xf32> to vector<256xf32>
    %broadcast_in_dim3A_127 = vector.shape_cast %reduce_min3A_126 : vector<256xf32> to vector<256x1xf32>
    %eq3A_128 = vector.broadcast %broadcast_in_dim3A_127 : vector<256x1xf32> to vector<256x4096xf32>
    %eq3A_129 = arith.cmpf oeq, %select_n3A_124, %eq3A_128 : vector<256x4096xf32>
    %jit3A_130 = arith.constant 4096 : i32
    %broadcast_in_dim3A_131 = vector.broadcast %jit3A_130 : i32 to vector<256x4096xi32>
    %select_n3A_132 = arith.select %eq3A_129, %iota3A, %broadcast_in_dim3A_131 : vector<256x4096xi1>, vector<256x4096xi32>
    %reduce_min3A_133 = arith.constant dense<2147483647> : vector<256xi32>
    %reduce_min3A_134 = vector.multi_reduction <minsi>, %select_n3A_132, %reduce_min3A_133 [1] : vector<256x4096xi32> to vector<256xi32>
    %broadcast_in_dim3A_135 = vector.shape_cast %reduce_min3A_134 : vector<256xi32> to vector<256x1xi32>
    %swap3A_136 = arith.constant 0 : index
    %swap3A_137 = arith.constant 0 : index
    %swap3A_138 = arith.constant 5 : index
    %swap3A_139 = vector.load %arg4[%swap3A_136, %swap3A_137, %swap3A_138] : memref<1x256x16xi32, #tpu.memory_space<vmem>>, vector<1x256x1xi32>
    %swap3A_140 = vector.shape_cast %swap3A_139 : vector<1x256x1xi32> to vector<256x1xi32>
    %swap3A_141 = vector.shape_cast %broadcast_in_dim3A_135 : vector<256x1xi32> to vector<1x256x1xi32>
    tpu.vector_store %arg4[%swap3A_136, %swap3A_137, %swap3A_138], %swap3A_141 {strides = array<i32>} : memref<1x256x16xi32, #tpu.memory_space<vmem>>, vector<1x256x1xi32>,
    %eq3A_142 = vector.broadcast %broadcast_in_dim3A_135 : vector<256x1xi32> to vector<256x4096xi32>
    %eq3A_143 = arith.cmpi eq, %iota3A, %eq3A_142 : vector<256x4096xi32>
    %jit3A_144 = arith.constant 0x7F800000 : f32
    %broadcast_in_dim3A_145 = vector.broadcast %jit3A_144 : f32 to vector<256x4096xf32>
    %select_n3A_146 = arith.select %eq3A_143, %broadcast_in_dim3A_145, %select_n3A_124 : vector<256x4096xi1>, vector<256x4096xf32>
    %reduce_min3A_147 = arith.constant dense<0x7F800000> : vector<256xf32>
    %reduce_min3A_148 = vector.multi_reduction <minimumf>, %select_n3A_146, %reduce_min3A_147 [1] : vector<256x4096xf32> to vector<256xf32>
    %broadcast_in_dim3A_149 = vector.shape_cast %reduce_min3A_148 : vector<256xf32> to vector<256x1xf32>
    %eq3A_150 = vector.broadcast %broadcast_in_dim3A_149 : vector<256x1xf32> to vector<256x4096xf32>
    %eq3A_151 = arith.cmpf oeq, %select_n3A_146, %eq3A_150 : vector<256x4096xf32>
    %jit3A_152 = arith.constant 4096 : i32
    %broadcast_in_dim3A_153 = vector.broadcast %jit3A_152 : i32 to vector<256x4096xi32>
    %select_n3A_154 = arith.select %eq3A_151, %iota3A, %broadcast_in_dim3A_153 : vector<256x4096xi1>, vector<256x4096xi32>
    %reduce_min3A_155 = arith.constant dense<2147483647> : vector<256xi32>
    %reduce_min3A_156 = vector.multi_reduction <minsi>, %select_n3A_154, %reduce_min3A_155 [1] : vector<256x4096xi32> to vector<256xi32>
    %broadcast_in_dim3A_157 = vector.shape_cast %reduce_min3A_156 : vector<256xi32> to vector<256x1xi32>
    %swap3A_158 = arith.constant 0 : index
    %swap3A_159 = arith.constant 0 : index
    %swap3A_160 = arith.constant 6 : index
    %swap3A_161 = vector.load %arg4[%swap3A_158, %swap3A_159, %swap3A_160] : memref<1x256x16xi32, #tpu.memory_space<vmem>>, vector<1x256x1xi32>
    %swap3A_162 = vector.shape_cast %swap3A_161 : vector<1x256x1xi32> to vector<256x1xi32>
    %swap3A_163 = vector.shape_cast %broadcast_in_dim3A_157 : vector<256x1xi32> to vector<1x256x1xi32>
    tpu.vector_store %arg4[%swap3A_158, %swap3A_159, %swap3A_160], %swap3A_163 {strides = array<i32>} : memref<1x256x16xi32, #tpu.memory_space<vmem>>, vector<1x256x1xi32>,
    %eq3A_164 = vector.broadcast %broadcast_in_dim3A_157 : vector<256x1xi32> to vector<256x4096xi32>
    %eq3A_165 = arith.cmpi eq, %iota3A, %eq3A_164 : vector<256x4096xi32>
    %jit3A_166 = arith.constant 0x7F800000 : f32
    %broadcast_in_dim3A_167 = vector.broadcast %jit3A_166 : f32 to vector<256x4096xf32>
    %select_n3A_168 = arith.select %eq3A_165, %broadcast_in_dim3A_167, %select_n3A_146 : vector<256x4096xi1>, vector<256x4096xf32>
    %reduce_min3A_169 = arith.constant dense<0x7F800000> : vector<256xf32>
    %reduce_min3A_170 = vector.multi_reduction <minimumf>, %select_n3A_168, %reduce_min3A_169 [1] : vector<256x4096xf32> to vector<256xf32>
    %broadcast_in_dim3A_171 = vector.shape_cast %reduce_min3A_170 : vector<256xf32> to vector<256x1xf32>
    %eq3A_172 = vector.broadcast %broadcast_in_dim3A_171 : vector<256x1xf32> to vector<256x4096xf32>
    %eq3A_173 = arith.cmpf oeq, %select_n3A_168, %eq3A_172 : vector<256x4096xf32>
    %jit3A_174 = arith.constant 4096 : i32
    %broadcast_in_dim3A_175 = vector.broadcast %jit3A_174 : i32 to vector<256x4096xi32>
    %select_n3A_176 = arith.select %eq3A_173, %iota3A, %broadcast_in_dim3A_175 : vector<256x4096xi1>, vector<256x4096xi32>
    %reduce_min3A_177 = arith.constant dense<2147483647> : vector<256xi32>
    %reduce_min3A_178 = vector.multi_reduction <minsi>, %select_n3A_176, %reduce_min3A_177 [1] : vector<256x4096xi32> to vector<256xi32>
    %broadcast_in_dim3A_179 = vector.shape_cast %reduce_min3A_178 : vector<256xi32> to vector<256x1xi32>
    %swap3A_180 = arith.constant 0 : index
    %swap3A_181 = arith.constant 0 : index
    %swap3A_182 = arith.constant 7 : index
    %swap3A_183 = vector.load %arg4[%swap3A_180, %swap3A_181, %swap3A_182] : memref<1x256x16xi32, #tpu.memory_space<vmem>>, vector<1x256x1xi32>
    %swap3A_184 = vector.shape_cast %swap3A_183 : vector<1x256x1xi32> to vector<256x1xi32>
    %swap3A_185 = vector.shape_cast %broadcast_in_dim3A_179 : vector<256x1xi32> to vector<1x256x1xi32>
    tpu.vector_store %arg4[%swap3A_180, %swap3A_181, %swap3A_182], %swap3A_185 {strides = array<i32>} : memref<1x256x16xi32, #tpu.memory_space<vmem>>, vector<1x256x1xi32>,
    %eq3A_186 = vector.broadcast %broadcast_in_dim3A_179 : vector<256x1xi32> to vector<256x4096xi32>
    %eq3A_187 = arith.cmpi eq, %iota3A, %eq3A_186 : vector<256x4096xi32>
    %jit3A_188 = arith.constant 0x7F800000 : f32
    %broadcast_in_dim3A_189 = vector.broadcast %jit3A_188 : f32 to vector<256x4096xf32>
    %select_n3A_190 = arith.select %eq3A_187, %broadcast_in_dim3A_189, %select_n3A_168 : vector<256x4096xi1>, vector<256x4096xf32>
    %reduce_min3A_191 = arith.constant dense<0x7F800000> : vector<256xf32>
    %reduce_min3A_192 = vector.multi_reduction <minimumf>, %select_n3A_190, %reduce_min3A_191 [1] : vector<256x4096xf32> to vector<256xf32>
    %broadcast_in_dim3A_193 = vector.shape_cast %reduce_min3A_192 : vector<256xf32> to vector<256x1xf32>
    %eq3A_194 = vector.broadcast %broadcast_in_dim3A_193 : vector<256x1xf32> to vector<256x4096xf32>
    %eq3A_195 = arith.cmpf oeq, %select_n3A_190, %eq3A_194 : vector<256x4096xf32>
    %jit3A_196 = arith.constant 4096 : i32
    %broadcast_in_dim3A_197 = vector.broadcast %jit3A_196 : i32 to vector<256x4096xi32>
    %select_n3A_198 = arith.select %eq3A_195, %iota3A, %broadcast_in_dim3A_197 : vector<256x4096xi1>, vector<256x4096xi32>
    %reduce_min3A_199 = arith.constant dense<2147483647> : vector<256xi32>
    %reduce_min3A_200 = vector.multi_reduction <minsi>, %select_n3A_198, %reduce_min3A_199 [1] : vector<256x4096xi32> to vector<256xi32>
    %broadcast_in_dim3A_201 = vector.shape_cast %reduce_min3A_200 : vector<256xi32> to vector<256x1xi32>
    %swap3A_202 = arith.constant 0 : index
    %swap3A_203 = arith.constant 0 : index
    %swap3A_204 = arith.constant 8 : index
    %swap3A_205 = vector.load %arg4[%swap3A_202, %swap3A_203, %swap3A_204] : memref<1x256x16xi32, #tpu.memory_space<vmem>>, vector<1x256x1xi32>
    %swap3A_206 = vector.shape_cast %swap3A_205 : vector<1x256x1xi32> to vector<256x1xi32>
    %swap3A_207 = vector.shape_cast %broadcast_in_dim3A_201 : vector<256x1xi32> to vector<1x256x1xi32>
    tpu.vector_store %arg4[%swap3A_202, %swap3A_203, %swap3A_204], %swap3A_207 {strides = array<i32>} : memref<1x256x16xi32, #tpu.memory_space<vmem>>, vector<1x256x1xi32>,
    %eq3A_208 = vector.broadcast %broadcast_in_dim3A_201 : vector<256x1xi32> to vector<256x4096xi32>
    %eq3A_209 = arith.cmpi eq, %iota3A, %eq3A_208 : vector<256x4096xi32>
    %jit3A_210 = arith.constant 0x7F800000 : f32
    %broadcast_in_dim3A_211 = vector.broadcast %jit3A_210 : f32 to vector<256x4096xf32>
    %select_n3A_212 = arith.select %eq3A_209, %broadcast_in_dim3A_211, %select_n3A_190 : vector<256x4096xi1>, vector<256x4096xf32>
    %reduce_min3A_213 = arith.constant dense<0x7F800000> : vector<256xf32>
    %reduce_min3A_214 = vector.multi_reduction <minimumf>, %select_n3A_212, %reduce_min3A_213 [1] : vector<256x4096xf32> to vector<256xf32>
    %broadcast_in_dim3A_215 = vector.shape_cast %reduce_min3A_214 : vector<256xf32> to vector<256x1xf32>
    %eq3A_216 = vector.broadcast %broadcast_in_dim3A_215 : vector<256x1xf32> to vector<256x4096xf32>
    %eq3A_217 = arith.cmpf oeq, %select_n3A_212, %eq3A_216 : vector<256x4096xf32>
    %jit3A_218 = arith.constant 4096 : i32
    %broadcast_in_dim3A_219 = vector.broadcast %jit3A_218 : i32 to vector<256x4096xi32>
    %select_n3A_220 = arith.select %eq3A_217, %iota3A, %broadcast_in_dim3A_219 : vector<256x4096xi1>, vector<256x4096xi32>
    %reduce_min3A_221 = arith.constant dense<2147483647> : vector<256xi32>
    %reduce_min3A_222 = vector.multi_reduction <minsi>, %select_n3A_220, %reduce_min3A_221 [1] : vector<256x4096xi32> to vector<256xi32>
    %broadcast_in_dim3A_223 = vector.shape_cast %reduce_min3A_222 : vector<256xi32> to vector<256x1xi32>
    %swap3A_224 = arith.constant 0 : index
    %swap3A_225 = arith.constant 0 : index
    %swap3A_226 = arith.constant 9 : index
    %swap3A_227 = vector.load %arg4[%swap3A_224, %swap3A_225, %swap3A_226] : memref<1x256x16xi32, #tpu.memory_space<vmem>>, vector<1x256x1xi32>
    %swap3A_228 = vector.shape_cast %swap3A_227 : vector<1x256x1xi32> to vector<256x1xi32>
    %swap3A_229 = vector.shape_cast %broadcast_in_dim3A_223 : vector<256x1xi32> to vector<1x256x1xi32>
    tpu.vector_store %arg4[%swap3A_224, %swap3A_225, %swap3A_226], %swap3A_229 {strides = array<i32>} : memref<1x256x16xi32, #tpu.memory_space<vmem>>, vector<1x256x1xi32>,
    %eq3A_230 = vector.broadcast %broadcast_in_dim3A_223 : vector<256x1xi32> to vector<256x4096xi32>
    %eq3A_231 = arith.cmpi eq, %iota3A, %eq3A_230 : vector<256x4096xi32>
    %jit3A_232 = arith.constant 0x7F800000 : f32
    %broadcast_in_dim3A_233 = vector.broadcast %jit3A_232 : f32 to vector<256x4096xf32>
    %select_n3A_234 = arith.select %eq3A_231, %broadcast_in_dim3A_233, %select_n3A_212 : vector<256x4096xi1>, vector<256x4096xf32>
    %reduce_min3A_235 = arith.constant dense<0x7F800000> : vector<256xf32>
    %reduce_min3A_236 = vector.multi_reduction <minimumf>, %select_n3A_234, %reduce_min3A_235 [1] : vector<256x4096xf32> to vector<256xf32>
    %broadcast_in_dim3A_237 = vector.shape_cast %reduce_min3A_236 : vector<256xf32> to vector<256x1xf32>
    %eq3A_238 = vector.broadcast %broadcast_in_dim3A_237 : vector<256x1xf32> to vector<256x4096xf32>
    %eq3A_239 = arith.cmpf oeq, %select_n3A_234, %eq3A_238 : vector<256x4096xf32>
    %jit3A_240 = arith.constant 4096 : i32
    %broadcast_in_dim3A_241 = vector.broadcast %jit3A_240 : i32 to vector<256x4096xi32>
    %select_n3A_242 = arith.select %eq3A_239, %iota3A, %broadcast_in_dim3A_241 : vector<256x4096xi1>, vector<256x4096xi32>
    %reduce_min3A_243 = arith.constant dense<2147483647> : vector<256xi32>
    %reduce_min3A_244 = vector.multi_reduction <minsi>, %select_n3A_242, %reduce_min3A_243 [1] : vector<256x4096xi32> to vector<256xi32>
    %broadcast_in_dim3A_245 = vector.shape_cast %reduce_min3A_244 : vector<256xi32> to vector<256x1xi32>
    %swap3A_246 = arith.constant 0 : index
    %swap3A_247 = arith.constant 0 : index
    %swap3A_248 = arith.constant 10 : index
    %swap3A_249 = vector.load %arg4[%swap3A_246, %swap3A_247, %swap3A_248] : memref<1x256x16xi32, #tpu.memory_space<vmem>>, vector<1x256x1xi32>
    %swap3A_250 = vector.shape_cast %swap3A_249 : vector<1x256x1xi32> to vector<256x1xi32>
    %swap3A_251 = vector.shape_cast %broadcast_in_dim3A_245 : vector<256x1xi32> to vector<1x256x1xi32>
    tpu.vector_store %arg4[%swap3A_246, %swap3A_247, %swap3A_248], %swap3A_251 {strides = array<i32>} : memref<1x256x16xi32, #tpu.memory_space<vmem>>, vector<1x256x1xi32>,
    %eq3A_252 = vector.broadcast %broadcast_in_dim3A_245 : vector<256x1xi32> to vector<256x4096xi32>
    %eq3A_253 = arith.cmpi eq, %iota3A, %eq3A_252 : vector<256x4096xi32>
    %jit3A_254 = arith.constant 0x7F800000 : f32
    %broadcast_in_dim3A_255 = vector.broadcast %jit3A_254 : f32 to vector<256x4096xf32>
    %select_n3A_256 = arith.select %eq3A_253, %broadcast_in_dim3A_255, %select_n3A_234 : vector<256x4096xi1>, vector<256x4096xf32>
    %reduce_min3A_257 = arith.constant dense<0x7F800000> : vector<256xf32>
    %reduce_min3A_258 = vector.multi_reduction <minimumf>, %select_n3A_256, %reduce_min3A_257 [1] : vector<256x4096xf32> to vector<256xf32>
    %broadcast_in_dim3A_259 = vector.shape_cast %reduce_min3A_258 : vector<256xf32> to vector<256x1xf32>
    %eq3A_260 = vector.broadcast %broadcast_in_dim3A_259 : vector<256x1xf32> to vector<256x4096xf32>
    %eq3A_261 = arith.cmpf oeq, %select_n3A_256, %eq3A_260 : vector<256x4096xf32>
    %jit3A_262 = arith.constant 4096 : i32
    %broadcast_in_dim3A_263 = vector.broadcast %jit3A_262 : i32 to vector<256x4096xi32>
    %select_n3A_264 = arith.select %eq3A_261, %iota3A, %broadcast_in_dim3A_263 : vector<256x4096xi1>, vector<256x4096xi32>
    %reduce_min3A_265 = arith.constant dense<2147483647> : vector<256xi32>
    %reduce_min3A_266 = vector.multi_reduction <minsi>, %select_n3A_264, %reduce_min3A_265 [1] : vector<256x4096xi32> to vector<256xi32>
    %broadcast_in_dim3A_267 = vector.shape_cast %reduce_min3A_266 : vector<256xi32> to vector<256x1xi32>
    %swap3A_268 = arith.constant 0 : index
    %swap3A_269 = arith.constant 0 : index
    %swap3A_270 = arith.constant 11 : index
    %swap3A_271 = vector.load %arg4[%swap3A_268, %swap3A_269, %swap3A_270] : memref<1x256x16xi32, #tpu.memory_space<vmem>>, vector<1x256x1xi32>
    %swap3A_272 = vector.shape_cast %swap3A_271 : vector<1x256x1xi32> to vector<256x1xi32>
    %swap3A_273 = vector.shape_cast %broadcast_in_dim3A_267 : vector<256x1xi32> to vector<1x256x1xi32>
    tpu.vector_store %arg4[%swap3A_268, %swap3A_269, %swap3A_270], %swap3A_273 {strides = array<i32>} : memref<1x256x16xi32, #tpu.memory_space<vmem>>, vector<1x256x1xi32>,
    %eq3A_274 = vector.broadcast %broadcast_in_dim3A_267 : vector<256x1xi32> to vector<256x4096xi32>
    %eq3A_275 = arith.cmpi eq, %iota3A, %eq3A_274 : vector<256x4096xi32>
    %jit3A_276 = arith.constant 0x7F800000 : f32
    %broadcast_in_dim3A_277 = vector.broadcast %jit3A_276 : f32 to vector<256x4096xf32>
    %select_n3A_278 = arith.select %eq3A_275, %broadcast_in_dim3A_277, %select_n3A_256 : vector<256x4096xi1>, vector<256x4096xf32>
    %reduce_min3A_279 = arith.constant dense<0x7F800000> : vector<256xf32>
    %reduce_min3A_280 = vector.multi_reduction <minimumf>, %select_n3A_278, %reduce_min3A_279 [1] : vector<256x4096xf32> to vector<256xf32>
    %broadcast_in_dim3A_281 = vector.shape_cast %reduce_min3A_280 : vector<256xf32> to vector<256x1xf32>
    %eq3A_282 = vector.broadcast %broadcast_in_dim3A_281 : vector<256x1xf32> to vector<256x4096xf32>
    %eq3A_283 = arith.cmpf oeq, %select_n3A_278, %eq3A_282 : vector<256x4096xf32>
    %jit3A_284 = arith.constant 4096 : i32
    %broadcast_in_dim3A_285 = vector.broadcast %jit3A_284 : i32 to vector<256x4096xi32>
    %select_n3A_286 = arith.select %eq3A_283, %iota3A, %broadcast_in_dim3A_285 : vector<256x4096xi1>, vector<256x4096xi32>
    %reduce_min3A_287 = arith.constant dense<2147483647> : vector<256xi32>
    %reduce_min3A_288 = vector.multi_reduction <minsi>, %select_n3A_286, %reduce_min3A_287 [1] : vector<256x4096xi32> to vector<256xi32>
    %broadcast_in_dim3A_289 = vector.shape_cast %reduce_min3A_288 : vector<256xi32> to vector<256x1xi32>
    %swap3A_290 = arith.constant 0 : index
    %swap3A_291 = arith.constant 0 : index
    %swap3A_292 = arith.constant 12 : index
    %swap3A_293 = vector.load %arg4[%swap3A_290, %swap3A_291, %swap3A_292] : memref<1x256x16xi32, #tpu.memory_space<vmem>>, vector<1x256x1xi32>
    %swap3A_294 = vector.shape_cast %swap3A_293 : vector<1x256x1xi32> to vector<256x1xi32>
    %swap3A_295 = vector.shape_cast %broadcast_in_dim3A_289 : vector<256x1xi32> to vector<1x256x1xi32>
    tpu.vector_store %arg4[%swap3A_290, %swap3A_291, %swap3A_292], %swap3A_295 {strides = array<i32>} : memref<1x256x16xi32, #tpu.memory_space<vmem>>, vector<1x256x1xi32>,
    %eq3A_296 = vector.broadcast %broadcast_in_dim3A_289 : vector<256x1xi32> to vector<256x4096xi32>
    %eq3A_297 = arith.cmpi eq, %iota3A, %eq3A_296 : vector<256x4096xi32>
    %jit3A_298 = arith.constant 0x7F800000 : f32
    %broadcast_in_dim3A_299 = vector.broadcast %jit3A_298 : f32 to vector<256x4096xf32>
    %select_n3A_300 = arith.select %eq3A_297, %broadcast_in_dim3A_299, %select_n3A_278 : vector<256x4096xi1>, vector<256x4096xf32>
    %reduce_min3A_301 = arith.constant dense<0x7F800000> : vector<256xf32>
    %reduce_min3A_302 = vector.multi_reduction <minimumf>, %select_n3A_300, %reduce_min3A_301 [1] : vector<256x4096xf32> to vector<256xf32>
    %broadcast_in_dim3A_303 = vector.shape_cast %reduce_min3A_302 : vector<256xf32> to vector<256x1xf32>
    %eq3A_304 = vector.broadcast %broadcast_in_dim3A_303 : vector<256x1xf32> to vector<256x4096xf32>
    %eq3A_305 = arith.cmpf oeq, %select_n3A_300, %eq3A_304 : vector<256x4096xf32>
    %jit3A_306 = arith.constant 4096 : i32
    %broadcast_in_dim3A_307 = vector.broadcast %jit3A_306 : i32 to vector<256x4096xi32>
    %select_n3A_308 = arith.select %eq3A_305, %iota3A, %broadcast_in_dim3A_307 : vector<256x4096xi1>, vector<256x4096xi32>
    %reduce_min3A_309 = arith.constant dense<2147483647> : vector<256xi32>
    %reduce_min3A_310 = vector.multi_reduction <minsi>, %select_n3A_308, %reduce_min3A_309 [1] : vector<256x4096xi32> to vector<256xi32>
    %broadcast_in_dim3A_311 = vector.shape_cast %reduce_min3A_310 : vector<256xi32> to vector<256x1xi32>
    %swap3A_312 = arith.constant 0 : index
    %swap3A_313 = arith.constant 0 : index
    %swap3A_314 = arith.constant 13 : index
    %swap3A_315 = vector.load %arg4[%swap3A_312, %swap3A_313, %swap3A_314] : memref<1x256x16xi32, #tpu.memory_space<vmem>>, vector<1x256x1xi32>
    %swap3A_316 = vector.shape_cast %swap3A_315 : vector<1x256x1xi32> to vector<256x1xi32>
    %swap3A_317 = vector.shape_cast %broadcast_in_dim3A_311 : vector<256x1xi32> to vector<1x256x1xi32>
    tpu.vector_store %arg4[%swap3A_312, %swap3A_313, %swap3A_314], %swap3A_317 {strides = array<i32>} : memref<1x256x16xi32, #tpu.memory_space<vmem>>, vector<1x256x1xi32>,
    %eq3A_318 = vector.broadcast %broadcast_in_dim3A_311 : vector<256x1xi32> to vector<256x4096xi32>
    %eq3A_319 = arith.cmpi eq, %iota3A, %eq3A_318 : vector<256x4096xi32>
    %jit3A_320 = arith.constant 0x7F800000 : f32
    %broadcast_in_dim3A_321 = vector.broadcast %jit3A_320 : f32 to vector<256x4096xf32>
    %select_n3A_322 = arith.select %eq3A_319, %broadcast_in_dim3A_321, %select_n3A_300 : vector<256x4096xi1>, vector<256x4096xf32>
    %reduce_min3A_323 = arith.constant dense<0x7F800000> : vector<256xf32>
    %reduce_min3A_324 = vector.multi_reduction <minimumf>, %select_n3A_322, %reduce_min3A_323 [1] : vector<256x4096xf32> to vector<256xf32>
    %broadcast_in_dim3A_325 = vector.shape_cast %reduce_min3A_324 : vector<256xf32> to vector<256x1xf32>
    %eq3A_326 = vector.broadcast %broadcast_in_dim3A_325 : vector<256x1xf32> to vector<256x4096xf32>
    %eq3A_327 = arith.cmpf oeq, %select_n3A_322, %eq3A_326 : vector<256x4096xf32>
    %jit3A_328 = arith.constant 4096 : i32
    %broadcast_in_dim3A_329 = vector.broadcast %jit3A_328 : i32 to vector<256x4096xi32>
    %select_n3A_330 = arith.select %eq3A_327, %iota3A, %broadcast_in_dim3A_329 : vector<256x4096xi1>, vector<256x4096xi32>
    %reduce_min3A_331 = arith.constant dense<2147483647> : vector<256xi32>
    %reduce_min3A_332 = vector.multi_reduction <minsi>, %select_n3A_330, %reduce_min3A_331 [1] : vector<256x4096xi32> to vector<256xi32>
    %broadcast_in_dim3A_333 = vector.shape_cast %reduce_min3A_332 : vector<256xi32> to vector<256x1xi32>
    %swap3A_334 = arith.constant 0 : index
    %swap3A_335 = arith.constant 0 : index
    %swap3A_336 = arith.constant 14 : index
    %swap3A_337 = vector.load %arg4[%swap3A_334, %swap3A_335, %swap3A_336] : memref<1x256x16xi32, #tpu.memory_space<vmem>>, vector<1x256x1xi32>
    %swap3A_338 = vector.shape_cast %swap3A_337 : vector<1x256x1xi32> to vector<256x1xi32>
    %swap3A_339 = vector.shape_cast %broadcast_in_dim3A_333 : vector<256x1xi32> to vector<1x256x1xi32>
    tpu.vector_store %arg4[%swap3A_334, %swap3A_335, %swap3A_336], %swap3A_339 {strides = array<i32>} : memref<1x256x16xi32, #tpu.memory_space<vmem>>, vector<1x256x1xi32>,
    %eq3A_340 = vector.broadcast %broadcast_in_dim3A_333 : vector<256x1xi32> to vector<256x4096xi32>
    %eq3A_341 = arith.cmpi eq, %iota3A, %eq3A_340 : vector<256x4096xi32>
    %jit3A_342 = arith.constant 0x7F800000 : f32
    %broadcast_in_dim3A_343 = vector.broadcast %jit3A_342 : f32 to vector<256x4096xf32>
    %select_n3A_344 = arith.select %eq3A_341, %broadcast_in_dim3A_343, %select_n3A_322 : vector<256x4096xi1>, vector<256x4096xf32>
    %reduce_min3A_345 = arith.constant dense<0x7F800000> : vector<256xf32>
    %reduce_min3A_346 = vector.multi_reduction <minimumf>, %select_n3A_344, %reduce_min3A_345 [1] : vector<256x4096xf32> to vector<256xf32>
    %broadcast_in_dim3A_347 = vector.shape_cast %reduce_min3A_346 : vector<256xf32> to vector<256x1xf32>
    %eq3A_348 = vector.broadcast %broadcast_in_dim3A_347 : vector<256x1xf32> to vector<256x4096xf32>
    %eq3A_349 = arith.cmpf oeq, %select_n3A_344, %eq3A_348 : vector<256x4096xf32>
    %jit3A_350 = arith.constant 4096 : i32
    %broadcast_in_dim3A_351 = vector.broadcast %jit3A_350 : i32 to vector<256x4096xi32>
    %select_n3A_352 = arith.select %eq3A_349, %iota3A, %broadcast_in_dim3A_351 : vector<256x4096xi1>, vector<256x4096xi32>
    %reduce_min3A_353 = arith.constant dense<2147483647> : vector<256xi32>
    %reduce_min3A_354 = vector.multi_reduction <minsi>, %select_n3A_352, %reduce_min3A_353 [1] : vector<256x4096xi32> to vector<256xi32>
    %broadcast_in_dim3A_355 = vector.shape_cast %reduce_min3A_354 : vector<256xi32> to vector<256x1xi32>
    %swap3A_356 = arith.constant 0 : index
    %swap3A_357 = arith.constant 0 : index
    %swap3A_358 = arith.constant 15 : index
    %swap3A_359 = vector.load %arg4[%swap3A_356, %swap3A_357, %swap3A_358] : memref<1x256x16xi32, #tpu.memory_space<vmem>>, vector<1x256x1xi32>
    %swap3A_360 = vector.shape_cast %swap3A_359 : vector<1x256x1xi32> to vector<256x1xi32>
    %swap3A_361 = vector.shape_cast %broadcast_in_dim3A_355 : vector<256x1xi32> to vector<1x256x1xi32>
    tpu.vector_store %arg4[%swap3A_356, %swap3A_357, %swap3A_358], %swap3A_361 {strides = array<i32>} : memref<1x256x16xi32, #tpu.memory_space<vmem>>, vector<1x256x1xi32>,
    return
  }
  func.func @transform_0(%arg0: i32, %arg1: i32) -> (i32, i32, i32) {
    %c0_i32 = arith.constant 0 : i32
    %c0_i32_0 = arith.constant 0 : i32
    %c0_i32_1 = arith.constant 0 : i32
    return %arg0, %c0_i32, %c0_i32_0 : i32, i32, i32
  }
  func.func @transform_1(%arg0: i32, %arg1: i32) -> (i32, i32, i32) {
    %c0_i32 = arith.constant 0 : i32
    %c0_i32_0 = arith.constant 0 : i32
    return %arg0, %c0_i32, %arg1 : i32, i32, i32
  }
  func.func @transform_2(%arg0: i32, %arg1: i32) -> (i32, i32, i32) {
    %c0_i32 = arith.constant 0 : i32
    %c0_i32_0 = arith.constant 0 : i32
    return %arg0, %arg1, %c0_i32 : i32, i32, i32
  }
}

module attributes {stable_mosaic.version = 14 : i64} {
  func.func @_t2_body(%arg0: i32, %arg1: memref<1x4096x67xf32, #tpu.memory_space<vmem>>, %arg2: memref<67x128xf32, #tpu.memory_space<vmem>>, %arg3: memref<1x128xf32, #tpu.memory_space<vmem>>, %arg4: memref<1x4096x128xf32, #tpu.memory_space<vmem>>) attributes {dimension_semantics = [#tpu.dimension_semantics<arbitrary>], iteration_bounds = array<i64: 8>, scalar_prefetch = 0 : i64, scratch_operands = 0 : i64, tpu.core_type = #tpu.core_type<tc>, window_params = [{transform_indices = @transform_0, window_bounds = array<i64: 1, 4096, 67>}, {pipeline_mode = #tpu.pipeline_mode<synchronous>, transform_indices = @transform_1, window_bounds = array<i64: 67, 128>}, {pipeline_mode = #tpu.pipeline_mode<synchronous>, transform_indices = @transform_2, window_bounds = array<i64: 1, 128>}, {transform_indices = @transform_3, window_bounds = array<i64: 1, 4096, 128>}]} {
    %get3A = arith.constant 0 : index
    %get3A_0 = arith.constant 0 : index
    %get3A_1 = arith.constant 0 : index
    %get3A_2 = vector.load %arg1[%get3A, %get3A_0, %get3A_1] : memref<1x4096x67xf32, #tpu.memory_space<vmem>>, vector<1x4096x67xf32>
    %get3A_3 = vector.shape_cast %get3A_2 : vector<1x4096x67xf32> to vector<4096x67xf32>
    %get3A_4 = arith.constant 0 : index
    %get3A_5 = arith.constant 0 : index
    %get3A_6 = vector.load %arg2[%get3A_4, %get3A_5] : memref<67x128xf32, #tpu.memory_space<vmem>>, vector<67x128xf32>
    %dot_general3A = arith.constant dense<0.000000e+00> : vector<4096x128xf32>
    %dot_general3A_7 = tpu.matmul %get3A_3, %get3A_6, %dot_general3A {dimension_numbers = #tpu.dot_dimension_numbers<[1], [0], [0], [1], [0, 0, 1, 1], [], []>, transpose_lhs_hint = false} : vector<4096x67xf32>, vector<67x128xf32>, vector<4096x128xf32> -> vector<4096x128xf32>
    %get3A_8 = arith.constant 0 : index
    %get3A_9 = arith.constant 0 : index
    %get3A_10 = vector.load %arg3[%get3A_8, %get3A_9] : memref<1x128xf32, #tpu.memory_space<vmem>>, vector<1x128xf32>
    %add3A = vector.broadcast %get3A_10 : vector<1x128xf32> to vector<4096x128xf32>
    %add3A_11 = arith.addf %dot_general3A_7, %add3A : vector<4096x128xf32>
    %swap3A = arith.constant 0 : index
    %swap3A_12 = arith.constant 0 : index
    %swap3A_13 = arith.constant 0 : index
    %swap3A_14 = vector.load %arg4[%swap3A, %swap3A_12, %swap3A_13] : memref<1x4096x128xf32, #tpu.memory_space<vmem>>, vector<1x4096x128xf32>
    %swap3A_15 = vector.shape_cast %swap3A_14 : vector<1x4096x128xf32> to vector<4096x128xf32>
    %swap3A_16 = vector.shape_cast %add3A_11 : vector<4096x128xf32> to vector<1x4096x128xf32>
    tpu.vector_store %arg4[%swap3A, %swap3A_12, %swap3A_13], %swap3A_16 {strides = array<i32>} : memref<1x4096x128xf32, #tpu.memory_space<vmem>>, vector<1x4096x128xf32>,
    return
  }
  func.func @transform_0(%arg0: i32) -> (i32, i32, i32) {
    %c0_i32 = arith.constant 0 : i32
    %c0_i32_0 = arith.constant 0 : i32
    %c0_i32_1 = arith.constant 0 : i32
    return %arg0, %c0_i32, %c0_i32_0 : i32, i32, i32
  }
  func.func @transform_1(%arg0: i32) -> (i32, i32) {
    %c0_i32 = arith.constant 0 : i32
    %c0_i32_0 = arith.constant 0 : i32
    %c0_i32_1 = arith.constant 0 : i32
    return %c0_i32, %c0_i32_0 : i32, i32
  }
  func.func @transform_2(%arg0: i32) -> (i32, i32) {
    %c0_i32 = arith.constant 0 : i32
    %c0_i32_0 = arith.constant 0 : i32
    %c0_i32_1 = arith.constant 0 : i32
    return %c0_i32, %c0_i32_0 : i32, i32
  }
  func.func @transform_3(%arg0: i32) -> (i32, i32, i32) {
    %c0_i32 = arith.constant 0 : i32
    %c0_i32_0 = arith.constant 0 : i32
    %c0_i32_1 = arith.constant 0 : i32
    return %arg0, %c0_i32, %c0_i32_0 : i32, i32, i32
  }
}

</mosaic_0001>

<sc_bundles>
// kernel: kernel.6.cloned.1.call-start
scs
__scs_entry_jumppad:
0x0: {  	(pc) =	sbr.rel $0x88, $3  }
0x1: {  	(tag) =	ssettag $0x0;
	lr =	simm.s32 $0x1  }
0x2: {  	[smem:$0x3F9C] =	sst lr;
	_ =	strace $0xD0000000  }
0x3: {  	_ = 	snop  }
0x4: {  	_ = 	snop  }
0x5: {  	_ = 	snop  }
0x6: {  	_ = 	snop  }
0x7: {  	_ = 	snop  }
__scs_overlays_trampoline_lowered:
0x8: {  	[smem:$0x3FAB] =	sst s0  }
0x9: {  	[smem:$0x3FAC] =	sst s1  }
0xa: {  	[smem:$0x3FAD] =	sst s2  }
0xb: {  	[smem:$0x3FAE] =	sst s3  }
0xc: {  	[smem:$0x3FAF] =	sst s4  }
0xd: {  	[smem:$0x3FB0] =	sst s5  }
0xe: {  	[smem:$0x3FB1] =	sst s6  }
0xf: {  	[smem:$0x3FB2] =	sst s7  }
0x10: {  	[smem:$0x3FB3] =	sst s8  }
0x11: {  	[smem:$0x3FB4] =	sst s9;
	s0 =	simm.s32 @!p0 $0x0  }
0x12: {  	s1 =	sld [smem:$0x3F9A];
	s0 =	simm.s32 @p0 $0x1  }
0x13: {  	[smem:$0x3FB5] =	sst s0;
	s0 =	simm.s32 @!p1 $0x0  }
0x14: {  	s2 =	sld [smem:$0x3F99];
	s0 =	simm.s32 @p1 $0x1  }
0x15: {  	[smem:$0x3FB6] =	sst s0;
	s0 =	simm.s32 @!p2 $0x0  }
0x16: {  	s3 =	sld [smem:$0x3FDB];
	s0 =	simm.s32 @p2 $0x1  }
0x17: {  	s4 =	simm.s32 $0x1BF5;
	[smem:$0x3FB8] =	sst s0  }
0x18: {  	s0 =	sld [smem:$0x3F9B];
	_ =	swait.ge [sflag:s4], $0x0  }
0x19: {  	s7 =	sld [smem:$0x3F9C]  }
0x1a: {  	s8 =	sadd.s32 $0xFFFFE003, lr  }
0x1b: {  	s9 =	sadd.s32 $0xFFFFFEF7, lr;
	s5 =	simm.s32 $0xFFFFFFFF;
	p2 =	slt.u32 s8, $0xFFFFF086  }
0x1c: {  	p1 =	slt.u32 s9, $0xF7A;
	s5 =	simm.s32 @!p2 $0x0  }
0x1d: {  	s5 =	simm.s32 @p1 $0x1;
	p0 =	seq.s32 s7, s2  }
0x1e: {  	s7 =	smul.u32 @!p0 $0xF7A, s2;
	p2 =	seq.s32 @!p0 s5, $0x0  }
0x1f: {  	s9 =	smul.u32 $0xF7A, s1;
	s8 =	simm.s32 @!p0 $0x1BF5;
	p2 =	por !p2, p0  }
0x20: {  	[sflag:s8] =	ssyncset.s32 @!p0 $0xFFFFF086;
	s6 =	sadd.s32 @!p0 s3, s7;
	s7 =	simm.s32 @!p0 $0x108  }
0x21: {  	s3 =	sadd.s32 s3, s9;
	s6 =	sadd.s32 @!p0 $0x88, s6;
	s7 =	simm.s32 @p2 $0x1082  }
0x22: {  	[simem:s7], [sflag:s8] =	dma.local @!p0 [hbm:s6], $0xF7A  }
0x23: {  	s9 =	sor.u32 $0xD0000000, s2;
	s6 =	simm.s32 $0x108;
	_ =	swait.ge @!p0 [sflag:s8], $0x0  }
0x24: {  	s3 =	sadd.s32 $0x88, s3;
	s6 =	simm.s32 @!p1 $0x1082;
	[sflag:s4] =	ssyncset.s32 $0xFFFFF086  }
0x25: {  	[simem:s6], [sflag:s4] =	dma.local [hbm:s3], $0xF7A  }
0x26: {  	[smem:$0x3F9C] =	sst s1;
	(tag) =	ssettag s2;
	_ =	strace s9  }
0x27: {  	s1 =	sld [smem:$0x3FAC]  }
0x28: {  	s2 =	sld [smem:$0x3FAD]  }
0x29: {  	s4 =	sld [smem:$0x3FAF]  }
0x2a: {  	p0 =	seq.s32 s5, $0x0;
	s5 =	sld [smem:$0x3FB0]  }
0x2b: {  	s6 =	sld [smem:$0x3FB1]  }
0x2c: {  	s7 =	sld [smem:$0x3FB2]  }
0x2d: {  	s3 =	simm.s32 $0x108;
	s8 =	sld [smem:$0x3FB3]  }
0x2e: {  	s3 =	simm.s32 @!p0 $0x1082;
	s9 =	sld [smem:$0x3FB4]  }
0x2f: {  	lr =	sadd.s32 s0, s3;
	s0 =	sld [smem:$0x3FAB]  }
0x30: {  	s3 =	sld [smem:$0x3FAE]  }
0x31: {  	[smem:$0x3FB7] =	sst s10  }
0x32: {  	s10 =	sld [smem:$0x3FB5];
	_ =	sdelay $0x3  }
0x33: {  	p0 =	seq.s32 s10, $0x1;
	s10 =	sld [smem:$0x3FB7];
	_ =	sdelay $0x3  }
0x34: {  	[smem:$0x3FB7] =	sst s10  }
0x35: {  	s10 =	sld [smem:$0x3FB6];
	_ =	sdelay $0x3  }
0x36: {  	p1 =	seq.s32 s10, $0x1;
	s10 =	sld [smem:$0x3FB7];
	_ =	sdelay $0x3  }
0x37: {  	[smem:$0x3FB7] =	sst s10  }
0x38: {  	s10 =	sld [smem:$0x3FB8]  }
0x39: {  	_ = 	snop;
	(pc) =	sbr.ind lr, $3  }
0x3a: {  	_ = 	snop  }
0x3b: {  	_ = 	snop  }
0x3c: {  	p2 =	seq.s32 s10, $0x1;
	s10 =	sld [smem:$0x3FB7]  }
0x3d: {  	_ =	shalt  }
0x3e: {  	_ =	shalt  }
0x3f: {  	_ =	shalt  }
0x40: {  	_ =	shalt  }
0x41: {  	_ =	shalt  }
0x42: {  	_ =	shalt  }
0x43: {  	_ =	shalt  }
0x44: {  	_ =	shalt  }
0x45: {  	_ =	shalt  }
0x46: {  	_ =	shalt  }
0x47: {  	_ =	shalt  }
0x48: {  	_ =	shalt  }
0x49: {  	_ =	shalt  }
0x4a: {  	_ =	shalt  }
0x4b: {  	_ =	shalt  }
0x4c: {  	_ =	shalt  }
0x4d: {  	_ =	shalt  }
0x4e: {  	_ =	shalt  }
0x4f: {  	_ =	shalt  }
0x50: {  	_ =	shalt  }
0x51: {  	_ =	shalt  }
0x52: {  	_ =	shalt  }
0x53: {  	_ =	shalt  }
0x54: {  	_ =	shalt  }
0x55: {  	_ =	shalt  }
0x56: {  	_ =	shalt  }
0x57: {  	_ =	shalt  }
0x58: {  	_ =	shalt  }
0x59: {  	_ =	shalt  }
0x5a: {  	_ =	shalt  }
0x5b: {  	_ =	shalt  }
0x5c: {  	_ =	shalt  }
0x5d: {  	_ =	shalt  }
0x5e: {  	_ =	shalt  }
0x5f: {  	_ =	shalt  }
0x60: {  	_ =	shalt  }
0x61: {  	_ =	shalt  }
0x62: {  	_ =	shalt  }
0x63: {  	_ =	shalt  }
0x64: {  	_ =	shalt  }
0x65: {  	_ =	shalt  }
0x66: {  	_ =	shalt  }
0x67: {  	_ =	shalt  }
0x68: {  	_ =	shalt  }
0x69: {  	_ =	shalt  }
0x6a: {  	_ =	shalt  }
0x6b: {  	_ =	shalt  }
0x6c: {  	_ =	shalt  }
0x6d: {  	_ =	shalt  }
0x6e: {  	_ =	shalt  }
0x6f: {  	_ =	shalt  }
0x70: {  	_ =	shalt  }
0x71: {  	_ =	shalt  }
0x72: {  	_ =	shalt  }
0x73: {  	_ =	shalt  }
0x74: {  	_ =	shalt  }
0x75: {  	_ =	shalt  }
0x76: {  	_ =	shalt  }
0x77: {  	_ =	shalt  }
0x78: {  	_ =	shalt  }
0x79: {  	_ =	shalt  }
0x7a: {  	_ =	shalt  }
0x7b: {  	_ =	shalt  }
0x7c: {  	_ =	shalt  }
0x7d: {  	_ =	shalt  }
0x7e: {  	_ =	shalt  }
0x7f: {  	_ =	shalt  }
0x80: {  	_ =	shalt  }
0x81: {  	_ =	shalt  }
0x82: {  	_ =	shalt  }
0x83: {  	_ =	shalt  }
0x84: {  	_ =	shalt  }
0x85: {  	_ =	shalt  }
0x86: {  	_ =	shalt  }
0x87: {  	_ =	shalt  }
.Lfunc_end0:
.L_simem_size_0:
called_computation_lowered:
.L_overlay_start_0:
0x88: {  	s2 =	sld [smem:$0x3FD9]  }
0x89: {  	s3 =	sld [smem:$0x3FFE];
	_ =	sdelay $0x1  }
0x8a: {  	s1 =	srdreg.scid  }
0x8b: {  	s0 =	sand.u32 $0x1, s1  }
0x8c: {  	s14 =	sshll.u32 s0, $0xA;
	s2 =	sadd.s32 s3, s2  }
0x8d: {  	s2 =	sadd.s32 s2, s14  }
0x8e: {  	[smem:$0x3FC3] =	sst s2  }
0x8f: {  	_ = 	snop  }
0x90: {  	s2 =	sld [smem:$0x3FD0];
	_ =	sdelay $0x2  }
0x91: {  	s15 =	simm.s32 $0xA;
	s4 =	simm.s32 $0x10  }
0x92: {  	[smem:s4], [sflag:s15] =	dma.local [hbm:s2], $0x1  }
0x93: {  	_ =	swait.eq [sflag:s15], $0x1  }
0x94: {  	[sflag:s15] =	ssyncset.done $0x0  }
0x95: {  	[sflag:s15] =	ssyncadd.s32 $0xFFFFFFFF  }
0x96: {  	s16 =	sld [smem:$0x11];
	(tm) =	ssettm $0x1  }
0x97: {  	s17 =	sld [smem:$0x3FFB];
	_ =	sdelay $0x3  }
0x98: {  	_ =	strace s17  }
0x99: {  	s3 =	sld [smem:$0x3FFC];
	_ =	sdelay $0x3  }
0x9a: {  	_ =	strace s3  }
0x9b: {  	s3 =	sld [smem:$0x3FFD];
	_ =	sdelay $0x3  }
0x9c: {  	_ =	strace s3  }
0x9d: {  	_ =	strace $0x8FFFFFFF  }
0x9e: {  	s18 =	sld [smem:$0x3FDB];
	_ =	sdelay $0x1  }
0x9f: {  	s19 =	simm.s32 $_scs_section_size  }
0xa0: {  	s5 =	simm.s32 $_size__tile_overlayer_lowered;
	s6 =	simm.s32 $_tile_overlayer_lowered  }
0xa1: {  	s22 =	simm.s32 $0x1BFF;
	s21 =	sshll.u32 s6, $0x1;
	s3 =	sadd.s32 s19, s18  }
0xa2: {  	s7 =	simm.s32 $0x0;
	s20 =	sshll.u32 s5, $0x1;
	s5 =	sadd.s32 s21, s3  }
0xa3: {  	[timem:s7], [sflag:s22] =	dma.local [hbm:s5], s20  }
0xa4: {  	_ =	swait.ge [sflag:s22], s20  }
0xa5: {  	s4 =	ssub.s32 $0x0, s20;
	[sflag:s22] =	ssyncset.done $0x0  }
0xa6: {  	[sflag:s22] =	ssyncadd.s32 s4;
	_ =	sdelay $0x1  }
0xa7: {  	s23 =	simm.s32 $0x1B8B  }
0xa8: {  	_ =	swait.ge [sflag:s23], $0x1  }
0xa9: {  	[sflag:s23] =	ssyncset.done $0x0  }
0xaa: {  	s25 =	simm.s32 $0x1B8E;
	s24 =	sld [smem:$0x3FFE];
	[sflag:s23] =	ssyncadd.s32 $0xFFFFFFFF  }
0xab: {  	s26 =	simm.s32 $execute0_lowered;
	[smem:$0x3FD2] =	sst s25  }
0xac: {  	s5 =	sshll.u32 s26, $0x1;
	_ =	strace $0x80000046;
	[dreg:$0x1] =	wrdreg $0xFFFFFFFF  }
0xad: {  	s28 =	simm.s32 $_size_execute0_lowered;
	s3 =	sadd.s32 s3, s5;
	[dreg:$0x0] =	wrdreg $0x0  }
0xae: {  	s5 =	sshll.u32 s28, $0x1;
	[dreg:$0x2] =	wrdreg s3  }
0xaf: {  	[dreg:$0x3] =	wrdreg s5  }
0xb0: {  	[dreg:$0x4] =	wrdreg $0xC0  }
0xb1: {  	_ =	task [dreg:s7], $0x5FFFF  }
0xb2: {  	[dreg:$0x1] =	wrdreg $0xFFFFFFFF  }
0xb3: {  	[dreg:$0x0] =	wrdreg $0x60  }
0xb4: {  	[dreg:$0x2] =	wrdreg s24  }
0xb5: {  	[dreg:$0x3] =	wrdreg s16  }
0xb6: {  	[dreg:$0x4] =	wrdreg $0x9  }
0xb7: {  	_ =	task.clear_ibuf [dreg:s7], $0x5FFFF;
	_ =	strace $0x90000046  }
0xb8: {  	s29 =	simm.s32 $0x9;
	_ =	strace $0x80000048  }
0xb9: {  	_ =	swait.ge [sflag:s29], $0x1  }
0xba: {  	[sflag:s29] =	ssyncadd.s32 $0xFFFFFFFF  }
0xbb: {  	_ =	strace $0x90000048  }
0xbc: {  	_ =	sfence  }
0xbd: {  	s30 =	sld [smem:$0x0];
	_ =	sdelay $0x2  }
0xbe: {  	s31 =	sshll.u32 s1, $0xD;
	s1 =	sshrl.u32 s1, $0x2  }
0xbf: {  	s3 =	sand.u32 $0x4000, s31;
	s1 =	sadd.s32 s1, s30  }
0xc0: {  	s0 =	sor.u32 s3, s0;
	s1 =	sshll.u32 s1, $0x11  }
0xc1: {  	s0 =	sor.u32 s1, s0  }
0xc2: {  	s0 =	sadd.s32 $0x8F2B, s0  }
0xc3: {  	[sflag:s0] =	ssyncadd.remote.s32 $0x1  }
0xc4: {  	_ =	sfence.sel $0xFFFF  }
0xc5: {  	[dreg:$0x0] =	wrdreg $0xFFFFFFFF;
	(pc) =	sbr.abs _section_cstart, $3  }
0xc6: {  	[dreg:$0x1] =	wrdreg $0xFFFFFFFF  }
0xc7: {  	_ =	task.clear_ibuf [dreg:s7], $0x2FFFF;
	_ =	strace $0x9FFFFFFF  }
0xc8: {  	(tm) =	ssettm $0x7FFFFFFF  }
0xc9: {  	_ =	shalt  }
tec
execute0_lowered:
.L_overlay_start_1:
0x0: {  	(tag) =	ssettag $0x1  }
0x1: {  	s4 =	rddreg [dreg:$0x0]  }
0x2: {  	s5 =	rddreg [dreg:$0x1]  }
0x3: {  	s0 =	rddreg [dreg:$0x2]  }
0x4: {  	s3 =	srdreg.scid;
	s1 =	stileid.u32  }
0x5: {  	s2 =	simm.s32 $0x0;
	s9 =	simm.s32 $0x1800;
	s10 =	simm.s32 $0x2000  }
0x6: {  	s11 =	simm.s32 $0x2800;
	s12 =	simm.s32 $0x1;
	s13 =	simm.s32 $0x2  }
0x7: {  	s14 =	simm.s32 $0x3;
	s16 =	simm.s32 $0x3000;
	s17 =	simm.s32 $0x0  }
0x8: {  	s3 =	sand.u32 $0x1, s3;
	s6 =	sshll.u32 s1, $0x1;
	[smem:$0x7FF] =	sst s2  }
0x9: {  	s31 =	sshll.u32 s1, $0xB;
	s6 =	sor.u32 s3, s6;
	_ =	strace $0x80000047  }
.Ltmp0:
0xa: {  	s8 =	ssub.s32 $0x2, s3;
	s3 =	sadd.s32 $0x1800, s4;
	(pc) =	sbr.rel .LBB2_1-.Ltmp0, $4  }
0xb: {  	s15 =	sand.u32 $0x7000, s31;
	s7 =	sshll.u32 s6, $0xC;
	s30 =	sshrl.u32 s8, $0x1  }
0xc: {  	s6 =	sshll.u32 s6, $0x9;
	v0 =	vmov s15;
	s15 =	simm.s32 $0x4;
	s7 =	sadd.s32 s7, s4  }
0xd: {  	s8 =	ssub.s32 s8, s30;
	s4 =	sadd.s32 s5, s6;
	s5 =	sadd.s32 $0x81800, s7  }
0xe: {  	vm0 =	vmmov $0xffff;
	s6 =	smax.u32 s8, $0x1;
	s7 =	simm.s32 $0x5;
	s8 =	simm.s32 $0x1000  }
.LBB2_4:
0xf: {  	s17 =	sadd.s32 $0x1, s17  }
0x10: {  	p0 =	sne.s32 s17, s6  }
.Ltmp1:
0x11: {  	_ = 	snop;
	(pc) =	sbr.rel @!p0 .LBB2_5-.Ltmp1, $4  }
0x12: {  	[hbm4b:s5+s2] =	stream.linear.scatter [tilespmem:s16], [sflag:$0x5], $0x8000, $0x38;
	[tilespmem:$0xB000] =	vst v63  }
0x13: {  	_ =	swait.ge [sflag:s7], $0x8000  }
0x14: {  	[sflag:s7] =	ssyncset.done $0x0  }
0x15: {  	[sflag:s7] =	ssyncadd.s32 $0xFFFF8000  }
.LBB2_1:
0x16: {  	[tilespmem:s2], [sflag:$0x5] =	stream.linear.gather [hbm4b:s4+s2], $0x1000, $0x38;
	[tilespmem:$0xB000] =	vst v63  }
0x17: {  	_ =	swait.ge [sflag:s7], $0x1000  }
0x18: {  	[sflag:s7] =	ssyncset.done $0x0  }
0x19: {  	[sflag:s7] =	ssyncadd.s32 $0xFFFFF000  }
0x1a: {  	v1 =	vld [tilespmem:$0x0];
	_ =	sdelay $0x4  }
0x1b: {  	v1 =	vadd.s32 v0, v1;
	_ =	sdelay $0x4  }
0x1c: {  	[tilespmem:s8], [sflag:$0x1] =	stream.indirect_vreg.gather [hbm4b:s3+s2], $0x80, v1, vm0, $0xb8;
	[tilespmem:$0xB000] =	vst v63  }
0x1d: {  	v1 =	vld [tilespmem:$0x10];
	_ =	sdelay $0x4  }
0x1e: {  	v1 =	vadd.s32 v0, v1;
	_ =	sdelay $0x4  }
0x1f: {  	[tilespmem:s9], [sflag:$0x2] =	stream.indirect_vreg.gather [hbm4b:s3+s2], $0x80, v1, vm0, $0xb8;
	[tilespmem:$0xB000] =	vst v63  }
0x20: {  	v1 =	vld [tilespmem:$0x20];
	_ =	sdelay $0x4  }
0x21: {  	v1 =	vadd.s32 v0, v1;
	_ =	sdelay $0x4  }
0x22: {  	[tilespmem:s10], [sflag:$0x3] =	stream.indirect_vreg.gather [hbm4b:s3+s2], $0x80, v1, vm0, $0xb8;
	[tilespmem:$0xB000] =	vst v63  }
0x23: {  	v1 =	vld [tilespmem:$0x30];
	_ =	sdelay $0x4  }
0x24: {  	v1 =	vadd.s32 v0, v1;
	_ =	sdelay $0x3  }
0x25: {  	s18 =	simm.s32 $0x3100;
	s19 =	simm.s32 $0x0  }
0x26: {  	[tilespmem:s11], [sflag:$0x4] =	stream.indirect_vreg.gather [hbm4b:s3+s2], $0x80, v1, vm0, $0xb8;
	[tilespmem:$0xB000] =	vst v63  }
.LBB2_2:
0x27: {  	_ =	swait.ge [sflag:s12], $0x800  }
0x28: {  	[sflag:s12] =	ssyncset.done $0x0  }
0x29: {  	[sflag:s12] =	ssyncadd.s32 $0xFFFFF800  }
0x2a: {  	v1 =	vld [tilespmem:$0x1000]  }
0x2b: {  	v2 =	vld [tilespmem:$0x1080]  }
0x2c: {  	v3 =	vld [tilespmem:$0x1100]  }
0x2d: {  	v4 =	vld [tilespmem:$0x1180]  }
0x2e: {  	v5 =	vld [tilespmem:$0x1200]  }
0x2f: {  	v6 =	vld [tilespmem:$0x1280]  }
0x30: {  	v1 =	vmax.f32 v1, v2;
	v2 =	vld [tilespmem:$0x1300]  }
0x31: {  	v1 =	vmax.f32 v1, v3;
	v3 =	vld [tilespmem:$0x1380]  }
0x32: {  	v54 =	vld [tilespmem:$0x1400];
	v1 =	vmax.f32 v1, v4  }
0x33: {  	v55 =	vld [tilespmem:$0x1480];
	v1 =	vmax.f32 v1, v5  }
0x34: {  	v56 =	vld [tilespmem:$0x1500];
	v1 =	vmax.f32 v1, v6  }
0x35: {  	v1 =	vmax.f32 v1, v2;
	v2 =	vld [tilespmem:$0x1580]  }
0x36: {  	v1 =	vmax.f32 v1, v3;
	v3 =	vld [tilespmem:$0x1600]  }
0x37: {  	v57 =	vld [tilespmem:$0x1680];
	v1 =	vmax.f32 v1, v54  }
0x38: {  	v58 =	vld [tilespmem:$0x1700];
	v1 =	vmax.f32 v1, v55  }
0x39: {  	v59 =	vld [tilespmem:$0x1780];
	v1 =	vmax.f32 v1, v56  }
0x3a: {  	v1 =	vmax.f32 v1, v2  }
0x3b: {  	v1 =	vmax.f32 v1, v3  }
0x3c: {  	v1 =	vmax.f32 v1, v57  }
0x3d: {  	v1 =	vmax.f32 v1, v58  }
0x3e: {  	v1 =	vmax.f32 v1, v59  }
0x3f: {  	v1 =	vmax.f32 v1, $0.0e+00  }
0x40: {  	[tilespmem:s18+$0xFFFFFF00] =	vst v1  }
0x41: {  	v1 =	vld [tilespmem:$0x1010]  }
0x42: {  	v2 =	vld [tilespmem:$0x1090]  }
0x43: {  	v3 =	vld [tilespmem:$0x1110]  }
0x44: {  	v60 =	vld [tilespmem:$0x1190]  }
0x45: {  	v61 =	vld [tilespmem:$0x1210]  }
0x46: {  	v62 =	vld [tilespmem:$0x1290]  }
0x47: {  	v1 =	vmax.f32 v1, v2;
	v2 =	vld [tilespmem:$0x1310]  }
0x48: {  	v1 =	vmax.f32 v1, v3;
	v3 =	vld [tilespmem:$0x1390]  }
0x49: {  	v63 =	vld [tilespmem:$0x1410];
	v1 =	vmax.f32 v1, v60  }
0x4a: {  	v9 =	vld [tilespmem:$0x1490];
	v1 =	vmax.f32 v1, v61  }
0x4b: {  	v10 =	vld [tilespmem:$0x1510];
	v1 =	vmax.f32 v1, v62  }
0x4c: {  	v1 =	vmax.f32 v1, v2;
	v2 =	vld [tilespmem:$0x1590]  }
0x4d: {  	v1 =	vmax.f32 v1, v3;
	v3 =	vld [tilespmem:$0x1610]  }
0x4e: {  	v11 =	vld [tilespmem:$0x1690];
	v1 =	vmax.f32 v1, v63  }
0x4f: {  	v12 =	vld [tilespmem:$0x1710];
	v1 =	vmax.f32 v1, v9  }
0x50: {  	v13 =	vld [tilespmem:$0x1790];
	v1 =	vmax.f32 v1, v10  }
0x51: {  	v1 =	vmax.f32 v1, v2  }
0x52: {  	v1 =	vmax.f32 v1, v3  }
0x53: {  	v1 =	vmax.f32 v1, v11  }
0x54: {  	v1 =	vmax.f32 v1, v12  }
0x55: {  	v1 =	vmax.f32 v1, v13  }
0x56: {  	v1 =	vmax.f32 v1, $0.0e+00  }
0x57: {  	[tilespmem:s18+$0xFFFFFF10] =	vst v1  }
0x58: {  	v1 =	vld [tilespmem:$0x1020]  }
0x59: {  	v2 =	vld [tilespmem:$0x10A0]  }
0x5a: {  	v3 =	vld [tilespmem:$0x1120]  }
0x5b: {  	v14 =	vld [tilespmem:$0x11A0]  }
0x5c: {  	v15 =	vld [tilespmem:$0x1220]  }
0x5d: {  	v16 =	vld [tilespmem:$0x12A0]  }
0x5e: {  	v1 =	vmax.f32 v1, v2;
	v2 =	vld [tilespmem:$0x1320]  }
0x5f: {  	v1 =	vmax.f32 v1, v3;
	v3 =	vld [tilespmem:$0x13A0]  }
0x60: {  	v17 =	vld [tilespmem:$0x1420];
	v1 =	vmax.f32 v1, v14  }
0x61: {  	v18 =	vld [tilespmem:$0x14A0];
	v1 =	vmax.f32 v1, v15  }
0x62: {  	v19 =	vld [tilespmem:$0x1520];
	v1 =	vmax.f32 v1, v16  }
0x63: {  	v1 =	vmax.f32 v1, v2;
	v2 =	vld [tilespmem:$0x15A0]  }
0x64: {  	v1 =	vmax.f32 v1, v3;
	v3 =	vld [tilespmem:$0x1620]  }
0x65: {  	v20 =	vld [tilespmem:$0x16A0];
	v1 =	vmax.f32 v1, v17  }
0x66: {  	v21 =	vld [tilespmem:$0x1720];
	v1 =	vmax.f32 v1, v18  }
0x67: {  	v22 =	vld [tilespmem:$0x17A0];
	v1 =	vmax.f32 v1, v19  }
0x68: {  	v1 =	vmax.f32 v1, v2  }
0x69: {  	v1 =	vmax.f32 v1, v3  }
0x6a: {  	v1 =	vmax.f32 v1, v20  }
0x6b: {  	v1 =	vmax.f32 v1, v21  }
0x6c: {  	v1 =	vmax.f32 v1, v22  }
0x6d: {  	v1 =	vmax.f32 v1, $0.0e+00  }
0x6e: {  	[tilespmem:s18+$0xFFFFFF20] =	vst v1  }
0x6f: {  	v1 =	vld [tilespmem:$0x1030]  }
0x70: {  	v2 =	vld [tilespmem:$0x10B0]  }
0x71: {  	v3 =	vld [tilespmem:$0x1130]  }
0x72: {  	v23 =	vld [tilespmem:$0x11B0]  }
0x73: {  	v24 =	vld [tilespmem:$0x1230]  }
0x74: {  	v25 =	vld [tilespmem:$0x12B0]  }
0x75: {  	v1 =	vmax.f32 v1, v2;
	v2 =	vld [tilespmem:$0x1330]  }
0x76: {  	v1 =	vmax.f32 v1, v3;
	v3 =	vld [tilespmem:$0x13B0]  }
0x77: {  	v26 =	vld [tilespmem:$0x1430];
	v1 =	vmax.f32 v1, v23  }
0x78: {  	v27 =	vld [tilespmem:$0x14B0];
	v1 =	vmax.f32 v1, v24  }
0x79: {  	v28 =	vld [tilespmem:$0x1530];
	v1 =	vmax.f32 v1, v25  }
0x7a: {  	v1 =	vmax.f32 v1, v2;
	v2 =	vld [tilespmem:$0x15B0]  }
0x7b: {  	v1 =	vmax.f32 v1, v3;
	v3 =	vld [tilespmem:$0x1630]  }
0x7c: {  	v29 =	vld [tilespmem:$0x16B0];
	v1 =	vmax.f32 v1, v26  }
0x7d: {  	v30 =	vld [tilespmem:$0x1730];
	v1 =	vmax.f32 v1, v27  }
0x7e: {  	v31 =	vld [tilespmem:$0x17B0];
	v1 =	vmax.f32 v1, v28  }
0x7f: {  	v1 =	vmax.f32 v1, v2  }
0x80: {  	v1 =	vmax.f32 v1, v3  }
0x81: {  	v1 =	vmax.f32 v1, v29  }
0x82: {  	v1 =	vmax.f32 v1, v30  }
0x83: {  	v1 =	vmax.f32 v1, v31  }
0x84: {  	v1 =	vmax.f32 v1, $0.0e+00  }
0x85: {  	[tilespmem:s18+$0xFFFFFF30] =	vst v1  }
0x86: {  	v1 =	vld [tilespmem:$0x1040]  }
0x87: {  	v2 =	vld [tilespmem:$0x10C0]  }
0x88: {  	v3 =	vld [tilespmem:$0x1140]  }
0x89: {  	v32 =	vld [tilespmem:$0x11C0]  }
0x8a: {  	v33 =	vld [tilespmem:$0x1240]  }
0x8b: {  	v34 =	vld [tilespmem:$0x12C0]  }
0x8c: {  	v1 =	vmax.f32 v1, v2;
	v2 =	vld [tilespmem:$0x1340]  }
0x8d: {  	v1 =	vmax.f32 v1, v3;
	v3 =	vld [tilespmem:$0x13C0]  }
0x8e: {  	v35 =	vld [tilespmem:$0x1440];
	v1 =	vmax.f32 v1, v32  }
0x8f: {  	v36 =	vld [tilespmem:$0x14C0];
	v1 =	vmax.f32 v1, v33  }
0x90: {  	v37 =	vld [tilespmem:$0x1540];
	v1 =	vmax.f32 v1, v34  }
0x91: {  	v1 =	vmax.f32 v1, v2;
	v2 =	vld [tilespmem:$0x15C0]  }
0x92: {  	v1 =	vmax.f32 v1, v3;
	v3 =	vld [tilespmem:$0x1640]  }
0x93: {  	v38 =	vld [tilespmem:$0x16C0];
	v1 =	vmax.f32 v1, v35  }
0x94: {  	v39 =	vld [tilespmem:$0x1740];
	v1 =	vmax.f32 v1, v36  }
0x95: {  	v40 =	vld [tilespmem:$0x17C0];
	v1 =	vmax.f32 v1, v37  }
0x96: {  	v1 =	vmax.f32 v1, v2  }
0x97: {  	v1 =	vmax.f32 v1, v3  }
0x98: {  	v1 =	vmax.f32 v1, v38  }
0x99: {  	v1 =	vmax.f32 v1, v39  }
0x9a: {  	v1 =	vmax.f32 v1, v40  }
0x9b: {  	v1 =	vmax.f32 v1, $0.0e+00  }
0x9c: {  	[tilespmem:s18+$0xFFFFFF40] =	vst v1  }
0x9d: {  	v1 =	vld [tilespmem:$0x1050]  }
0x9e: {  	v2 =	vld [tilespmem:$0x10D0]  }
0x9f: {  	v3 =	vld [tilespmem:$0x1150]  }
0xa0: {  	v41 =	vld [tilespmem:$0x11D0]  }
0xa1: {  	v42 =	vld [tilespmem:$0x1250]  }
0xa2: {  	v43 =	vld [tilespmem:$0x12D0]  }
0xa3: {  	v1 =	vmax.f32 v1, v2;
	v2 =	vld [tilespmem:$0x1350]  }
0xa4: {  	v1 =	vmax.f32 v1, v3;
	v3 =	vld [tilespmem:$0x13D0]  }
0xa5: {  	v44 =	vld [tilespmem:$0x1450];
	v1 =	vmax.f32 v1, v41  }
0xa6: {  	v45 =	vld [tilespmem:$0x14D0];
	v1 =	vmax.f32 v1, v42  }
0xa7: {  	v46 =	vld [tilespmem:$0x1550];
	v1 =	vmax.f32 v1, v43  }
0xa8: {  	v1 =	vmax.f32 v1, v2;
	v2 =	vld [tilespmem:$0x15D0]  }
0xa9: {  	v1 =	vmax.f32 v1, v3;
	v3 =	vld [tilespmem:$0x1650]  }
0xaa: {  	v47 =	vld [tilespmem:$0x16D0];
	v1 =	vmax.f32 v1, v44  }
0xab: {  	v48 =	vld [tilespmem:$0x1750];
	v1 =	vmax.f32 v1, v45  }
0xac: {  	v49 =	vld [tilespmem:$0x17D0];
	v1 =	vmax.f32 v1, v46  }
0xad: {  	v1 =	vmax.f32 v1, v2  }
0xae: {  	v1 =	vmax.f32 v1, v3  }
0xaf: {  	v1 =	vmax.f32 v1, v47  }
0xb0: {  	v1 =	vmax.f32 v1, v48  }
0xb1: {  	v1 =	vmax.f32 v1, v49  }
0xb2: {  	v1 =	vmax.f32 v1, $0.0e+00  }
0xb3: {  	[tilespmem:s18+$0xFFFFFF50] =	vst v1  }
0xb4: {  	v1 =	vld [tilespmem:$0x1060]  }
0xb5: {  	v2 =	vld [tilespmem:$0x10E0]  }
0xb6: {  	v3 =	vld [tilespmem:$0x1160]  }
0xb7: {  	v50 =	vld [tilespmem:$0x11E0]  }
0xb8: {  	v51 =	vld [tilespmem:$0x1260]  }
0xb9: {  	v52 =	vld [tilespmem:$0x12E0]  }
0xba: {  	v1 =	vmax.f32 v1, v2;
	v2 =	vld [tilespmem:$0x1360]  }
0xbb: {  	v1 =	vmax.f32 v1, v3;
	v3 =	vld [tilespmem:$0x13E0]  }
0xbc: {  	v53 =	vld [tilespmem:$0x1460];
	v1 =	vmax.f32 v1, v50  }
0xbd: {  	v54 =	vld [tilespmem:$0x14E0];
	v1 =	vmax.f32 v1, v51  }
0xbe: {  	v55 =	vld [tilespmem:$0x1560];
	v1 =	vmax.f32 v1, v52  }
0xbf: {  	v1 =	vmax.f32 v1, v2;
	v2 =	vld [tilespmem:$0x15E0]  }
0xc0: {  	v1 =	vmax.f32 v1, v3;
	v3 =	vld [tilespmem:$0x1660]  }
0xc1: {  	v56 =	vld [tilespmem:$0x16E0];
	v1 =	vmax.f32 v1, v53  }
0xc2: {  	v57 =	vld [tilespmem:$0x1760];
	v1 =	vmax.f32 v1, v54  }
0xc3: {  	v58 =	vld [tilespmem:$0x17E0];
	v1 =	vmax.f32 v1, v55  }
0xc4: {  	v1 =	vmax.f32 v1, v2  }
0xc5: {  	v1 =	vmax.f32 v1, v3  }
0xc6: {  	v1 =	vmax.f32 v1, v56  }
0xc7: {  	v1 =	vmax.f32 v1, v57  }
0xc8: {  	v1 =	vmax.f32 v1, v58  }
0xc9: {  	v1 =	vmax.f32 v1, $0.0e+00  }
0xca: {  	[tilespmem:s18+$0xFFFFFF60] =	vst v1  }
0xcb: {  	v1 =	vld [tilespmem:$0x1070]  }
0xcc: {  	v2 =	vld [tilespmem:$0x10F0]  }
0xcd: {  	v3 =	vld [tilespmem:$0x1170]  }
0xce: {  	v59 =	vld [tilespmem:$0x11F0]  }
0xcf: {  	v60 =	vld [tilespmem:$0x1270]  }
0xd0: {  	v61 =	vld [tilespmem:$0x12F0]  }
0xd1: {  	v1 =	vmax.f32 v1, v2;
	v2 =	vld [tilespmem:$0x1370]  }
0xd2: {  	v1 =	vmax.f32 v1, v3;
	v3 =	vld [tilespmem:$0x13F0]  }
0xd3: {  	v62 =	vld [tilespmem:$0x1470];
	v1 =	vmax.f32 v1, v59  }
0xd4: {  	v63 =	vld [tilespmem:$0x14F0];
	v1 =	vmax.f32 v1, v60  }
0xd5: {  	v9 =	vld [tilespmem:$0x1570];
	v1 =	vmax.f32 v1, v61  }
0xd6: {  	v1 =	vmax.f32 v1, v2;
	v2 =	vld [tilespmem:$0x15F0]  }
0xd7: {  	v1 =	vmax.f32 v1, v3;
	v3 =	vld [tilespmem:$0x1670]  }
0xd8: {  	v10 =	vld [tilespmem:$0x16F0];
	v1 =	vmax.f32 v1, v62  }
0xd9: {  	v11 =	vld [tilespmem:$0x1770];
	v1 =	vmax.f32 v1, v63  }
0xda: {  	v12 =	vld [tilespmem:$0x17F0];
	v1 =	vmax.f32 v1, v9  }
0xdb: {  	v1 =	vmax.f32 v1, v2  }
0xdc: {  	v1 =	vmax.f32 v1, v3  }
0xdd: {  	v1 =	vmax.f32 v1, v10  }
0xde: {  	v1 =	vmax.f32 v1, v11  }
0xdf: {  	v1 =	vmax.f32 v1, v12  }
0xe0: {  	p0 =	seq.s32 s19, $0x3F00;
	v1 =	vmax.f32 v1, $0.0e+00  }
0xe1: {  	s20 =	sshra.s32 @!p0 s19, $0x2;
	[tilespmem:s18+$0xFFFFFF70] =	vst v1  }
0xe2: {  	v1 =	vld @!p0 [tilespmem:s20+$0x40];
	_ =	sdelay $0x4  }
0xe3: {  	v1 =	vadd.s32 @!p0 v0, v1;
	_ =	sdelay $0x3  }
0xe4: {  	vm1 =	vmmov @!p0 $0xffff;
	s21 =	simm.s32 @!p0 $0x0;
	s22 =	simm.s32 @!p0 $0x1000  }
0xe5: {  	[tilespmem:s22], [sflag:$0x1] =	stream.indirect_vreg.gather @!p0 [hbm4b:s3+s21], $0x80, v1, vm1, $0xb8;
	[tilespmem:$0xB000] =	vst v63  }
0xe6: {  	_ =	swait.ge [sflag:s13], $0x800  }
0xe7: {  	[sflag:s13] =	ssyncset.done $0x0  }
0xe8: {  	[sflag:s13] =	ssyncadd.s32 $0xFFFFF800  }
0xe9: {  	v1 =	vld [tilespmem:$0x1800]  }
0xea: {  	v2 =	vld [tilespmem:$0x1880]  }
0xeb: {  	v3 =	vld [tilespmem:$0x1900]  }
0xec: {  	v13 =	vld [tilespmem:$0x1980]  }
0xed: {  	v14 =	vld [tilespmem:$0x1A00]  }
0xee: {  	v15 =	vld [tilespmem:$0x1A80]  }
0xef: {  	v1 =	vmax.f32 v1, v2;
	v2 =	vld [tilespmem:$0x1B00]  }
0xf0: {  	v1 =	vmax.f32 v1, v3;
	v3 =	vld [tilespmem:$0x1B80]  }
0xf1: {  	v16 =	vld [tilespmem:$0x1C00];
	v1 =	vmax.f32 v1, v13  }
0xf2: {  	v17 =	vld [tilespmem:$0x1C80];
	v1 =	vmax.f32 v1, v14  }
0xf3: {  	v18 =	vld [tilespmem:$0x1D00];
	v1 =	vmax.f32 v1, v15  }
0xf4: {  	v1 =	vmax.f32 v1, v2;
	v2 =	vld [tilespmem:$0x1D80]  }
0xf5: {  	v1 =	vmax.f32 v1, v3;
	v3 =	vld [tilespmem:$0x1E00]  }
0xf6: {  	v19 =	vld [tilespmem:$0x1E80];
	v1 =	vmax.f32 v1, v16  }
0xf7: {  	v20 =	vld [tilespmem:$0x1F00];
	v1 =	vmax.f32 v1, v17  }
0xf8: {  	v21 =	vld [tilespmem:$0x1F80];
	v1 =	vmax.f32 v1, v18  }
0xf9: {  	v1 =	vmax.f32 v1, v2  }
0xfa: {  	v1 =	vmax.f32 v1, v3  }
0xfb: {  	v1 =	vmax.f32 v1, v19  }
0xfc: {  	v1 =	vmax.f32 v1, v20  }
0xfd: {  	v1 =	vmax.f32 v1, v21  }
0xfe: {  	v1 =	vmax.f32 v1, $0.0e+00  }
0xff: {  	[tilespmem:s18+$0xFFFFFF80] =	vst v1  }
0x100: {  	v1 =	vld [tilespmem:$0x1810]  }
0x101: {  	v2 =	vld [tilespmem:$0x1890]  }
0x102: {  	v3 =	vld [tilespmem:$0x1910]  }
0x103: {  	v22 =	vld [tilespmem:$0x1990]  }
0x104: {  	v23 =	vld [tilespmem:$0x1A10]  }
0x105: {  	v24 =	vld [tilespmem:$0x1A90]  }
0x106: {  	v1 =	vmax.f32 v1, v2;
	v2 =	vld [tilespmem:$0x1B10]  }
0x107: {  	v1 =	vmax.f32 v1, v3;
	v3 =	vld [tilespmem:$0x1B90]  }
0x108: {  	v25 =	vld [tilespmem:$0x1C10];
	v1 =	vmax.f32 v1, v22  }
0x109: {  	v26 =	vld [tilespmem:$0x1C90];
	v1 =	vmax.f32 v1, v23  }
0x10a: {  	v27 =	vld [tilespmem:$0x1D10];
	v1 =	vmax.f32 v1, v24  }
0x10b: {  	v1 =	vmax.f32 v1, v2;
	v2 =	vld [tilespmem:$0x1D90]  }
0x10c: {  	v1 =	vmax.f32 v1, v3;
	v3 =	vld [tilespmem:$0x1E10]  }
0x10d: {  	v28 =	vld [tilespmem:$0x1E90];
	v1 =	vmax.f32 v1, v25  }
0x10e: {  	v29 =	vld [tilespmem:$0x1F10];
	v1 =	vmax.f32 v1, v26  }
0x10f: {  	v30 =	vld [tilespmem:$0x1F90];
	v1 =	vmax.f32 v1, v27  }
0x110: {  	v1 =	vmax.f32 v1, v2  }
0x111: {  	v1 =	vmax.f32 v1, v3  }
0x112: {  	v1 =	vmax.f32 v1, v28  }
0x113: {  	v1 =	vmax.f32 v1, v29  }
0x114: {  	v1 =	vmax.f32 v1, v30  }
0x115: {  	v1 =	vmax.f32 v1, $0.0e+00  }
0x116: {  	[tilespmem:s18+$0xFFFFFF90] =	vst v1  }
0x117: {  	v1 =	vld [tilespmem:$0x1820]  }
0x118: {  	v2 =	vld [tilespmem:$0x18A0]  }
0x119: {  	v3 =	vld [tilespmem:$0x1920]  }
0x11a: {  	v31 =	vld [tilespmem:$0x19A0]  }
0x11b: {  	v32 =	vld [tilespmem:$0x1A20]  }
0x11c: {  	v33 =	vld [tilespmem:$0x1AA0]  }
0x11d: {  	v1 =	vmax.f32 v1, v2;
	v2 =	vld [tilespmem:$0x1B20]  }
0x11e: {  	v1 =	vmax.f32 v1, v3;
	v3 =	vld [tilespmem:$0x1BA0]  }
0x11f: {  	v34 =	vld [tilespmem:$0x1C20];
	v1 =	vmax.f32 v1, v31  }
0x120: {  	v35 =	vld [tilespmem:$0x1CA0];
	v1 =	vmax.f32 v1, v32  }
0x121: {  	v36 =	vld [tilespmem:$0x1D20];
	v1 =	vmax.f32 v1, v33  }
0x122: {  	v1 =	vmax.f32 v1, v2;
	v2 =	vld [tilespmem:$0x1DA0]  }
0x123: {  	v1 =	vmax.f32 v1, v3;
	v3 =	vld [tilespmem:$0x1E20]  }
0x124: {  	v37 =	vld [tilespmem:$0x1EA0];
	v1 =	vmax.f32 v1, v34  }
0x125: {  	v38 =	vld [tilespmem:$0x1F20];
	v1 =	vmax.f32 v1, v35  }
0x126: {  	v39 =	vld [tilespmem:$0x1FA0];
	v1 =	vmax.f32 v1, v36  }
0x127: {  	v1 =	vmax.f32 v1, v2  }
0x128: {  	v1 =	vmax.f32 v1, v3  }
0x129: {  	v1 =	vmax.f32 v1, v37  }
0x12a: {  	v1 =	vmax.f32 v1, v38  }
0x12b: {  	v1 =	vmax.f32 v1, v39  }
0x12c: {  	v1 =	vmax.f32 v1, $0.0e+00  }
0x12d: {  	[tilespmem:s18+$0xFFFFFFA0] =	vst v1  }
0x12e: {  	v1 =	vld [tilespmem:$0x1830]  }
0x12f: {  	v2 =	vld [tilespmem:$0x18B0]  }
0x130: {  	v3 =	vld [tilespmem:$0x1930]  }
0x131: {  	v40 =	vld [tilespmem:$0x19B0]  }
0x132: {  	v41 =	vld [tilespmem:$0x1A30]  }
0x133: {  	v42 =	vld [tilespmem:$0x1AB0]  }
0x134: {  	v1 =	vmax.f32 v1, v2;
	v2 =	vld [tilespmem:$0x1B30]  }
0x135: {  	v1 =	vmax.f32 v1, v3;
	v3 =	vld [tilespmem:$0x1BB0]  }
0x136: {  	v43 =	vld [tilespmem:$0x1C30];
	v1 =	vmax.f32 v1, v40  }
0x137: {  	v44 =	vld [tilespmem:$0x1CB0];
	v1 =	vmax.f32 v1, v41  }
0x138: {  	v45 =	vld [tilespmem:$0x1D30];
	v1 =	vmax.f32 v1, v42  }
0x139: {  	v1 =	vmax.f32 v1, v2;
	v2 =	vld [tilespmem:$0x1DB0]  }
0x13a: {  	v1 =	vmax.f32 v1, v3;
	v3 =	vld [tilespmem:$0x1E30]  }
0x13b: {  	v46 =	vld [tilespmem:$0x1EB0];
	v1 =	vmax.f32 v1, v43  }
0x13c: {  	v47 =	vld [tilespmem:$0x1F30];
	v1 =	vmax.f32 v1, v44  }
0x13d: {  	v48 =	vld [tilespmem:$0x1FB0];
	v1 =	vmax.f32 v1, v45  }
0x13e: {  	v1 =	vmax.f32 v1, v2  }
0x13f: {  	v1 =	vmax.f32 v1, v3  }
0x140: {  	v1 =	vmax.f32 v1, v46  }
0x141: {  	v1 =	vmax.f32 v1, v47  }
0x142: {  	v1 =	vmax.f32 v1, v48  }
0x143: {  	v1 =	vmax.f32 v1, $0.0e+00  }
0x144: {  	[tilespmem:s18+$0xFFFFFFB0] =	vst v1  }
0x145: {  	v1 =	vld [tilespmem:$0x1840]  }
0x146: {  	v2 =	vld [tilespmem:$0x18C0]  }
0x147: {  	v3 =	vld [tilespmem:$0x1940]  }
0x148: {  	v49 =	vld [tilespmem:$0x19C0]  }
0x149: {  	v50 =	vld [tilespmem:$0x1A40]  }
0x14a: {  	v51 =	vld [tilespmem:$0x1AC0]  }
0x14b: {  	v1 =	vmax.f32 v1, v2;
	v2 =	vld [tilespmem:$0x1B40]  }
0x14c: {  	v1 =	vmax.f32 v1, v3;
	v3 =	vld [tilespmem:$0x1BC0]  }
0x14d: {  	v52 =	vld [tilespmem:$0x1C40];
	v1 =	vmax.f32 v1, v49  }
0x14e: {  	v53 =	vld [tilespmem:$0x1CC0];
	v1 =	vmax.f32 v1, v50  }
0x14f: {  	v54 =	vld [tilespmem:$0x1D40];
	v1 =	vmax.f32 v1, v51  }
0x150: {  	v1 =	vmax.f32 v1, v2;
	v2 =	vld [tilespmem:$0x1DC0]  }
0x151: {  	v1 =	vmax.f32 v1, v3;
	v3 =	vld [tilespmem:$0x1E40]  }
0x152: {  	v55 =	vld [tilespmem:$0x1EC0];
	v1 =	vmax.f32 v1, v52  }
0x153: {  	v56 =	vld [tilespmem:$0x1F40];
	v1 =	vmax.f32 v1, v53  }
0x154: {  	v57 =	vld [tilespmem:$0x1FC0];
	v1 =	vmax.f32 v1, v54  }
0x155: {  	v1 =	vmax.f32 v1, v2  }
0x156: {  	v1 =	vmax.f32 v1, v3  }
0x157: {  	v1 =	vmax.f32 v1, v55  }
0x158: {  	v1 =	vmax.f32 v1, v56  }
0x159: {  	v1 =	vmax.f32 v1, v57  }
0x15a: {  	v1 =	vmax.f32 v1, $0.0e+00  }
0x15b: {  	[tilespmem:s18+$0xFFFFFFC0] =	vst v1  }
0x15c: {  	v1 =	vld [tilespmem:$0x1850]  }
0x15d: {  	v2 =	vld [tilespmem:$0x18D0]  }
0x15e: {  	v3 =	vld [tilespmem:$0x1950]  }
0x15f: {  	v58 =	vld [tilespmem:$0x19D0]  }
0x160: {  	v59 =	vld [tilespmem:$0x1A50]  }
0x161: {  	v60 =	vld [tilespmem:$0x1AD0]  }
0x162: {  	v1 =	vmax.f32 v1, v2;
	v2 =	vld [tilespmem:$0x1B50]  }
0x163: {  	v1 =	vmax.f32 v1, v3;
	v3 =	vld [tilespmem:$0x1BD0]  }
0x164: {  	v61 =	vld [tilespmem:$0x1C50];
	v1 =	vmax.f32 v1, v58  }
0x165: {  	v62 =	vld [tilespmem:$0x1CD0];
	v1 =	vmax.f32 v1, v59  }
0x166: {  	v63 =	vld [tilespmem:$0x1D50];
	v1 =	vmax.f32 v1, v60  }
0x167: {  	v1 =	vmax.f32 v1, v2;
	v2 =	vld [tilespmem:$0x1DD0]  }
0x168: {  	v1 =	vmax.f32 v1, v3;
	v3 =	vld [tilespmem:$0x1E50]  }
0x169: {  	v9 =	vld [tilespmem:$0x1ED0];
	v1 =	vmax.f32 v1, v61  }
0x16a: {  	v10 =	vld [tilespmem:$0x1F50];
	v1 =	vmax.f32 v1, v62  }
0x16b: {  	v11 =	vld [tilespmem:$0x1FD0];
	v1 =	vmax.f32 v1, v63  }
0x16c: {  	v1 =	vmax.f32 v1, v2  }
0x16d: {  	v1 =	vmax.f32 v1, v3  }
0x16e: {  	v1 =	vmax.f32 v1, v9  }
0x16f: {  	v1 =	vmax.f32 v1, v10  }
0x170: {  	v1 =	vmax.f32 v1, v11  }
0x171: {  	v1 =	vmax.f32 v1, $0.0e+00  }
0x172: {  	[tilespmem:s18+$0xFFFFFFD0] =	vst v1  }
0x173: {  	v1 =	vld [tilespmem:$0x1860]  }
0x174: {  	v2 =	vld [tilespmem:$0x18E0]  }
0x175: {  	v3 =	vld [tilespmem:$0x1960]  }
0x176: {  	v12 =	vld [tilespmem:$0x19E0]  }
0x177: {  	v13 =	vld [tilespmem:$0x1A60]  }
0x178: {  	v14 =	vld [tilespmem:$0x1AE0]  }
0x179: {  	v1 =	vmax.f32 v1, v2;
	v2 =	vld [tilespmem:$0x1B60]  }
0x17a: {  	v1 =	vmax.f32 v1, v3;
	v3 =	vld [tilespmem:$0x1BE0]  }
0x17b: {  	v15 =	vld [tilespmem:$0x1C60];
	v1 =	vmax.f32 v1, v12  }
0x17c: {  	v16 =	vld [tilespmem:$0x1CE0];
	v1 =	vmax.f32 v1, v13  }
0x17d: {  	v17 =	vld [tilespmem:$0x1D60];
	v1 =	vmax.f32 v1, v14  }
0x17e: {  	v1 =	vmax.f32 v1, v2;
	v2 =	vld [tilespmem:$0x1DE0]  }
0x17f: {  	v1 =	vmax.f32 v1, v3;
	v3 =	vld [tilespmem:$0x1E60]  }
0x180: {  	v18 =	vld [tilespmem:$0x1EE0];
	v1 =	vmax.f32 v1, v15  }
0x181: {  	v19 =	vld [tilespmem:$0x1F60];
	v1 =	vmax.f32 v1, v16  }
0x182: {  	v20 =	vld [tilespmem:$0x1FE0];
	v1 =	vmax.f32 v1, v17  }
0x183: {  	v1 =	vmax.f32 v1, v2  }
0x184: {  	v1 =	vmax.f32 v1, v3  }
0x185: {  	v1 =	vmax.f32 v1, v18  }
0x186: {  	v1 =	vmax.f32 v1, v19  }
0x187: {  	v1 =	vmax.f32 v1, v20  }
0x188: {  	v1 =	vmax.f32 v1, $0.0e+00  }
0x189: {  	[tilespmem:s18+$0xFFFFFFE0] =	vst v1  }
0x18a: {  	v1 =	vld [tilespmem:$0x1870]  }
0x18b: {  	v2 =	vld [tilespmem:$0x18F0]  }
0x18c: {  	v3 =	vld [tilespmem:$0x1970]  }
0x18d: {  	v21 =	vld [tilespmem:$0x19F0]  }
0x18e: {  	v22 =	vld [tilespmem:$0x1A70]  }
0x18f: {  	v23 =	vld [tilespmem:$0x1AF0]  }
0x190: {  	v1 =	vmax.f32 v1, v2;
	v2 =	vld [tilespmem:$0x1B70]  }
0x191: {  	v1 =	vmax.f32 v1, v3;
	v3 =	vld [tilespmem:$0x1BF0]  }
0x192: {  	v24 =	vld [tilespmem:$0x1C70];
	v1 =	vmax.f32 v1, v21  }
0x193: {  	v25 =	vld [tilespmem:$0x1CF0];
	v1 =	vmax.f32 v1, v22  }
0x194: {  	v26 =	vld [tilespmem:$0x1D70];
	v1 =	vmax.f32 v1, v23  }
0x195: {  	v1 =	vmax.f32 v1, v2;
	v2 =	vld [tilespmem:$0x1DF0]  }
0x196: {  	v1 =	vmax.f32 v1, v3;
	v3 =	vld [tilespmem:$0x1E70]  }
0x197: {  	v27 =	vld [tilespmem:$0x1EF0];
	v1 =	vmax.f32 v1, v24  }
0x198: {  	v28 =	vld [tilespmem:$0x1F70];
	v1 =	vmax.f32 v1, v25  }
0x199: {  	v29 =	vld [tilespmem:$0x1FF0];
	v1 =	vmax.f32 v1, v26  }
0x19a: {  	v1 =	vmax.f32 v1, v2  }
0x19b: {  	v1 =	vmax.f32 v1, v3  }
0x19c: {  	v1 =	vmax.f32 v1, v27  }
0x19d: {  	v1 =	vmax.f32 v1, v28  }
0x19e: {  	v1 =	vmax.f32 v1, v29  }
0x19f: {  	v1 =	vmax.f32 v1, $0.0e+00  }
0x1a0: {  	[tilespmem:s18+$0xFFFFFFF0] =	vst v1  }
0x1a1: {  	v1 =	vld @!p0 [tilespmem:s20+$0x50];
	_ =	sdelay $0x4  }
0x1a2: {  	v1 =	vadd.s32 @!p0 v0, v1;
	_ =	sdelay $0x3  }
0x1a3: {  	s22 =	simm.s32 @!p0 $0x1800  }
0x1a4: {  	[tilespmem:s22], [sflag:$0x2] =	stream.indirect_vreg.gather @!p0 [hbm4b:s3+s21], $0x80, v1, vm1, $0xb8;
	[tilespmem:$0xB000] =	vst v63  }
0x1a5: {  	_ =	swait.ge [sflag:s14], $0x800  }
0x1a6: {  	[sflag:s14] =	ssyncset.done $0x0  }
0x1a7: {  	[sflag:s14] =	ssyncadd.s32 $0xFFFFF800  }
0x1a8: {  	v1 =	vld [tilespmem:$0x2000]  }
0x1a9: {  	v2 =	vld [tilespmem:$0x2080]  }
0x1aa: {  	v3 =	vld [tilespmem:$0x2100]  }
0x1ab: {  	v30 =	vld [tilespmem:$0x2180]  }
0x1ac: {  	v31 =	vld [tilespmem:$0x2200]  }
0x1ad: {  	v32 =	vld [tilespmem:$0x2280]  }
0x1ae: {  	v1 =	vmax.f32 v1, v2;
	v2 =	vld [tilespmem:$0x2300]  }
0x1af: {  	v1 =	vmax.f32 v1, v3;
	v3 =	vld [tilespmem:$0x2380]  }
0x1b0: {  	v33 =	vld [tilespmem:$0x2400];
	v1 =	vmax.f32 v1, v30  }
0x1b1: {  	v34 =	vld [tilespmem:$0x2480];
	v1 =	vmax.f32 v1, v31  }
0x1b2: {  	v35 =	vld [tilespmem:$0x2500];
	v1 =	vmax.f32 v1, v32  }
0x1b3: {  	v1 =	vmax.f32 v1, v2;
	v2 =	vld [tilespmem:$0x2580]  }
0x1b4: {  	v1 =	vmax.f32 v1, v3;
	v3 =	vld [tilespmem:$0x2600]  }
0x1b5: {  	v36 =	vld [tilespmem:$0x2680];
	v1 =	vmax.f32 v1, v33  }
0x1b6: {  	v37 =	vld [tilespmem:$0x2700];
	v1 =	vmax.f32 v1, v34  }
0x1b7: {  	v38 =	vld [tilespmem:$0x2780];
	v1 =	vmax.f32 v1, v35  }
0x1b8: {  	v1 =	vmax.f32 v1, v2  }
0x1b9: {  	v1 =	vmax.f32 v1, v3  }
0x1ba: {  	v1 =	vmax.f32 v1, v36  }
0x1bb: {  	v1 =	vmax.f32 v1, v37  }
0x1bc: {  	v1 =	vmax.f32 v1, v38  }
0x1bd: {  	v1 =	vmax.f32 v1, $0.0e+00  }
0x1be: {  	[tilespmem:s18+$0x0] =	vst v1  }
0x1bf: {  	v1 =	vld [tilespmem:$0x2010]  }
0x1c0: {  	v2 =	vld [tilespmem:$0x2090]  }
0x1c1: {  	v3 =	vld [tilespmem:$0x2110]  }
0x1c2: {  	v39 =	vld [tilespmem:$0x2190]  }
0x1c3: {  	v40 =	vld [tilespmem:$0x2210]  }
0x1c4: {  	v41 =	vld [tilespmem:$0x2290]  }
0x1c5: {  	v1 =	vmax.f32 v1, v2;
	v2 =	vld [tilespmem:$0x2310]  }
0x1c6: {  	v1 =	vmax.f32 v1, v3;
	v3 =	vld [tilespmem:$0x2390]  }
0x1c7: {  	v42 =	vld [tilespmem:$0x2410];
	v1 =	vmax.f32 v1, v39  }
0x1c8: {  	v43 =	vld [tilespmem:$0x2490];
	v1 =	vmax.f32 v1, v40  }
0x1c9: {  	v44 =	vld [tilespmem:$0x2510];
	v1 =	vmax.f32 v1, v41  }
0x1ca: {  	v1 =	vmax.f32 v1, v2;
	v2 =	vld [tilespmem:$0x2590]  }
0x1cb: {  	v1 =	vmax.f32 v1, v3;
	v3 =	vld [tilespmem:$0x2610]  }
0x1cc: {  	v45 =	vld [tilespmem:$0x2690];
	v1 =	vmax.f32 v1, v42  }
0x1cd: {  	v46 =	vld [tilespmem:$0x2710];
	v1 =	vmax.f32 v1, v43  }
0x1ce: {  	v47 =	vld [tilespmem:$0x2790];
	v1 =	vmax.f32 v1, v44  }
0x1cf: {  	v1 =	vmax.f32 v1, v2  }
0x1d0: {  	v1 =	vmax.f32 v1, v3  }
0x1d1: {  	v1 =	vmax.f32 v1, v45  }
0x1d2: {  	v1 =	vmax.f32 v1, v46  }
0x1d3: {  	v1 =	vmax.f32 v1, v47  }
0x1d4: {  	v1 =	vmax.f32 v1, $0.0e+00  }
0x1d5: {  	[tilespmem:s18+$0x10] =	vst v1  }
0x1d6: {  	v1 =	vld [tilespmem:$0x2020]  }
0x1d7: {  	v2 =	vld [tilespmem:$0x20A0]  }
0x1d8: {  	v3 =	vld [tilespmem:$0x2120]  }
0x1d9: {  	v48 =	vld [tilespmem:$0x21A0]  }
0x1da: {  	v49 =	vld [tilespmem:$0x2220]  }
0x1db: {  	v50 =	vld [tilespmem:$0x22A0]  }
0x1dc: {  	v1 =	vmax.f32 v1, v2;
	v2 =	vld [tilespmem:$0x2320]  }
0x1dd: {  	v1 =	vmax.f32 v1, v3;
	v3 =	vld [tilespmem:$0x23A0]  }
0x1de: {  	v51 =	vld [tilespmem:$0x2420];
	v1 =	vmax.f32 v1, v48  }
0x1df: {  	v52 =	vld [tilespmem:$0x24A0];
	v1 =	vmax.f32 v1, v49  }
0x1e0: {  	v53 =	vld [tilespmem:$0x2520];
	v1 =	vmax.f32 v1, v50  }
0x1e1: {  	v1 =	vmax.f32 v1, v2;
	v2 =	vld [tilespmem:$0x25A0]  }
0x1e2: {  	v1 =	vmax.f32 v1, v3;
	v3 =	vld [tilespmem:$0x2620]  }
0x1e3: {  	v54 =	vld [tilespmem:$0x26A0];
	v1 =	vmax.f32 v1, v51  }
0x1e4: {  	v55 =	vld [tilespmem:$0x2720];
	v1 =	vmax.f32 v1, v52  }
0x1e5: {  	v56 =	vld [tilespmem:$0x27A0];
	v1 =	vmax.f32 v1, v53  }
0x1e6: {  	v1 =	vmax.f32 v1, v2  }
0x1e7: {  	v1 =	vmax.f32 v1, v3  }
0x1e8: {  	v1 =	vmax.f32 v1, v54  }
0x1e9: {  	v1 =	vmax.f32 v1, v55  }
0x1ea: {  	v1 =	vmax.f32 v1, v56  }
0x1eb: {  	v1 =	vmax.f32 v1, $0.0e+00  }
0x1ec: {  	[tilespmem:s18+$0x20] =	vst v1  }
0x1ed: {  	v1 =	vld [tilespmem:$0x2030]  }
0x1ee: {  	v2 =	vld [tilespmem:$0x20B0]  }
0x1ef: {  	v3 =	vld [tilespmem:$0x2130]  }
0x1f0: {  	v57 =	vld [tilespmem:$0x21B0]  }
0x1f1: {  	v58 =	vld [tilespmem:$0x2230]  }
0x1f2: {  	v59 =	vld [tilespmem:$0x22B0]  }
0x1f3: {  	v1 =	vmax.f32 v1, v2;
	v2 =	vld [tilespmem:$0x2330]  }
0x1f4: {  	v1 =	vmax.f32 v1, v3;
	v3 =	vld [tilespmem:$0x23B0]  }
0x1f5: {  	v60 =	vld [tilespmem:$0x2430];
	v1 =	vmax.f32 v1, v57  }
0x1f6: {  	v61 =	vld [tilespmem:$0x24B0];
	v1 =	vmax.f32 v1, v58  }
0x1f7: {  	v62 =	vld [tilespmem:$0x2530];
	v1 =	vmax.f32 v1, v59  }
0x1f8: {  	v1 =	vmax.f32 v1, v2;
	v2 =	vld [tilespmem:$0x25B0]  }
0x1f9: {  	v1 =	vmax.f32 v1, v3;
	v3 =	vld [tilespmem:$0x2630]  }
0x1fa: {  	v63 =	vld [tilespmem:$0x26B0];
	v1 =	vmax.f32 v1, v60  }
0x1fb: {  	v9 =	vld [tilespmem:$0x2730];
	v1 =	vmax.f32 v1, v61  }
0x1fc: {  	v10 =	vld [tilespmem:$0x27B0];
	v1 =	vmax.f32 v1, v62  }
0x1fd: {  	v1 =	vmax.f32 v1, v2  }
0x1fe: {  	v1 =	vmax.f32 v1, v3  }
0x1ff: {  	v1 =	vmax.f32 v1, v63  }
0x200: {  	v1 =	vmax.f32 v1, v9  }
0x201: {  	v1 =	vmax.f32 v1, v10  }
0x202: {  	v1 =	vmax.f32 v1, $0.0e+00  }
0x203: {  	[tilespmem:s18+$0x30] =	vst v1  }
0x204: {  	v1 =	vld [tilespmem:$0x2040]  }
0x205: {  	v2 =	vld [tilespmem:$0x20C0]  }
0x206: {  	v3 =	vld [tilespmem:$0x2140]  }
0x207: {  	v11 =	vld [tilespmem:$0x21C0]  }
0x208: {  	v12 =	vld [tilespmem:$0x2240]  }
0x209: {  	v13 =	vld [tilespmem:$0x22C0]  }
0x20a: {  	v1 =	vmax.f32 v1, v2;
	v2 =	vld [tilespmem:$0x2340]  }
0x20b: {  	v1 =	vmax.f32 v1, v3;
	v3 =	vld [tilespmem:$0x23C0]  }
0x20c: {  	v14 =	vld [tilespmem:$0x2440];
	v1 =	vmax.f32 v1, v11  }
0x20d: {  	v15 =	vld [tilespmem:$0x24C0];
	v1 =	vmax.f32 v1, v12  }
0x20e: {  	v16 =	vld [tilespmem:$0x2540];
	v1 =	vmax.f32 v1, v13  }
0x20f: {  	v1 =	vmax.f32 v1, v2;
	v2 =	vld [tilespmem:$0x25C0]  }
0x210: {  	v1 =	vmax.f32 v1, v3;
	v3 =	vld [tilespmem:$0x2640]  }
0x211: {  	v17 =	vld [tilespmem:$0x26C0];
	v1 =	vmax.f32 v1, v14  }
0x212: {  	v18 =	vld [tilespmem:$0x2740];
	v1 =	vmax.f32 v1, v15  }
0x213: {  	v19 =	vld [tilespmem:$0x27C0];
	v1 =	vmax.f32 v1, v16  }
0x214: {  	v1 =	vmax.f32 v1, v2  }
0x215: {  	v1 =	vmax.f32 v1, v3  }
0x216: {  	v1 =	vmax.f32 v1, v17  }
0x217: {  	v1 =	vmax.f32 v1, v18  }
0x218: {  	v1 =	vmax.f32 v1, v19  }
0x219: {  	v1 =	vmax.f32 v1, $0.0e+00  }
0x21a: {  	[tilespmem:s18+$0x40] =	vst v1  }
0x21b: {  	v1 =	vld [tilespmem:$0x2050]  }
0x21c: {  	v2 =	vld [tilespmem:$0x20D0]  }
0x21d: {  	v3 =	vld [tilespmem:$0x2150]  }
0x21e: {  	v20 =	vld [tilespmem:$0x21D0]  }
0x21f: {  	v21 =	vld [tilespmem:$0x2250]  }
0x220: {  	v22 =	vld [tilespmem:$0x22D0]  }
0x221: {  	v1 =	vmax.f32 v1, v2;
	v2 =	vld [tilespmem:$0x2350]  }
0x222: {  	v1 =	vmax.f32 v1, v3;
	v3 =	vld [tilespmem:$0x23D0]  }
0x223: {  	v23 =	vld [tilespmem:$0x2450];
	v1 =	vmax.f32 v1, v20  }
0x224: {  	v24 =	vld [tilespmem:$0x24D0];
	v1 =	vmax.f32 v1, v21  }
0x225: {  	v25 =	vld [tilespmem:$0x2550];
	v1 =	vmax.f32 v1, v22  }
0x226: {  	v1 =	vmax.f32 v1, v2;
	v2 =	vld [tilespmem:$0x25D0]  }
0x227: {  	v1 =	vmax.f32 v1, v3;
	v3 =	vld [tilespmem:$0x2650]  }
0x228: {  	v26 =	vld [tilespmem:$0x26D0];
	v1 =	vmax.f32 v1, v23  }
0x229: {  	v27 =	vld [tilespmem:$0x2750];
	v1 =	vmax.f32 v1, v24  }
0x22a: {  	v28 =	vld [tilespmem:$0x27D0];
	v1 =	vmax.f32 v1, v25  }
0x22b: {  	v1 =	vmax.f32 v1, v2  }
0x22c: {  	v1 =	vmax.f32 v1, v3  }
0x22d: {  	v1 =	vmax.f32 v1, v26  }
0x22e: {  	v1 =	vmax.f32 v1, v27  }
0x22f: {  	v1 =	vmax.f32 v1, v28  }
0x230: {  	v1 =	vmax.f32 v1, $0.0e+00  }
0x231: {  	[tilespmem:s18+$0x50] =	vst v1  }
0x232: {  	v1 =	vld [tilespmem:$0x2060]  }
0x233: {  	v2 =	vld [tilespmem:$0x20E0]  }
0x234: {  	v3 =	vld [tilespmem:$0x2160]  }
0x235: {  	v29 =	vld [tilespmem:$0x21E0]  }
0x236: {  	v30 =	vld [tilespmem:$0x2260]  }
0x237: {  	v31 =	vld [tilespmem:$0x22E0]  }
0x238: {  	v1 =	vmax.f32 v1, v2;
	v2 =	vld [tilespmem:$0x2360]  }
0x239: {  	v1 =	vmax.f32 v1, v3;
	v3 =	vld [tilespmem:$0x23E0]  }
0x23a: {  	v32 =	vld [tilespmem:$0x2460];
	v1 =	vmax.f32 v1, v29  }
0x23b: {  	v33 =	vld [tilespmem:$0x24E0];
	v1 =	vmax.f32 v1, v30  }
0x23c: {  	v34 =	vld [tilespmem:$0x2560];
	v1 =	vmax.f32 v1, v31  }
0x23d: {  	v1 =	vmax.f32 v1, v2;
	v2 =	vld [tilespmem:$0x25E0]  }
0x23e: {  	v1 =	vmax.f32 v1, v3;
	v3 =	vld [tilespmem:$0x2660]  }
0x23f: {  	v35 =	vld [tilespmem:$0x26E0];
	v1 =	vmax.f32 v1, v32  }
0x240: {  	v36 =	vld [tilespmem:$0x2760];
	v1 =	vmax.f32 v1, v33  }
0x241: {  	v37 =	vld [tilespmem:$0x27E0];
	v1 =	vmax.f32 v1, v34  }
0x242: {  	v1 =	vmax.f32 v1, v2  }
0x243: {  	v1 =	vmax.f32 v1, v3  }
0x244: {  	v1 =	vmax.f32 v1, v35  }
0x245: {  	v1 =	vmax.f32 v1, v36  }
0x246: {  	v1 =	vmax.f32 v1, v37  }
0x247: {  	v1 =	vmax.f32 v1, $0.0e+00  }
0x248: {  	[tilespmem:s18+$0x60] =	vst v1  }
0x249: {  	v1 =	vld [tilespmem:$0x2070]  }
0x24a: {  	v2 =	vld [tilespmem:$0x20F0]  }
0x24b: {  	v3 =	vld [tilespmem:$0x2170]  }
0x24c: {  	v38 =	vld [tilespmem:$0x21F0]  }
0x24d: {  	v39 =	vld [tilespmem:$0x2270]  }
0x24e: {  	v40 =	vld [tilespmem:$0x22F0]  }
0x24f: {  	v1 =	vmax.f32 v1, v2;
	v2 =	vld [tilespmem:$0x2370]  }
0x250: {  	v1 =	vmax.f32 v1, v3;
	v3 =	vld [tilespmem:$0x23F0]  }
0x251: {  	v41 =	vld [tilespmem:$0x2470];
	v1 =	vmax.f32 v1, v38  }
0x252: {  	v42 =	vld [tilespmem:$0x24F0];
	v1 =	vmax.f32 v1, v39  }
0x253: {  	v43 =	vld [tilespmem:$0x2570];
	v1 =	vmax.f32 v1, v40  }
0x254: {  	v1 =	vmax.f32 v1, v2;
	v2 =	vld [tilespmem:$0x25F0]  }
0x255: {  	v1 =	vmax.f32 v1, v3;
	v3 =	vld [tilespmem:$0x2670]  }
0x256: {  	v44 =	vld [tilespmem:$0x26F0];
	v1 =	vmax.f32 v1, v41  }
0x257: {  	v45 =	vld [tilespmem:$0x2770];
	v1 =	vmax.f32 v1, v42  }
0x258: {  	v46 =	vld [tilespmem:$0x27F0];
	v1 =	vmax.f32 v1, v43  }
0x259: {  	v1 =	vmax.f32 v1, v2  }
0x25a: {  	v1 =	vmax.f32 v1, v3  }
0x25b: {  	v1 =	vmax.f32 v1, v44  }
0x25c: {  	v1 =	vmax.f32 v1, v45  }
0x25d: {  	v1 =	vmax.f32 v1, v46  }
0x25e: {  	v1 =	vmax.f32 v1, $0.0e+00  }
0x25f: {  	[tilespmem:s18+$0x70] =	vst v1  }
0x260: {  	v1 =	vld @!p0 [tilespmem:s20+$0x60];
	_ =	sdelay $0x4  }
0x261: {  	v1 =	vadd.s32 @!p0 v0, v1;
	_ =	sdelay $0x3  }
0x262: {  	s20 =	simm.s32 @!p0 $0x2000  }
0x263: {  	[tilespmem:s20], [sflag:$0x3] =	stream.indirect_vreg.gather @!p0 [hbm4b:s3+s21], $0x80, v1, vm1, $0xb8;
	[tilespmem:$0xB000] =	vst v63  }
0x264: {  	_ =	swait.ge [sflag:s15], $0x800  }
0x265: {  	[sflag:s15] =	ssyncset.done $0x0  }
0x266: {  	[sflag:s15] =	ssyncadd.s32 $0xFFFFF800  }
0x267: {  	v1 =	vld [tilespmem:$0x2800]  }
0x268: {  	v2 =	vld [tilespmem:$0x2880]  }
0x269: {  	v3 =	vld [tilespmem:$0x2900]  }
0x26a: {  	v47 =	vld [tilespmem:$0x2980]  }
0x26b: {  	v48 =	vld [tilespmem:$0x2A00]  }
0x26c: {  	v49 =	vld [tilespmem:$0x2A80]  }
0x26d: {  	v1 =	vmax.f32 v1, v2;
	v2 =	vld [tilespmem:$0x2B00]  }
0x26e: {  	v1 =	vmax.f32 v1, v3;
	v3 =	vld [tilespmem:$0x2B80]  }
0x26f: {  	v50 =	vld [tilespmem:$0x2C00];
	v1 =	vmax.f32 v1, v47  }
0x270: {  	v51 =	vld [tilespmem:$0x2C80];
	v1 =	vmax.f32 v1, v48  }
0x271: {  	v52 =	vld [tilespmem:$0x2D00];
	v1 =	vmax.f32 v1, v49  }
0x272: {  	v1 =	vmax.f32 v1, v2;
	v2 =	vld [tilespmem:$0x2D80]  }
0x273: {  	v1 =	vmax.f32 v1, v3;
	v3 =	vld [tilespmem:$0x2E00]  }
0x274: {  	v53 =	vld [tilespmem:$0x2E80];
	v1 =	vmax.f32 v1, v50  }
0x275: {  	v54 =	vld [tilespmem:$0x2F00];
	v1 =	vmax.f32 v1, v51  }
0x276: {  	v55 =	vld [tilespmem:$0x2F80];
	v1 =	vmax.f32 v1, v52  }
0x277: {  	v1 =	vmax.f32 v1, v2  }
0x278: {  	v1 =	vmax.f32 v1, v3  }
0x279: {  	v1 =	vmax.f32 v1, v53  }
0x27a: {  	v1 =	vmax.f32 v1, v54  }
0x27b: {  	v1 =	vmax.f32 v1, v55  }
0x27c: {  	v1 =	vmax.f32 v1, $0.0e+00  }
0x27d: {  	[tilespmem:s18+$0x80] =	vst v1  }
0x27e: {  	v1 =	vld [tilespmem:$0x2810]  }
0x27f: {  	v2 =	vld [tilespmem:$0x2890]  }
0x280: {  	v3 =	vld [tilespmem:$0x2910]  }
0x281: {  	v56 =	vld [tilespmem:$0x2990]  }
0x282: {  	v57 =	vld [tilespmem:$0x2A10]  }
0x283: {  	v58 =	vld [tilespmem:$0x2A90]  }
0x284: {  	v1 =	vmax.f32 v1, v2;
	v2 =	vld [tilespmem:$0x2B10]  }
0x285: {  	v1 =	vmax.f32 v1, v3;
	v3 =	vld [tilespmem:$0x2B90]  }
0x286: {  	v59 =	vld [tilespmem:$0x2C10];
	v1 =	vmax.f32 v1, v56  }
0x287: {  	v60 =	vld [tilespmem:$0x2C90];
	v1 =	vmax.f32 v1, v57  }
0x288: {  	v61 =	vld [tilespmem:$0x2D10];
	v1 =	vmax.f32 v1, v58  }
0x289: {  	v1 =	vmax.f32 v1, v2;
	v2 =	vld [tilespmem:$0x2D90]  }
0x28a: {  	v1 =	vmax.f32 v1, v3;
	v3 =	vld [tilespmem:$0x2E10]  }
0x28b: {  	v62 =	vld [tilespmem:$0x2E90];
	v1 =	vmax.f32 v1, v59  }
0x28c: {  	v63 =	vld [tilespmem:$0x2F10];
	v1 =	vmax.f32 v1, v60  }
0x28d: {  	v9 =	vld [tilespmem:$0x2F90];
	v1 =	vmax.f32 v1, v61  }
0x28e: {  	v1 =	vmax.f32 v1, v2  }
0x28f: {  	v1 =	vmax.f32 v1, v3  }
0x290: {  	v1 =	vmax.f32 v1, v62  }
0x291: {  	v1 =	vmax.f32 v1, v63  }
0x292: {  	v1 =	vmax.f32 v1, v9  }
0x293: {  	v1 =	vmax.f32 v1, $0.0e+00  }
0x294: {  	[tilespmem:s18+$0x90] =	vst v1  }
0x295: {  	v1 =	vld [tilespmem:$0x2820]  }
0x296: {  	v2 =	vld [tilespmem:$0x28A0]  }
0x297: {  	v3 =	vld [tilespmem:$0x2920]  }
0x298: {  	v10 =	vld [tilespmem:$0x29A0]  }
0x299: {  	v11 =	vld [tilespmem:$0x2A20]  }
0x29a: {  	v12 =	vld [tilespmem:$0x2AA0]  }
0x29b: {  	v1 =	vmax.f32 v1, v2;
	v2 =	vld [tilespmem:$0x2B20]  }
0x29c: {  	v1 =	vmax.f32 v1, v3;
	v3 =	vld [tilespmem:$0x2BA0]  }
0x29d: {  	v13 =	vld [tilespmem:$0x2C20];
	v1 =	vmax.f32 v1, v10  }
0x29e: {  	v14 =	vld [tilespmem:$0x2CA0];
	v1 =	vmax.f32 v1, v11  }
0x29f: {  	v15 =	vld [tilespmem:$0x2D20];
	v1 =	vmax.f32 v1, v12  }
0x2a0: {  	v1 =	vmax.f32 v1, v2;
	v2 =	vld [tilespmem:$0x2DA0]  }
0x2a1: {  	v1 =	vmax.f32 v1, v3;
	v3 =	vld [tilespmem:$0x2E20]  }
0x2a2: {  	v16 =	vld [tilespmem:$0x2EA0];
	v1 =	vmax.f32 v1, v13  }
0x2a3: {  	v17 =	vld [tilespmem:$0x2F20];
	v1 =	vmax.f32 v1, v14  }
0x2a4: {  	v18 =	vld [tilespmem:$0x2FA0];
	v1 =	vmax.f32 v1, v15  }
0x2a5: {  	v1 =	vmax.f32 v1, v2  }
0x2a6: {  	v1 =	vmax.f32 v1, v3  }
0x2a7: {  	v1 =	vmax.f32 v1, v16  }
0x2a8: {  	v1 =	vmax.f32 v1, v17  }
0x2a9: {  	v1 =	vmax.f32 v1, v18  }
0x2aa: {  	v1 =	vmax.f32 v1, $0.0e+00  }
0x2ab: {  	[tilespmem:s18+$0xA0] =	vst v1  }
0x2ac: {  	v1 =	vld [tilespmem:$0x2830]  }
0x2ad: {  	v2 =	vld [tilespmem:$0x28B0]  }
0x2ae: {  	v3 =	vld [tilespmem:$0x2930]  }
0x2af: {  	v19 =	vld [tilespmem:$0x29B0]  }
0x2b0: {  	v20 =	vld [tilespmem:$0x2A30]  }
0x2b1: {  	v21 =	vld [tilespmem:$0x2AB0]  }
0x2b2: {  	v1 =	vmax.f32 v1, v2;
	v2 =	vld [tilespmem:$0x2B30]  }
0x2b3: {  	v1 =	vmax.f32 v1, v3;
	v3 =	vld [tilespmem:$0x2BB0]  }
0x2b4: {  	v22 =	vld [tilespmem:$0x2C30];
	v1 =	vmax.f32 v1, v19  }
0x2b5: {  	v23 =	vld [tilespmem:$0x2CB0];
	v1 =	vmax.f32 v1, v20  }
0x2b6: {  	v24 =	vld [tilespmem:$0x2D30];
	v1 =	vmax.f32 v1, v21  }
0x2b7: {  	v1 =	vmax.f32 v1, v2;
	v2 =	vld [tilespmem:$0x2DB0]  }
0x2b8: {  	v1 =	vmax.f32 v1, v3;
	v3 =	vld [tilespmem:$0x2E30]  }
0x2b9: {  	v25 =	vld [tilespmem:$0x2EB0];
	v1 =	vmax.f32 v1, v22  }
0x2ba: {  	v26 =	vld [tilespmem:$0x2F30];
	v1 =	vmax.f32 v1, v23  }
0x2bb: {  	v27 =	vld [tilespmem:$0x2FB0];
	v1 =	vmax.f32 v1, v24  }
0x2bc: {  	v1 =	vmax.f32 v1, v2  }
0x2bd: {  	v1 =	vmax.f32 v1, v3  }
0x2be: {  	v1 =	vmax.f32 v1, v25  }
0x2bf: {  	v1 =	vmax.f32 v1, v26  }
0x2c0: {  	v1 =	vmax.f32 v1, v27  }
0x2c1: {  	v1 =	vmax.f32 v1, $0.0e+00  }
0x2c2: {  	[tilespmem:s18+$0xB0] =	vst v1  }
0x2c3: {  	v1 =	vld [tilespmem:$0x2840]  }
0x2c4: {  	v2 =	vld [tilespmem:$0x28C0]  }
0x2c5: {  	v3 =	vld [tilespmem:$0x2940]  }
0x2c6: {  	v28 =	vld [tilespmem:$0x29C0]  }
0x2c7: {  	v29 =	vld [tilespmem:$0x2A40]  }
0x2c8: {  	v30 =	vld [tilespmem:$0x2AC0]  }
0x2c9: {  	v1 =	vmax.f32 v1, v2;
	v2 =	vld [tilespmem:$0x2B40]  }
0x2ca: {  	v1 =	vmax.f32 v1, v3;
	v3 =	vld [tilespmem:$0x2BC0]  }
0x2cb: {  	v31 =	vld [tilespmem:$0x2C40];
	v1 =	vmax.f32 v1, v28  }
0x2cc: {  	v32 =	vld [tilespmem:$0x2CC0];
	v1 =	vmax.f32 v1, v29  }
0x2cd: {  	v33 =	vld [tilespmem:$0x2D40];
	v1 =	vmax.f32 v1, v30  }
0x2ce: {  	v1 =	vmax.f32 v1, v2;
	v2 =	vld [tilespmem:$0x2DC0]  }
0x2cf: {  	v1 =	vmax.f32 v1, v3;
	v3 =	vld [tilespmem:$0x2E40]  }
0x2d0: {  	v34 =	vld [tilespmem:$0x2EC0];
	v1 =	vmax.f32 v1, v31  }
0x2d1: {  	v35 =	vld [tilespmem:$0x2F40];
	v1 =	vmax.f32 v1, v32  }
0x2d2: {  	v36 =	vld [tilespmem:$0x2FC0];
	v1 =	vmax.f32 v1, v33  }
0x2d3: {  	v1 =	vmax.f32 v1, v2  }
0x2d4: {  	v1 =	vmax.f32 v1, v3  }
0x2d5: {  	v1 =	vmax.f32 v1, v34  }
0x2d6: {  	v1 =	vmax.f32 v1, v35  }
0x2d7: {  	v1 =	vmax.f32 v1, v36  }
0x2d8: {  	v1 =	vmax.f32 v1, $0.0e+00  }
0x2d9: {  	[tilespmem:s18+$0xC0] =	vst v1  }
0x2da: {  	v1 =	vld [tilespmem:$0x2850]  }
0x2db: {  	v2 =	vld [tilespmem:$0x28D0]  }
0x2dc: {  	v3 =	vld [tilespmem:$0x2950]  }
0x2dd: {  	v37 =	vld [tilespmem:$0x29D0]  }
0x2de: {  	v38 =	vld [tilespmem:$0x2A50]  }
0x2df: {  	v39 =	vld [tilespmem:$0x2AD0]  }
0x2e0: {  	v1 =	vmax.f32 v1, v2;
	v2 =	vld [tilespmem:$0x2B50]  }
0x2e1: {  	v1 =	vmax.f32 v1, v3;
	v3 =	vld [tilespmem:$0x2BD0]  }
0x2e2: {  	v40 =	vld [tilespmem:$0x2C50];
	v1 =	vmax.f32 v1, v37  }
0x2e3: {  	v41 =	vld [tilespmem:$0x2CD0];
	v1 =	vmax.f32 v1, v38  }
0x2e4: {  	v42 =	vld [tilespmem:$0x2D50];
	v1 =	vmax.f32 v1, v39  }
0x2e5: {  	v1 =	vmax.f32 v1, v2;
	v2 =	vld [tilespmem:$0x2DD0]  }
0x2e6: {  	v1 =	vmax.f32 v1, v3;
	v3 =	vld [tilespmem:$0x2E50]  }
0x2e7: {  	v43 =	vld [tilespmem:$0x2ED0];
	v1 =	vmax.f32 v1, v40  }
0x2e8: {  	v44 =	vld [tilespmem:$0x2F50];
	v1 =	vmax.f32 v1, v41  }
0x2e9: {  	v45 =	vld [tilespmem:$0x2FD0];
	v1 =	vmax.f32 v1, v42  }
0x2ea: {  	v1 =	vmax.f32 v1, v2  }
0x2eb: {  	v1 =	vmax.f32 v1, v3  }
0x2ec: {  	v1 =	vmax.f32 v1, v43  }
0x2ed: {  	v1 =	vmax.f32 v1, v44  }
0x2ee: {  	v1 =	vmax.f32 v1, v45  }
0x2ef: {  	v1 =	vmax.f32 v1, $0.0e+00  }
0x2f0: {  	[tilespmem:s18+$0xD0] =	vst v1  }
0x2f1: {  	v1 =	vld [tilespmem:$0x2860]  }
0x2f2: {  	v2 =	vld [tilespmem:$0x28E0]  }
0x2f3: {  	v3 =	vld [tilespmem:$0x2960]  }
0x2f4: {  	v46 =	vld [tilespmem:$0x29E0]  }
0x2f5: {  	v47 =	vld [tilespmem:$0x2A60]  }
0x2f6: {  	v48 =	vld [tilespmem:$0x2AE0]  }
0x2f7: {  	v1 =	vmax.f32 v1, v2;
	v2 =	vld [tilespmem:$0x2B60]  }
0x2f8: {  	v1 =	vmax.f32 v1, v3;
	v3 =	vld [tilespmem:$0x2BE0]  }
0x2f9: {  	v49 =	vld [tilespmem:$0x2C60];
	v1 =	vmax.f32 v1, v46  }
0x2fa: {  	v50 =	vld [tilespmem:$0x2CE0];
	v1 =	vmax.f32 v1, v47  }
0x2fb: {  	v51 =	vld [tilespmem:$0x2D60];
	v1 =	vmax.f32 v1, v48  }
0x2fc: {  	v1 =	vmax.f32 v1, v2;
	v2 =	vld [tilespmem:$0x2DE0]  }
0x2fd: {  	v1 =	vmax.f32 v1, v3;
	v3 =	vld [tilespmem:$0x2E60]  }
0x2fe: {  	v52 =	vld [tilespmem:$0x2EE0];
	v1 =	vmax.f32 v1, v49  }
0x2ff: {  	v53 =	vld [tilespmem:$0x2F60];
	v1 =	vmax.f32 v1, v50  }
0x300: {  	v54 =	vld [tilespmem:$0x2FE0];
	v1 =	vmax.f32 v1, v51  }
0x301: {  	v1 =	vmax.f32 v1, v2  }
0x302: {  	v1 =	vmax.f32 v1, v3  }
0x303: {  	v1 =	vmax.f32 v1, v52  }
0x304: {  	v1 =	vmax.f32 v1, v53  }
0x305: {  	v1 =	vmax.f32 v1, v54  }
0x306: {  	v1 =	vmax.f32 v1, $0.0e+00  }
0x307: {  	[tilespmem:s18+$0xE0] =	vst v1  }
0x308: {  	v1 =	vld [tilespmem:$0x2870]  }
0x309: {  	v2 =	vld [tilespmem:$0x28F0]  }
0x30a: {  	v3 =	vld [tilespmem:$0x2970]  }
0x30b: {  	v55 =	vld [tilespmem:$0x29F0]  }
0x30c: {  	v56 =	vld [tilespmem:$0x2A70]  }
0x30d: {  	v57 =	vld [tilespmem:$0x2AF0]  }
0x30e: {  	v1 =	vmax.f32 v1, v2;
	v2 =	vld [tilespmem:$0x2B70]  }
0x30f: {  	v1 =	vmax.f32 v1, v3;
	v3 =	vld [tilespmem:$0x2BF0]  }
0x310: {  	v58 =	vld [tilespmem:$0x2C70];
	v1 =	vmax.f32 v1, v55  }
0x311: {  	v59 =	vld [tilespmem:$0x2CF0];
	v1 =	vmax.f32 v1, v56  }
0x312: {  	v60 =	vld [tilespmem:$0x2D70];
	v1 =	vmax.f32 v1, v57  }
0x313: {  	v1 =	vmax.f32 v1, v2;
	v2 =	vld [tilespmem:$0x2DF0]  }
0x314: {  	v1 =	vmax.f32 v1, v3;
	v3 =	vld [tilespmem:$0x2E70]  }
0x315: {  	v61 =	vld [tilespmem:$0x2EF0];
	v1 =	vmax.f32 v1, v58  }
0x316: {  	v62 =	vld [tilespmem:$0x2F70];
	v1 =	vmax.f32 v1, v59  }
0x317: {  	v63 =	vld [tilespmem:$0x2FF0];
	v1 =	vmax.f32 v1, v60  }
0x318: {  	v1 =	vmax.f32 v1, v2  }
0x319: {  	v1 =	vmax.f32 v1, v3  }
.Ltmp2:
0x31a: {  	v1 =	vmax.f32 v1, v61;
	(pc) =	sbr.rel @p0 .LBB2_4-.Ltmp2, $4  }
0x31b: {  	v1 =	vmax.f32 v1, v62  }
0x31c: {  	v1 =	vmax.f32 v1, v63  }
0x31d: {  	v1 =	vmax.f32 v1, $0.0e+00  }
0x31e: {  	[tilespmem:s18+$0xF0] =	vst v1  }
0x31f: {  	s20 =	sshra.s32 s19, $0x2  }
0x320: {  	v1 =	vld [tilespmem:s20+$0x70];
	_ =	sdelay $0x4  }
0x321: {  	v1 =	vadd.s32 v0, v1  }
.Ltmp3:
0x322: {  	_ = 	snop;
	(pc) =	sbr.rel .LBB2_2-.Ltmp3, $3  }
0x323: {  	_ =	sdelay $0x1  }
0x324: {  	s18 =	sadd.s32 $0x200, s18;
	s19 =	sadd.s32 $0x100, s19  }
0x325: {  	[tilespmem:s11], [sflag:$0x4] =	stream.indirect_vreg.gather [hbm4b:s3+s2], $0x80, v1, vm0, $0xb8;
	[tilespmem:$0xB000] =	vst v63  }
.LBB2_5:
0x326: {  	_ =	sfence.sel $0x180000  }
0x327: {  	[bflag:$0x0] =	sbarrier.arrive $0xFFFF  }
0x328: {  	p0 =	sne.s32 s1, $0x0;
	_ =	strace $0x90000047  }
0x329: {  	s0 =	sadd.s32 @!p0 $0x100000, s0;
	[bflag:$0x2] =	sbarrier.arrive $0xFFFF  }
0x32a: {  	[sflag:s0] =	ssyncadd.tile.s32 @!p0 $0x1;
	_ =	shalt  }
.Lfunc_end2:
_tile_overlayer_lowered:
.L_overlay_start_2:
0x32b: {  	(tag) =	ssettag $0x2  }
0x32c: {  	s0 =	rddreg [dreg:$0x0];
	s2 =	stileid.u32  }
0x32d: {  	s1 =	rddreg [dreg:$0x1];
	p0 =	sne.s32 s2, $0x0  }
0x32e: {  	s3 =	rddreg [dreg:$0x2];
	[bflag:$0x3] =	sbarrier.arrive $0xFFFF;
	s2 =	simm.s32 @!p0 $0x1C05  }
0x32f: {  	[timem:s3], [sflag:s2] =	dma.local @!p0 [hbm:s0], s1  }
0x330: {  	s0 =	simm.s32 @!p0 $0x5  }
0x331: {  	_ =	swait.ge @!p0 [sflag:s0], s1  }
0x332: {  	s1 =	ssub.s32 @!p0 $0x0, s1;
	[sflag:s0] =	ssyncset.done @!p0 $0x0  }
0x333: {  	[sflag:s0] =	ssyncadd.s32 @!p0 s1  }
0x334: {  	[bflag:$0x3] =	sbarrier.arrive $0xFFFF  }
0x335: {  	_ =	shalt  }

</sc_bundles>
